<compile_context>
chip_gen: v7x
topology: tpu7x:2x2x1
jax: 0.10.2.dev20260603
libtpu: 0.0.44.dev20260713+nightly
codegen_flags: <defaults>
</compile_context>

<pallas_src>
import jax
import jax.numpy as jnp
from jax import lax
from jax.experimental import pallas as pl
from jax.experimental.pallas import tpu as pltpu
from jax.experimental.pallas import tpu_sc as plsc

B, L, D = 16384, 200, 32
NC, NU = 100000, 100000

NCORES, NSUB, LANES = 2, 16, 16
NW = NCORES * NSUB
RPW = B // NW
CB = 8
NCHUNK = RPW // CB
IDX_N = CB * L
WIN = 128
NWIN_MAX = -(-IDX_N // WIN)
CAP = NWIN_MAX * WIN
BL = B * L
ZERO_IDX = NC


def _splat(v):
    return jnp.full((LANES,), 0, jnp.int32) + v


def _to_scalar(vec):
    return lax.reduce_max(vec, axes=(0,))


def _sc_body(ct_hbm, ut_hbm, cc_hbm, nu_hbm, ctw_hbm, utw_hbm, out_hbm,
             ctraw0, utraw0, ccv0, ctraw1, utraw1, ccv1,
             nuv,
             ctc0, utc0, starts0, ctrows0, utrows0,
             ctc1, utc1, starts1, ctrows1, utrows1,
             outv0, outv1,
             semi0, semi1, semg0, semg1, semo0, semo1):
    wid = lax.axis_index("c") * NSUB + lax.axis_index("s")
    row0 = wid * RPW
    lane = lax.iota(jnp.int32, LANES)
    lane0 = lane == 0

    pltpu.sync_copy(nu_hbm.at[pl.ds(row0, RPW)], nuv)

    @pl.loop(0, CAP // LANES)
    def _fill(i):
        z = jnp.zeros((LANES,), jnp.int32)
        ctc0[pl.ds(i * LANES, LANES)] = z
        utc0[pl.ds(i * LANES, LANES)] = z
        ctc1[pl.ds(i * LANES, LANES)] = z
        utc1[pl.ds(i * LANES, LANES)] = z

    def fire_idx(ci, bufs, sem):
        ctraw, utraw, ccv = bufs
        sl = pl.ds(row0 * L + ci * IDX_N, IDX_N)
        pltpu.async_copy(ct_hbm.at[sl], ctraw, sem)
        pltpu.async_copy(ut_hbm.at[sl], utraw, sem)
        pltpu.async_copy(cc_hbm.at[sl], ccv, sem)

    def wait_idx(ci, bufs, sem):
        ctraw, utraw, ccv = bufs
        sl = pl.ds(row0 * L + ci * IDX_N, IDX_N)
        pltpu.make_async_copy(ct_hbm.at[sl], ctraw, sem).wait()
        pltpu.make_async_copy(ut_hbm.at[sl], utraw, sem).wait()
        pltpu.make_async_copy(cc_hbm.at[sl], ccv, sem).wait()

    def compact(ci, bufs, g):
        ctraw, utraw, ccv = bufs
        ctc, utc, starts = g[0], g[1], g[2]

        def row_compact(b, off):
            plsc.store_scatter(starts, [_splat(b)], off, mask=lane0)
            nusplat = plsc.load_gather(nuv, [_splat(ci * CB + b)])
            for gi in range(13):
                l0 = gi * 16
                base = b * L + l0
                lvec = lane + l0
                cc16 = ccv[pl.ds(base, LANES)]
                valid = (lvec < nusplat) & (cc16 == 0)
                if gi == 12:
                    valid = valid & (lane < 8)
                cs = plsc.cumsum(valid.astype(jnp.int32))
                dst = off + cs - 1
                plsc.store_scatter(ctc, [dst], ctraw[pl.ds(base, LANES)],
                                   mask=valid)
                plsc.store_scatter(utc, [dst], utraw[pl.ds(base, LANES)],
                                   mask=valid)
                off = off + plsc.all_reduce_population_count(valid)
            odd = off & 1
            pad = lane0 & (odd == 1)
            plsc.store_scatter(ctc, [off], _splat(ZERO_IDX), mask=pad)
            plsc.store_scatter(utc, [off], _splat(0), mask=pad)
            return off + odd

        off = lax.fori_loop(0, CB, row_compact,
                            jnp.zeros((LANES,), jnp.int32))
        plsc.store_scatter(starts, [_splat(CB)], off, mask=lane0)

    def counts(g):
        total = _to_scalar(plsc.load_gather(g[2], [_splat(CB)]))
        nfull = total // WIN
        ntail = (total - nfull * WIN + 31) // 32
        return nfull, ntail

    def fire_g(g, semg):
        ctc, utc, ctrows, utrows = g[0], g[1], g[3], g[4]
        nfull, ntail = counts(g)

        @pl.loop(0, nfull)
        def _fire(j):
            sl = pl.ds(j * WIN, WIN)
            pltpu.async_copy(ctw_hbm.at[ctc.at[sl]], ctrows.at[sl], semg)
            pltpu.async_copy(utw_hbm.at[utc.at[sl]], utrows.at[sl], semg)

        @pl.loop(0, ntail)
        def _firet(j):
            sl = pl.ds(nfull * WIN + j * 32, 32)
            pltpu.async_copy(ctw_hbm.at[ctc.at[sl]], ctrows.at[sl], semg)
            pltpu.async_copy(utw_hbm.at[utc.at[sl]], utrows.at[sl], semg)

    def drain_g(g, semg):
        ctc, utc, ctrows, utrows = g[0], g[1], g[3], g[4]
        nfull, ntail = counts(g)

        @pl.loop(0, nfull)
        def _drain(j):
            sl = pl.ds(j * WIN, WIN)
            pltpu.make_async_copy(ctw_hbm.at[ctc.at[sl]],
                                  ctrows.at[sl], semg).wait()
            pltpu.make_async_copy(utw_hbm.at[utc.at[sl]],
                                  utrows.at[sl], semg).wait()

        @pl.loop(0, ntail)
        def _draint(j):
            sl = pl.ds(nfull * WIN + j * 32, 32)
            pltpu.make_async_copy(ctw_hbm.at[ctc.at[sl]],
                                  ctrows.at[sl], semg).wait()
            pltpu.make_async_copy(utw_hbm.at[utc.at[sl]],
                                  utrows.at[sl], semg).wait()

    def accum_out(ci, g, outv, semo):
        starts, ctrows, utrows = g[2], g[3], g[4]

        @pl.when(ci >= 2)
        def _drain_out():
            back = pl.ds(row0 + (ci - 2) * CB, CB)
            pltpu.make_async_copy(outv, out_hbm.at[back], semo).wait()

        @pl.loop(0, CB)
        def _accum(b):
            s = _to_scalar(plsc.load_gather(starts, [_splat(b)]))
            e = _to_scalar(plsc.load_gather(starts, [_splat(b + 1)]))

            def lbody(i, accs):
                a0, a1 = accs
                la = 2 * i
                ca = ctrows[la, pl.ds(0, 2 * LANES)]
                ua = utrows[la, pl.ds(0, 2 * LANES)]
                cb = ctrows[la + 1, pl.ds(0, 2 * LANES)]
                ub = utrows[la + 1, pl.ds(0, 2 * LANES)]
                pa, pb = plsc.unpack(ca * ua,
                                     format=plsc.PackFormat.INTERLEAVED)
                qa, qb = plsc.unpack(cb * ub,
                                     format=plsc.PackFormat.INTERLEAVED)
                return (a0 + pa + qa, a1 + pb + qb)

            z = jnp.zeros((LANES,), jnp.float32)
            a0, a1 = lax.fori_loop(s // 2, e // 2, lbody, (z, z))
            outv[b, pl.ds(0, LANES)] = a0
            outv[b, pl.ds(LANES, LANES)] = a1

        pltpu.async_copy(outv, out_hbm.at[pl.ds(row0 + ci * CB, CB)], semo)

    i0 = (ctraw0, utraw0, ccv0)
    i1 = (ctraw1, utraw1, ccv1)
    g0 = (ctc0, utc0, starts0, ctrows0, utrows0)
    g1 = (ctc1, utc1, starts1, ctrows1, utrows1)

    fire_idx(0, i0, semi0)
    fire_idx(1, i1, semi1)
    wait_idx(0, i0, semi0)
    compact(0, i0, g0)
    fire_g(g0, semg0)

    @pl.loop(0, NCHUNK, step=2)
    def _chunks(ci):
        wait_idx(ci + 1, i1, semi1)
        compact(ci + 1, i1, g1)
        fire_g(g1, semg1)
        drain_g(g0, semg0)

        @pl.when(ci + 2 < NCHUNK)
        def _pf0():
            fire_idx(ci + 2, i0, semi0)

        accum_out(ci, g0, outv0, semo0)

        @pl.when(ci + 2 < NCHUNK)
        def _next0():
            wait_idx(ci + 2, i0, semi0)
            compact(ci + 2, i0, g0)
            fire_g(g0, semg0)

        drain_g(g1, semg1)

        @pl.when(ci + 3 < NCHUNK)
        def _pf1():
            fire_idx(ci + 3, i1, semi1)

        accum_out(ci + 1, g1, outv1, semo1)

    lastrow0 = pl.ds(row0 + (NCHUNK - 2) * CB, CB)
    lastrow1 = pl.ds(row0 + (NCHUNK - 1) * CB, CB)
    pltpu.make_async_copy(outv0, out_hbm.at[lastrow0], semo0).wait()
    pltpu.make_async_copy(outv1, out_hbm.at[lastrow1], semo1).wait()


def kernel(ctype, ccont, utype, num_unit, ctype_w, utype_w, ccont_w):
    del ccont_w
    ct1 = ctype.reshape(BL)
    ut1 = utype.reshape(BL)
    cc1 = ccont.reshape(BL)
    perm = jnp.arange(D).reshape(2, D // 2).T.reshape(D)
    ctw = jnp.concatenate(
        [ctype_w[:, perm], jnp.zeros((8, D), ctype_w.dtype)]
    ).astype(jnp.bfloat16)
    utw = utype_w[:, perm].astype(jnp.bfloat16)

    mesh = plsc.VectorSubcoreMesh(
        core_axis_name="c", subcore_axis_name="s",
        num_cores=NCORES, num_subcores=NSUB)
    cp = pltpu.CompilerParams(
        needs_layout_passes=False, use_tc_tiling_on_sc=False)
    run = pl.kernel(
        _sc_body,
        out_type=jax.ShapeDtypeStruct((B, D), jnp.float32),
        mesh=mesh,
        compiler_params=cp,
        scratch_types=[
            pltpu.VMEM((IDX_N,), jnp.int32),
            pltpu.VMEM((IDX_N,), jnp.int32),
            pltpu.VMEM((IDX_N,), jnp.int32),
            pltpu.VMEM((IDX_N,), jnp.int32),
            pltpu.VMEM((IDX_N,), jnp.int32),
            pltpu.VMEM((IDX_N,), jnp.int32),
            pltpu.VMEM((RPW,), jnp.int32),
            pltpu.VMEM((CAP,), jnp.int32),
            pltpu.VMEM((CAP,), jnp.int32),
            pltpu.VMEM((16,), jnp.int32),
            pltpu.VMEM((CAP, D), jnp.bfloat16),
            pltpu.VMEM((CAP, D), jnp.bfloat16),
            pltpu.VMEM((CAP,), jnp.int32),
            pltpu.VMEM((CAP,), jnp.int32),
            pltpu.VMEM((16,), jnp.int32),
            pltpu.VMEM((CAP, D), jnp.bfloat16),
            pltpu.VMEM((CAP, D), jnp.bfloat16),
            pltpu.VMEM((CB, D), jnp.float32),
            pltpu.VMEM((CB, D), jnp.float32),
            pltpu.SemaphoreType.DMA,
            pltpu.SemaphoreType.DMA,
            pltpu.SemaphoreType.DMA,
            pltpu.SemaphoreType.DMA,
            pltpu.SemaphoreType.DMA,
            pltpu.SemaphoreType.DMA,
        ],
    )
    return run(ct1, ut1, cc1, num_unit, ctw, utw)

# --- scband reference (transcript-rebuilt; emitter-appended) ---
"""Pipeline reference for scband-mult-cmd-embedding-62130996904147 (READ-ONLY COPY).

The authoritative reference and input builder live on the scoring server;
editing this copy changes nothing except your own understanding.
"""

import jax, jax.numpy as jnp
import numpy as np

B, L, D = 16384, 200, 32
NC, NU = 100000, 100000

def setup_inputs(seed: int = 0):
    key = jax.random.key(seed)
    k1, k2, k3, k4, k5, k6, k7 = jax.random.split(key, 7)
    return {
        "ctype": jax.random.randint(k1, (B, L), 0, NC),
        "ccont": jax.random.randint(k2, (B, L), 0, 2),
        "utype": jax.random.randint(k3, (B, L), 0, NU),
        "num_unit": jax.random.randint(k4, (B,), 0, L),
        "ctype_w": jax.random.normal(k5, (NC, D), dtype=jnp.float32),
        "utype_w": jax.random.normal(k6, (NU, D), dtype=jnp.float32),
        "ccont_w": jax.random.normal(k7, (2, D), dtype=jnp.float32),
    }

def reference(ctype, ccont, utype, num_unit, ctype_w, utype_w, ccont_w):
    # embedding gathers (SparseCore-friendly: jnp.take / table[idx])
    ctype_emb = jnp.take(ctype_w, ctype, axis=0)          # [B, L, D]
    ccont_emb = jnp.take(ccont_w, ccont, axis=0)          # [B, L, D] (computed, unused, as in original)
    utype_emb = jnp.take(utype_w, utype, axis=0)          # [B, L, D]
    not_cont = (1.0 - ccont.astype(jnp.float32))[:, :, None]
    emb = ctype_emb * not_cont * utype_emb                # [B, L, D]
    # SumGlobReducer._sum: masked sum over the unit axis, valid length = num_unit
    mask = (jnp.arange(L)[None, :] < num_unit[:, None]).astype(emb.dtype)[:, :, None]
    out = jnp.sum(emb * mask, axis=1)                     # [B, D]
    return out

if __name__ == "__main__":
    import jax
    _d = setup_inputs()
    print(jax.jit(kernel)(*tuple(_d.values())))

</pallas_src>

<mosaic_0001>
#map = affine_map<(d0, d1) -> (0)>
#map1 = affine_map<(d0, d1) -> (0, 0)>
module attributes {stable_mosaic.version = 14 : i64} {
  func.func @_sc_body(%arg0: i32, %arg1: i32, %arg2: memref<3276800xi32, #tpu.memory_space<hbm>>, %arg3: memref<3276800xi32, #tpu.memory_space<hbm>>, %arg4: memref<3276800xi32, #tpu.memory_space<hbm>>, %arg5: memref<16384xi32, #tpu.memory_space<hbm>>, %arg6: memref<100008x32xbf16, #tpu.memory_space<hbm>>, %arg7: memref<100000x32xbf16, #tpu.memory_space<hbm>>, %arg8: memref<16384x32xf32, #tpu.memory_space<hbm>>, %arg9: memref<1600xi32, #tpu.memory_space<vmem>>, %arg10: memref<1600xi32, #tpu.memory_space<vmem>>, %arg11: memref<1600xi32, #tpu.memory_space<vmem>>, %arg12: memref<1600xi32, #tpu.memory_space<vmem>>, %arg13: memref<1600xi32, #tpu.memory_space<vmem>>, %arg14: memref<1600xi32, #tpu.memory_space<vmem>>, %arg15: memref<512xi32, #tpu.memory_space<vmem>>, %arg16: memref<1664xi32, #tpu.memory_space<vmem>>, %arg17: memref<1664xi32, #tpu.memory_space<vmem>>, %arg18: memref<16xi32, #tpu.memory_space<vmem>>, %arg19: memref<1664x32xbf16, #tpu.memory_space<vmem>>, %arg20: memref<1664x32xbf16, #tpu.memory_space<vmem>>, %arg21: memref<1664xi32, #tpu.memory_space<vmem>>, %arg22: memref<1664xi32, #tpu.memory_space<vmem>>, %arg23: memref<16xi32, #tpu.memory_space<vmem>>, %arg24: memref<1664x32xbf16, #tpu.memory_space<vmem>>, %arg25: memref<1664x32xbf16, #tpu.memory_space<vmem>>, %arg26: memref<8x32xf32, #tpu.memory_space<vmem>>, %arg27: memref<8x32xf32, #tpu.memory_space<vmem>>, %arg28: memref<!tpu.dma_semaphore, #tpu.memory_space<semaphore_mem>>, %arg29: memref<!tpu.dma_semaphore, #tpu.memory_space<semaphore_mem>>, %arg30: memref<!tpu.dma_semaphore, #tpu.memory_space<semaphore_mem>>, %arg31: memref<!tpu.dma_semaphore, #tpu.memory_space<semaphore_mem>>, %arg32: memref<!tpu.dma_semaphore, #tpu.memory_space<semaphore_mem>>, %arg33: memref<!tpu.dma_semaphore, #tpu.memory_space<semaphore_mem>>) attributes {dimension_semantics = [#tpu.dimension_semantics<core_parallel>, #tpu.dimension_semantics<subcore_parallel>], iteration_bounds = array<i64: 2, 16>, scalar_prefetch = 0 : i64, scratch_operands = 25 : i64, tpu.core_type = #tpu.core_type<sc_vector_subcore>, window_params = [{transform_indices = #map}, {transform_indices = #map}, {transform_indices = #map}, {transform_indices = #map}, {transform_indices = #map1}, {transform_indices = #map1}, {transform_indices = #map1}]} {
    %mul3A = arith.constant 16 : i32
    %mul3A_0 = arith.muli %arg0, %mul3A : i32
    %add3A = arith.addi %mul3A_0, %arg1 : i32
    %mul3A_1 = arith.constant 512 : i32
    %mul3A_2 = arith.muli %add3A, %mul3A_1 : i32
    %iota3A = tpu.iota {dimensions = array<i32: 0>} : vector<16xi32>
    %eq3A = arith.constant 0 : i32
    %eq3A_3 = vector.broadcast %eq3A : i32 to vector<16xi32>
    %eq3A_4 = arith.cmpi eq, %iota3A, %eq3A_3 : vector<16xi32>
    "tpu.region"() ({
      %run_scoped3A = tpu.sem_alloc : memref<!tpu.dma_semaphore, #tpu.memory_space<semaphore_mem>>
      %dma_start3A_160 = tpu.memref_slice %arg5[%mul3A_2] : memref<16384xi32, #tpu.memory_space<hbm>> -> memref<512xi32, #tpu.memory_space<hbm>>
      %dma_start3A_161 = tpu.memref_slice %arg5[%mul3A_2] : memref<16384xi32, #tpu.memory_space<hbm>> -> memref<512xi32, #tpu.memory_space<hbm>>
      tpu.enqueue_dma source(%dma_start3A_161 : memref<512xi32, #tpu.memory_space<hbm>>) target(%arg15 : memref<512xi32, #tpu.memory_space<vmem>>) target_semaphore(%run_scoped3A : memref<!tpu.dma_semaphore, #tpu.memory_space<semaphore_mem>>)
      %dma_wait3A_162 = tpu.memref_slice %arg5[%mul3A_2] : memref<16384xi32, #tpu.memory_space<hbm>> -> memref<512xi32, #tpu.memory_space<hbm>>
      %dma_wait3A_163 = tpu.memref_slice %arg5[%mul3A_2] : memref<16384xi32, #tpu.memory_space<hbm>> -> memref<512xi32, #tpu.memory_space<hbm>>
      tpu.wait_dma2 semaphore(%run_scoped3A : memref<!tpu.dma_semaphore, #tpu.memory_space<semaphore_mem>>) src(%dma_wait3A_163 : memref<512xi32, #tpu.memory_space<hbm>>) dst(%arg15 : memref<512xi32, #tpu.memory_space<vmem>>)
      tpu.yield
    }) : () -> ()
    %scan3A = arith.constant 0 : i32
    %scan3A_5 = arith.constant 104 : i32
    %scan3A_6 = arith.addi %scan3A, %scan3A_5 : i32
    %scan3A_7 = arith.constant 1 : i32
    scf.for %scan3A_160 = %scan3A to %scan3A_6 step %scan3A_7  : i32 {
      %mul3A_161 = arith.constant 1 : i32
      %mul3A_162 = arith.muli %scan3A_160, %mul3A_161 : i32
      %add3A_163 = arith.constant 0 : i32
      %add3A_164 = arith.addi %add3A_163, %mul3A_162 : i32
      %broadcast_in_dim3A_165 = arith.constant 0 : i32
      %broadcast_in_dim3A_166 = vector.broadcast %broadcast_in_dim3A_165 : i32 to vector<16xi32>
      %mul3A_167 = arith.constant 16 : i32
      %mul3A_168 = arith.muli %add3A_164, %mul3A_167 : i32
      %swap3A = arith.index_cast %mul3A_168 : i32 to index
      %swap3A_169 = tpu.vector_load %arg16[%swap3A] {strides = array<i32>} : memref<1664xi32, #tpu.memory_space<vmem>>, vector<16xi32>,
      tpu.vector_store %arg16[%swap3A], %broadcast_in_dim3A_166 {strides = array<i32>} : memref<1664xi32, #tpu.memory_space<vmem>>, vector<16xi32>,
      %mul3A_170 = arith.constant 16 : i32
      %mul3A_171 = arith.muli %add3A_164, %mul3A_170 : i32
      %swap3A_172 = arith.index_cast %mul3A_171 : i32 to index
      %swap3A_173 = tpu.vector_load %arg17[%swap3A_172] {strides = array<i32>} : memref<1664xi32, #tpu.memory_space<vmem>>, vector<16xi32>,
      tpu.vector_store %arg17[%swap3A_172], %broadcast_in_dim3A_166 {strides = array<i32>} : memref<1664xi32, #tpu.memory_space<vmem>>, vector<16xi32>,
      %mul3A_174 = arith.constant 16 : i32
      %mul3A_175 = arith.muli %add3A_164, %mul3A_174 : i32
      %swap3A_176 = arith.index_cast %mul3A_175 : i32 to index
      %swap3A_177 = tpu.vector_load %arg21[%swap3A_176] {strides = array<i32>} : memref<1664xi32, #tpu.memory_space<vmem>>, vector<16xi32>,
      tpu.vector_store %arg21[%swap3A_176], %broadcast_in_dim3A_166 {strides = array<i32>} : memref<1664xi32, #tpu.memory_space<vmem>>, vector<16xi32>,
      %mul3A_178 = arith.constant 16 : i32
      %mul3A_179 = arith.muli %add3A_164, %mul3A_178 : i32
      %swap3A_180 = arith.index_cast %mul3A_179 : i32 to index
      %swap3A_181 = tpu.vector_load %arg22[%swap3A_180] {strides = array<i32>} : memref<1664xi32, #tpu.memory_space<vmem>>, vector<16xi32>,
      tpu.vector_store %arg22[%swap3A_180], %broadcast_in_dim3A_166 {strides = array<i32>} : memref<1664xi32, #tpu.memory_space<vmem>>, vector<16xi32>,
    }
    %scan3A_8 = arith.constant 104 : i32
    %mul3A_9 = arith.constant 200 : i32
    %mul3A_10 = arith.muli %mul3A_2, %mul3A_9 : i32
    %add3A_11 = arith.constant 0 : i32
    %add3A_12 = arith.addi %mul3A_10, %add3A_11 : i32
    %dma_start3A = tpu.memref_slice %arg2[%add3A_12] : memref<3276800xi32, #tpu.memory_space<hbm>> -> memref<1600xi32, #tpu.memory_space<hbm>>
    %dma_start3A_13 = tpu.memref_slice %arg2[%add3A_12] : memref<3276800xi32, #tpu.memory_space<hbm>> -> memref<1600xi32, #tpu.memory_space<hbm>>
    tpu.enqueue_dma source(%dma_start3A_13 : memref<1600xi32, #tpu.memory_space<hbm>>) target(%arg9 : memref<1600xi32, #tpu.memory_space<vmem>>) target_semaphore(%arg28 : memref<!tpu.dma_semaphore, #tpu.memory_space<semaphore_mem>>)
    %dma_start3A_14 = tpu.memref_slice %arg3[%add3A_12] : memref<3276800xi32, #tpu.memory_space<hbm>> -> memref<1600xi32, #tpu.memory_space<hbm>>
    %dma_start3A_15 = tpu.memref_slice %arg3[%add3A_12] : memref<3276800xi32, #tpu.memory_space<hbm>> -> memref<1600xi32, #tpu.memory_space<hbm>>
    tpu.enqueue_dma source(%dma_start3A_15 : memref<1600xi32, #tpu.memory_space<hbm>>) target(%arg10 : memref<1600xi32, #tpu.memory_space<vmem>>) target_semaphore(%arg28 : memref<!tpu.dma_semaphore, #tpu.memory_space<semaphore_mem>>)
    %dma_start3A_16 = tpu.memref_slice %arg4[%add3A_12] : memref<3276800xi32, #tpu.memory_space<hbm>> -> memref<1600xi32, #tpu.memory_space<hbm>>
    %dma_start3A_17 = tpu.memref_slice %arg4[%add3A_12] : memref<3276800xi32, #tpu.memory_space<hbm>> -> memref<1600xi32, #tpu.memory_space<hbm>>
    tpu.enqueue_dma source(%dma_start3A_17 : memref<1600xi32, #tpu.memory_space<hbm>>) target(%arg11 : memref<1600xi32, #tpu.memory_space<vmem>>) target_semaphore(%arg28 : memref<!tpu.dma_semaphore, #tpu.memory_space<semaphore_mem>>)
    %mul3A_18 = arith.constant 200 : i32
    %mul3A_19 = arith.muli %mul3A_2, %mul3A_18 : i32
    %add3A_20 = arith.constant 1600 : i32
    %add3A_21 = arith.addi %mul3A_19, %add3A_20 : i32
    %dma_start3A_22 = tpu.memref_slice %arg2[%add3A_21] : memref<3276800xi32, #tpu.memory_space<hbm>> -> memref<1600xi32, #tpu.memory_space<hbm>>
    %dma_start3A_23 = tpu.memref_slice %arg2[%add3A_21] : memref<3276800xi32, #tpu.memory_space<hbm>> -> memref<1600xi32, #tpu.memory_space<hbm>>
    tpu.enqueue_dma source(%dma_start3A_23 : memref<1600xi32, #tpu.memory_space<hbm>>) target(%arg12 : memref<1600xi32, #tpu.memory_space<vmem>>) target_semaphore(%arg29 : memref<!tpu.dma_semaphore, #tpu.memory_space<semaphore_mem>>)
    %dma_start3A_24 = tpu.memref_slice %arg3[%add3A_21] : memref<3276800xi32, #tpu.memory_space<hbm>> -> memref<1600xi32, #tpu.memory_space<hbm>>
    %dma_start3A_25 = tpu.memref_slice %arg3[%add3A_21] : memref<3276800xi32, #tpu.memory_space<hbm>> -> memref<1600xi32, #tpu.memory_space<hbm>>
    tpu.enqueue_dma source(%dma_start3A_25 : memref<1600xi32, #tpu.memory_space<hbm>>) target(%arg13 : memref<1600xi32, #tpu.memory_space<vmem>>) target_semaphore(%arg29 : memref<!tpu.dma_semaphore, #tpu.memory_space<semaphore_mem>>)
    %dma_start3A_26 = tpu.memref_slice %arg4[%add3A_21] : memref<3276800xi32, #tpu.memory_space<hbm>> -> memref<1600xi32, #tpu.memory_space<hbm>>
    %dma_start3A_27 = tpu.memref_slice %arg4[%add3A_21] : memref<3276800xi32, #tpu.memory_space<hbm>> -> memref<1600xi32, #tpu.memory_space<hbm>>
    tpu.enqueue_dma source(%dma_start3A_27 : memref<1600xi32, #tpu.memory_space<hbm>>) target(%arg14 : memref<1600xi32, #tpu.memory_space<vmem>>) target_semaphore(%arg29 : memref<!tpu.dma_semaphore, #tpu.memory_space<semaphore_mem>>)
    %mul3A_28 = arith.constant 200 : i32
    %mul3A_29 = arith.muli %mul3A_2, %mul3A_28 : i32
    %add3A_30 = arith.constant 0 : i32
    %add3A_31 = arith.addi %mul3A_29, %add3A_30 : i32
    %dma_wait3A = tpu.memref_slice %arg2[%add3A_31] : memref<3276800xi32, #tpu.memory_space<hbm>> -> memref<1600xi32, #tpu.memory_space<hbm>>
    %dma_wait3A_32 = tpu.memref_slice %arg2[%add3A_31] : memref<3276800xi32, #tpu.memory_space<hbm>> -> memref<1600xi32, #tpu.memory_space<hbm>>
    tpu.wait_dma2 semaphore(%arg28 : memref<!tpu.dma_semaphore, #tpu.memory_space<semaphore_mem>>) src(%dma_wait3A_32 : memref<1600xi32, #tpu.memory_space<hbm>>) dst(%arg9 : memref<1600xi32, #tpu.memory_space<vmem>>)
    %dma_wait3A_33 = tpu.memref_slice %arg3[%add3A_31] : memref<3276800xi32, #tpu.memory_space<hbm>> -> memref<1600xi32, #tpu.memory_space<hbm>>
    %dma_wait3A_34 = tpu.memref_slice %arg3[%add3A_31] : memref<3276800xi32, #tpu.memory_space<hbm>> -> memref<1600xi32, #tpu.memory_space<hbm>>
    tpu.wait_dma2 semaphore(%arg28 : memref<!tpu.dma_semaphore, #tpu.memory_space<semaphore_mem>>) src(%dma_wait3A_34 : memref<1600xi32, #tpu.memory_space<hbm>>) dst(%arg10 : memref<1600xi32, #tpu.memory_space<vmem>>)
    %dma_wait3A_35 = tpu.memref_slice %arg4[%add3A_31] : memref<3276800xi32, #tpu.memory_space<hbm>> -> memref<1600xi32, #tpu.memory_space<hbm>>
    %dma_wait3A_36 = tpu.memref_slice %arg4[%add3A_31] : memref<3276800xi32, #tpu.memory_space<hbm>> -> memref<1600xi32, #tpu.memory_space<hbm>>
    tpu.wait_dma2 semaphore(%arg28 : memref<!tpu.dma_semaphore, #tpu.memory_space<semaphore_mem>>) src(%dma_wait3A_36 : memref<1600xi32, #tpu.memory_space<hbm>>) dst(%arg11 : memref<1600xi32, #tpu.memory_space<vmem>>)
    %broadcast_in_dim3A = arith.constant 0 : i32
    %broadcast_in_dim3A_37 = vector.broadcast %broadcast_in_dim3A : i32 to vector<16xi32>
    %scan3A_38 = arith.constant 0 : i32
    %scan3A_39 = arith.constant 8 : i32
    %scan3A_40 = arith.addi %scan3A_38, %scan3A_39 : i32
    %scan3A_41 = arith.constant 1 : i32
    %scan3A_42 = scf.for %scan3A_160 = %scan3A_38 to %scan3A_40 step %scan3A_41 iter_args(%scan3A_161 = %broadcast_in_dim3A_37) -> (vector<16xi32>)  : i32 {
      %broadcast_in_dim3A_162 = arith.constant 0 : i32
      %broadcast_in_dim3A_163 = vector.broadcast %broadcast_in_dim3A_162 : i32 to vector<16xi32>
      %add3A_164 = vector.broadcast %scan3A_160 : i32 to vector<16xi32>
      %add3A_165 = arith.addi %broadcast_in_dim3A_163, %add3A_164 : vector<16xi32>
      tpu.vector_store_idx %arg18[%add3A_165], %scan3A_161 masked %eq3A_4 : memref<16xi32, #tpu.memory_space<vmem>>[vector<16xi32>], vector<16xi32>, vector<16xi1>
      %add3A_166 = arith.constant 0 : i32
      %add3A_167 = arith.addi %add3A_166, %scan3A_160 : i32
      %broadcast_in_dim3A_168 = arith.constant 0 : i32
      %broadcast_in_dim3A_169 = vector.broadcast %broadcast_in_dim3A_168 : i32 to vector<16xi32>
      %add3A_170 = vector.broadcast %add3A_167 : i32 to vector<16xi32>
      %add3A_171 = arith.addi %broadcast_in_dim3A_169, %add3A_170 : vector<16xi32>
      %gather3A_172 = tpu.vector_load_idx %arg15[%add3A_171] : memref<512xi32, #tpu.memory_space<vmem>>[vector<16xi32>], vector<16xi32>,
      %mul3A_173 = arith.constant 200 : i32
      %mul3A_174 = arith.muli %scan3A_160, %mul3A_173 : i32
      %add3A_175 = arith.constant 0 : i32
      %add3A_176 = arith.addi %mul3A_174, %add3A_175 : i32
      %add3A_177 = arith.constant 0 : i32
      %add3A_178 = vector.broadcast %add3A_177 : i32 to vector<16xi32>
      %add3A_179 = arith.addi %iota3A, %add3A_178 : vector<16xi32>
      %get3A = arith.index_cast %add3A_176 : i32 to index
      %get3A_180 = tpu.vector_load %arg11[%get3A] {strides = array<i32>} : memref<1600xi32, #tpu.memory_space<vmem>>, vector<16xi32>,
      %lt3A = arith.cmpi slt, %add3A_179, %gather3A_172 : vector<16xi32>
      %eq3A_181 = arith.constant 0 : i32
      %eq3A_182 = vector.broadcast %eq3A_181 : i32 to vector<16xi32>
      %eq3A_183 = arith.cmpi eq, %get3A_180, %eq3A_182 : vector<16xi32>
      %and3A_184 = arith.andi %lt3A, %eq3A_183 : vector<16xi1>
      %convert_element_type3A = arith.extui %and3A_184 : vector<16xi1> to vector<16xi32>
      %broadcast_in_dim3A_185 = arith.constant true
      %broadcast_in_dim3A_186 = vector.broadcast %broadcast_in_dim3A_185 : i1 to vector<16xi1>
      %masked_cumsum3A = tpu.scan <sum>, %convert_element_type3A masked %broadcast_in_dim3A_186 : vector<16xi32>, vector<16xi1> -> vector<16xi32>
      %add3A_187 = arith.addi %scan3A_161, %masked_cumsum3A : vector<16xi32>
      %sub3A_188 = arith.constant 1 : i32
      %sub3A_189 = vector.broadcast %sub3A_188 : i32 to vector<16xi32>
      %sub3A_190 = arith.subi %add3A_187, %sub3A_189 : vector<16xi32>
      %get3A_191 = arith.index_cast %add3A_176 : i32 to index
      %get3A_192 = tpu.vector_load %arg9[%get3A_191] {strides = array<i32>} : memref<1600xi32, #tpu.memory_space<vmem>>, vector<16xi32>,
      tpu.vector_store_idx %arg16[%sub3A_190], %get3A_192 masked %and3A_184 : memref<1664xi32, #tpu.memory_space<vmem>>[vector<16xi32>], vector<16xi32>, vector<16xi1>
      %get3A_193 = arith.index_cast %add3A_176 : i32 to index
      %get3A_194 = tpu.vector_load %arg10[%get3A_193] {strides = array<i32>} : memref<1600xi32, #tpu.memory_space<vmem>>, vector<16xi32>,
      tpu.vector_store_idx %arg17[%sub3A_190], %get3A_194 masked %and3A_184 : memref<1664xi32, #tpu.memory_space<vmem>>[vector<16xi32>], vector<16xi32>, vector<16xi1>
      %all_reduce_population_count3A = tpu.all_reduce %and3A_184 {dim = 0 : i64, kind = #tpu.reduction_kind<sum>} : vector<16xi1> -> vector<16xi32>
      %add3A_195 = arith.addi %scan3A_161, %all_reduce_population_count3A : vector<16xi32>
      %mul3A_196 = arith.constant 200 : i32
      %mul3A_197 = arith.muli %scan3A_160, %mul3A_196 : i32
      %add3A_198 = arith.constant 16 : i32
      %add3A_199 = arith.addi %mul3A_197, %add3A_198 : i32
      %add3A_200 = arith.constant 16 : i32
      %add3A_201 = vector.broadcast %add3A_200 : i32 to vector<16xi32>
      %add3A_202 = arith.addi %iota3A, %add3A_201 : vector<16xi32>
      %get3A_203 = arith.index_cast %add3A_199 : i32 to index
      %get3A_204 = tpu.vector_load %arg11[%get3A_203] {strides = array<i32>} : memref<1600xi32, #tpu.memory_space<vmem>>, vector<16xi32>,
      %lt3A_205 = arith.cmpi slt, %add3A_202, %gather3A_172 : vector<16xi32>
      %eq3A_206 = arith.constant 0 : i32
      %eq3A_207 = vector.broadcast %eq3A_206 : i32 to vector<16xi32>
      %eq3A_208 = arith.cmpi eq, %get3A_204, %eq3A_207 : vector<16xi32>
      %and3A_209 = arith.andi %lt3A_205, %eq3A_208 : vector<16xi1>
      %convert_element_type3A_210 = arith.extui %and3A_209 : vector<16xi1> to vector<16xi32>
      %broadcast_in_dim3A_211 = arith.constant true
      %broadcast_in_dim3A_212 = vector.broadcast %broadcast_in_dim3A_211 : i1 to vector<16xi1>
      %masked_cumsum3A_213 = tpu.scan <sum>, %convert_element_type3A_210 masked %broadcast_in_dim3A_212 : vector<16xi32>, vector<16xi1> -> vector<16xi32>
      %add3A_214 = arith.addi %add3A_195, %masked_cumsum3A_213 : vector<16xi32>
      %sub3A_215 = arith.constant 1 : i32
      %sub3A_216 = vector.broadcast %sub3A_215 : i32 to vector<16xi32>
      %sub3A_217 = arith.subi %add3A_214, %sub3A_216 : vector<16xi32>
      %get3A_218 = arith.index_cast %add3A_199 : i32 to index
      %get3A_219 = tpu.vector_load %arg9[%get3A_218] {strides = array<i32>} : memref<1600xi32, #tpu.memory_space<vmem>>, vector<16xi32>,
      tpu.vector_store_idx %arg16[%sub3A_217], %get3A_219 masked %and3A_209 : memref<1664xi32, #tpu.memory_space<vmem>>[vector<16xi32>], vector<16xi32>, vector<16xi1>
      %get3A_220 = arith.index_cast %add3A_199 : i32 to index
      %get3A_221 = tpu.vector_load %arg10[%get3A_220] {strides = array<i32>} : memref<1600xi32, #tpu.memory_space<vmem>>, vector<16xi32>,
      tpu.vector_store_idx %arg17[%sub3A_217], %get3A_221 masked %and3A_209 : memref<1664xi32, #tpu.memory_space<vmem>>[vector<16xi32>], vector<16xi32>, vector<16xi1>
      %all_reduce_population_count3A_222 = tpu.all_reduce %and3A_209 {dim = 0 : i64, kind = #tpu.reduction_kind<sum>} : vector<16xi1> -> vector<16xi32>
      %add3A_223 = arith.addi %add3A_195, %all_reduce_population_count3A_222 : vector<16xi32>
      %mul3A_224 = arith.constant 200 : i32
      %mul3A_225 = arith.muli %scan3A_160, %mul3A_224 : i32
      %add3A_226 = arith.constant 32 : i32
      %add3A_227 = arith.addi %mul3A_225, %add3A_226 : i32
      %add3A_228 = arith.constant 32 : i32
      %add3A_229 = vector.broadcast %add3A_228 : i32 to vector<16xi32>
      %add3A_230 = arith.addi %iota3A, %add3A_229 : vector<16xi32>
      %get3A_231 = arith.index_cast %add3A_227 : i32 to index
      %get3A_232 = tpu.vector_load %arg11[%get3A_231] {strides = array<i32>} : memref<1600xi32, #tpu.memory_space<vmem>>, vector<16xi32>,
      %lt3A_233 = arith.cmpi slt, %add3A_230, %gather3A_172 : vector<16xi32>
      %eq3A_234 = arith.constant 0 : i32
      %eq3A_235 = vector.broadcast %eq3A_234 : i32 to vector<16xi32>
      %eq3A_236 = arith.cmpi eq, %get3A_232, %eq3A_235 : vector<16xi32>
      %and3A_237 = arith.andi %lt3A_233, %eq3A_236 : vector<16xi1>
      %convert_element_type3A_238 = arith.extui %and3A_237 : vector<16xi1> to vector<16xi32>
      %broadcast_in_dim3A_239 = arith.constant true
      %broadcast_in_dim3A_240 = vector.broadcast %broadcast_in_dim3A_239 : i1 to vector<16xi1>
      %masked_cumsum3A_241 = tpu.scan <sum>, %convert_element_type3A_238 masked %broadcast_in_dim3A_240 : vector<16xi32>, vector<16xi1> -> vector<16xi32>
      %add3A_242 = arith.addi %add3A_223, %masked_cumsum3A_241 : vector<16xi32>
      %sub3A_243 = arith.constant 1 : i32
      %sub3A_244 = vector.broadcast %sub3A_243 : i32 to vector<16xi32>
      %sub3A_245 = arith.subi %add3A_242, %sub3A_244 : vector<16xi32>
      %get3A_246 = arith.index_cast %add3A_227 : i32 to index
      %get3A_247 = tpu.vector_load %arg9[%get3A_246] {strides = array<i32>} : memref<1600xi32, #tpu.memory_space<vmem>>, vector<16xi32>,
      tpu.vector_store_idx %arg16[%sub3A_245], %get3A_247 masked %and3A_237 : memref<1664xi32, #tpu.memory_space<vmem>>[vector<16xi32>], vector<16xi32>, vector<16xi1>
      %get3A_248 = arith.index_cast %add3A_227 : i32 to index
      %get3A_249 = tpu.vector_load %arg10[%get3A_248] {strides = array<i32>} : memref<1600xi32, #tpu.memory_space<vmem>>, vector<16xi32>,
      tpu.vector_store_idx %arg17[%sub3A_245], %get3A_249 masked %and3A_237 : memref<1664xi32, #tpu.memory_space<vmem>>[vector<16xi32>], vector<16xi32>, vector<16xi1>
      %all_reduce_population_count3A_250 = tpu.all_reduce %and3A_237 {dim = 0 : i64, kind = #tpu.reduction_kind<sum>} : vector<16xi1> -> vector<16xi32>
      %add3A_251 = arith.addi %add3A_223, %all_reduce_population_count3A_250 : vector<16xi32>
      %mul3A_252 = arith.constant 200 : i32
      %mul3A_253 = arith.muli %scan3A_160, %mul3A_252 : i32
      %add3A_254 = arith.constant 48 : i32
      %add3A_255 = arith.addi %mul3A_253, %add3A_254 : i32
      %add3A_256 = arith.constant 48 : i32
      %add3A_257 = vector.broadcast %add3A_256 : i32 to vector<16xi32>
      %add3A_258 = arith.addi %iota3A, %add3A_257 : vector<16xi32>
      %get3A_259 = arith.index_cast %add3A_255 : i32 to index
      %get3A_260 = tpu.vector_load %arg11[%get3A_259] {strides = array<i32>} : memref<1600xi32, #tpu.memory_space<vmem>>, vector<16xi32>,
      %lt3A_261 = arith.cmpi slt, %add3A_258, %gather3A_172 : vector<16xi32>
      %eq3A_262 = arith.constant 0 : i32
      %eq3A_263 = vector.broadcast %eq3A_262 : i32 to vector<16xi32>
      %eq3A_264 = arith.cmpi eq, %get3A_260, %eq3A_263 : vector<16xi32>
      %and3A_265 = arith.andi %lt3A_261, %eq3A_264 : vector<16xi1>
      %convert_element_type3A_266 = arith.extui %and3A_265 : vector<16xi1> to vector<16xi32>
      %broadcast_in_dim3A_267 = arith.constant true
      %broadcast_in_dim3A_268 = vector.broadcast %broadcast_in_dim3A_267 : i1 to vector<16xi1>
      %masked_cumsum3A_269 = tpu.scan <sum>, %convert_element_type3A_266 masked %broadcast_in_dim3A_268 : vector<16xi32>, vector<16xi1> -> vector<16xi32>
      %add3A_270 = arith.addi %add3A_251, %masked_cumsum3A_269 : vector<16xi32>
      %sub3A_271 = arith.constant 1 : i32
      %sub3A_272 = vector.broadcast %sub3A_271 : i32 to vector<16xi32>
      %sub3A_273 = arith.subi %add3A_270, %sub3A_272 : vector<16xi32>
      %get3A_274 = arith.index_cast %add3A_255 : i32 to index
      %get3A_275 = tpu.vector_load %arg9[%get3A_274] {strides = array<i32>} : memref<1600xi32, #tpu.memory_space<vmem>>, vector<16xi32>,
      tpu.vector_store_idx %arg16[%sub3A_273], %get3A_275 masked %and3A_265 : memref<1664xi32, #tpu.memory_space<vmem>>[vector<16xi32>], vector<16xi32>, vector<16xi1>
      %get3A_276 = arith.index_cast %add3A_255 : i32 to index
      %get3A_277 = tpu.vector_load %arg10[%get3A_276] {strides = array<i32>} : memref<1600xi32, #tpu.memory_space<vmem>>, vector<16xi32>,
      tpu.vector_store_idx %arg17[%sub3A_273], %get3A_277 masked %and3A_265 : memref<1664xi32, #tpu.memory_space<vmem>>[vector<16xi32>], vector<16xi32>, vector<16xi1>
      %all_reduce_population_count3A_278 = tpu.all_reduce %and3A_265 {dim = 0 : i64, kind = #tpu.reduction_kind<sum>} : vector<16xi1> -> vector<16xi32>
      %add3A_279 = arith.addi %add3A_251, %all_reduce_population_count3A_278 : vector<16xi32>
      %mul3A_280 = arith.constant 200 : i32
      %mul3A_281 = arith.muli %scan3A_160, %mul3A_280 : i32
      %add3A_282 = arith.constant 64 : i32
      %add3A_283 = arith.addi %mul3A_281, %add3A_282 : i32
      %add3A_284 = arith.constant 64 : i32
      %add3A_285 = vector.broadcast %add3A_284 : i32 to vector<16xi32>
      %add3A_286 = arith.addi %iota3A, %add3A_285 : vector<16xi32>
      %get3A_287 = arith.index_cast %add3A_283 : i32 to index
      %get3A_288 = tpu.vector_load %arg11[%get3A_287] {strides = array<i32>} : memref<1600xi32, #tpu.memory_space<vmem>>, vector<16xi32>,
      %lt3A_289 = arith.cmpi slt, %add3A_286, %gather3A_172 : vector<16xi32>
      %eq3A_290 = arith.constant 0 : i32
      %eq3A_291 = vector.broadcast %eq3A_290 : i32 to vector<16xi32>
      %eq3A_292 = arith.cmpi eq, %get3A_288, %eq3A_291 : vector<16xi32>
      %and3A_293 = arith.andi %lt3A_289, %eq3A_292 : vector<16xi1>
      %convert_element_type3A_294 = arith.extui %and3A_293 : vector<16xi1> to vector<16xi32>
      %broadcast_in_dim3A_295 = arith.constant true
      %broadcast_in_dim3A_296 = vector.broadcast %broadcast_in_dim3A_295 : i1 to vector<16xi1>
      %masked_cumsum3A_297 = tpu.scan <sum>, %convert_element_type3A_294 masked %broadcast_in_dim3A_296 : vector<16xi32>, vector<16xi1> -> vector<16xi32>
      %add3A_298 = arith.addi %add3A_279, %masked_cumsum3A_297 : vector<16xi32>
      %sub3A_299 = arith.constant 1 : i32
      %sub3A_300 = vector.broadcast %sub3A_299 : i32 to vector<16xi32>
      %sub3A_301 = arith.subi %add3A_298, %sub3A_300 : vector<16xi32>
      %get3A_302 = arith.index_cast %add3A_283 : i32 to index
      %get3A_303 = tpu.vector_load %arg9[%get3A_302] {strides = array<i32>} : memref<1600xi32, #tpu.memory_space<vmem>>, vector<16xi32>,
      tpu.vector_store_idx %arg16[%sub3A_301], %get3A_303 masked %and3A_293 : memref<1664xi32, #tpu.memory_space<vmem>>[vector<16xi32>], vector<16xi32>, vector<16xi1>
      %get3A_304 = arith.index_cast %add3A_283 : i32 to index
      %get3A_305 = tpu.vector_load %arg10[%get3A_304] {strides = array<i32>} : memref<1600xi32, #tpu.memory_space<vmem>>, vector<16xi32>,
      tpu.vector_store_idx %arg17[%sub3A_301], %get3A_305 masked %and3A_293 : memref<1664xi32, #tpu.memory_space<vmem>>[vector<16xi32>], vector<16xi32>, vector<16xi1>
      %all_reduce_population_count3A_306 = tpu.all_reduce %and3A_293 {dim = 0 : i64, kind = #tpu.reduction_kind<sum>} : vector<16xi1> -> vector<16xi32>
      %add3A_307 = arith.addi %add3A_279, %all_reduce_population_count3A_306 : vector<16xi32>
      %mul3A_308 = arith.constant 200 : i32
      %mul3A_309 = arith.muli %scan3A_160, %mul3A_308 : i32
      %add3A_310 = arith.constant 80 : i32
      %add3A_311 = arith.addi %mul3A_309, %add3A_310 : i32
      %add3A_312 = arith.constant 80 : i32
      %add3A_313 = vector.broadcast %add3A_312 : i32 to vector<16xi32>
      %add3A_314 = arith.addi %iota3A, %add3A_313 : vector<16xi32>
      %get3A_315 = arith.index_cast %add3A_311 : i32 to index
      %get3A_316 = tpu.vector_load %arg11[%get3A_315] {strides = array<i32>} : memref<1600xi32, #tpu.memory_space<vmem>>, vector<16xi32>,
      %lt3A_317 = arith.cmpi slt, %add3A_314, %gather3A_172 : vector<16xi32>
      %eq3A_318 = arith.constant 0 : i32
      %eq3A_319 = vector.broadcast %eq3A_318 : i32 to vector<16xi32>
      %eq3A_320 = arith.cmpi eq, %get3A_316, %eq3A_319 : vector<16xi32>
      %and3A_321 = arith.andi %lt3A_317, %eq3A_320 : vector<16xi1>
      %convert_element_type3A_322 = arith.extui %and3A_321 : vector<16xi1> to vector<16xi32>
      %broadcast_in_dim3A_323 = arith.constant true
      %broadcast_in_dim3A_324 = vector.broadcast %broadcast_in_dim3A_323 : i1 to vector<16xi1>
      %masked_cumsum3A_325 = tpu.scan <sum>, %convert_element_type3A_322 masked %broadcast_in_dim3A_324 : vector<16xi32>, vector<16xi1> -> vector<16xi32>
      %add3A_326 = arith.addi %add3A_307, %masked_cumsum3A_325 : vector<16xi32>
      %sub3A_327 = arith.constant 1 : i32
      %sub3A_328 = vector.broadcast %sub3A_327 : i32 to vector<16xi32>
      %sub3A_329 = arith.subi %add3A_326, %sub3A_328 : vector<16xi32>
      %get3A_330 = arith.index_cast %add3A_311 : i32 to index
      %get3A_331 = tpu.vector_load %arg9[%get3A_330] {strides = array<i32>} : memref<1600xi32, #tpu.memory_space<vmem>>, vector<16xi32>,
      tpu.vector_store_idx %arg16[%sub3A_329], %get3A_331 masked %and3A_321 : memref<1664xi32, #tpu.memory_space<vmem>>[vector<16xi32>], vector<16xi32>, vector<16xi1>
      %get3A_332 = arith.index_cast %add3A_311 : i32 to index
      %get3A_333 = tpu.vector_load %arg10[%get3A_332] {strides = array<i32>} : memref<1600xi32, #tpu.memory_space<vmem>>, vector<16xi32>,
      tpu.vector_store_idx %arg17[%sub3A_329], %get3A_333 masked %and3A_321 : memref<1664xi32, #tpu.memory_space<vmem>>[vector<16xi32>], vector<16xi32>, vector<16xi1>
      %all_reduce_population_count3A_334 = tpu.all_reduce %and3A_321 {dim = 0 : i64, kind = #tpu.reduction_kind<sum>} : vector<16xi1> -> vector<16xi32>
      %add3A_335 = arith.addi %add3A_307, %all_reduce_population_count3A_334 : vector<16xi32>
      %mul3A_336 = arith.constant 200 : i32
      %mul3A_337 = arith.muli %scan3A_160, %mul3A_336 : i32
      %add3A_338 = arith.constant 96 : i32
      %add3A_339 = arith.addi %mul3A_337, %add3A_338 : i32
      %add3A_340 = arith.constant 96 : i32
      %add3A_341 = vector.broadcast %add3A_340 : i32 to vector<16xi32>
      %add3A_342 = arith.addi %iota3A, %add3A_341 : vector<16xi32>
      %get3A_343 = arith.index_cast %add3A_339 : i32 to index
      %get3A_344 = tpu.vector_load %arg11[%get3A_343] {strides = array<i32>} : memref<1600xi32, #tpu.memory_space<vmem>>, vector<16xi32>,
      %lt3A_345 = arith.cmpi slt, %add3A_342, %gather3A_172 : vector<16xi32>
      %eq3A_346 = arith.constant 0 : i32
      %eq3A_347 = vector.broadcast %eq3A_346 : i32 to vector<16xi32>
      %eq3A_348 = arith.cmpi eq, %get3A_344, %eq3A_347 : vector<16xi32>
      %and3A_349 = arith.andi %lt3A_345, %eq3A_348 : vector<16xi1>
      %convert_element_type3A_350 = arith.extui %and3A_349 : vector<16xi1> to vector<16xi32>
      %broadcast_in_dim3A_351 = arith.constant true
      %broadcast_in_dim3A_352 = vector.broadcast %broadcast_in_dim3A_351 : i1 to vector<16xi1>
      %masked_cumsum3A_353 = tpu.scan <sum>, %convert_element_type3A_350 masked %broadcast_in_dim3A_352 : vector<16xi32>, vector<16xi1> -> vector<16xi32>
      %add3A_354 = arith.addi %add3A_335, %masked_cumsum3A_353 : vector<16xi32>
      %sub3A_355 = arith.constant 1 : i32
      %sub3A_356 = vector.broadcast %sub3A_355 : i32 to vector<16xi32>
      %sub3A_357 = arith.subi %add3A_354, %sub3A_356 : vector<16xi32>
      %get3A_358 = arith.index_cast %add3A_339 : i32 to index
      %get3A_359 = tpu.vector_load %arg9[%get3A_358] {strides = array<i32>} : memref<1600xi32, #tpu.memory_space<vmem>>, vector<16xi32>,
      tpu.vector_store_idx %arg16[%sub3A_357], %get3A_359 masked %and3A_349 : memref<1664xi32, #tpu.memory_space<vmem>>[vector<16xi32>], vector<16xi32>, vector<16xi1>
      %get3A_360 = arith.index_cast %add3A_339 : i32 to index
      %get3A_361 = tpu.vector_load %arg10[%get3A_360] {strides = array<i32>} : memref<1600xi32, #tpu.memory_space<vmem>>, vector<16xi32>,
      tpu.vector_store_idx %arg17[%sub3A_357], %get3A_361 masked %and3A_349 : memref<1664xi32, #tpu.memory_space<vmem>>[vector<16xi32>], vector<16xi32>, vector<16xi1>
      %all_reduce_population_count3A_362 = tpu.all_reduce %and3A_349 {dim = 0 : i64, kind = #tpu.reduction_kind<sum>} : vector<16xi1> -> vector<16xi32>
      %add3A_363 = arith.addi %add3A_335, %all_reduce_population_count3A_362 : vector<16xi32>
      %mul3A_364 = arith.constant 200 : i32
      %mul3A_365 = arith.muli %scan3A_160, %mul3A_364 : i32
      %add3A_366 = arith.constant 112 : i32
      %add3A_367 = arith.addi %mul3A_365, %add3A_366 : i32
      %add3A_368 = arith.constant 112 : i32
      %add3A_369 = vector.broadcast %add3A_368 : i32 to vector<16xi32>
      %add3A_370 = arith.addi %iota3A, %add3A_369 : vector<16xi32>
      %get3A_371 = arith.index_cast %add3A_367 : i32 to index
      %get3A_372 = tpu.vector_load %arg11[%get3A_371] {strides = array<i32>} : memref<1600xi32, #tpu.memory_space<vmem>>, vector<16xi32>,
      %lt3A_373 = arith.cmpi slt, %add3A_370, %gather3A_172 : vector<16xi32>
      %eq3A_374 = arith.constant 0 : i32
      %eq3A_375 = vector.broadcast %eq3A_374 : i32 to vector<16xi32>
      %eq3A_376 = arith.cmpi eq, %get3A_372, %eq3A_375 : vector<16xi32>
      %and3A_377 = arith.andi %lt3A_373, %eq3A_376 : vector<16xi1>
      %convert_element_type3A_378 = arith.extui %and3A_377 : vector<16xi1> to vector<16xi32>
      %broadcast_in_dim3A_379 = arith.constant true
      %broadcast_in_dim3A_380 = vector.broadcast %broadcast_in_dim3A_379 : i1 to vector<16xi1>
      %masked_cumsum3A_381 = tpu.scan <sum>, %convert_element_type3A_378 masked %broadcast_in_dim3A_380 : vector<16xi32>, vector<16xi1> -> vector<16xi32>
      %add3A_382 = arith.addi %add3A_363, %masked_cumsum3A_381 : vector<16xi32>
      %sub3A_383 = arith.constant 1 : i32
      %sub3A_384 = vector.broadcast %sub3A_383 : i32 to vector<16xi32>
      %sub3A_385 = arith.subi %add3A_382, %sub3A_384 : vector<16xi32>
      %get3A_386 = arith.index_cast %add3A_367 : i32 to index
      %get3A_387 = tpu.vector_load %arg9[%get3A_386] {strides = array<i32>} : memref<1600xi32, #tpu.memory_space<vmem>>, vector<16xi32>,
      tpu.vector_store_idx %arg16[%sub3A_385], %get3A_387 masked %and3A_377 : memref<1664xi32, #tpu.memory_space<vmem>>[vector<16xi32>], vector<16xi32>, vector<16xi1>
      %get3A_388 = arith.index_cast %add3A_367 : i32 to index
      %get3A_389 = tpu.vector_load %arg10[%get3A_388] {strides = array<i32>} : memref<1600xi32, #tpu.memory_space<vmem>>, vector<16xi32>,
      tpu.vector_store_idx %arg17[%sub3A_385], %get3A_389 masked %and3A_377 : memref<1664xi32, #tpu.memory_space<vmem>>[vector<16xi32>], vector<16xi32>, vector<16xi1>
      %all_reduce_population_count3A_390 = tpu.all_reduce %and3A_377 {dim = 0 : i64, kind = #tpu.reduction_kind<sum>} : vector<16xi1> -> vector<16xi32>
      %add3A_391 = arith.addi %add3A_363, %all_reduce_population_count3A_390 : vector<16xi32>
      %mul3A_392 = arith.constant 200 : i32
      %mul3A_393 = arith.muli %scan3A_160, %mul3A_392 : i32
      %add3A_394 = arith.constant 128 : i32
      %add3A_395 = arith.addi %mul3A_393, %add3A_394 : i32
      %add3A_396 = arith.constant 128 : i32
      %add3A_397 = vector.broadcast %add3A_396 : i32 to vector<16xi32>
      %add3A_398 = arith.addi %iota3A, %add3A_397 : vector<16xi32>
      %get3A_399 = arith.index_cast %add3A_395 : i32 to index
      %get3A_400 = tpu.vector_load %arg11[%get3A_399] {strides = array<i32>} : memref<1600xi32, #tpu.memory_space<vmem>>, vector<16xi32>,
      %lt3A_401 = arith.cmpi slt, %add3A_398, %gather3A_172 : vector<16xi32>
      %eq3A_402 = arith.constant 0 : i32
      %eq3A_403 = vector.broadcast %eq3A_402 : i32 to vector<16xi32>
      %eq3A_404 = arith.cmpi eq, %get3A_400, %eq3A_403 : vector<16xi32>
      %and3A_405 = arith.andi %lt3A_401, %eq3A_404 : vector<16xi1>
      %convert_element_type3A_406 = arith.extui %and3A_405 : vector<16xi1> to vector<16xi32>
      %broadcast_in_dim3A_407 = arith.constant true
      %broadcast_in_dim3A_408 = vector.broadcast %broadcast_in_dim3A_407 : i1 to vector<16xi1>
      %masked_cumsum3A_409 = tpu.scan <sum>, %convert_element_type3A_406 masked %broadcast_in_dim3A_408 : vector<16xi32>, vector<16xi1> -> vector<16xi32>
      %add3A_410 = arith.addi %add3A_391, %masked_cumsum3A_409 : vector<16xi32>
      %sub3A_411 = arith.constant 1 : i32
      %sub3A_412 = vector.broadcast %sub3A_411 : i32 to vector<16xi32>
      %sub3A_413 = arith.subi %add3A_410, %sub3A_412 : vector<16xi32>
      %get3A_414 = arith.index_cast %add3A_395 : i32 to index
      %get3A_415 = tpu.vector_load %arg9[%get3A_414] {strides = array<i32>} : memref<1600xi32, #tpu.memory_space<vmem>>, vector<16xi32>,
      tpu.vector_store_idx %arg16[%sub3A_413], %get3A_415 masked %and3A_405 : memref<1664xi32, #tpu.memory_space<vmem>>[vector<16xi32>], vector<16xi32>, vector<16xi1>
      %get3A_416 = arith.index_cast %add3A_395 : i32 to index
      %get3A_417 = tpu.vector_load %arg10[%get3A_416] {strides = array<i32>} : memref<1600xi32, #tpu.memory_space<vmem>>, vector<16xi32>,
      tpu.vector_store_idx %arg17[%sub3A_413], %get3A_417 masked %and3A_405 : memref<1664xi32, #tpu.memory_space<vmem>>[vector<16xi32>], vector<16xi32>, vector<16xi1>
      %all_reduce_population_count3A_418 = tpu.all_reduce %and3A_405 {dim = 0 : i64, kind = #tpu.reduction_kind<sum>} : vector<16xi1> -> vector<16xi32>
      %add3A_419 = arith.addi %add3A_391, %all_reduce_population_count3A_418 : vector<16xi32>
      %mul3A_420 = arith.constant 200 : i32
      %mul3A_421 = arith.muli %scan3A_160, %mul3A_420 : i32
      %add3A_422 = arith.constant 144 : i32
      %add3A_423 = arith.addi %mul3A_421, %add3A_422 : i32
      %add3A_424 = arith.constant 144 : i32
      %add3A_425 = vector.broadcast %add3A_424 : i32 to vector<16xi32>
      %add3A_426 = arith.addi %iota3A, %add3A_425 : vector<16xi32>
      %get3A_427 = arith.index_cast %add3A_423 : i32 to index
      %get3A_428 = tpu.vector_load %arg11[%get3A_427] {strides = array<i32>} : memref<1600xi32, #tpu.memory_space<vmem>>, vector<16xi32>,
      %lt3A_429 = arith.cmpi slt, %add3A_426, %gather3A_172 : vector<16xi32>
      %eq3A_430 = arith.constant 0 : i32
      %eq3A_431 = vector.broadcast %eq3A_430 : i32 to vector<16xi32>
      %eq3A_432 = arith.cmpi eq, %get3A_428, %eq3A_431 : vector<16xi32>
      %and3A_433 = arith.andi %lt3A_429, %eq3A_432 : vector<16xi1>
      %convert_element_type3A_434 = arith.extui %and3A_433 : vector<16xi1> to vector<16xi32>
      %broadcast_in_dim3A_435 = arith.constant true
      %broadcast_in_dim3A_436 = vector.broadcast %broadcast_in_dim3A_435 : i1 to vector<16xi1>
      %masked_cumsum3A_437 = tpu.scan <sum>, %convert_element_type3A_434 masked %broadcast_in_dim3A_436 : vector<16xi32>, vector<16xi1> -> vector<16xi32>
      %add3A_438 = arith.addi %add3A_419, %masked_cumsum3A_437 : vector<16xi32>
      %sub3A_439 = arith.constant 1 : i32
      %sub3A_440 = vector.broadcast %sub3A_439 : i32 to vector<16xi32>
      %sub3A_441 = arith.subi %add3A_438, %sub3A_440 : vector<16xi32>
      %get3A_442 = arith.index_cast %add3A_423 : i32 to index
      %get3A_443 = tpu.vector_load %arg9[%get3A_442] {strides = array<i32>} : memref<1600xi32, #tpu.memory_space<vmem>>, vector<16xi32>,
      tpu.vector_store_idx %arg16[%sub3A_441], %get3A_443 masked %and3A_433 : memref<1664xi32, #tpu.memory_space<vmem>>[vector<16xi32>], vector<16xi32>, vector<16xi1>
      %get3A_444 = arith.index_cast %add3A_423 : i32 to index
      %get3A_445 = tpu.vector_load %arg10[%get3A_444] {strides = array<i32>} : memref<1600xi32, #tpu.memory_space<vmem>>, vector<16xi32>,
      tpu.vector_store_idx %arg17[%sub3A_441], %get3A_445 masked %and3A_433 : memref<1664xi32, #tpu.memory_space<vmem>>[vector<16xi32>], vector<16xi32>, vector<16xi1>
      %all_reduce_population_count3A_446 = tpu.all_reduce %and3A_433 {dim = 0 : i64, kind = #tpu.reduction_kind<sum>} : vector<16xi1> -> vector<16xi32>
      %add3A_447 = arith.addi %add3A_419, %all_reduce_population_count3A_446 : vector<16xi32>
      %mul3A_448 = arith.constant 200 : i32
      %mul3A_449 = arith.muli %scan3A_160, %mul3A_448 : i32
      %add3A_450 = arith.constant 160 : i32
      %add3A_451 = arith.addi %mul3A_449, %add3A_450 : i32
      %add3A_452 = arith.constant 160 : i32
      %add3A_453 = vector.broadcast %add3A_452 : i32 to vector<16xi32>
      %add3A_454 = arith.addi %iota3A, %add3A_453 : vector<16xi32>
      %get3A_455 = arith.index_cast %add3A_451 : i32 to index
      %get3A_456 = tpu.vector_load %arg11[%get3A_455] {strides = array<i32>} : memref<1600xi32, #tpu.memory_space<vmem>>, vector<16xi32>,
      %lt3A_457 = arith.cmpi slt, %add3A_454, %gather3A_172 : vector<16xi32>
      %eq3A_458 = arith.constant 0 : i32
      %eq3A_459 = vector.broadcast %eq3A_458 : i32 to vector<16xi32>
      %eq3A_460 = arith.cmpi eq, %get3A_456, %eq3A_459 : vector<16xi32>
      %and3A_461 = arith.andi %lt3A_457, %eq3A_460 : vector<16xi1>
      %convert_element_type3A_462 = arith.extui %and3A_461 : vector<16xi1> to vector<16xi32>
      %broadcast_in_dim3A_463 = arith.constant true
      %broadcast_in_dim3A_464 = vector.broadcast %broadcast_in_dim3A_463 : i1 to vector<16xi1>
      %masked_cumsum3A_465 = tpu.scan <sum>, %convert_element_type3A_462 masked %broadcast_in_dim3A_464 : vector<16xi32>, vector<16xi1> -> vector<16xi32>
      %add3A_466 = arith.addi %add3A_447, %masked_cumsum3A_465 : vector<16xi32>
      %sub3A_467 = arith.constant 1 : i32
      %sub3A_468 = vector.broadcast %sub3A_467 : i32 to vector<16xi32>
      %sub3A_469 = arith.subi %add3A_466, %sub3A_468 : vector<16xi32>
      %get3A_470 = arith.index_cast %add3A_451 : i32 to index
      %get3A_471 = tpu.vector_load %arg9[%get3A_470] {strides = array<i32>} : memref<1600xi32, #tpu.memory_space<vmem>>, vector<16xi32>,
      tpu.vector_store_idx %arg16[%sub3A_469], %get3A_471 masked %and3A_461 : memref<1664xi32, #tpu.memory_space<vmem>>[vector<16xi32>], vector<16xi32>, vector<16xi1>
      %get3A_472 = arith.index_cast %add3A_451 : i32 to index
      %get3A_473 = tpu.vector_load %arg10[%get3A_472] {strides = array<i32>} : memref<1600xi32, #tpu.memory_space<vmem>>, vector<16xi32>,
      tpu.vector_store_idx %arg17[%sub3A_469], %get3A_473 masked %and3A_461 : memref<1664xi32, #tpu.memory_space<vmem>>[vector<16xi32>], vector<16xi32>, vector<16xi1>
      %all_reduce_population_count3A_474 = tpu.all_reduce %and3A_461 {dim = 0 : i64, kind = #tpu.reduction_kind<sum>} : vector<16xi1> -> vector<16xi32>
      %add3A_475 = arith.addi %add3A_447, %all_reduce_population_count3A_474 : vector<16xi32>
      %mul3A_476 = arith.constant 200 : i32
      %mul3A_477 = arith.muli %scan3A_160, %mul3A_476 : i32
      %add3A_478 = arith.constant 176 : i32
      %add3A_479 = arith.addi %mul3A_477, %add3A_478 : i32
      %add3A_480 = arith.constant 176 : i32
      %add3A_481 = vector.broadcast %add3A_480 : i32 to vector<16xi32>
      %add3A_482 = arith.addi %iota3A, %add3A_481 : vector<16xi32>
      %get3A_483 = arith.index_cast %add3A_479 : i32 to index
      %get3A_484 = tpu.vector_load %arg11[%get3A_483] {strides = array<i32>} : memref<1600xi32, #tpu.memory_space<vmem>>, vector<16xi32>,
      %lt3A_485 = arith.cmpi slt, %add3A_482, %gather3A_172 : vector<16xi32>
      %eq3A_486 = arith.constant 0 : i32
      %eq3A_487 = vector.broadcast %eq3A_486 : i32 to vector<16xi32>
      %eq3A_488 = arith.cmpi eq, %get3A_484, %eq3A_487 : vector<16xi32>
      %and3A_489 = arith.andi %lt3A_485, %eq3A_488 : vector<16xi1>
      %convert_element_type3A_490 = arith.extui %and3A_489 : vector<16xi1> to vector<16xi32>
      %broadcast_in_dim3A_491 = arith.constant true
      %broadcast_in_dim3A_492 = vector.broadcast %broadcast_in_dim3A_491 : i1 to vector<16xi1>
      %masked_cumsum3A_493 = tpu.scan <sum>, %convert_element_type3A_490 masked %broadcast_in_dim3A_492 : vector<16xi32>, vector<16xi1> -> vector<16xi32>
      %add3A_494 = arith.addi %add3A_475, %masked_cumsum3A_493 : vector<16xi32>
      %sub3A_495 = arith.constant 1 : i32
      %sub3A_496 = vector.broadcast %sub3A_495 : i32 to vector<16xi32>
      %sub3A_497 = arith.subi %add3A_494, %sub3A_496 : vector<16xi32>
      %get3A_498 = arith.index_cast %add3A_479 : i32 to index
      %get3A_499 = tpu.vector_load %arg9[%get3A_498] {strides = array<i32>} : memref<1600xi32, #tpu.memory_space<vmem>>, vector<16xi32>,
      tpu.vector_store_idx %arg16[%sub3A_497], %get3A_499 masked %and3A_489 : memref<1664xi32, #tpu.memory_space<vmem>>[vector<16xi32>], vector<16xi32>, vector<16xi1>
      %get3A_500 = arith.index_cast %add3A_479 : i32 to index
      %get3A_501 = tpu.vector_load %arg10[%get3A_500] {strides = array<i32>} : memref<1600xi32, #tpu.memory_space<vmem>>, vector<16xi32>,
      tpu.vector_store_idx %arg17[%sub3A_497], %get3A_501 masked %and3A_489 : memref<1664xi32, #tpu.memory_space<vmem>>[vector<16xi32>], vector<16xi32>, vector<16xi1>
      %all_reduce_population_count3A_502 = tpu.all_reduce %and3A_489 {dim = 0 : i64, kind = #tpu.reduction_kind<sum>} : vector<16xi1> -> vector<16xi32>
      %add3A_503 = arith.addi %add3A_475, %all_reduce_population_count3A_502 : vector<16xi32>
      %mul3A_504 = arith.constant 200 : i32
      %mul3A_505 = arith.muli %scan3A_160, %mul3A_504 : i32
      %add3A_506 = arith.constant 192 : i32
      %add3A_507 = arith.addi %mul3A_505, %add3A_506 : i32
      %add3A_508 = arith.constant 192 : i32
      %add3A_509 = vector.broadcast %add3A_508 : i32 to vector<16xi32>
      %add3A_510 = arith.addi %iota3A, %add3A_509 : vector<16xi32>
      %get3A_511 = arith.index_cast %add3A_507 : i32 to index
      %get3A_512 = tpu.vector_load %arg11[%get3A_511] {strides = array<i32>} : memref<1600xi32, #tpu.memory_space<vmem>>, vector<16xi32>,
      %lt3A_513 = arith.cmpi slt, %add3A_510, %gather3A_172 : vector<16xi32>
      %eq3A_514 = arith.constant 0 : i32
      %eq3A_515 = vector.broadcast %eq3A_514 : i32 to vector<16xi32>
      %eq3A_516 = arith.cmpi eq, %get3A_512, %eq3A_515 : vector<16xi32>
      %and3A_517 = arith.andi %lt3A_513, %eq3A_516 : vector<16xi1>
      %lt3A_518 = arith.constant 8 : i32
      %lt3A_519 = vector.broadcast %lt3A_518 : i32 to vector<16xi32>
      %lt3A_520 = arith.cmpi slt, %iota3A, %lt3A_519 : vector<16xi32>
      %and3A_521 = arith.andi %and3A_517, %lt3A_520 : vector<16xi1>
      %convert_element_type3A_522 = arith.extui %and3A_521 : vector<16xi1> to vector<16xi32>
      %broadcast_in_dim3A_523 = arith.constant true
      %broadcast_in_dim3A_524 = vector.broadcast %broadcast_in_dim3A_523 : i1 to vector<16xi1>
      %masked_cumsum3A_525 = tpu.scan <sum>, %convert_element_type3A_522 masked %broadcast_in_dim3A_524 : vector<16xi32>, vector<16xi1> -> vector<16xi32>
      %add3A_526 = arith.addi %add3A_503, %masked_cumsum3A_525 : vector<16xi32>
      %sub3A_527 = arith.constant 1 : i32
      %sub3A_528 = vector.broadcast %sub3A_527 : i32 to vector<16xi32>
      %sub3A_529 = arith.subi %add3A_526, %sub3A_528 : vector<16xi32>
      %get3A_530 = arith.index_cast %add3A_507 : i32 to index
      %get3A_531 = tpu.vector_load %arg9[%get3A_530] {strides = array<i32>} : memref<1600xi32, #tpu.memory_space<vmem>>, vector<16xi32>,
      tpu.vector_store_idx %arg16[%sub3A_529], %get3A_531 masked %and3A_521 : memref<1664xi32, #tpu.memory_space<vmem>>[vector<16xi32>], vector<16xi32>, vector<16xi1>
      %get3A_532 = arith.index_cast %add3A_507 : i32 to index
      %get3A_533 = tpu.vector_load %arg10[%get3A_532] {strides = array<i32>} : memref<1600xi32, #tpu.memory_space<vmem>>, vector<16xi32>,
      tpu.vector_store_idx %arg17[%sub3A_529], %get3A_533 masked %and3A_521 : memref<1664xi32, #tpu.memory_space<vmem>>[vector<16xi32>], vector<16xi32>, vector<16xi1>
      %all_reduce_population_count3A_534 = tpu.all_reduce %and3A_521 {dim = 0 : i64, kind = #tpu.reduction_kind<sum>} : vector<16xi1> -> vector<16xi32>
      %add3A_535 = arith.addi %add3A_503, %all_reduce_population_count3A_534 : vector<16xi32>
      %and3A_536 = arith.constant 1 : i32
      %and3A_537 = vector.broadcast %and3A_536 : i32 to vector<16xi32>
      %and3A_538 = arith.andi %add3A_535, %and3A_537 : vector<16xi32>
      %eq3A_539 = arith.constant 1 : i32
      %eq3A_540 = vector.broadcast %eq3A_539 : i32 to vector<16xi32>
      %eq3A_541 = arith.cmpi eq, %and3A_538, %eq3A_540 : vector<16xi32>
      %and3A_542 = arith.andi %eq3A_4, %eq3A_541 : vector<16xi1>
      %broadcast_in_dim3A_543 = arith.constant 0 : i32
      %broadcast_in_dim3A_544 = vector.broadcast %broadcast_in_dim3A_543 : i32 to vector<16xi32>
      %add3A_545 = arith.constant 100000 : i32
      %add3A_546 = vector.broadcast %add3A_545 : i32 to vector<16xi32>
      %add3A_547 = arith.addi %broadcast_in_dim3A_544, %add3A_546 : vector<16xi32>
      tpu.vector_store_idx %arg16[%add3A_535], %add3A_547 masked %and3A_542 : memref<1664xi32, #tpu.memory_space<vmem>>[vector<16xi32>], vector<16xi32>, vector<16xi1>
      %broadcast_in_dim3A_548 = arith.constant 0 : i32
      %broadcast_in_dim3A_549 = vector.broadcast %broadcast_in_dim3A_548 : i32 to vector<16xi32>
      %add3A_550 = arith.constant 0 : i32
      %add3A_551 = vector.broadcast %add3A_550 : i32 to vector<16xi32>
      %add3A_552 = arith.addi %broadcast_in_dim3A_549, %add3A_551 : vector<16xi32>
      tpu.vector_store_idx %arg17[%add3A_535], %add3A_552 masked %and3A_542 : memref<1664xi32, #tpu.memory_space<vmem>>[vector<16xi32>], vector<16xi32>, vector<16xi1>
      %add3A_553 = arith.addi %add3A_535, %and3A_538 : vector<16xi32>
      scf.yield %add3A_553 : vector<16xi32>
    }
    %scan3A_43 = arith.constant 8 : i32
    %broadcast_in_dim3A_44 = arith.constant 0 : i32
    %broadcast_in_dim3A_45 = vector.broadcast %broadcast_in_dim3A_44 : i32 to vector<16xi32>
    %add3A_46 = arith.constant 8 : i32
    %add3A_47 = vector.broadcast %add3A_46 : i32 to vector<16xi32>
    %add3A_48 = arith.addi %broadcast_in_dim3A_45, %add3A_47 : vector<16xi32>
    tpu.vector_store_idx %arg18[%add3A_48], %scan3A_42 masked %eq3A_4 : memref<16xi32, #tpu.memory_space<vmem>>[vector<16xi32>], vector<16xi32>, vector<16xi1>
    %broadcast_in_dim3A_49 = arith.constant 0 : i32
    %broadcast_in_dim3A_50 = vector.broadcast %broadcast_in_dim3A_49 : i32 to vector<16xi32>
    %add3A_51 = arith.constant 8 : i32
    %add3A_52 = vector.broadcast %add3A_51 : i32 to vector<16xi32>
    %add3A_53 = arith.addi %broadcast_in_dim3A_50, %add3A_52 : vector<16xi32>
    %gather3A = tpu.vector_load_idx %arg18[%add3A_53] : memref<16xi32, #tpu.memory_space<vmem>>[vector<16xi32>], vector<16xi32>,
    %reduce_max3A = arith.constant true
    %reduce_max3A_54 = vector.broadcast %reduce_max3A : i1 to vector<16xi1>
    %reduce_max3A_55 = arith.constant -2147483648 : i32
    %reduce_max3A_56 = vector.broadcast %reduce_max3A_55 : i32 to vector<16xi32>
    %reduce_max3A_57 = arith.xori %gather3A, %reduce_max3A_56 : vector<16xi32>
    %reduce_max3A_58 = tpu.scan <max>, %reduce_max3A_57 masked %reduce_max3A_54 : vector<16xi32>, vector<16xi1> -> vector<16xi32>
    %reduce_max3A_59 = arith.xori %reduce_max3A_58, %reduce_max3A_56 : vector<16xi32>
    %reduce_max3A_60 = vector.extract %reduce_max3A_59[15] : i32 from vector<16xi32>
    %jit3A = arith.constant 128 : i32
    %div3A = arith.divsi %reduce_max3A_60, %jit3A : i32
    %sign3A = arith.constant 0 : i32
    %sign3A_61 = arith.cmpi sgt, %reduce_max3A_60, %sign3A : i32
    %sign3A_62 = arith.extui %sign3A_61 : i1 to i32
    %sign3A_63 = arith.constant 0 : i32
    %sign3A_64 = arith.cmpi slt, %reduce_max3A_60, %sign3A_63 : i32
    %sign3A_65 = arith.extui %sign3A_64 : i1 to i32
    %sign3A_66 = arith.subi %sign3A_62, %sign3A_65 : i32
    %sign3A_67 = arith.constant 0 : i32
    %sign3A_68 = arith.cmpi sgt, %jit3A, %sign3A_67 : i32
    %sign3A_69 = arith.extui %sign3A_68 : i1 to i32
    %sign3A_70 = arith.constant 0 : i32
    %sign3A_71 = arith.cmpi slt, %jit3A, %sign3A_70 : i32
    %sign3A_72 = arith.extui %sign3A_71 : i1 to i32
    %sign3A_73 = arith.subi %sign3A_69, %sign3A_72 : i32
    %ne3A = arith.cmpi ne, %sign3A_66, %sign3A_73 : i32
    %rem3A = arith.remsi %reduce_max3A_60, %jit3A : i32
    %ne3A_74 = arith.constant 0 : i32
    %ne3A_75 = arith.cmpi ne, %rem3A, %ne3A_74 : i32
    %and3A = arith.andi %ne3A, %ne3A_75 : i1
    %sub3A = arith.constant 1 : i32
    %sub3A_76 = arith.subi %div3A, %sub3A : i32
    %select_n3A = arith.select %and3A, %sub3A_76, %div3A : i32
    %mul3A_77 = arith.constant 128 : i32
    %mul3A_78 = arith.muli %select_n3A, %mul3A_77 : i32
    %sub3A_79 = arith.subi %reduce_max3A_60, %mul3A_78 : i32
    %add3A_80 = arith.constant 31 : i32
    %add3A_81 = arith.addi %sub3A_79, %add3A_80 : i32
    %jit3A_82 = arith.constant 32 : i32
    %div3A_83 = arith.divsi %add3A_81, %jit3A_82 : i32
    %sign3A_84 = arith.constant 0 : i32
    %sign3A_85 = arith.cmpi sgt, %add3A_81, %sign3A_84 : i32
    %sign3A_86 = arith.extui %sign3A_85 : i1 to i32
    %sign3A_87 = arith.constant 0 : i32
    %sign3A_88 = arith.cmpi slt, %add3A_81, %sign3A_87 : i32
    %sign3A_89 = arith.extui %sign3A_88 : i1 to i32
    %sign3A_90 = arith.subi %sign3A_86, %sign3A_89 : i32
    %sign3A_91 = arith.constant 0 : i32
    %sign3A_92 = arith.cmpi sgt, %jit3A_82, %sign3A_91 : i32
    %sign3A_93 = arith.extui %sign3A_92 : i1 to i32
    %sign3A_94 = arith.constant 0 : i32
    %sign3A_95 = arith.cmpi slt, %jit3A_82, %sign3A_94 : i32
    %sign3A_96 = arith.extui %sign3A_95 : i1 to i32
    %sign3A_97 = arith.subi %sign3A_93, %sign3A_96 : i32
    %ne3A_98 = arith.cmpi ne, %sign3A_90, %sign3A_97 : i32
    %rem3A_99 = arith.remsi %add3A_81, %jit3A_82 : i32
    %ne3A_100 = arith.constant 0 : i32
    %ne3A_101 = arith.cmpi ne, %rem3A_99, %ne3A_100 : i32
    %and3A_102 = arith.andi %ne3A_98, %ne3A_101 : i1
    %sub3A_103 = arith.constant 1 : i32
    %sub3A_104 = arith.subi %div3A_83, %sub3A_103 : i32
    %select_n3A_105 = arith.select %and3A_102, %sub3A_104, %div3A_83 : i32
    %sub3A_106 = arith.constant 0 : i32
    %sub3A_107 = arith.subi %select_n3A, %sub3A_106 : i32
    %sub3A_108 = arith.constant 1 : i32
    %sub3A_109 = arith.constant 1 : i32
    %sub3A_110 = arith.subi %sub3A_108, %sub3A_109 : i32
    %add3A_111 = arith.addi %sub3A_107, %sub3A_110 : i32
    %div3A_112 = arith.constant 1 : i32
    %div3A_113 = arith.divsi %add3A_111, %div3A_112 : i32
    %while3A = arith.constant 1 : i32
    %while3A_114 = arith.constant 0 : i32
    %while3A_115 = arith.constant 0 : i32
    %while3A_116 = arith.subi %div3A_113, %while3A_115 : i32
    %while3A_117 = arith.addi %while3A_115, %while3A_116 : i32
    %while3A_118 = arith.constant 1 : i32
    %while3A_119 = arith.divsi %while3A_116, %while3A_118 : i32
    %while3A_120 = arith.muli %while3A_119, %while3A_118 : i32
    %while3A_121 = arith.addi %while3A_115, %while3A_120 : i32
    %while3A_122 = arith.constant 1 : i32
    scf.for %while3A_160 = %while3A_115 to %while3A_121 step %while3A_122  : i32 {
      %mul3A_161 = arith.muli %while3A_160, %while3A : i32
      %add3A_162 = arith.addi %while3A_114, %mul3A_161 : i32
      %mul3A_163 = arith.constant 128 : i32
      %mul3A_164 = arith.muli %add3A_162, %mul3A_163 : i32
      %dma_start3A_165 = arith.constant 0 : i32
      %dma_start3A_166 = tpu.memref_slice %arg19[%mul3A_164, %dma_start3A_165] : memref<1664x32xbf16, #tpu.memory_space<vmem>> -> memref<128x32xbf16, #tpu.memory_space<vmem>>
      %dma_start3A_167 = tpu.memref_slice %arg16[%mul3A_164] : memref<1664xi32, #tpu.memory_space<vmem>> -> memref<128xi32, #tpu.memory_space<vmem>>
      %dma_start3A_168 = arith.constant 0 : i32
      %dma_start3A_169 = arith.constant 0 : i32
      %dma_start3A_170 = tpu.memref_slice %arg6[%dma_start3A_168, %dma_start3A_169] : memref<100008x32xbf16, #tpu.memory_space<hbm>> -> memref<100008x32xbf16, #tpu.memory_space<hbm>>
      tpu.enqueue_indirect_dma source(%dma_start3A_170 : memref<100008x32xbf16, #tpu.memory_space<hbm>>) target(%dma_start3A_166 : memref<128x32xbf16, #tpu.memory_space<vmem>>) offsets(%dma_start3A_167 : memref<128xi32, #tpu.memory_space<vmem>>) semaphore(%arg30 : memref<!tpu.dma_semaphore, #tpu.memory_space<semaphore_mem>>)
      %dma_start3A_171 = arith.constant 0 : i32
      %dma_start3A_172 = tpu.memref_slice %arg20[%mul3A_164, %dma_start3A_171] : memref<1664x32xbf16, #tpu.memory_space<vmem>> -> memref<128x32xbf16, #tpu.memory_space<vmem>>
      %dma_start3A_173 = tpu.memref_slice %arg17[%mul3A_164] : memref<1664xi32, #tpu.memory_space<vmem>> -> memref<128xi32, #tpu.memory_space<vmem>>
      %dma_start3A_174 = arith.constant 0 : i32
      %dma_start3A_175 = arith.constant 0 : i32
      %dma_start3A_176 = tpu.memref_slice %arg7[%dma_start3A_174, %dma_start3A_175] : memref<100000x32xbf16, #tpu.memory_space<hbm>> -> memref<100000x32xbf16, #tpu.memory_space<hbm>>
      tpu.enqueue_indirect_dma source(%dma_start3A_176 : memref<100000x32xbf16, #tpu.memory_space<hbm>>) target(%dma_start3A_172 : memref<128x32xbf16, #tpu.memory_space<vmem>>) offsets(%dma_start3A_173 : memref<128xi32, #tpu.memory_space<vmem>>) semaphore(%arg30 : memref<!tpu.dma_semaphore, #tpu.memory_space<semaphore_mem>>)
    }
    %while3A_123 = arith.constant 1 : i32
    scf.for %while3A_160 = %while3A_121 to %while3A_117 step %while3A_123  : i32 {
      %mul3A_161 = arith.muli %while3A_160, %while3A : i32
      %add3A_162 = arith.addi %while3A_114, %mul3A_161 : i32
      %mul3A_163 = arith.constant 128 : i32
      %mul3A_164 = arith.muli %add3A_162, %mul3A_163 : i32
      %dma_start3A_165 = arith.constant 0 : i32
      %dma_start3A_166 = tpu.memref_slice %arg19[%mul3A_164, %dma_start3A_165] : memref<1664x32xbf16, #tpu.memory_space<vmem>> -> memref<128x32xbf16, #tpu.memory_space<vmem>>
      %dma_start3A_167 = tpu.memref_slice %arg16[%mul3A_164] : memref<1664xi32, #tpu.memory_space<vmem>> -> memref<128xi32, #tpu.memory_space<vmem>>
      %dma_start3A_168 = arith.constant 0 : i32
      %dma_start3A_169 = arith.constant 0 : i32
      %dma_start3A_170 = tpu.memref_slice %arg6[%dma_start3A_168, %dma_start3A_169] : memref<100008x32xbf16, #tpu.memory_space<hbm>> -> memref<100008x32xbf16, #tpu.memory_space<hbm>>
      tpu.enqueue_indirect_dma source(%dma_start3A_170 : memref<100008x32xbf16, #tpu.memory_space<hbm>>) target(%dma_start3A_166 : memref<128x32xbf16, #tpu.memory_space<vmem>>) offsets(%dma_start3A_167 : memref<128xi32, #tpu.memory_space<vmem>>) semaphore(%arg30 : memref<!tpu.dma_semaphore, #tpu.memory_space<semaphore_mem>>)
      %dma_start3A_171 = arith.constant 0 : i32
      %dma_start3A_172 = tpu.memref_slice %arg20[%mul3A_164, %dma_start3A_171] : memref<1664x32xbf16, #tpu.memory_space<vmem>> -> memref<128x32xbf16, #tpu.memory_space<vmem>>
      %dma_start3A_173 = tpu.memref_slice %arg17[%mul3A_164] : memref<1664xi32, #tpu.memory_space<vmem>> -> memref<128xi32, #tpu.memory_space<vmem>>
      %dma_start3A_174 = arith.constant 0 : i32
      %dma_start3A_175 = arith.constant 0 : i32
      %dma_start3A_176 = tpu.memref_slice %arg7[%dma_start3A_174, %dma_start3A_175] : memref<100000x32xbf16, #tpu.memory_space<hbm>> -> memref<100000x32xbf16, #tpu.memory_space<hbm>>
      tpu.enqueue_indirect_dma source(%dma_start3A_176 : memref<100000x32xbf16, #tpu.memory_space<hbm>>) target(%dma_start3A_172 : memref<128x32xbf16, #tpu.memory_space<vmem>>) offsets(%dma_start3A_173 : memref<128xi32, #tpu.memory_space<vmem>>) semaphore(%arg30 : memref<!tpu.dma_semaphore, #tpu.memory_space<semaphore_mem>>)
    }
    %sub3A_124 = arith.constant 0 : i32
    %sub3A_125 = arith.subi %select_n3A_105, %sub3A_124 : i32
    %sub3A_126 = arith.constant 1 : i32
    %sub3A_127 = arith.constant 1 : i32
    %sub3A_128 = arith.subi %sub3A_126, %sub3A_127 : i32
    %add3A_129 = arith.addi %sub3A_125, %sub3A_128 : i32
    %div3A_130 = arith.constant 1 : i32
    %div3A_131 = arith.divsi %add3A_129, %div3A_130 : i32
    %while3A_132 = arith.constant 1 : i32
    %while3A_133 = arith.constant 0 : i32
    %while3A_134 = arith.constant 0 : i32
    %while3A_135 = arith.subi %div3A_131, %while3A_134 : i32
    %while3A_136 = arith.addi %while3A_134, %while3A_135 : i32
    %while3A_137 = arith.constant 1 : i32
    %while3A_138 = arith.divsi %while3A_135, %while3A_137 : i32
    %while3A_139 = arith.muli %while3A_138, %while3A_137 : i32
    %while3A_140 = arith.addi %while3A_134, %while3A_139 : i32
    %while3A_141 = arith.constant 1 : i32
    scf.for %while3A_160 = %while3A_134 to %while3A_140 step %while3A_141  : i32 {
      %mul3A_161 = arith.muli %while3A_160, %while3A_132 : i32
      %add3A_162 = arith.addi %while3A_133, %mul3A_161 : i32
      %mul3A_163 = arith.constant 128 : i32
      %mul3A_164 = arith.muli %select_n3A, %mul3A_163 : i32
      %mul3A_165 = arith.constant 32 : i32
      %mul3A_166 = arith.muli %add3A_162, %mul3A_165 : i32
      %add3A_167 = arith.addi %mul3A_164, %mul3A_166 : i32
      %dma_start3A_168 = arith.constant 0 : i32
      %dma_start3A_169 = tpu.memref_slice %arg19[%add3A_167, %dma_start3A_168] : memref<1664x32xbf16, #tpu.memory_space<vmem>> -> memref<32x32xbf16, #tpu.memory_space<vmem>>
      %dma_start3A_170 = tpu.memref_slice %arg16[%add3A_167] : memref<1664xi32, #tpu.memory_space<vmem>> -> memref<32xi32, #tpu.memory_space<vmem>>
      %dma_start3A_171 = arith.constant 0 : i32
      %dma_start3A_172 = arith.constant 0 : i32
      %dma_start3A_173 = tpu.memref_slice %arg6[%dma_start3A_171, %dma_start3A_172] : memref<100008x32xbf16, #tpu.memory_space<hbm>> -> memref<100008x32xbf16, #tpu.memory_space<hbm>>
      tpu.enqueue_indirect_dma source(%dma_start3A_173 : memref<100008x32xbf16, #tpu.memory_space<hbm>>) target(%dma_start3A_169 : memref<32x32xbf16, #tpu.memory_space<vmem>>) offsets(%dma_start3A_170 : memref<32xi32, #tpu.memory_space<vmem>>) semaphore(%arg30 : memref<!tpu.dma_semaphore, #tpu.memory_space<semaphore_mem>>)
      %dma_start3A_174 = arith.constant 0 : i32
      %dma_start3A_175 = tpu.memref_slice %arg20[%add3A_167, %dma_start3A_174] : memref<1664x32xbf16, #tpu.memory_space<vmem>> -> memref<32x32xbf16, #tpu.memory_space<vmem>>
      %dma_start3A_176 = tpu.memref_slice %arg17[%add3A_167] : memref<1664xi32, #tpu.memory_space<vmem>> -> memref<32xi32, #tpu.memory_space<vmem>>
      %dma_start3A_177 = arith.constant 0 : i32
      %dma_start3A_178 = arith.constant 0 : i32
      %dma_start3A_179 = tpu.memref_slice %arg7[%dma_start3A_177, %dma_start3A_178] : memref<100000x32xbf16, #tpu.memory_space<hbm>> -> memref<100000x32xbf16, #tpu.memory_space<hbm>>
      tpu.enqueue_indirect_dma source(%dma_start3A_179 : memref<100000x32xbf16, #tpu.memory_space<hbm>>) target(%dma_start3A_175 : memref<32x32xbf16, #tpu.memory_space<vmem>>) offsets(%dma_start3A_176 : memref<32xi32, #tpu.memory_space<vmem>>) semaphore(%arg30 : memref<!tpu.dma_semaphore, #tpu.memory_space<semaphore_mem>>)
    }
    %while3A_142 = arith.constant 1 : i32
    scf.for %while3A_160 = %while3A_140 to %while3A_136 step %while3A_142  : i32 {
      %mul3A_161 = arith.muli %while3A_160, %while3A_132 : i32
      %add3A_162 = arith.addi %while3A_133, %mul3A_161 : i32
      %mul3A_163 = arith.constant 128 : i32
      %mul3A_164 = arith.muli %select_n3A, %mul3A_163 : i32
      %mul3A_165 = arith.constant 32 : i32
      %mul3A_166 = arith.muli %add3A_162, %mul3A_165 : i32
      %add3A_167 = arith.addi %mul3A_164, %mul3A_166 : i32
      %dma_start3A_168 = arith.constant 0 : i32
      %dma_start3A_169 = tpu.memref_slice %arg19[%add3A_167, %dma_start3A_168] : memref<1664x32xbf16, #tpu.memory_space<vmem>> -> memref<32x32xbf16, #tpu.memory_space<vmem>>
      %dma_start3A_170 = tpu.memref_slice %arg16[%add3A_167] : memref<1664xi32, #tpu.memory_space<vmem>> -> memref<32xi32, #tpu.memory_space<vmem>>
      %dma_start3A_171 = arith.constant 0 : i32
      %dma_start3A_172 = arith.constant 0 : i32
      %dma_start3A_173 = tpu.memref_slice %arg6[%dma_start3A_171, %dma_start3A_172] : memref<100008x32xbf16, #tpu.memory_space<hbm>> -> memref<100008x32xbf16, #tpu.memory_space<hbm>>
      tpu.enqueue_indirect_dma source(%dma_start3A_173 : memref<100008x32xbf16, #tpu.memory_space<hbm>>) target(%dma_start3A_169 : memref<32x32xbf16, #tpu.memory_space<vmem>>) offsets(%dma_start3A_170 : memref<32xi32, #tpu.memory_space<vmem>>) semaphore(%arg30 : memref<!tpu.dma_semaphore, #tpu.memory_space<semaphore_mem>>)
      %dma_start3A_174 = arith.constant 0 : i32
      %dma_start3A_175 = tpu.memref_slice %arg20[%add3A_167, %dma_start3A_174] : memref<1664x32xbf16, #tpu.memory_space<vmem>> -> memref<32x32xbf16, #tpu.memory_space<vmem>>
      %dma_start3A_176 = tpu.memref_slice %arg17[%add3A_167] : memref<1664xi32, #tpu.memory_space<vmem>> -> memref<32xi32, #tpu.memory_space<vmem>>
      %dma_start3A_177 = arith.constant 0 : i32
      %dma_start3A_178 = arith.constant 0 : i32
      %dma_start3A_179 = tpu.memref_slice %arg7[%dma_start3A_177, %dma_start3A_178] : memref<100000x32xbf16, #tpu.memory_space<hbm>> -> memref<100000x32xbf16, #tpu.memory_space<hbm>>
      tpu.enqueue_indirect_dma source(%dma_start3A_179 : memref<100000x32xbf16, #tpu.memory_space<hbm>>) target(%dma_start3A_175 : memref<32x32xbf16, #tpu.memory_space<vmem>>) offsets(%dma_start3A_176 : memref<32xi32, #tpu.memory_space<vmem>>) semaphore(%arg30 : memref<!tpu.dma_semaphore, #tpu.memory_space<semaphore_mem>>)
    }
    %scan3A_143 = arith.constant 0 : i32
    %scan3A_144 = arith.constant 32 : i32
    %scan3A_145 = arith.addi %scan3A_143, %scan3A_144 : i32
    %scan3A_146 = arith.constant 1 : i32
    scf.for %scan3A_160 = %scan3A_143 to %scan3A_145 step %scan3A_146  : i32 {
      %mul3A_161 = arith.constant 2 : i32
      %mul3A_162 = arith.muli %scan3A_160, %mul3A_161 : i32
      %add3A_163 = arith.constant 0 : i32
      %add3A_164 = arith.addi %add3A_163, %mul3A_162 : i32
      %add3A_165 = arith.constant 1 : i32
      %add3A_166 = arith.addi %add3A_164, %add3A_165 : i32
      %mul3A_167 = arith.constant 200 : i32
      %mul3A_168 = arith.muli %mul3A_2, %mul3A_167 : i32
      %mul3A_169 = arith.constant 1600 : i32
      %mul3A_170 = arith.muli %add3A_166, %mul3A_169 : i32
      %add3A_171 = arith.addi %mul3A_168, %mul3A_170 : i32
      %dma_wait3A_172 = tpu.memref_slice %arg2[%add3A_171] : memref<3276800xi32, #tpu.memory_space<hbm>> -> memref<1600xi32, #tpu.memory_space<hbm>>
      %dma_wait3A_173 = tpu.memref_slice %arg2[%add3A_171] : memref<3276800xi32, #tpu.memory_space<hbm>> -> memref<1600xi32, #tpu.memory_space<hbm>>
      tpu.wait_dma2 semaphore(%arg29 : memref<!tpu.dma_semaphore, #tpu.memory_space<semaphore_mem>>) src(%dma_wait3A_173 : memref<1600xi32, #tpu.memory_space<hbm>>) dst(%arg12 : memref<1600xi32, #tpu.memory_space<vmem>>)
      %dma_wait3A_174 = tpu.memref_slice %arg3[%add3A_171] : memref<3276800xi32, #tpu.memory_space<hbm>> -> memref<1600xi32, #tpu.memory_space<hbm>>
      %dma_wait3A_175 = tpu.memref_slice %arg3[%add3A_171] : memref<3276800xi32, #tpu.memory_space<hbm>> -> memref<1600xi32, #tpu.memory_space<hbm>>
      tpu.wait_dma2 semaphore(%arg29 : memref<!tpu.dma_semaphore, #tpu.memory_space<semaphore_mem>>) src(%dma_wait3A_175 : memref<1600xi32, #tpu.memory_space<hbm>>) dst(%arg13 : memref<1600xi32, #tpu.memory_space<vmem>>)
      %dma_wait3A_176 = tpu.memref_slice %arg4[%add3A_171] : memref<3276800xi32, #tpu.memory_space<hbm>> -> memref<1600xi32, #tpu.memory_space<hbm>>
      %dma_wait3A_177 = tpu.memref_slice %arg4[%add3A_171] : memref<3276800xi32, #tpu.memory_space<hbm>> -> memref<1600xi32, #tpu.memory_space<hbm>>
      tpu.wait_dma2 semaphore(%arg29 : memref<!tpu.dma_semaphore, #tpu.memory_space<semaphore_mem>>) src(%dma_wait3A_177 : memref<1600xi32, #tpu.memory_space<hbm>>) dst(%arg14 : memref<1600xi32, #tpu.memory_space<vmem>>)
      %add3A_178 = arith.constant 1 : i32
      %add3A_179 = arith.addi %add3A_164, %add3A_178 : i32
      %broadcast_in_dim3A_180 = arith.constant 0 : i32
      %broadcast_in_dim3A_181 = vector.broadcast %broadcast_in_dim3A_180 : i32 to vector<16xi32>
      %scan3A_182 = arith.constant 0 : i32
      %scan3A_183 = arith.constant 8 : i32
      %scan3A_184 = arith.addi %scan3A_182, %scan3A_183 : i32
      %scan3A_185 = arith.constant 1 : i32
      %scan3A_186 = scf.for %scan3A_561 = %scan3A_182 to %scan3A_184 step %scan3A_185 iter_args(%scan3A_562 = %broadcast_in_dim3A_181) -> (vector<16xi32>)  : i32 {
        %broadcast_in_dim3A_563 = arith.constant 0 : i32
        %broadcast_in_dim3A_564 = vector.broadcast %broadcast_in_dim3A_563 : i32 to vector<16xi32>
        %add3A_565 = vector.broadcast %scan3A_561 : i32 to vector<16xi32>
        %add3A_566 = arith.addi %broadcast_in_dim3A_564, %add3A_565 : vector<16xi32>
        tpu.vector_store_idx %arg23[%add3A_566], %scan3A_562 masked %eq3A_4 : memref<16xi32, #tpu.memory_space<vmem>>[vector<16xi32>], vector<16xi32>, vector<16xi1>
        %mul3A_567 = arith.constant 8 : i32
        %mul3A_568 = arith.muli %add3A_179, %mul3A_567 : i32
        %add3A_569 = arith.addi %mul3A_568, %scan3A_561 : i32
        %broadcast_in_dim3A_570 = arith.constant 0 : i32
        %broadcast_in_dim3A_571 = vector.broadcast %broadcast_in_dim3A_570 : i32 to vector<16xi32>
        %add3A_572 = vector.broadcast %add3A_569 : i32 to vector<16xi32>
        %add3A_573 = arith.addi %broadcast_in_dim3A_571, %add3A_572 : vector<16xi32>
        %gather3A_574 = tpu.vector_load_idx %arg15[%add3A_573] : memref<512xi32, #tpu.memory_space<vmem>>[vector<16xi32>], vector<16xi32>,
        %mul3A_575 = arith.constant 200 : i32
        %mul3A_576 = arith.muli %scan3A_561, %mul3A_575 : i32
        %add3A_577 = arith.constant 0 : i32
        %add3A_578 = arith.addi %mul3A_576, %add3A_577 : i32
        %add3A_579 = arith.constant 0 : i32
        %add3A_580 = vector.broadcast %add3A_579 : i32 to vector<16xi32>
        %add3A_581 = arith.addi %iota3A, %add3A_580 : vector<16xi32>
        %get3A = arith.index_cast %add3A_578 : i32 to index
        %get3A_582 = tpu.vector_load %arg14[%get3A] {strides = array<i32>} : memref<1600xi32, #tpu.memory_space<vmem>>, vector<16xi32>,
        %lt3A_583 = arith.cmpi slt, %add3A_581, %gather3A_574 : vector<16xi32>
        %eq3A_584 = arith.constant 0 : i32
        %eq3A_585 = vector.broadcast %eq3A_584 : i32 to vector<16xi32>
        %eq3A_586 = arith.cmpi eq, %get3A_582, %eq3A_585 : vector<16xi32>
        %and3A_587 = arith.andi %lt3A_583, %eq3A_586 : vector<16xi1>
        %convert_element_type3A_588 = arith.extui %and3A_587 : vector<16xi1> to vector<16xi32>
        %broadcast_in_dim3A_589 = arith.constant true
        %broadcast_in_dim3A_590 = vector.broadcast %broadcast_in_dim3A_589 : i1 to vector<16xi1>
        %masked_cumsum3A = tpu.scan <sum>, %convert_element_type3A_588 masked %broadcast_in_dim3A_590 : vector<16xi32>, vector<16xi1> -> vector<16xi32>
        %add3A_591 = arith.addi %scan3A_562, %masked_cumsum3A : vector<16xi32>
        %sub3A_592 = arith.constant 1 : i32
        %sub3A_593 = vector.broadcast %sub3A_592 : i32 to vector<16xi32>
        %sub3A_594 = arith.subi %add3A_591, %sub3A_593 : vector<16xi32>
        %get3A_595 = arith.index_cast %add3A_578 : i32 to index
        %get3A_596 = tpu.vector_load %arg12[%get3A_595] {strides = array<i32>} : memref<1600xi32, #tpu.memory_space<vmem>>, vector<16xi32>,
        tpu.vector_store_idx %arg21[%sub3A_594], %get3A_596 masked %and3A_587 : memref<1664xi32, #tpu.memory_space<vmem>>[vector<16xi32>], vector<16xi32>, vector<16xi1>
        %get3A_597 = arith.index_cast %add3A_578 : i32 to index
        %get3A_598 = tpu.vector_load %arg13[%get3A_597] {strides = array<i32>} : memref<1600xi32, #tpu.memory_space<vmem>>, vector<16xi32>,
        tpu.vector_store_idx %arg22[%sub3A_594], %get3A_598 masked %and3A_587 : memref<1664xi32, #tpu.memory_space<vmem>>[vector<16xi32>], vector<16xi32>, vector<16xi1>
        %all_reduce_population_count3A = tpu.all_reduce %and3A_587 {dim = 0 : i64, kind = #tpu.reduction_kind<sum>} : vector<16xi1> -> vector<16xi32>
        %add3A_599 = arith.addi %scan3A_562, %all_reduce_population_count3A : vector<16xi32>
        %mul3A_600 = arith.constant 200 : i32
        %mul3A_601 = arith.muli %scan3A_561, %mul3A_600 : i32
        %add3A_602 = arith.constant 16 : i32
        %add3A_603 = arith.addi %mul3A_601, %add3A_602 : i32
        %add3A_604 = arith.constant 16 : i32
        %add3A_605 = vector.broadcast %add3A_604 : i32 to vector<16xi32>
        %add3A_606 = arith.addi %iota3A, %add3A_605 : vector<16xi32>
        %get3A_607 = arith.index_cast %add3A_603 : i32 to index
        %get3A_608 = tpu.vector_load %arg14[%get3A_607] {strides = array<i32>} : memref<1600xi32, #tpu.memory_space<vmem>>, vector<16xi32>,
        %lt3A_609 = arith.cmpi slt, %add3A_606, %gather3A_574 : vector<16xi32>
        %eq3A_610 = arith.constant 0 : i32
        %eq3A_611 = vector.broadcast %eq3A_610 : i32 to vector<16xi32>
        %eq3A_612 = arith.cmpi eq, %get3A_608, %eq3A_611 : vector<16xi32>
        %and3A_613 = arith.andi %lt3A_609, %eq3A_612 : vector<16xi1>
        %convert_element_type3A_614 = arith.extui %and3A_613 : vector<16xi1> to vector<16xi32>
        %broadcast_in_dim3A_615 = arith.constant true
        %broadcast_in_dim3A_616 = vector.broadcast %broadcast_in_dim3A_615 : i1 to vector<16xi1>
        %masked_cumsum3A_617 = tpu.scan <sum>, %convert_element_type3A_614 masked %broadcast_in_dim3A_616 : vector<16xi32>, vector<16xi1> -> vector<16xi32>
        %add3A_618 = arith.addi %add3A_599, %masked_cumsum3A_617 : vector<16xi32>
        %sub3A_619 = arith.constant 1 : i32
        %sub3A_620 = vector.broadcast %sub3A_619 : i32 to vector<16xi32>
        %sub3A_621 = arith.subi %add3A_618, %sub3A_620 : vector<16xi32>
        %get3A_622 = arith.index_cast %add3A_603 : i32 to index
        %get3A_623 = tpu.vector_load %arg12[%get3A_622] {strides = array<i32>} : memref<1600xi32, #tpu.memory_space<vmem>>, vector<16xi32>,
        tpu.vector_store_idx %arg21[%sub3A_621], %get3A_623 masked %and3A_613 : memref<1664xi32, #tpu.memory_space<vmem>>[vector<16xi32>], vector<16xi32>, vector<16xi1>
        %get3A_624 = arith.index_cast %add3A_603 : i32 to index
        %get3A_625 = tpu.vector_load %arg13[%get3A_624] {strides = array<i32>} : memref<1600xi32, #tpu.memory_space<vmem>>, vector<16xi32>,
        tpu.vector_store_idx %arg22[%sub3A_621], %get3A_625 masked %and3A_613 : memref<1664xi32, #tpu.memory_space<vmem>>[vector<16xi32>], vector<16xi32>, vector<16xi1>
        %all_reduce_population_count3A_626 = tpu.all_reduce %and3A_613 {dim = 0 : i64, kind = #tpu.reduction_kind<sum>} : vector<16xi1> -> vector<16xi32>
        %add3A_627 = arith.addi %add3A_599, %all_reduce_population_count3A_626 : vector<16xi32>
        %mul3A_628 = arith.constant 200 : i32
        %mul3A_629 = arith.muli %scan3A_561, %mul3A_628 : i32
        %add3A_630 = arith.constant 32 : i32
        %add3A_631 = arith.addi %mul3A_629, %add3A_630 : i32
        %add3A_632 = arith.constant 32 : i32
        %add3A_633 = vector.broadcast %add3A_632 : i32 to vector<16xi32>
        %add3A_634 = arith.addi %iota3A, %add3A_633 : vector<16xi32>
        %get3A_635 = arith.index_cast %add3A_631 : i32 to index
        %get3A_636 = tpu.vector_load %arg14[%get3A_635] {strides = array<i32>} : memref<1600xi32, #tpu.memory_space<vmem>>, vector<16xi32>,
        %lt3A_637 = arith.cmpi slt, %add3A_634, %gather3A_574 : vector<16xi32>
        %eq3A_638 = arith.constant 0 : i32
        %eq3A_639 = vector.broadcast %eq3A_638 : i32 to vector<16xi32>
        %eq3A_640 = arith.cmpi eq, %get3A_636, %eq3A_639 : vector<16xi32>
        %and3A_641 = arith.andi %lt3A_637, %eq3A_640 : vector<16xi1>
        %convert_element_type3A_642 = arith.extui %and3A_641 : vector<16xi1> to vector<16xi32>
        %broadcast_in_dim3A_643 = arith.constant true
        %broadcast_in_dim3A_644 = vector.broadcast %broadcast_in_dim3A_643 : i1 to vector<16xi1>
        %masked_cumsum3A_645 = tpu.scan <sum>, %convert_element_type3A_642 masked %broadcast_in_dim3A_644 : vector<16xi32>, vector<16xi1> -> vector<16xi32>
        %add3A_646 = arith.addi %add3A_627, %masked_cumsum3A_645 : vector<16xi32>
        %sub3A_647 = arith.constant 1 : i32
        %sub3A_648 = vector.broadcast %sub3A_647 : i32 to vector<16xi32>
        %sub3A_649 = arith.subi %add3A_646, %sub3A_648 : vector<16xi32>
        %get3A_650 = arith.index_cast %add3A_631 : i32 to index
        %get3A_651 = tpu.vector_load %arg12[%get3A_650] {strides = array<i32>} : memref<1600xi32, #tpu.memory_space<vmem>>, vector<16xi32>,
        tpu.vector_store_idx %arg21[%sub3A_649], %get3A_651 masked %and3A_641 : memref<1664xi32, #tpu.memory_space<vmem>>[vector<16xi32>], vector<16xi32>, vector<16xi1>
        %get3A_652 = arith.index_cast %add3A_631 : i32 to index
        %get3A_653 = tpu.vector_load %arg13[%get3A_652] {strides = array<i32>} : memref<1600xi32, #tpu.memory_space<vmem>>, vector<16xi32>,
        tpu.vector_store_idx %arg22[%sub3A_649], %get3A_653 masked %and3A_641 : memref<1664xi32, #tpu.memory_space<vmem>>[vector<16xi32>], vector<16xi32>, vector<16xi1>
        %all_reduce_population_count3A_654 = tpu.all_reduce %and3A_641 {dim = 0 : i64, kind = #tpu.reduction_kind<sum>} : vector<16xi1> -> vector<16xi32>
        %add3A_655 = arith.addi %add3A_627, %all_reduce_population_count3A_654 : vector<16xi32>
        %mul3A_656 = arith.constant 200 : i32
        %mul3A_657 = arith.muli %scan3A_561, %mul3A_656 : i32
        %add3A_658 = arith.constant 48 : i32
        %add3A_659 = arith.addi %mul3A_657, %add3A_658 : i32
        %add3A_660 = arith.constant 48 : i32
        %add3A_661 = vector.broadcast %add3A_660 : i32 to vector<16xi32>
        %add3A_662 = arith.addi %iota3A, %add3A_661 : vector<16xi32>
        %get3A_663 = arith.index_cast %add3A_659 : i32 to index
        %get3A_664 = tpu.vector_load %arg14[%get3A_663] {strides = array<i32>} : memref<1600xi32, #tpu.memory_space<vmem>>, vector<16xi32>,
        %lt3A_665 = arith.cmpi slt, %add3A_662, %gather3A_574 : vector<16xi32>
        %eq3A_666 = arith.constant 0 : i32
        %eq3A_667 = vector.broadcast %eq3A_666 : i32 to vector<16xi32>
        %eq3A_668 = arith.cmpi eq, %get3A_664, %eq3A_667 : vector<16xi32>
        %and3A_669 = arith.andi %lt3A_665, %eq3A_668 : vector<16xi1>
        %convert_element_type3A_670 = arith.extui %and3A_669 : vector<16xi1> to vector<16xi32>
        %broadcast_in_dim3A_671 = arith.constant true
        %broadcast_in_dim3A_672 = vector.broadcast %broadcast_in_dim3A_671 : i1 to vector<16xi1>
        %masked_cumsum3A_673 = tpu.scan <sum>, %convert_element_type3A_670 masked %broadcast_in_dim3A_672 : vector<16xi32>, vector<16xi1> -> vector<16xi32>
        %add3A_674 = arith.addi %add3A_655, %masked_cumsum3A_673 : vector<16xi32>
        %sub3A_675 = arith.constant 1 : i32
        %sub3A_676 = vector.broadcast %sub3A_675 : i32 to vector<16xi32>
        %sub3A_677 = arith.subi %add3A_674, %sub3A_676 : vector<16xi32>
        %get3A_678 = arith.index_cast %add3A_659 : i32 to index
        %get3A_679 = tpu.vector_load %arg12[%get3A_678] {strides = array<i32>} : memref<1600xi32, #tpu.memory_space<vmem>>, vector<16xi32>,
        tpu.vector_store_idx %arg21[%sub3A_677], %get3A_679 masked %and3A_669 : memref<1664xi32, #tpu.memory_space<vmem>>[vector<16xi32>], vector<16xi32>, vector<16xi1>
        %get3A_680 = arith.index_cast %add3A_659 : i32 to index
        %get3A_681 = tpu.vector_load %arg13[%get3A_680] {strides = array<i32>} : memref<1600xi32, #tpu.memory_space<vmem>>, vector<16xi32>,
        tpu.vector_store_idx %arg22[%sub3A_677], %get3A_681 masked %and3A_669 : memref<1664xi32, #tpu.memory_space<vmem>>[vector<16xi32>], vector<16xi32>, vector<16xi1>
        %all_reduce_population_count3A_682 = tpu.all_reduce %and3A_669 {dim = 0 : i64, kind = #tpu.reduction_kind<sum>} : vector<16xi1> -> vector<16xi32>
        %add3A_683 = arith.addi %add3A_655, %all_reduce_population_count3A_682 : vector<16xi32>
        %mul3A_684 = arith.constant 200 : i32
        %mul3A_685 = arith.muli %scan3A_561, %mul3A_684 : i32
        %add3A_686 = arith.constant 64 : i32
        %add3A_687 = arith.addi %mul3A_685, %add3A_686 : i32
        %add3A_688 = arith.constant 64 : i32
        %add3A_689 = vector.broadcast %add3A_688 : i32 to vector<16xi32>
        %add3A_690 = arith.addi %iota3A, %add3A_689 : vector<16xi32>
        %get3A_691 = arith.index_cast %add3A_687 : i32 to index
        %get3A_692 = tpu.vector_load %arg14[%get3A_691] {strides = array<i32>} : memref<1600xi32, #tpu.memory_space<vmem>>, vector<16xi32>,
        %lt3A_693 = arith.cmpi slt, %add3A_690, %gather3A_574 : vector<16xi32>
        %eq3A_694 = arith.constant 0 : i32
        %eq3A_695 = vector.broadcast %eq3A_694 : i32 to vector<16xi32>
        %eq3A_696 = arith.cmpi eq, %get3A_692, %eq3A_695 : vector<16xi32>
        %and3A_697 = arith.andi %lt3A_693, %eq3A_696 : vector<16xi1>
        %convert_element_type3A_698 = arith.extui %and3A_697 : vector<16xi1> to vector<16xi32>
        %broadcast_in_dim3A_699 = arith.constant true
        %broadcast_in_dim3A_700 = vector.broadcast %broadcast_in_dim3A_699 : i1 to vector<16xi1>
        %masked_cumsum3A_701 = tpu.scan <sum>, %convert_element_type3A_698 masked %broadcast_in_dim3A_700 : vector<16xi32>, vector<16xi1> -> vector<16xi32>
        %add3A_702 = arith.addi %add3A_683, %masked_cumsum3A_701 : vector<16xi32>
        %sub3A_703 = arith.constant 1 : i32
        %sub3A_704 = vector.broadcast %sub3A_703 : i32 to vector<16xi32>
        %sub3A_705 = arith.subi %add3A_702, %sub3A_704 : vector<16xi32>
        %get3A_706 = arith.index_cast %add3A_687 : i32 to index
        %get3A_707 = tpu.vector_load %arg12[%get3A_706] {strides = array<i32>} : memref<1600xi32, #tpu.memory_space<vmem>>, vector<16xi32>,
        tpu.vector_store_idx %arg21[%sub3A_705], %get3A_707 masked %and3A_697 : memref<1664xi32, #tpu.memory_space<vmem>>[vector<16xi32>], vector<16xi32>, vector<16xi1>
        %get3A_708 = arith.index_cast %add3A_687 : i32 to index
        %get3A_709 = tpu.vector_load %arg13[%get3A_708] {strides = array<i32>} : memref<1600xi32, #tpu.memory_space<vmem>>, vector<16xi32>,
        tpu.vector_store_idx %arg22[%sub3A_705], %get3A_709 masked %and3A_697 : memref<1664xi32, #tpu.memory_space<vmem>>[vector<16xi32>], vector<16xi32>, vector<16xi1>
        %all_reduce_population_count3A_710 = tpu.all_reduce %and3A_697 {dim = 0 : i64, kind = #tpu.reduction_kind<sum>} : vector<16xi1> -> vector<16xi32>
        %add3A_711 = arith.addi %add3A_683, %all_reduce_population_count3A_710 : vector<16xi32>
        %mul3A_712 = arith.constant 200 : i32
        %mul3A_713 = arith.muli %scan3A_561, %mul3A_712 : i32
        %add3A_714 = arith.constant 80 : i32
        %add3A_715 = arith.addi %mul3A_713, %add3A_714 : i32
        %add3A_716 = arith.constant 80 : i32
        %add3A_717 = vector.broadcast %add3A_716 : i32 to vector<16xi32>
        %add3A_718 = arith.addi %iota3A, %add3A_717 : vector<16xi32>
        %get3A_719 = arith.index_cast %add3A_715 : i32 to index
        %get3A_720 = tpu.vector_load %arg14[%get3A_719] {strides = array<i32>} : memref<1600xi32, #tpu.memory_space<vmem>>, vector<16xi32>,
        %lt3A_721 = arith.cmpi slt, %add3A_718, %gather3A_574 : vector<16xi32>
        %eq3A_722 = arith.constant 0 : i32
        %eq3A_723 = vector.broadcast %eq3A_722 : i32 to vector<16xi32>
        %eq3A_724 = arith.cmpi eq, %get3A_720, %eq3A_723 : vector<16xi32>
        %and3A_725 = arith.andi %lt3A_721, %eq3A_724 : vector<16xi1>
        %convert_element_type3A_726 = arith.extui %and3A_725 : vector<16xi1> to vector<16xi32>
        %broadcast_in_dim3A_727 = arith.constant true
        %broadcast_in_dim3A_728 = vector.broadcast %broadcast_in_dim3A_727 : i1 to vector<16xi1>
        %masked_cumsum3A_729 = tpu.scan <sum>, %convert_element_type3A_726 masked %broadcast_in_dim3A_728 : vector<16xi32>, vector<16xi1> -> vector<16xi32>
        %add3A_730 = arith.addi %add3A_711, %masked_cumsum3A_729 : vector<16xi32>
        %sub3A_731 = arith.constant 1 : i32
        %sub3A_732 = vector.broadcast %sub3A_731 : i32 to vector<16xi32>
        %sub3A_733 = arith.subi %add3A_730, %sub3A_732 : vector<16xi32>
        %get3A_734 = arith.index_cast %add3A_715 : i32 to index
        %get3A_735 = tpu.vector_load %arg12[%get3A_734] {strides = array<i32>} : memref<1600xi32, #tpu.memory_space<vmem>>, vector<16xi32>,
        tpu.vector_store_idx %arg21[%sub3A_733], %get3A_735 masked %and3A_725 : memref<1664xi32, #tpu.memory_space<vmem>>[vector<16xi32>], vector<16xi32>, vector<16xi1>
        %get3A_736 = arith.index_cast %add3A_715 : i32 to index
        %get3A_737 = tpu.vector_load %arg13[%get3A_736] {strides = array<i32>} : memref<1600xi32, #tpu.memory_space<vmem>>, vector<16xi32>,
        tpu.vector_store_idx %arg22[%sub3A_733], %get3A_737 masked %and3A_725 : memref<1664xi32, #tpu.memory_space<vmem>>[vector<16xi32>], vector<16xi32>, vector<16xi1>
        %all_reduce_population_count3A_738 = tpu.all_reduce %and3A_725 {dim = 0 : i64, kind = #tpu.reduction_kind<sum>} : vector<16xi1> -> vector<16xi32>
        %add3A_739 = arith.addi %add3A_711, %all_reduce_population_count3A_738 : vector<16xi32>
        %mul3A_740 = arith.constant 200 : i32
        %mul3A_741 = arith.muli %scan3A_561, %mul3A_740 : i32
        %add3A_742 = arith.constant 96 : i32
        %add3A_743 = arith.addi %mul3A_741, %add3A_742 : i32
        %add3A_744 = arith.constant 96 : i32
        %add3A_745 = vector.broadcast %add3A_744 : i32 to vector<16xi32>
        %add3A_746 = arith.addi %iota3A, %add3A_745 : vector<16xi32>
        %get3A_747 = arith.index_cast %add3A_743 : i32 to index
        %get3A_748 = tpu.vector_load %arg14[%get3A_747] {strides = array<i32>} : memref<1600xi32, #tpu.memory_space<vmem>>, vector<16xi32>,
        %lt3A_749 = arith.cmpi slt, %add3A_746, %gather3A_574 : vector<16xi32>
        %eq3A_750 = arith.constant 0 : i32
        %eq3A_751 = vector.broadcast %eq3A_750 : i32 to vector<16xi32>
        %eq3A_752 = arith.cmpi eq, %get3A_748, %eq3A_751 : vector<16xi32>
        %and3A_753 = arith.andi %lt3A_749, %eq3A_752 : vector<16xi1>
        %convert_element_type3A_754 = arith.extui %and3A_753 : vector<16xi1> to vector<16xi32>
        %broadcast_in_dim3A_755 = arith.constant true
        %broadcast_in_dim3A_756 = vector.broadcast %broadcast_in_dim3A_755 : i1 to vector<16xi1>
        %masked_cumsum3A_757 = tpu.scan <sum>, %convert_element_type3A_754 masked %broadcast_in_dim3A_756 : vector<16xi32>, vector<16xi1> -> vector<16xi32>
        %add3A_758 = arith.addi %add3A_739, %masked_cumsum3A_757 : vector<16xi32>
        %sub3A_759 = arith.constant 1 : i32
        %sub3A_760 = vector.broadcast %sub3A_759 : i32 to vector<16xi32>
        %sub3A_761 = arith.subi %add3A_758, %sub3A_760 : vector<16xi32>
        %get3A_762 = arith.index_cast %add3A_743 : i32 to index
        %get3A_763 = tpu.vector_load %arg12[%get3A_762] {strides = array<i32>} : memref<1600xi32, #tpu.memory_space<vmem>>, vector<16xi32>,
        tpu.vector_store_idx %arg21[%sub3A_761], %get3A_763 masked %and3A_753 : memref<1664xi32, #tpu.memory_space<vmem>>[vector<16xi32>], vector<16xi32>, vector<16xi1>
        %get3A_764 = arith.index_cast %add3A_743 : i32 to index
        %get3A_765 = tpu.vector_load %arg13[%get3A_764] {strides = array<i32>} : memref<1600xi32, #tpu.memory_space<vmem>>, vector<16xi32>,
        tpu.vector_store_idx %arg22[%sub3A_761], %get3A_765 masked %and3A_753 : memref<1664xi32, #tpu.memory_space<vmem>>[vector<16xi32>], vector<16xi32>, vector<16xi1>
        %all_reduce_population_count3A_766 = tpu.all_reduce %and3A_753 {dim = 0 : i64, kind = #tpu.reduction_kind<sum>} : vector<16xi1> -> vector<16xi32>
        %add3A_767 = arith.addi %add3A_739, %all_reduce_population_count3A_766 : vector<16xi32>
        %mul3A_768 = arith.constant 200 : i32
        %mul3A_769 = arith.muli %scan3A_561, %mul3A_768 : i32
        %add3A_770 = arith.constant 112 : i32
        %add3A_771 = arith.addi %mul3A_769, %add3A_770 : i32
        %add3A_772 = arith.constant 112 : i32
        %add3A_773 = vector.broadcast %add3A_772 : i32 to vector<16xi32>
        %add3A_774 = arith.addi %iota3A, %add3A_773 : vector<16xi32>
        %get3A_775 = arith.index_cast %add3A_771 : i32 to index
        %get3A_776 = tpu.vector_load %arg14[%get3A_775] {strides = array<i32>} : memref<1600xi32, #tpu.memory_space<vmem>>, vector<16xi32>,
        %lt3A_777 = arith.cmpi slt, %add3A_774, %gather3A_574 : vector<16xi32>
        %eq3A_778 = arith.constant 0 : i32
        %eq3A_779 = vector.broadcast %eq3A_778 : i32 to vector<16xi32>
        %eq3A_780 = arith.cmpi eq, %get3A_776, %eq3A_779 : vector<16xi32>
        %and3A_781 = arith.andi %lt3A_777, %eq3A_780 : vector<16xi1>
        %convert_element_type3A_782 = arith.extui %and3A_781 : vector<16xi1> to vector<16xi32>
        %broadcast_in_dim3A_783 = arith.constant true
        %broadcast_in_dim3A_784 = vector.broadcast %broadcast_in_dim3A_783 : i1 to vector<16xi1>
        %masked_cumsum3A_785 = tpu.scan <sum>, %convert_element_type3A_782 masked %broadcast_in_dim3A_784 : vector<16xi32>, vector<16xi1> -> vector<16xi32>
        %add3A_786 = arith.addi %add3A_767, %masked_cumsum3A_785 : vector<16xi32>
        %sub3A_787 = arith.constant 1 : i32
        %sub3A_788 = vector.broadcast %sub3A_787 : i32 to vector<16xi32>
        %sub3A_789 = arith.subi %add3A_786, %sub3A_788 : vector<16xi32>
        %get3A_790 = arith.index_cast %add3A_771 : i32 to index
        %get3A_791 = tpu.vector_load %arg12[%get3A_790] {strides = array<i32>} : memref<1600xi32, #tpu.memory_space<vmem>>, vector<16xi32>,
        tpu.vector_store_idx %arg21[%sub3A_789], %get3A_791 masked %and3A_781 : memref<1664xi32, #tpu.memory_space<vmem>>[vector<16xi32>], vector<16xi32>, vector<16xi1>
        %get3A_792 = arith.index_cast %add3A_771 : i32 to index
        %get3A_793 = tpu.vector_load %arg13[%get3A_792] {strides = array<i32>} : memref<1600xi32, #tpu.memory_space<vmem>>, vector<16xi32>,
        tpu.vector_store_idx %arg22[%sub3A_789], %get3A_793 masked %and3A_781 : memref<1664xi32, #tpu.memory_space<vmem>>[vector<16xi32>], vector<16xi32>, vector<16xi1>
        %all_reduce_population_count3A_794 = tpu.all_reduce %and3A_781 {dim = 0 : i64, kind = #tpu.reduction_kind<sum>} : vector<16xi1> -> vector<16xi32>
        %add3A_795 = arith.addi %add3A_767, %all_reduce_population_count3A_794 : vector<16xi32>
        %mul3A_796 = arith.constant 200 : i32
        %mul3A_797 = arith.muli %scan3A_561, %mul3A_796 : i32
        %add3A_798 = arith.constant 128 : i32
        %add3A_799 = arith.addi %mul3A_797, %add3A_798 : i32
        %add3A_800 = arith.constant 128 : i32
        %add3A_801 = vector.broadcast %add3A_800 : i32 to vector<16xi32>
        %add3A_802 = arith.addi %iota3A, %add3A_801 : vector<16xi32>
        %get3A_803 = arith.index_cast %add3A_799 : i32 to index
        %get3A_804 = tpu.vector_load %arg14[%get3A_803] {strides = array<i32>} : memref<1600xi32, #tpu.memory_space<vmem>>, vector<16xi32>,
        %lt3A_805 = arith.cmpi slt, %add3A_802, %gather3A_574 : vector<16xi32>
        %eq3A_806 = arith.constant 0 : i32
        %eq3A_807 = vector.broadcast %eq3A_806 : i32 to vector<16xi32>
        %eq3A_808 = arith.cmpi eq, %get3A_804, %eq3A_807 : vector<16xi32>
        %and3A_809 = arith.andi %lt3A_805, %eq3A_808 : vector<16xi1>
        %convert_element_type3A_810 = arith.extui %and3A_809 : vector<16xi1> to vector<16xi32>
        %broadcast_in_dim3A_811 = arith.constant true
        %broadcast_in_dim3A_812 = vector.broadcast %broadcast_in_dim3A_811 : i1 to vector<16xi1>
        %masked_cumsum3A_813 = tpu.scan <sum>, %convert_element_type3A_810 masked %broadcast_in_dim3A_812 : vector<16xi32>, vector<16xi1> -> vector<16xi32>
        %add3A_814 = arith.addi %add3A_795, %masked_cumsum3A_813 : vector<16xi32>
        %sub3A_815 = arith.constant 1 : i32
        %sub3A_816 = vector.broadcast %sub3A_815 : i32 to vector<16xi32>
        %sub3A_817 = arith.subi %add3A_814, %sub3A_816 : vector<16xi32>
        %get3A_818 = arith.index_cast %add3A_799 : i32 to index
        %get3A_819 = tpu.vector_load %arg12[%get3A_818] {strides = array<i32>} : memref<1600xi32, #tpu.memory_space<vmem>>, vector<16xi32>,
        tpu.vector_store_idx %arg21[%sub3A_817], %get3A_819 masked %and3A_809 : memref<1664xi32, #tpu.memory_space<vmem>>[vector<16xi32>], vector<16xi32>, vector<16xi1>
        %get3A_820 = arith.index_cast %add3A_799 : i32 to index
        %get3A_821 = tpu.vector_load %arg13[%get3A_820] {strides = array<i32>} : memref<1600xi32, #tpu.memory_space<vmem>>, vector<16xi32>,
        tpu.vector_store_idx %arg22[%sub3A_817], %get3A_821 masked %and3A_809 : memref<1664xi32, #tpu.memory_space<vmem>>[vector<16xi32>], vector<16xi32>, vector<16xi1>
        %all_reduce_population_count3A_822 = tpu.all_reduce %and3A_809 {dim = 0 : i64, kind = #tpu.reduction_kind<sum>} : vector<16xi1> -> vector<16xi32>
        %add3A_823 = arith.addi %add3A_795, %all_reduce_population_count3A_822 : vector<16xi32>
        %mul3A_824 = arith.constant 200 : i32
        %mul3A_825 = arith.muli %scan3A_561, %mul3A_824 : i32
        %add3A_826 = arith.constant 144 : i32
        %add3A_827 = arith.addi %mul3A_825, %add3A_826 : i32
        %add3A_828 = arith.constant 144 : i32
        %add3A_829 = vector.broadcast %add3A_828 : i32 to vector<16xi32>
        %add3A_830 = arith.addi %iota3A, %add3A_829 : vector<16xi32>
        %get3A_831 = arith.index_cast %add3A_827 : i32 to index
        %get3A_832 = tpu.vector_load %arg14[%get3A_831] {strides = array<i32>} : memref<1600xi32, #tpu.memory_space<vmem>>, vector<16xi32>,
        %lt3A_833 = arith.cmpi slt, %add3A_830, %gather3A_574 : vector<16xi32>
        %eq3A_834 = arith.constant 0 : i32
        %eq3A_835 = vector.broadcast %eq3A_834 : i32 to vector<16xi32>
        %eq3A_836 = arith.cmpi eq, %get3A_832, %eq3A_835 : vector<16xi32>
        %and3A_837 = arith.andi %lt3A_833, %eq3A_836 : vector<16xi1>
        %convert_element_type3A_838 = arith.extui %and3A_837 : vector<16xi1> to vector<16xi32>
        %broadcast_in_dim3A_839 = arith.constant true
        %broadcast_in_dim3A_840 = vector.broadcast %broadcast_in_dim3A_839 : i1 to vector<16xi1>
        %masked_cumsum3A_841 = tpu.scan <sum>, %convert_element_type3A_838 masked %broadcast_in_dim3A_840 : vector<16xi32>, vector<16xi1> -> vector<16xi32>
        %add3A_842 = arith.addi %add3A_823, %masked_cumsum3A_841 : vector<16xi32>
        %sub3A_843 = arith.constant 1 : i32
        %sub3A_844 = vector.broadcast %sub3A_843 : i32 to vector<16xi32>
        %sub3A_845 = arith.subi %add3A_842, %sub3A_844 : vector<16xi32>
        %get3A_846 = arith.index_cast %add3A_827 : i32 to index
        %get3A_847 = tpu.vector_load %arg12[%get3A_846] {strides = array<i32>} : memref<1600xi32, #tpu.memory_space<vmem>>, vector<16xi32>,
        tpu.vector_store_idx %arg21[%sub3A_845], %get3A_847 masked %and3A_837 : memref<1664xi32, #tpu.memory_space<vmem>>[vector<16xi32>], vector<16xi32>, vector<16xi1>
        %get3A_848 = arith.index_cast %add3A_827 : i32 to index
        %get3A_849 = tpu.vector_load %arg13[%get3A_848] {strides = array<i32>} : memref<1600xi32, #tpu.memory_space<vmem>>, vector<16xi32>,
        tpu.vector_store_idx %arg22[%sub3A_845], %get3A_849 masked %and3A_837 : memref<1664xi32, #tpu.memory_space<vmem>>[vector<16xi32>], vector<16xi32>, vector<16xi1>
        %all_reduce_population_count3A_850 = tpu.all_reduce %and3A_837 {dim = 0 : i64, kind = #tpu.reduction_kind<sum>} : vector<16xi1> -> vector<16xi32>
        %add3A_851 = arith.addi %add3A_823, %all_reduce_population_count3A_850 : vector<16xi32>
        %mul3A_852 = arith.constant 200 : i32
        %mul3A_853 = arith.muli %scan3A_561, %mul3A_852 : i32
        %add3A_854 = arith.constant 160 : i32
        %add3A_855 = arith.addi %mul3A_853, %add3A_854 : i32
        %add3A_856 = arith.constant 160 : i32
        %add3A_857 = vector.broadcast %add3A_856 : i32 to vector<16xi32>
        %add3A_858 = arith.addi %iota3A, %add3A_857 : vector<16xi32>
        %get3A_859 = arith.index_cast %add3A_855 : i32 to index
        %get3A_860 = tpu.vector_load %arg14[%get3A_859] {strides = array<i32>} : memref<1600xi32, #tpu.memory_space<vmem>>, vector<16xi32>,
        %lt3A_861 = arith.cmpi slt, %add3A_858, %gather3A_574 : vector<16xi32>
        %eq3A_862 = arith.constant 0 : i32
        %eq3A_863 = vector.broadcast %eq3A_862 : i32 to vector<16xi32>
        %eq3A_864 = arith.cmpi eq, %get3A_860, %eq3A_863 : vector<16xi32>
        %and3A_865 = arith.andi %lt3A_861, %eq3A_864 : vector<16xi1>
        %convert_element_type3A_866 = arith.extui %and3A_865 : vector<16xi1> to vector<16xi32>
        %broadcast_in_dim3A_867 = arith.constant true
        %broadcast_in_dim3A_868 = vector.broadcast %broadcast_in_dim3A_867 : i1 to vector<16xi1>
        %masked_cumsum3A_869 = tpu.scan <sum>, %convert_element_type3A_866 masked %broadcast_in_dim3A_868 : vector<16xi32>, vector<16xi1> -> vector<16xi32>
        %add3A_870 = arith.addi %add3A_851, %masked_cumsum3A_869 : vector<16xi32>
        %sub3A_871 = arith.constant 1 : i32
        %sub3A_872 = vector.broadcast %sub3A_871 : i32 to vector<16xi32>
        %sub3A_873 = arith.subi %add3A_870, %sub3A_872 : vector<16xi32>
        %get3A_874 = arith.index_cast %add3A_855 : i32 to index
        %get3A_875 = tpu.vector_load %arg12[%get3A_874] {strides = array<i32>} : memref<1600xi32, #tpu.memory_space<vmem>>, vector<16xi32>,
        tpu.vector_store_idx %arg21[%sub3A_873], %get3A_875 masked %and3A_865 : memref<1664xi32, #tpu.memory_space<vmem>>[vector<16xi32>], vector<16xi32>, vector<16xi1>
        %get3A_876 = arith.index_cast %add3A_855 : i32 to index
        %get3A_877 = tpu.vector_load %arg13[%get3A_876] {strides = array<i32>} : memref<1600xi32, #tpu.memory_space<vmem>>, vector<16xi32>,
        tpu.vector_store_idx %arg22[%sub3A_873], %get3A_877 masked %and3A_865 : memref<1664xi32, #tpu.memory_space<vmem>>[vector<16xi32>], vector<16xi32>, vector<16xi1>
        %all_reduce_population_count3A_878 = tpu.all_reduce %and3A_865 {dim = 0 : i64, kind = #tpu.reduction_kind<sum>} : vector<16xi1> -> vector<16xi32>
        %add3A_879 = arith.addi %add3A_851, %all_reduce_population_count3A_878 : vector<16xi32>
        %mul3A_880 = arith.constant 200 : i32
        %mul3A_881 = arith.muli %scan3A_561, %mul3A_880 : i32
        %add3A_882 = arith.constant 176 : i32
        %add3A_883 = arith.addi %mul3A_881, %add3A_882 : i32
        %add3A_884 = arith.constant 176 : i32
        %add3A_885 = vector.broadcast %add3A_884 : i32 to vector<16xi32>
        %add3A_886 = arith.addi %iota3A, %add3A_885 : vector<16xi32>
        %get3A_887 = arith.index_cast %add3A_883 : i32 to index
        %get3A_888 = tpu.vector_load %arg14[%get3A_887] {strides = array<i32>} : memref<1600xi32, #tpu.memory_space<vmem>>, vector<16xi32>,
        %lt3A_889 = arith.cmpi slt, %add3A_886, %gather3A_574 : vector<16xi32>
        %eq3A_890 = arith.constant 0 : i32
        %eq3A_891 = vector.broadcast %eq3A_890 : i32 to vector<16xi32>
        %eq3A_892 = arith.cmpi eq, %get3A_888, %eq3A_891 : vector<16xi32>
        %and3A_893 = arith.andi %lt3A_889, %eq3A_892 : vector<16xi1>
        %convert_element_type3A_894 = arith.extui %and3A_893 : vector<16xi1> to vector<16xi32>
        %broadcast_in_dim3A_895 = arith.constant true
        %broadcast_in_dim3A_896 = vector.broadcast %broadcast_in_dim3A_895 : i1 to vector<16xi1>
        %masked_cumsum3A_897 = tpu.scan <sum>, %convert_element_type3A_894 masked %broadcast_in_dim3A_896 : vector<16xi32>, vector<16xi1> -> vector<16xi32>
        %add3A_898 = arith.addi %add3A_879, %masked_cumsum3A_897 : vector<16xi32>
        %sub3A_899 = arith.constant 1 : i32
        %sub3A_900 = vector.broadcast %sub3A_899 : i32 to vector<16xi32>
        %sub3A_901 = arith.subi %add3A_898, %sub3A_900 : vector<16xi32>
        %get3A_902 = arith.index_cast %add3A_883 : i32 to index
        %get3A_903 = tpu.vector_load %arg12[%get3A_902] {strides = array<i32>} : memref<1600xi32, #tpu.memory_space<vmem>>, vector<16xi32>,
        tpu.vector_store_idx %arg21[%sub3A_901], %get3A_903 masked %and3A_893 : memref<1664xi32, #tpu.memory_space<vmem>>[vector<16xi32>], vector<16xi32>, vector<16xi1>
        %get3A_904 = arith.index_cast %add3A_883 : i32 to index
        %get3A_905 = tpu.vector_load %arg13[%get3A_904] {strides = array<i32>} : memref<1600xi32, #tpu.memory_space<vmem>>, vector<16xi32>,
        tpu.vector_store_idx %arg22[%sub3A_901], %get3A_905 masked %and3A_893 : memref<1664xi32, #tpu.memory_space<vmem>>[vector<16xi32>], vector<16xi32>, vector<16xi1>
        %all_reduce_population_count3A_906 = tpu.all_reduce %and3A_893 {dim = 0 : i64, kind = #tpu.reduction_kind<sum>} : vector<16xi1> -> vector<16xi32>
        %add3A_907 = arith.addi %add3A_879, %all_reduce_population_count3A_906 : vector<16xi32>
        %mul3A_908 = arith.constant 200 : i32
        %mul3A_909 = arith.muli %scan3A_561, %mul3A_908 : i32
        %add3A_910 = arith.constant 192 : i32
        %add3A_911 = arith.addi %mul3A_909, %add3A_910 : i32
        %add3A_912 = arith.constant 192 : i32
        %add3A_913 = vector.broadcast %add3A_912 : i32 to vector<16xi32>
        %add3A_914 = arith.addi %iota3A, %add3A_913 : vector<16xi32>
        %get3A_915 = arith.index_cast %add3A_911 : i32 to index
        %get3A_916 = tpu.vector_load %arg14[%get3A_915] {strides = array<i32>} : memref<1600xi32, #tpu.memory_space<vmem>>, vector<16xi32>,
        %lt3A_917 = arith.cmpi slt, %add3A_914, %gather3A_574 : vector<16xi32>
        %eq3A_918 = arith.constant 0 : i32
        %eq3A_919 = vector.broadcast %eq3A_918 : i32 to vector<16xi32>
        %eq3A_920 = arith.cmpi eq, %get3A_916, %eq3A_919 : vector<16xi32>
        %and3A_921 = arith.andi %lt3A_917, %eq3A_920 : vector<16xi1>
        %lt3A_922 = arith.constant 8 : i32
        %lt3A_923 = vector.broadcast %lt3A_922 : i32 to vector<16xi32>
        %lt3A_924 = arith.cmpi slt, %iota3A, %lt3A_923 : vector<16xi32>
        %and3A_925 = arith.andi %and3A_921, %lt3A_924 : vector<16xi1>
        %convert_element_type3A_926 = arith.extui %and3A_925 : vector<16xi1> to vector<16xi32>
        %broadcast_in_dim3A_927 = arith.constant true
        %broadcast_in_dim3A_928 = vector.broadcast %broadcast_in_dim3A_927 : i1 to vector<16xi1>
        %masked_cumsum3A_929 = tpu.scan <sum>, %convert_element_type3A_926 masked %broadcast_in_dim3A_928 : vector<16xi32>, vector<16xi1> -> vector<16xi32>
        %add3A_930 = arith.addi %add3A_907, %masked_cumsum3A_929 : vector<16xi32>
        %sub3A_931 = arith.constant 1 : i32
        %sub3A_932 = vector.broadcast %sub3A_931 : i32 to vector<16xi32>
        %sub3A_933 = arith.subi %add3A_930, %sub3A_932 : vector<16xi32>
        %get3A_934 = arith.index_cast %add3A_911 : i32 to index
        %get3A_935 = tpu.vector_load %arg12[%get3A_934] {strides = array<i32>} : memref<1600xi32, #tpu.memory_space<vmem>>, vector<16xi32>,
        tpu.vector_store_idx %arg21[%sub3A_933], %get3A_935 masked %and3A_925 : memref<1664xi32, #tpu.memory_space<vmem>>[vector<16xi32>], vector<16xi32>, vector<16xi1>
        %get3A_936 = arith.index_cast %add3A_911 : i32 to index
        %get3A_937 = tpu.vector_load %arg13[%get3A_936] {strides = array<i32>} : memref<1600xi32, #tpu.memory_space<vmem>>, vector<16xi32>,
        tpu.vector_store_idx %arg22[%sub3A_933], %get3A_937 masked %and3A_925 : memref<1664xi32, #tpu.memory_space<vmem>>[vector<16xi32>], vector<16xi32>, vector<16xi1>
        %all_reduce_population_count3A_938 = tpu.all_reduce %and3A_925 {dim = 0 : i64, kind = #tpu.reduction_kind<sum>} : vector<16xi1> -> vector<16xi32>
        %add3A_939 = arith.addi %add3A_907, %all_reduce_population_count3A_938 : vector<16xi32>
        %and3A_940 = arith.constant 1 : i32
        %and3A_941 = vector.broadcast %and3A_940 : i32 to vector<16xi32>
        %and3A_942 = arith.andi %add3A_939, %and3A_941 : vector<16xi32>
        %eq3A_943 = arith.constant 1 : i32
        %eq3A_944 = vector.broadcast %eq3A_943 : i32 to vector<16xi32>
        %eq3A_945 = arith.cmpi eq, %and3A_942, %eq3A_944 : vector<16xi32>
        %and3A_946 = arith.andi %eq3A_4, %eq3A_945 : vector<16xi1>
        %broadcast_in_dim3A_947 = arith.constant 0 : i32
        %broadcast_in_dim3A_948 = vector.broadcast %broadcast_in_dim3A_947 : i32 to vector<16xi32>
        %add3A_949 = arith.constant 100000 : i32
        %add3A_950 = vector.broadcast %add3A_949 : i32 to vector<16xi32>
        %add3A_951 = arith.addi %broadcast_in_dim3A_948, %add3A_950 : vector<16xi32>
        tpu.vector_store_idx %arg21[%add3A_939], %add3A_951 masked %and3A_946 : memref<1664xi32, #tpu.memory_space<vmem>>[vector<16xi32>], vector<16xi32>, vector<16xi1>
        %broadcast_in_dim3A_952 = arith.constant 0 : i32
        %broadcast_in_dim3A_953 = vector.broadcast %broadcast_in_dim3A_952 : i32 to vector<16xi32>
        %add3A_954 = arith.constant 0 : i32
        %add3A_955 = vector.broadcast %add3A_954 : i32 to vector<16xi32>
        %add3A_956 = arith.addi %broadcast_in_dim3A_953, %add3A_955 : vector<16xi32>
        tpu.vector_store_idx %arg22[%add3A_939], %add3A_956 masked %and3A_946 : memref<1664xi32, #tpu.memory_space<vmem>>[vector<16xi32>], vector<16xi32>, vector<16xi1>
        %add3A_957 = arith.addi %add3A_939, %and3A_942 : vector<16xi32>
        scf.yield %add3A_957 : vector<16xi32>
      }
      %scan3A_187 = arith.constant 8 : i32
      %broadcast_in_dim3A_188 = arith.constant 0 : i32
      %broadcast_in_dim3A_189 = vector.broadcast %broadcast_in_dim3A_188 : i32 to vector<16xi32>
      %add3A_190 = arith.constant 8 : i32
      %add3A_191 = vector.broadcast %add3A_190 : i32 to vector<16xi32>
      %add3A_192 = arith.addi %broadcast_in_dim3A_189, %add3A_191 : vector<16xi32>
      tpu.vector_store_idx %arg23[%add3A_192], %scan3A_186 masked %eq3A_4 : memref<16xi32, #tpu.memory_space<vmem>>[vector<16xi32>], vector<16xi32>, vector<16xi1>
      %broadcast_in_dim3A_193 = arith.constant 0 : i32
      %broadcast_in_dim3A_194 = vector.broadcast %broadcast_in_dim3A_193 : i32 to vector<16xi32>
      %add3A_195 = arith.constant 8 : i32
      %add3A_196 = vector.broadcast %add3A_195 : i32 to vector<16xi32>
      %add3A_197 = arith.addi %broadcast_in_dim3A_194, %add3A_196 : vector<16xi32>
      %gather3A_198 = tpu.vector_load_idx %arg23[%add3A_197] : memref<16xi32, #tpu.memory_space<vmem>>[vector<16xi32>], vector<16xi32>,
      %reduce_max3A_199 = arith.constant true
      %reduce_max3A_200 = vector.broadcast %reduce_max3A_199 : i1 to vector<16xi1>
      %reduce_max3A_201 = arith.constant -2147483648 : i32
      %reduce_max3A_202 = vector.broadcast %reduce_max3A_201 : i32 to vector<16xi32>
      %reduce_max3A_203 = arith.xori %gather3A_198, %reduce_max3A_202 : vector<16xi32>
      %reduce_max3A_204 = tpu.scan <max>, %reduce_max3A_203 masked %reduce_max3A_200 : vector<16xi32>, vector<16xi1> -> vector<16xi32>
      %reduce_max3A_205 = arith.xori %reduce_max3A_204, %reduce_max3A_202 : vector<16xi32>
      %reduce_max3A_206 = vector.extract %reduce_max3A_205[15] : i32 from vector<16xi32>
      %jit3A_207 = arith.constant 128 : i32
      %div3A_208 = arith.divsi %reduce_max3A_206, %jit3A_207 : i32
      %sign3A_209 = arith.constant 0 : i32
      %sign3A_210 = arith.cmpi sgt, %reduce_max3A_206, %sign3A_209 : i32
      %sign3A_211 = arith.extui %sign3A_210 : i1 to i32
      %sign3A_212 = arith.constant 0 : i32
      %sign3A_213 = arith.cmpi slt, %reduce_max3A_206, %sign3A_212 : i32
      %sign3A_214 = arith.extui %sign3A_213 : i1 to i32
      %sign3A_215 = arith.subi %sign3A_211, %sign3A_214 : i32
      %sign3A_216 = arith.constant 0 : i32
      %sign3A_217 = arith.cmpi sgt, %jit3A_207, %sign3A_216 : i32
      %sign3A_218 = arith.extui %sign3A_217 : i1 to i32
      %sign3A_219 = arith.constant 0 : i32
      %sign3A_220 = arith.cmpi slt, %jit3A_207, %sign3A_219 : i32
      %sign3A_221 = arith.extui %sign3A_220 : i1 to i32
      %sign3A_222 = arith.subi %sign3A_218, %sign3A_221 : i32
      %ne3A_223 = arith.cmpi ne, %sign3A_215, %sign3A_222 : i32
      %rem3A_224 = arith.remsi %reduce_max3A_206, %jit3A_207 : i32
      %ne3A_225 = arith.constant 0 : i32
      %ne3A_226 = arith.cmpi ne, %rem3A_224, %ne3A_225 : i32
      %and3A_227 = arith.andi %ne3A_223, %ne3A_226 : i1
      %sub3A_228 = arith.constant 1 : i32
      %sub3A_229 = arith.subi %div3A_208, %sub3A_228 : i32
      %select_n3A_230 = arith.select %and3A_227, %sub3A_229, %div3A_208 : i32
      %mul3A_231 = arith.constant 128 : i32
      %mul3A_232 = arith.muli %select_n3A_230, %mul3A_231 : i32
      %sub3A_233 = arith.subi %reduce_max3A_206, %mul3A_232 : i32
      %add3A_234 = arith.constant 31 : i32
      %add3A_235 = arith.addi %sub3A_233, %add3A_234 : i32
      %jit3A_236 = arith.constant 32 : i32
      %div3A_237 = arith.divsi %add3A_235, %jit3A_236 : i32
      %sign3A_238 = arith.constant 0 : i32
      %sign3A_239 = arith.cmpi sgt, %add3A_235, %sign3A_238 : i32
      %sign3A_240 = arith.extui %sign3A_239 : i1 to i32
      %sign3A_241 = arith.constant 0 : i32
      %sign3A_242 = arith.cmpi slt, %add3A_235, %sign3A_241 : i32
      %sign3A_243 = arith.extui %sign3A_242 : i1 to i32
      %sign3A_244 = arith.subi %sign3A_240, %sign3A_243 : i32
      %sign3A_245 = arith.constant 0 : i32
      %sign3A_246 = arith.cmpi sgt, %jit3A_236, %sign3A_245 : i32
      %sign3A_247 = arith.extui %sign3A_246 : i1 to i32
      %sign3A_248 = arith.constant 0 : i32
      %sign3A_249 = arith.cmpi slt, %jit3A_236, %sign3A_248 : i32
      %sign3A_250 = arith.extui %sign3A_249 : i1 to i32
      %sign3A_251 = arith.subi %sign3A_247, %sign3A_250 : i32
      %ne3A_252 = arith.cmpi ne, %sign3A_244, %sign3A_251 : i32
      %rem3A_253 = arith.remsi %add3A_235, %jit3A_236 : i32
      %ne3A_254 = arith.constant 0 : i32
      %ne3A_255 = arith.cmpi ne, %rem3A_253, %ne3A_254 : i32
      %and3A_256 = arith.andi %ne3A_252, %ne3A_255 : i1
      %sub3A_257 = arith.constant 1 : i32
      %sub3A_258 = arith.subi %div3A_237, %sub3A_257 : i32
      %select_n3A_259 = arith.select %and3A_256, %sub3A_258, %div3A_237 : i32
      %sub3A_260 = arith.constant 0 : i32
      %sub3A_261 = arith.subi %select_n3A_230, %sub3A_260 : i32
      %sub3A_262 = arith.constant 1 : i32
      %sub3A_263 = arith.constant 1 : i32
      %sub3A_264 = arith.subi %sub3A_262, %sub3A_263 : i32
      %add3A_265 = arith.addi %sub3A_261, %sub3A_264 : i32
      %div3A_266 = arith.constant 1 : i32
      %div3A_267 = arith.divsi %add3A_265, %div3A_266 : i32
      %while3A_268 = arith.constant 1 : i32
      %while3A_269 = arith.constant 0 : i32
      %while3A_270 = arith.constant 0 : i32
      %while3A_271 = arith.subi %div3A_267, %while3A_270 : i32
      %while3A_272 = arith.addi %while3A_270, %while3A_271 : i32
      %while3A_273 = arith.constant 1 : i32
      %while3A_274 = arith.divsi %while3A_271, %while3A_273 : i32
      %while3A_275 = arith.muli %while3A_274, %while3A_273 : i32
      %while3A_276 = arith.addi %while3A_270, %while3A_275 : i32
      %while3A_277 = arith.constant 1 : i32
      scf.for %while3A_561 = %while3A_270 to %while3A_276 step %while3A_277  : i32 {
        %mul3A_562 = arith.muli %while3A_561, %while3A_268 : i32
        %add3A_563 = arith.addi %while3A_269, %mul3A_562 : i32
        %mul3A_564 = arith.constant 128 : i32
        %mul3A_565 = arith.muli %add3A_563, %mul3A_564 : i32
        %dma_start3A_566 = arith.constant 0 : i32
        %dma_start3A_567 = tpu.memref_slice %arg24[%mul3A_565, %dma_start3A_566] : memref<1664x32xbf16, #tpu.memory_space<vmem>> -> memref<128x32xbf16, #tpu.memory_space<vmem>>
        %dma_start3A_568 = tpu.memref_slice %arg21[%mul3A_565] : memref<1664xi32, #tpu.memory_space<vmem>> -> memref<128xi32, #tpu.memory_space<vmem>>
        %dma_start3A_569 = arith.constant 0 : i32
        %dma_start3A_570 = arith.constant 0 : i32
        %dma_start3A_571 = tpu.memref_slice %arg6[%dma_start3A_569, %dma_start3A_570] : memref<100008x32xbf16, #tpu.memory_space<hbm>> -> memref<100008x32xbf16, #tpu.memory_space<hbm>>
        tpu.enqueue_indirect_dma source(%dma_start3A_571 : memref<100008x32xbf16, #tpu.memory_space<hbm>>) target(%dma_start3A_567 : memref<128x32xbf16, #tpu.memory_space<vmem>>) offsets(%dma_start3A_568 : memref<128xi32, #tpu.memory_space<vmem>>) semaphore(%arg31 : memref<!tpu.dma_semaphore, #tpu.memory_space<semaphore_mem>>)
        %dma_start3A_572 = arith.constant 0 : i32
        %dma_start3A_573 = tpu.memref_slice %arg25[%mul3A_565, %dma_start3A_572] : memref<1664x32xbf16, #tpu.memory_space<vmem>> -> memref<128x32xbf16, #tpu.memory_space<vmem>>
        %dma_start3A_574 = tpu.memref_slice %arg22[%mul3A_565] : memref<1664xi32, #tpu.memory_space<vmem>> -> memref<128xi32, #tpu.memory_space<vmem>>
        %dma_start3A_575 = arith.constant 0 : i32
        %dma_start3A_576 = arith.constant 0 : i32
        %dma_start3A_577 = tpu.memref_slice %arg7[%dma_start3A_575, %dma_start3A_576] : memref<100000x32xbf16, #tpu.memory_space<hbm>> -> memref<100000x32xbf16, #tpu.memory_space<hbm>>
        tpu.enqueue_indirect_dma source(%dma_start3A_577 : memref<100000x32xbf16, #tpu.memory_space<hbm>>) target(%dma_start3A_573 : memref<128x32xbf16, #tpu.memory_space<vmem>>) offsets(%dma_start3A_574 : memref<128xi32, #tpu.memory_space<vmem>>) semaphore(%arg31 : memref<!tpu.dma_semaphore, #tpu.memory_space<semaphore_mem>>)
      }
      %while3A_278 = arith.constant 1 : i32
      scf.for %while3A_561 = %while3A_276 to %while3A_272 step %while3A_278  : i32 {
        %mul3A_562 = arith.muli %while3A_561, %while3A_268 : i32
        %add3A_563 = arith.addi %while3A_269, %mul3A_562 : i32
        %mul3A_564 = arith.constant 128 : i32
        %mul3A_565 = arith.muli %add3A_563, %mul3A_564 : i32
        %dma_start3A_566 = arith.constant 0 : i32
        %dma_start3A_567 = tpu.memref_slice %arg24[%mul3A_565, %dma_start3A_566] : memref<1664x32xbf16, #tpu.memory_space<vmem>> -> memref<128x32xbf16, #tpu.memory_space<vmem>>
        %dma_start3A_568 = tpu.memref_slice %arg21[%mul3A_565] : memref<1664xi32, #tpu.memory_space<vmem>> -> memref<128xi32, #tpu.memory_space<vmem>>
        %dma_start3A_569 = arith.constant 0 : i32
        %dma_start3A_570 = arith.constant 0 : i32
        %dma_start3A_571 = tpu.memref_slice %arg6[%dma_start3A_569, %dma_start3A_570] : memref<100008x32xbf16, #tpu.memory_space<hbm>> -> memref<100008x32xbf16, #tpu.memory_space<hbm>>
        tpu.enqueue_indirect_dma source(%dma_start3A_571 : memref<100008x32xbf16, #tpu.memory_space<hbm>>) target(%dma_start3A_567 : memref<128x32xbf16, #tpu.memory_space<vmem>>) offsets(%dma_start3A_568 : memref<128xi32, #tpu.memory_space<vmem>>) semaphore(%arg31 : memref<!tpu.dma_semaphore, #tpu.memory_space<semaphore_mem>>)
        %dma_start3A_572 = arith.constant 0 : i32
        %dma_start3A_573 = tpu.memref_slice %arg25[%mul3A_565, %dma_start3A_572] : memref<1664x32xbf16, #tpu.memory_space<vmem>> -> memref<128x32xbf16, #tpu.memory_space<vmem>>
        %dma_start3A_574 = tpu.memref_slice %arg22[%mul3A_565] : memref<1664xi32, #tpu.memory_space<vmem>> -> memref<128xi32, #tpu.memory_space<vmem>>
        %dma_start3A_575 = arith.constant 0 : i32
        %dma_start3A_576 = arith.constant 0 : i32
        %dma_start3A_577 = tpu.memref_slice %arg7[%dma_start3A_575, %dma_start3A_576] : memref<100000x32xbf16, #tpu.memory_space<hbm>> -> memref<100000x32xbf16, #tpu.memory_space<hbm>>
        tpu.enqueue_indirect_dma source(%dma_start3A_577 : memref<100000x32xbf16, #tpu.memory_space<hbm>>) target(%dma_start3A_573 : memref<128x32xbf16, #tpu.memory_space<vmem>>) offsets(%dma_start3A_574 : memref<128xi32, #tpu.memory_space<vmem>>) semaphore(%arg31 : memref<!tpu.dma_semaphore, #tpu.memory_space<semaphore_mem>>)
      }
      %sub3A_279 = arith.constant 0 : i32
      %sub3A_280 = arith.subi %select_n3A_259, %sub3A_279 : i32
      %sub3A_281 = arith.constant 1 : i32
      %sub3A_282 = arith.constant 1 : i32
      %sub3A_283 = arith.subi %sub3A_281, %sub3A_282 : i32
      %add3A_284 = arith.addi %sub3A_280, %sub3A_283 : i32
      %div3A_285 = arith.constant 1 : i32
      %div3A_286 = arith.divsi %add3A_284, %div3A_285 : i32
      %while3A_287 = arith.constant 1 : i32
      %while3A_288 = arith.constant 0 : i32
      %while3A_289 = arith.constant 0 : i32
      %while3A_290 = arith.subi %div3A_286, %while3A_289 : i32
      %while3A_291 = arith.addi %while3A_289, %while3A_290 : i32
      %while3A_292 = arith.constant 1 : i32
      %while3A_293 = arith.divsi %while3A_290, %while3A_292 : i32
      %while3A_294 = arith.muli %while3A_293, %while3A_292 : i32
      %while3A_295 = arith.addi %while3A_289, %while3A_294 : i32
      %while3A_296 = arith.constant 1 : i32
      scf.for %while3A_561 = %while3A_289 to %while3A_295 step %while3A_296  : i32 {
        %mul3A_562 = arith.muli %while3A_561, %while3A_287 : i32
        %add3A_563 = arith.addi %while3A_288, %mul3A_562 : i32
        %mul3A_564 = arith.constant 128 : i32
        %mul3A_565 = arith.muli %select_n3A_230, %mul3A_564 : i32
        %mul3A_566 = arith.constant 32 : i32
        %mul3A_567 = arith.muli %add3A_563, %mul3A_566 : i32
        %add3A_568 = arith.addi %mul3A_565, %mul3A_567 : i32
        %dma_start3A_569 = arith.constant 0 : i32
        %dma_start3A_570 = tpu.memref_slice %arg24[%add3A_568, %dma_start3A_569] : memref<1664x32xbf16, #tpu.memory_space<vmem>> -> memref<32x32xbf16, #tpu.memory_space<vmem>>
        %dma_start3A_571 = tpu.memref_slice %arg21[%add3A_568] : memref<1664xi32, #tpu.memory_space<vmem>> -> memref<32xi32, #tpu.memory_space<vmem>>
        %dma_start3A_572 = arith.constant 0 : i32
        %dma_start3A_573 = arith.constant 0 : i32
        %dma_start3A_574 = tpu.memref_slice %arg6[%dma_start3A_572, %dma_start3A_573] : memref<100008x32xbf16, #tpu.memory_space<hbm>> -> memref<100008x32xbf16, #tpu.memory_space<hbm>>
        tpu.enqueue_indirect_dma source(%dma_start3A_574 : memref<100008x32xbf16, #tpu.memory_space<hbm>>) target(%dma_start3A_570 : memref<32x32xbf16, #tpu.memory_space<vmem>>) offsets(%dma_start3A_571 : memref<32xi32, #tpu.memory_space<vmem>>) semaphore(%arg31 : memref<!tpu.dma_semaphore, #tpu.memory_space<semaphore_mem>>)
        %dma_start3A_575 = arith.constant 0 : i32
        %dma_start3A_576 = tpu.memref_slice %arg25[%add3A_568, %dma_start3A_575] : memref<1664x32xbf16, #tpu.memory_space<vmem>> -> memref<32x32xbf16, #tpu.memory_space<vmem>>
        %dma_start3A_577 = tpu.memref_slice %arg22[%add3A_568] : memref<1664xi32, #tpu.memory_space<vmem>> -> memref<32xi32, #tpu.memory_space<vmem>>
        %dma_start3A_578 = arith.constant 0 : i32
        %dma_start3A_579 = arith.constant 0 : i32
        %dma_start3A_580 = tpu.memref_slice %arg7[%dma_start3A_578, %dma_start3A_579] : memref<100000x32xbf16, #tpu.memory_space<hbm>> -> memref<100000x32xbf16, #tpu.memory_space<hbm>>
        tpu.enqueue_indirect_dma source(%dma_start3A_580 : memref<100000x32xbf16, #tpu.memory_space<hbm>>) target(%dma_start3A_576 : memref<32x32xbf16, #tpu.memory_space<vmem>>) offsets(%dma_start3A_577 : memref<32xi32, #tpu.memory_space<vmem>>) semaphore(%arg31 : memref<!tpu.dma_semaphore, #tpu.memory_space<semaphore_mem>>)
      }
      %while3A_297 = arith.constant 1 : i32
      scf.for %while3A_561 = %while3A_295 to %while3A_291 step %while3A_297  : i32 {
        %mul3A_562 = arith.muli %while3A_561, %while3A_287 : i32
        %add3A_563 = arith.addi %while3A_288, %mul3A_562 : i32
        %mul3A_564 = arith.constant 128 : i32
        %mul3A_565 = arith.muli %select_n3A_230, %mul3A_564 : i32
        %mul3A_566 = arith.constant 32 : i32
        %mul3A_567 = arith.muli %add3A_563, %mul3A_566 : i32
        %add3A_568 = arith.addi %mul3A_565, %mul3A_567 : i32
        %dma_start3A_569 = arith.constant 0 : i32
        %dma_start3A_570 = tpu.memref_slice %arg24[%add3A_568, %dma_start3A_569] : memref<1664x32xbf16, #tpu.memory_space<vmem>> -> memref<32x32xbf16, #tpu.memory_space<vmem>>
        %dma_start3A_571 = tpu.memref_slice %arg21[%add3A_568] : memref<1664xi32, #tpu.memory_space<vmem>> -> memref<32xi32, #tpu.memory_space<vmem>>
        %dma_start3A_572 = arith.constant 0 : i32
        %dma_start3A_573 = arith.constant 0 : i32
        %dma_start3A_574 = tpu.memref_slice %arg6[%dma_start3A_572, %dma_start3A_573] : memref<100008x32xbf16, #tpu.memory_space<hbm>> -> memref<100008x32xbf16, #tpu.memory_space<hbm>>
        tpu.enqueue_indirect_dma source(%dma_start3A_574 : memref<100008x32xbf16, #tpu.memory_space<hbm>>) target(%dma_start3A_570 : memref<32x32xbf16, #tpu.memory_space<vmem>>) offsets(%dma_start3A_571 : memref<32xi32, #tpu.memory_space<vmem>>) semaphore(%arg31 : memref<!tpu.dma_semaphore, #tpu.memory_space<semaphore_mem>>)
        %dma_start3A_575 = arith.constant 0 : i32
        %dma_start3A_576 = tpu.memref_slice %arg25[%add3A_568, %dma_start3A_575] : memref<1664x32xbf16, #tpu.memory_space<vmem>> -> memref<32x32xbf16, #tpu.memory_space<vmem>>
        %dma_start3A_577 = tpu.memref_slice %arg22[%add3A_568] : memref<1664xi32, #tpu.memory_space<vmem>> -> memref<32xi32, #tpu.memory_space<vmem>>
        %dma_start3A_578 = arith.constant 0 : i32
        %dma_start3A_579 = arith.constant 0 : i32
        %dma_start3A_580 = tpu.memref_slice %arg7[%dma_start3A_578, %dma_start3A_579] : memref<100000x32xbf16, #tpu.memory_space<hbm>> -> memref<100000x32xbf16, #tpu.memory_space<hbm>>
        tpu.enqueue_indirect_dma source(%dma_start3A_580 : memref<100000x32xbf16, #tpu.memory_space<hbm>>) target(%dma_start3A_576 : memref<32x32xbf16, #tpu.memory_space<vmem>>) offsets(%dma_start3A_577 : memref<32xi32, #tpu.memory_space<vmem>>) semaphore(%arg31 : memref<!tpu.dma_semaphore, #tpu.memory_space<semaphore_mem>>)
      }
      %broadcast_in_dim3A_298 = arith.constant 0 : i32
      %broadcast_in_dim3A_299 = vector.broadcast %broadcast_in_dim3A_298 : i32 to vector<16xi32>
      %add3A_300 = arith.constant 8 : i32
      %add3A_301 = vector.broadcast %add3A_300 : i32 to vector<16xi32>
      %add3A_302 = arith.addi %broadcast_in_dim3A_299, %add3A_301 : vector<16xi32>
      %gather3A_303 = tpu.vector_load_idx %arg18[%add3A_302] : memref<16xi32, #tpu.memory_space<vmem>>[vector<16xi32>], vector<16xi32>,
      %reduce_max3A_304 = arith.constant true
      %reduce_max3A_305 = vector.broadcast %reduce_max3A_304 : i1 to vector<16xi1>
      %reduce_max3A_306 = arith.constant -2147483648 : i32
      %reduce_max3A_307 = vector.broadcast %reduce_max3A_306 : i32 to vector<16xi32>
      %reduce_max3A_308 = arith.xori %gather3A_303, %reduce_max3A_307 : vector<16xi32>
      %reduce_max3A_309 = tpu.scan <max>, %reduce_max3A_308 masked %reduce_max3A_305 : vector<16xi32>, vector<16xi1> -> vector<16xi32>
      %reduce_max3A_310 = arith.xori %reduce_max3A_309, %reduce_max3A_307 : vector<16xi32>
      %reduce_max3A_311 = vector.extract %reduce_max3A_310[15] : i32 from vector<16xi32>
      %jit3A_312 = arith.constant 128 : i32
      %div3A_313 = arith.divsi %reduce_max3A_311, %jit3A_312 : i32
      %sign3A_314 = arith.constant 0 : i32
      %sign3A_315 = arith.cmpi sgt, %reduce_max3A_311, %sign3A_314 : i32
      %sign3A_316 = arith.extui %sign3A_315 : i1 to i32
      %sign3A_317 = arith.constant 0 : i32
      %sign3A_318 = arith.cmpi slt, %reduce_max3A_311, %sign3A_317 : i32
      %sign3A_319 = arith.extui %sign3A_318 : i1 to i32
      %sign3A_320 = arith.subi %sign3A_316, %sign3A_319 : i32
      %sign3A_321 = arith.constant 0 : i32
      %sign3A_322 = arith.cmpi sgt, %jit3A_312, %sign3A_321 : i32
      %sign3A_323 = arith.extui %sign3A_322 : i1 to i32
      %sign3A_324 = arith.constant 0 : i32
      %sign3A_325 = arith.cmpi slt, %jit3A_312, %sign3A_324 : i32
      %sign3A_326 = arith.extui %sign3A_325 : i1 to i32
      %sign3A_327 = arith.subi %sign3A_323, %sign3A_326 : i32
      %ne3A_328 = arith.cmpi ne, %sign3A_320, %sign3A_327 : i32
      %rem3A_329 = arith.remsi %reduce_max3A_311, %jit3A_312 : i32
      %ne3A_330 = arith.constant 0 : i32
      %ne3A_331 = arith.cmpi ne, %rem3A_329, %ne3A_330 : i32
      %and3A_332 = arith.andi %ne3A_328, %ne3A_331 : i1
      %sub3A_333 = arith.constant 1 : i32
      %sub3A_334 = arith.subi %div3A_313, %sub3A_333 : i32
      %select_n3A_335 = arith.select %and3A_332, %sub3A_334, %div3A_313 : i32
      %mul3A_336 = arith.constant 128 : i32
      %mul3A_337 = arith.muli %select_n3A_335, %mul3A_336 : i32
      %sub3A_338 = arith.subi %reduce_max3A_311, %mul3A_337 : i32
      %add3A_339 = arith.constant 31 : i32
      %add3A_340 = arith.addi %sub3A_338, %add3A_339 : i32
      %jit3A_341 = arith.constant 32 : i32
      %div3A_342 = arith.divsi %add3A_340, %jit3A_341 : i32
      %sign3A_343 = arith.constant 0 : i32
      %sign3A_344 = arith.cmpi sgt, %add3A_340, %sign3A_343 : i32
      %sign3A_345 = arith.extui %sign3A_344 : i1 to i32
      %sign3A_346 = arith.constant 0 : i32
      %sign3A_347 = arith.cmpi slt, %add3A_340, %sign3A_346 : i32
      %sign3A_348 = arith.extui %sign3A_347 : i1 to i32
      %sign3A_349 = arith.subi %sign3A_345, %sign3A_348 : i32
      %sign3A_350 = arith.constant 0 : i32
      %sign3A_351 = arith.cmpi sgt, %jit3A_341, %sign3A_350 : i32
      %sign3A_352 = arith.extui %sign3A_351 : i1 to i32
      %sign3A_353 = arith.constant 0 : i32
      %sign3A_354 = arith.cmpi slt, %jit3A_341, %sign3A_353 : i32
      %sign3A_355 = arith.extui %sign3A_354 : i1 to i32
      %sign3A_356 = arith.subi %sign3A_352, %sign3A_355 : i32
      %ne3A_357 = arith.cmpi ne, %sign3A_349, %sign3A_356 : i32
      %rem3A_358 = arith.remsi %add3A_340, %jit3A_341 : i32
      %ne3A_359 = arith.constant 0 : i32
      %ne3A_360 = arith.cmpi ne, %rem3A_358, %ne3A_359 : i32
      %and3A_361 = arith.andi %ne3A_357, %ne3A_360 : i1
      %sub3A_362 = arith.constant 1 : i32
      %sub3A_363 = arith.subi %div3A_342, %sub3A_362 : i32
      %select_n3A_364 = arith.select %and3A_361, %sub3A_363, %div3A_342 : i32
      %sub3A_365 = arith.constant 0 : i32
      %sub3A_366 = arith.subi %select_n3A_335, %sub3A_365 : i32
      %sub3A_367 = arith.constant 1 : i32
      %sub3A_368 = arith.constant 1 : i32
      %sub3A_369 = arith.subi %sub3A_367, %sub3A_368 : i32
      %add3A_370 = arith.addi %sub3A_366, %sub3A_369 : i32
      %div3A_371 = arith.constant 1 : i32
      %div3A_372 = arith.divsi %add3A_370, %div3A_371 : i32
      %while3A_373 = arith.constant 1 : i32
      %while3A_374 = arith.constant 0 : i32
      %while3A_375 = arith.constant 0 : i32
      %while3A_376 = arith.subi %div3A_372, %while3A_375 : i32
      %while3A_377 = arith.addi %while3A_375, %while3A_376 : i32
      %while3A_378 = arith.constant 1 : i32
      %while3A_379 = arith.divsi %while3A_376, %while3A_378 : i32
      %while3A_380 = arith.muli %while3A_379, %while3A_378 : i32
      %while3A_381 = arith.addi %while3A_375, %while3A_380 : i32
      %while3A_382 = arith.constant 1 : i32
      scf.for %while3A_561 = %while3A_375 to %while3A_381 step %while3A_382  : i32 {
        %mul3A_562 = arith.muli %while3A_561, %while3A_373 : i32
        %add3A_563 = arith.addi %while3A_374, %mul3A_562 : i32
        %mul3A_564 = arith.constant 128 : i32
        %mul3A_565 = arith.muli %add3A_563, %mul3A_564 : i32
        %dma_wait3A_566 = arith.constant 0 : i32
        %dma_wait3A_567 = tpu.memref_slice %arg19[%mul3A_565, %dma_wait3A_566] : memref<1664x32xbf16, #tpu.memory_space<vmem>> -> memref<128x32xbf16, #tpu.memory_space<vmem>>
        %dma_wait3A_568 = tpu.memref_slice %arg16[%mul3A_565] : memref<1664xi32, #tpu.memory_space<vmem>> -> memref<128xi32, #tpu.memory_space<vmem>>
        %dma_wait3A_569 = arith.constant 0 : i32
        %dma_wait3A_570 = arith.constant 0 : i32
        %dma_wait3A_571 = tpu.memref_slice %arg6[%dma_wait3A_569, %dma_wait3A_570] : memref<100008x32xbf16, #tpu.memory_space<hbm>> -> memref<100008x32xbf16, #tpu.memory_space<hbm>>
        tpu.wait_indirect_dma semaphore(%arg30 : memref<!tpu.dma_semaphore, #tpu.memory_space<semaphore_mem>>) src(%dma_wait3A_571 : memref<100008x32xbf16, #tpu.memory_space<hbm>>) dst(%dma_wait3A_567 : memref<128x32xbf16, #tpu.memory_space<vmem>>)
        %dma_wait3A_572 = arith.constant 0 : i32
        %dma_wait3A_573 = tpu.memref_slice %arg20[%mul3A_565, %dma_wait3A_572] : memref<1664x32xbf16, #tpu.memory_space<vmem>> -> memref<128x32xbf16, #tpu.memory_space<vmem>>
        %dma_wait3A_574 = tpu.memref_slice %arg17[%mul3A_565] : memref<1664xi32, #tpu.memory_space<vmem>> -> memref<128xi32, #tpu.memory_space<vmem>>
        %dma_wait3A_575 = arith.constant 0 : i32
        %dma_wait3A_576 = arith.constant 0 : i32
        %dma_wait3A_577 = tpu.memref_slice %arg7[%dma_wait3A_575, %dma_wait3A_576] : memref<100000x32xbf16, #tpu.memory_space<hbm>> -> memref<100000x32xbf16, #tpu.memory_space<hbm>>
        tpu.wait_indirect_dma semaphore(%arg30 : memref<!tpu.dma_semaphore, #tpu.memory_space<semaphore_mem>>) src(%dma_wait3A_577 : memref<100000x32xbf16, #tpu.memory_space<hbm>>) dst(%dma_wait3A_573 : memref<128x32xbf16, #tpu.memory_space<vmem>>)
      }
      %while3A_383 = arith.constant 1 : i32
      scf.for %while3A_561 = %while3A_381 to %while3A_377 step %while3A_383  : i32 {
        %mul3A_562 = arith.muli %while3A_561, %while3A_373 : i32
        %add3A_563 = arith.addi %while3A_374, %mul3A_562 : i32
        %mul3A_564 = arith.constant 128 : i32
        %mul3A_565 = arith.muli %add3A_563, %mul3A_564 : i32
        %dma_wait3A_566 = arith.constant 0 : i32
        %dma_wait3A_567 = tpu.memref_slice %arg19[%mul3A_565, %dma_wait3A_566] : memref<1664x32xbf16, #tpu.memory_space<vmem>> -> memref<128x32xbf16, #tpu.memory_space<vmem>>
        %dma_wait3A_568 = tpu.memref_slice %arg16[%mul3A_565] : memref<1664xi32, #tpu.memory_space<vmem>> -> memref<128xi32, #tpu.memory_space<vmem>>
        %dma_wait3A_569 = arith.constant 0 : i32
        %dma_wait3A_570 = arith.constant 0 : i32
        %dma_wait3A_571 = tpu.memref_slice %arg6[%dma_wait3A_569, %dma_wait3A_570] : memref<100008x32xbf16, #tpu.memory_space<hbm>> -> memref<100008x32xbf16, #tpu.memory_space<hbm>>
        tpu.wait_indirect_dma semaphore(%arg30 : memref<!tpu.dma_semaphore, #tpu.memory_space<semaphore_mem>>) src(%dma_wait3A_571 : memref<100008x32xbf16, #tpu.memory_space<hbm>>) dst(%dma_wait3A_567 : memref<128x32xbf16, #tpu.memory_space<vmem>>)
        %dma_wait3A_572 = arith.constant 0 : i32
        %dma_wait3A_573 = tpu.memref_slice %arg20[%mul3A_565, %dma_wait3A_572] : memref<1664x32xbf16, #tpu.memory_space<vmem>> -> memref<128x32xbf16, #tpu.memory_space<vmem>>
        %dma_wait3A_574 = tpu.memref_slice %arg17[%mul3A_565] : memref<1664xi32, #tpu.memory_space<vmem>> -> memref<128xi32, #tpu.memory_space<vmem>>
        %dma_wait3A_575 = arith.constant 0 : i32
        %dma_wait3A_576 = arith.constant 0 : i32
        %dma_wait3A_577 = tpu.memref_slice %arg7[%dma_wait3A_575, %dma_wait3A_576] : memref<100000x32xbf16, #tpu.memory_space<hbm>> -> memref<100000x32xbf16, #tpu.memory_space<hbm>>
        tpu.wait_indirect_dma semaphore(%arg30 : memref<!tpu.dma_semaphore, #tpu.memory_space<semaphore_mem>>) src(%dma_wait3A_577 : memref<100000x32xbf16, #tpu.memory_space<hbm>>) dst(%dma_wait3A_573 : memref<128x32xbf16, #tpu.memory_space<vmem>>)
      }
      %sub3A_384 = arith.constant 0 : i32
      %sub3A_385 = arith.subi %select_n3A_364, %sub3A_384 : i32
      %sub3A_386 = arith.constant 1 : i32
      %sub3A_387 = arith.constant 1 : i32
      %sub3A_388 = arith.subi %sub3A_386, %sub3A_387 : i32
      %add3A_389 = arith.addi %sub3A_385, %sub3A_388 : i32
      %div3A_390 = arith.constant 1 : i32
      %div3A_391 = arith.divsi %add3A_389, %div3A_390 : i32
      %while3A_392 = arith.constant 1 : i32
      %while3A_393 = arith.constant 0 : i32
      %while3A_394 = arith.constant 0 : i32
      %while3A_395 = arith.subi %div3A_391, %while3A_394 : i32
      %while3A_396 = arith.addi %while3A_394, %while3A_395 : i32
      %while3A_397 = arith.constant 1 : i32
      %while3A_398 = arith.divsi %while3A_395, %while3A_397 : i32
      %while3A_399 = arith.muli %while3A_398, %while3A_397 : i32
      %while3A_400 = arith.addi %while3A_394, %while3A_399 : i32
      %while3A_401 = arith.constant 1 : i32
      scf.for %while3A_561 = %while3A_394 to %while3A_400 step %while3A_401  : i32 {
        %mul3A_562 = arith.muli %while3A_561, %while3A_392 : i32
        %add3A_563 = arith.addi %while3A_393, %mul3A_562 : i32
        %mul3A_564 = arith.constant 128 : i32
        %mul3A_565 = arith.muli %select_n3A_335, %mul3A_564 : i32
        %mul3A_566 = arith.constant 32 : i32
        %mul3A_567 = arith.muli %add3A_563, %mul3A_566 : i32
        %add3A_568 = arith.addi %mul3A_565, %mul3A_567 : i32
        %dma_wait3A_569 = arith.constant 0 : i32
        %dma_wait3A_570 = tpu.memref_slice %arg19[%add3A_568, %dma_wait3A_569] : memref<1664x32xbf16, #tpu.memory_space<vmem>> -> memref<32x32xbf16, #tpu.memory_space<vmem>>
        %dma_wait3A_571 = tpu.memref_slice %arg16[%add3A_568] : memref<1664xi32, #tpu.memory_space<vmem>> -> memref<32xi32, #tpu.memory_space<vmem>>
        %dma_wait3A_572 = arith.constant 0 : i32
        %dma_wait3A_573 = arith.constant 0 : i32
        %dma_wait3A_574 = tpu.memref_slice %arg6[%dma_wait3A_572, %dma_wait3A_573] : memref<100008x32xbf16, #tpu.memory_space<hbm>> -> memref<100008x32xbf16, #tpu.memory_space<hbm>>
        tpu.wait_indirect_dma semaphore(%arg30 : memref<!tpu.dma_semaphore, #tpu.memory_space<semaphore_mem>>) src(%dma_wait3A_574 : memref<100008x32xbf16, #tpu.memory_space<hbm>>) dst(%dma_wait3A_570 : memref<32x32xbf16, #tpu.memory_space<vmem>>)
        %dma_wait3A_575 = arith.constant 0 : i32
        %dma_wait3A_576 = tpu.memref_slice %arg20[%add3A_568, %dma_wait3A_575] : memref<1664x32xbf16, #tpu.memory_space<vmem>> -> memref<32x32xbf16, #tpu.memory_space<vmem>>
        %dma_wait3A_577 = tpu.memref_slice %arg17[%add3A_568] : memref<1664xi32, #tpu.memory_space<vmem>> -> memref<32xi32, #tpu.memory_space<vmem>>
        %dma_wait3A_578 = arith.constant 0 : i32
        %dma_wait3A_579 = arith.constant 0 : i32
        %dma_wait3A_580 = tpu.memref_slice %arg7[%dma_wait3A_578, %dma_wait3A_579] : memref<100000x32xbf16, #tpu.memory_space<hbm>> -> memref<100000x32xbf16, #tpu.memory_space<hbm>>
        tpu.wait_indirect_dma semaphore(%arg30 : memref<!tpu.dma_semaphore, #tpu.memory_space<semaphore_mem>>) src(%dma_wait3A_580 : memref<100000x32xbf16, #tpu.memory_space<hbm>>) dst(%dma_wait3A_576 : memref<32x32xbf16, #tpu.memory_space<vmem>>)
      }
      %while3A_402 = arith.constant 1 : i32
      scf.for %while3A_561 = %while3A_400 to %while3A_396 step %while3A_402  : i32 {
        %mul3A_562 = arith.muli %while3A_561, %while3A_392 : i32
        %add3A_563 = arith.addi %while3A_393, %mul3A_562 : i32
        %mul3A_564 = arith.constant 128 : i32
        %mul3A_565 = arith.muli %select_n3A_335, %mul3A_564 : i32
        %mul3A_566 = arith.constant 32 : i32
        %mul3A_567 = arith.muli %add3A_563, %mul3A_566 : i32
        %add3A_568 = arith.addi %mul3A_565, %mul3A_567 : i32
        %dma_wait3A_569 = arith.constant 0 : i32
        %dma_wait3A_570 = tpu.memref_slice %arg19[%add3A_568, %dma_wait3A_569] : memref<1664x32xbf16, #tpu.memory_space<vmem>> -> memref<32x32xbf16, #tpu.memory_space<vmem>>
        %dma_wait3A_571 = tpu.memref_slice %arg16[%add3A_568] : memref<1664xi32, #tpu.memory_space<vmem>> -> memref<32xi32, #tpu.memory_space<vmem>>
        %dma_wait3A_572 = arith.constant 0 : i32
        %dma_wait3A_573 = arith.constant 0 : i32
        %dma_wait3A_574 = tpu.memref_slice %arg6[%dma_wait3A_572, %dma_wait3A_573] : memref<100008x32xbf16, #tpu.memory_space<hbm>> -> memref<100008x32xbf16, #tpu.memory_space<hbm>>
        tpu.wait_indirect_dma semaphore(%arg30 : memref<!tpu.dma_semaphore, #tpu.memory_space<semaphore_mem>>) src(%dma_wait3A_574 : memref<100008x32xbf16, #tpu.memory_space<hbm>>) dst(%dma_wait3A_570 : memref<32x32xbf16, #tpu.memory_space<vmem>>)
        %dma_wait3A_575 = arith.constant 0 : i32
        %dma_wait3A_576 = tpu.memref_slice %arg20[%add3A_568, %dma_wait3A_575] : memref<1664x32xbf16, #tpu.memory_space<vmem>> -> memref<32x32xbf16, #tpu.memory_space<vmem>>
        %dma_wait3A_577 = tpu.memref_slice %arg17[%add3A_568] : memref<1664xi32, #tpu.memory_space<vmem>> -> memref<32xi32, #tpu.memory_space<vmem>>
        %dma_wait3A_578 = arith.constant 0 : i32
        %dma_wait3A_579 = arith.constant 0 : i32
        %dma_wait3A_580 = tpu.memref_slice %arg7[%dma_wait3A_578, %dma_wait3A_579] : memref<100000x32xbf16, #tpu.memory_space<hbm>> -> memref<100000x32xbf16, #tpu.memory_space<hbm>>
        tpu.wait_indirect_dma semaphore(%arg30 : memref<!tpu.dma_semaphore, #tpu.memory_space<semaphore_mem>>) src(%dma_wait3A_580 : memref<100000x32xbf16, #tpu.memory_space<hbm>>) dst(%dma_wait3A_576 : memref<32x32xbf16, #tpu.memory_space<vmem>>)
      }
      %add3A_403 = arith.constant 2 : i32
      %add3A_404 = arith.addi %add3A_164, %add3A_403 : i32
      %lt3A = arith.constant 64 : i32
      %lt3A_405 = arith.cmpi slt, %add3A_404, %lt3A : i32
      %convert_element_type3A = arith.extui %lt3A_405 : i1 to i32
      %cond3A = arith.constant 0 : i32
      %cond3A_406 = arith.cmpi ne, %convert_element_type3A, %cond3A : i32
      scf.if %cond3A_406 {
        %add3A_561 = arith.constant 2 : i32
        %add3A_562 = arith.addi %add3A_164, %add3A_561 : i32
        %mul3A_563 = arith.constant 200 : i32
        %mul3A_564 = arith.muli %mul3A_2, %mul3A_563 : i32
        %mul3A_565 = arith.constant 1600 : i32
        %mul3A_566 = arith.muli %add3A_562, %mul3A_565 : i32
        %add3A_567 = arith.addi %mul3A_564, %mul3A_566 : i32
        %dma_start3A_568 = tpu.memref_slice %arg2[%add3A_567] : memref<3276800xi32, #tpu.memory_space<hbm>> -> memref<1600xi32, #tpu.memory_space<hbm>>
        %dma_start3A_569 = tpu.memref_slice %arg2[%add3A_567] : memref<3276800xi32, #tpu.memory_space<hbm>> -> memref<1600xi32, #tpu.memory_space<hbm>>
        tpu.enqueue_dma source(%dma_start3A_569 : memref<1600xi32, #tpu.memory_space<hbm>>) target(%arg9 : memref<1600xi32, #tpu.memory_space<vmem>>) target_semaphore(%arg28 : memref<!tpu.dma_semaphore, #tpu.memory_space<semaphore_mem>>)
        %dma_start3A_570 = tpu.memref_slice %arg3[%add3A_567] : memref<3276800xi32, #tpu.memory_space<hbm>> -> memref<1600xi32, #tpu.memory_space<hbm>>
        %dma_start3A_571 = tpu.memref_slice %arg3[%add3A_567] : memref<3276800xi32, #tpu.memory_space<hbm>> -> memref<1600xi32, #tpu.memory_space<hbm>>
        tpu.enqueue_dma source(%dma_start3A_571 : memref<1600xi32, #tpu.memory_space<hbm>>) target(%arg10 : memref<1600xi32, #tpu.memory_space<vmem>>) target_semaphore(%arg28 : memref<!tpu.dma_semaphore, #tpu.memory_space<semaphore_mem>>)
        %dma_start3A_572 = tpu.memref_slice %arg4[%add3A_567] : memref<3276800xi32, #tpu.memory_space<hbm>> -> memref<1600xi32, #tpu.memory_space<hbm>>
        %dma_start3A_573 = tpu.memref_slice %arg4[%add3A_567] : memref<3276800xi32, #tpu.memory_space<hbm>> -> memref<1600xi32, #tpu.memory_space<hbm>>
        tpu.enqueue_dma source(%dma_start3A_573 : memref<1600xi32, #tpu.memory_space<hbm>>) target(%arg11 : memref<1600xi32, #tpu.memory_space<vmem>>) target_semaphore(%arg28 : memref<!tpu.dma_semaphore, #tpu.memory_space<semaphore_mem>>)
      } else {
      }
      %ge3A = arith.constant 2 : i32
      %ge3A_407 = arith.cmpi sge, %add3A_164, %ge3A : i32
      %convert_element_type3A_408 = arith.extui %ge3A_407 : i1 to i32
      %cond3A_409 = arith.constant 0 : i32
      %cond3A_410 = arith.cmpi ne, %convert_element_type3A_408, %cond3A_409 : i32
      scf.if %cond3A_410 {
        %sub3A_561 = arith.constant 2 : i32
        %sub3A_562 = arith.subi %add3A_164, %sub3A_561 : i32
        %mul3A_563 = arith.constant 8 : i32
        %mul3A_564 = arith.muli %sub3A_562, %mul3A_563 : i32
        %add3A_565 = arith.addi %mul3A_2, %mul3A_564 : i32
        %dma_wait3A_566 = arith.constant 0 : i32
        %dma_wait3A_567 = tpu.memref_slice %arg8[%add3A_565, %dma_wait3A_566] : memref<16384x32xf32, #tpu.memory_space<hbm>> -> memref<8x32xf32, #tpu.memory_space<hbm>>
        %dma_wait3A_568 = arith.constant 0 : i32
        %dma_wait3A_569 = tpu.memref_slice %arg8[%add3A_565, %dma_wait3A_568] : memref<16384x32xf32, #tpu.memory_space<hbm>> -> memref<8x32xf32, #tpu.memory_space<hbm>>
        tpu.wait_dma2 semaphore(%arg32 : memref<!tpu.dma_semaphore, #tpu.memory_space<semaphore_mem>>) src(%arg26 : memref<8x32xf32, #tpu.memory_space<vmem>>) dst(%dma_wait3A_569 : memref<8x32xf32, #tpu.memory_space<hbm>>)
      } else {
      }
      %scan3A_411 = arith.constant 0 : i32
      %scan3A_412 = arith.constant 8 : i32
      %scan3A_413 = arith.addi %scan3A_411, %scan3A_412 : i32
      %scan3A_414 = arith.constant 1 : i32
      scf.for %scan3A_561 = %scan3A_411 to %scan3A_413 step %scan3A_414  : i32 {
        %mul3A_562 = arith.constant 1 : i32
        %mul3A_563 = arith.muli %scan3A_561, %mul3A_562 : i32
        %add3A_564 = arith.constant 0 : i32
        %add3A_565 = arith.addi %add3A_564, %mul3A_563 : i32
        %broadcast_in_dim3A_566 = arith.constant 0 : i32
        %broadcast_in_dim3A_567 = vector.broadcast %broadcast_in_dim3A_566 : i32 to vector<16xi32>
        %add3A_568 = vector.broadcast %add3A_565 : i32 to vector<16xi32>
        %add3A_569 = arith.addi %broadcast_in_dim3A_567, %add3A_568 : vector<16xi32>
        %gather3A_570 = tpu.vector_load_idx %arg18[%add3A_569] : memref<16xi32, #tpu.memory_space<vmem>>[vector<16xi32>], vector<16xi32>,
        %reduce_max3A_571 = arith.constant true
        %reduce_max3A_572 = vector.broadcast %reduce_max3A_571 : i1 to vector<16xi1>
        %reduce_max3A_573 = arith.constant -2147483648 : i32
        %reduce_max3A_574 = vector.broadcast %reduce_max3A_573 : i32 to vector<16xi32>
        %reduce_max3A_575 = arith.xori %gather3A_570, %reduce_max3A_574 : vector<16xi32>
        %reduce_max3A_576 = tpu.scan <max>, %reduce_max3A_575 masked %reduce_max3A_572 : vector<16xi32>, vector<16xi1> -> vector<16xi32>
        %reduce_max3A_577 = arith.xori %reduce_max3A_576, %reduce_max3A_574 : vector<16xi32>
        %reduce_max3A_578 = vector.extract %reduce_max3A_577[15] : i32 from vector<16xi32>
        %add3A_579 = arith.constant 1 : i32
        %add3A_580 = arith.addi %add3A_565, %add3A_579 : i32
        %broadcast_in_dim3A_581 = arith.constant 0 : i32
        %broadcast_in_dim3A_582 = vector.broadcast %broadcast_in_dim3A_581 : i32 to vector<16xi32>
        %add3A_583 = vector.broadcast %add3A_580 : i32 to vector<16xi32>
        %add3A_584 = arith.addi %broadcast_in_dim3A_582, %add3A_583 : vector<16xi32>
        %gather3A_585 = tpu.vector_load_idx %arg18[%add3A_584] : memref<16xi32, #tpu.memory_space<vmem>>[vector<16xi32>], vector<16xi32>,
        %reduce_max3A_586 = arith.constant true
        %reduce_max3A_587 = vector.broadcast %reduce_max3A_586 : i1 to vector<16xi1>
        %reduce_max3A_588 = arith.constant -2147483648 : i32
        %reduce_max3A_589 = vector.broadcast %reduce_max3A_588 : i32 to vector<16xi32>
        %reduce_max3A_590 = arith.xori %gather3A_585, %reduce_max3A_589 : vector<16xi32>
        %reduce_max3A_591 = tpu.scan <max>, %reduce_max3A_590 masked %reduce_max3A_587 : vector<16xi32>, vector<16xi1> -> vector<16xi32>
        %reduce_max3A_592 = arith.xori %reduce_max3A_591, %reduce_max3A_589 : vector<16xi32>
        %reduce_max3A_593 = vector.extract %reduce_max3A_592[15] : i32 from vector<16xi32>
        %broadcast_in_dim3A_594 = arith.constant 0.000000e+00 : f32
        %broadcast_in_dim3A_595 = vector.broadcast %broadcast_in_dim3A_594 : f32 to vector<16xf32>
        %jit3A_596 = arith.constant 2 : i32
        %div3A_597 = arith.divsi %reduce_max3A_578, %jit3A_596 : i32
        %sign3A_598 = arith.constant 0 : i32
        %sign3A_599 = arith.cmpi sgt, %reduce_max3A_578, %sign3A_598 : i32
        %sign3A_600 = arith.extui %sign3A_599 : i1 to i32
        %sign3A_601 = arith.constant 0 : i32
        %sign3A_602 = arith.cmpi slt, %reduce_max3A_578, %sign3A_601 : i32
        %sign3A_603 = arith.extui %sign3A_602 : i1 to i32
        %sign3A_604 = arith.subi %sign3A_600, %sign3A_603 : i32
        %sign3A_605 = arith.constant 0 : i32
        %sign3A_606 = arith.cmpi sgt, %jit3A_596, %sign3A_605 : i32
        %sign3A_607 = arith.extui %sign3A_606 : i1 to i32
        %sign3A_608 = arith.constant 0 : i32
        %sign3A_609 = arith.cmpi slt, %jit3A_596, %sign3A_608 : i32
        %sign3A_610 = arith.extui %sign3A_609 : i1 to i32
        %sign3A_611 = arith.subi %sign3A_607, %sign3A_610 : i32
        %ne3A_612 = arith.cmpi ne, %sign3A_604, %sign3A_611 : i32
        %rem3A_613 = arith.remsi %reduce_max3A_578, %jit3A_596 : i32
        %ne3A_614 = arith.constant 0 : i32
        %ne3A_615 = arith.cmpi ne, %rem3A_613, %ne3A_614 : i32
        %and3A_616 = arith.andi %ne3A_612, %ne3A_615 : i1
        %sub3A_617 = arith.constant 1 : i32
        %sub3A_618 = arith.subi %div3A_597, %sub3A_617 : i32
        %select_n3A_619 = arith.select %and3A_616, %sub3A_618, %div3A_597 : i32
        %jit3A_620 = arith.constant 2 : i32
        %div3A_621 = arith.divsi %reduce_max3A_593, %jit3A_620 : i32
        %sign3A_622 = arith.constant 0 : i32
        %sign3A_623 = arith.cmpi sgt, %reduce_max3A_593, %sign3A_622 : i32
        %sign3A_624 = arith.extui %sign3A_623 : i1 to i32
        %sign3A_625 = arith.constant 0 : i32
        %sign3A_626 = arith.cmpi slt, %reduce_max3A_593, %sign3A_625 : i32
        %sign3A_627 = arith.extui %sign3A_626 : i1 to i32
        %sign3A_628 = arith.subi %sign3A_624, %sign3A_627 : i32
        %sign3A_629 = arith.constant 0 : i32
        %sign3A_630 = arith.cmpi sgt, %jit3A_620, %sign3A_629 : i32
        %sign3A_631 = arith.extui %sign3A_630 : i1 to i32
        %sign3A_632 = arith.constant 0 : i32
        %sign3A_633 = arith.cmpi slt, %jit3A_620, %sign3A_632 : i32
        %sign3A_634 = arith.extui %sign3A_633 : i1 to i32
        %sign3A_635 = arith.subi %sign3A_631, %sign3A_634 : i32
        %ne3A_636 = arith.cmpi ne, %sign3A_628, %sign3A_635 : i32
        %rem3A_637 = arith.remsi %reduce_max3A_593, %jit3A_620 : i32
        %ne3A_638 = arith.constant 0 : i32
        %ne3A_639 = arith.cmpi ne, %rem3A_637, %ne3A_638 : i32
        %and3A_640 = arith.andi %ne3A_636, %ne3A_639 : i1
        %sub3A_641 = arith.constant 1 : i32
        %sub3A_642 = arith.subi %div3A_621, %sub3A_641 : i32
        %select_n3A_643 = arith.select %and3A_640, %sub3A_642, %div3A_621 : i32
        %while3A_644 = arith.subi %select_n3A_643, %select_n3A_619 : i32
        %while3A_645 = arith.addi %select_n3A_619, %while3A_644 : i32
        %while3A_646 = arith.constant 1 : i32
        %while3A_647 = arith.divsi %while3A_644, %while3A_646 : i32
        %while3A_648 = arith.muli %while3A_647, %while3A_646 : i32
        %while3A_649 = arith.addi %select_n3A_619, %while3A_648 : i32
        %while3A_650 = arith.constant 1 : i32
        %while3A_651:2 = scf.for %while3A_659 = %select_n3A_619 to %while3A_649 step %while3A_650 iter_args(%while3A_660 = %broadcast_in_dim3A_595, %while3A_661 = %broadcast_in_dim3A_595) -> (vector<16xf32>, vector<16xf32>)  : i32 {
          %mul3A_662 = arith.constant 2 : i32
          %mul3A_663 = arith.muli %mul3A_662, %while3A_659 : i32
          %get3A = arith.index_cast %mul3A_663 : i32 to index
          %get3A_664 = arith.constant 0 : index
          %get3A_665 = tpu.vector_load %arg19[%get3A, %get3A_664] {strides = array<i32>} : memref<1664x32xbf16, #tpu.memory_space<vmem>>, vector<32xbf16>,
          %get3A_666 = arith.index_cast %mul3A_663 : i32 to index
          %get3A_667 = arith.constant 0 : index
          %get3A_668 = tpu.vector_load %arg20[%get3A_666, %get3A_667] {strides = array<i32>} : memref<1664x32xbf16, #tpu.memory_space<vmem>>, vector<32xbf16>,
          %add3A_669 = arith.constant 1 : i32
          %add3A_670 = arith.addi %mul3A_663, %add3A_669 : i32
          %get3A_671 = arith.index_cast %add3A_670 : i32 to index
          %get3A_672 = arith.constant 0 : index
          %get3A_673 = tpu.vector_load %arg19[%get3A_671, %get3A_672] {strides = array<i32>} : memref<1664x32xbf16, #tpu.memory_space<vmem>>, vector<32xbf16>,
          %add3A_674 = arith.constant 1 : i32
          %add3A_675 = arith.addi %mul3A_663, %add3A_674 : i32
          %get3A_676 = arith.index_cast %add3A_675 : i32 to index
          %get3A_677 = arith.constant 0 : index
          %get3A_678 = tpu.vector_load %arg20[%get3A_676, %get3A_677] {strides = array<i32>} : memref<1664x32xbf16, #tpu.memory_space<vmem>>, vector<32xbf16>,
          %mul3A_679 = arith.mulf %get3A_665, %get3A_668 : vector<32xbf16>
          %unpack3A = tpu.unpack_subelements %mul3A_679, 0 {pack_format = #tpu.pack_format<interleaved>} : vector<32xbf16> -> vector<16xf32>
          %unpack3A_680 = tpu.unpack_subelements %mul3A_679, 1 {pack_format = #tpu.pack_format<interleaved>} : vector<32xbf16> -> vector<16xf32>
          %mul3A_681 = arith.mulf %get3A_673, %get3A_678 : vector<32xbf16>
          %unpack3A_682 = tpu.unpack_subelements %mul3A_681, 0 {pack_format = #tpu.pack_format<interleaved>} : vector<32xbf16> -> vector<16xf32>
          %unpack3A_683 = tpu.unpack_subelements %mul3A_681, 1 {pack_format = #tpu.pack_format<interleaved>} : vector<32xbf16> -> vector<16xf32>
          %add3A_684 = arith.addf %while3A_660, %unpack3A : vector<16xf32>
          %add3A_685 = arith.addf %add3A_684, %unpack3A_682 : vector<16xf32>
          %add3A_686 = arith.addf %while3A_661, %unpack3A_680 : vector<16xf32>
          %add3A_687 = arith.addf %add3A_686, %unpack3A_683 : vector<16xf32>
          scf.yield %add3A_685, %add3A_687 : vector<16xf32>, vector<16xf32>
        }
        %while3A_652 = arith.constant 1 : i32
        %while3A_653:2 = scf.for %while3A_659 = %while3A_649 to %while3A_645 step %while3A_652 iter_args(%while3A_660 = %while3A_651#0, %while3A_661 = %while3A_651#1) -> (vector<16xf32>, vector<16xf32>)  : i32 {
          %mul3A_662 = arith.constant 2 : i32
          %mul3A_663 = arith.muli %mul3A_662, %while3A_659 : i32
          %get3A = arith.index_cast %mul3A_663 : i32 to index
          %get3A_664 = arith.constant 0 : index
          %get3A_665 = tpu.vector_load %arg19[%get3A, %get3A_664] {strides = array<i32>} : memref<1664x32xbf16, #tpu.memory_space<vmem>>, vector<32xbf16>,
          %get3A_666 = arith.index_cast %mul3A_663 : i32 to index
          %get3A_667 = arith.constant 0 : index
          %get3A_668 = tpu.vector_load %arg20[%get3A_666, %get3A_667] {strides = array<i32>} : memref<1664x32xbf16, #tpu.memory_space<vmem>>, vector<32xbf16>,
          %add3A_669 = arith.constant 1 : i32
          %add3A_670 = arith.addi %mul3A_663, %add3A_669 : i32
          %get3A_671 = arith.index_cast %add3A_670 : i32 to index
          %get3A_672 = arith.constant 0 : index
          %get3A_673 = tpu.vector_load %arg19[%get3A_671, %get3A_672] {strides = array<i32>} : memref<1664x32xbf16, #tpu.memory_space<vmem>>, vector<32xbf16>,
          %add3A_674 = arith.constant 1 : i32
          %add3A_675 = arith.addi %mul3A_663, %add3A_674 : i32
          %get3A_676 = arith.index_cast %add3A_675 : i32 to index
          %get3A_677 = arith.constant 0 : index
          %get3A_678 = tpu.vector_load %arg20[%get3A_676, %get3A_677] {strides = array<i32>} : memref<1664x32xbf16, #tpu.memory_space<vmem>>, vector<32xbf16>,
          %mul3A_679 = arith.mulf %get3A_665, %get3A_668 : vector<32xbf16>
          %unpack3A = tpu.unpack_subelements %mul3A_679, 0 {pack_format = #tpu.pack_format<interleaved>} : vector<32xbf16> -> vector<16xf32>
          %unpack3A_680 = tpu.unpack_subelements %mul3A_679, 1 {pack_format = #tpu.pack_format<interleaved>} : vector<32xbf16> -> vector<16xf32>
          %mul3A_681 = arith.mulf %get3A_673, %get3A_678 : vector<32xbf16>
          %unpack3A_682 = tpu.unpack_subelements %mul3A_681, 0 {pack_format = #tpu.pack_format<interleaved>} : vector<32xbf16> -> vector<16xf32>
          %unpack3A_683 = tpu.unpack_subelements %mul3A_681, 1 {pack_format = #tpu.pack_format<interleaved>} : vector<32xbf16> -> vector<16xf32>
          %add3A_684 = arith.addf %while3A_660, %unpack3A : vector<16xf32>
          %add3A_685 = arith.addf %add3A_684, %unpack3A_682 : vector<16xf32>
          %add3A_686 = arith.addf %while3A_661, %unpack3A_680 : vector<16xf32>
          %add3A_687 = arith.addf %add3A_686, %unpack3A_683 : vector<16xf32>
          scf.yield %add3A_685, %add3A_687 : vector<16xf32>, vector<16xf32>
        }
        %swap3A = arith.index_cast %add3A_565 : i32 to index
        %swap3A_654 = arith.constant 0 : index
        %swap3A_655 = tpu.vector_load %arg26[%swap3A, %swap3A_654] {strides = array<i32>} : memref<8x32xf32, #tpu.memory_space<vmem>>, vector<16xf32>,
        tpu.vector_store %arg26[%swap3A, %swap3A_654], %while3A_653#0 {strides = array<i32>} : memref<8x32xf32, #tpu.memory_space<vmem>>, vector<16xf32>,
        %swap3A_656 = arith.index_cast %add3A_565 : i32 to index
        %swap3A_657 = arith.constant 16 : index
        %swap3A_658 = tpu.vector_load %arg26[%swap3A_656, %swap3A_657] {strides = array<i32>} : memref<8x32xf32, #tpu.memory_space<vmem>>, vector<16xf32>,
        tpu.vector_store %arg26[%swap3A_656, %swap3A_657], %while3A_653#1 {strides = array<i32>} : memref<8x32xf32, #tpu.memory_space<vmem>>, vector<16xf32>,
      }
      %scan3A_415 = arith.constant 8 : i32
      %mul3A_416 = arith.constant 8 : i32
      %mul3A_417 = arith.muli %add3A_164, %mul3A_416 : i32
      %add3A_418 = arith.addi %mul3A_2, %mul3A_417 : i32
      %dma_start3A_419 = arith.constant 0 : i32
      %dma_start3A_420 = tpu.memref_slice %arg8[%add3A_418, %dma_start3A_419] : memref<16384x32xf32, #tpu.memory_space<hbm>> -> memref<8x32xf32, #tpu.memory_space<hbm>>
      %dma_start3A_421 = arith.constant 0 : i32
      %dma_start3A_422 = tpu.memref_slice %arg8[%add3A_418, %dma_start3A_421] : memref<16384x32xf32, #tpu.memory_space<hbm>> -> memref<8x32xf32, #tpu.memory_space<hbm>>
      tpu.enqueue_dma source(%arg26 : memref<8x32xf32, #tpu.memory_space<vmem>>) target(%dma_start3A_422 : memref<8x32xf32, #tpu.memory_space<hbm>>) target_semaphore(%arg32 : memref<!tpu.dma_semaphore, #tpu.memory_space<semaphore_mem>>)
      %add3A_423 = arith.constant 2 : i32
      %add3A_424 = arith.addi %add3A_164, %add3A_423 : i32
      %lt3A_425 = arith.constant 64 : i32
      %lt3A_426 = arith.cmpi slt, %add3A_424, %lt3A_425 : i32
      %convert_element_type3A_427 = arith.extui %lt3A_426 : i1 to i32
      %cond3A_428 = arith.constant 0 : i32
      %cond3A_429 = arith.cmpi ne, %convert_element_type3A_427, %cond3A_428 : i32
      scf.if %cond3A_429 {
        %add3A_561 = arith.constant 2 : i32
        %add3A_562 = arith.addi %add3A_164, %add3A_561 : i32
        %mul3A_563 = arith.constant 200 : i32
        %mul3A_564 = arith.muli %mul3A_2, %mul3A_563 : i32
        %mul3A_565 = arith.constant 1600 : i32
        %mul3A_566 = arith.muli %add3A_562, %mul3A_565 : i32
        %add3A_567 = arith.addi %mul3A_564, %mul3A_566 : i32
        %dma_wait3A_568 = tpu.memref_slice %arg2[%add3A_567] : memref<3276800xi32, #tpu.memory_space<hbm>> -> memref<1600xi32, #tpu.memory_space<hbm>>
        %dma_wait3A_569 = tpu.memref_slice %arg2[%add3A_567] : memref<3276800xi32, #tpu.memory_space<hbm>> -> memref<1600xi32, #tpu.memory_space<hbm>>
        tpu.wait_dma2 semaphore(%arg28 : memref<!tpu.dma_semaphore, #tpu.memory_space<semaphore_mem>>) src(%dma_wait3A_569 : memref<1600xi32, #tpu.memory_space<hbm>>) dst(%arg9 : memref<1600xi32, #tpu.memory_space<vmem>>)
        %dma_wait3A_570 = tpu.memref_slice %arg3[%add3A_567] : memref<3276800xi32, #tpu.memory_space<hbm>> -> memref<1600xi32, #tpu.memory_space<hbm>>
        %dma_wait3A_571 = tpu.memref_slice %arg3[%add3A_567] : memref<3276800xi32, #tpu.memory_space<hbm>> -> memref<1600xi32, #tpu.memory_space<hbm>>
        tpu.wait_dma2 semaphore(%arg28 : memref<!tpu.dma_semaphore, #tpu.memory_space<semaphore_mem>>) src(%dma_wait3A_571 : memref<1600xi32, #tpu.memory_space<hbm>>) dst(%arg10 : memref<1600xi32, #tpu.memory_space<vmem>>)
        %dma_wait3A_572 = tpu.memref_slice %arg4[%add3A_567] : memref<3276800xi32, #tpu.memory_space<hbm>> -> memref<1600xi32, #tpu.memory_space<hbm>>
        %dma_wait3A_573 = tpu.memref_slice %arg4[%add3A_567] : memref<3276800xi32, #tpu.memory_space<hbm>> -> memref<1600xi32, #tpu.memory_space<hbm>>
        tpu.wait_dma2 semaphore(%arg28 : memref<!tpu.dma_semaphore, #tpu.memory_space<semaphore_mem>>) src(%dma_wait3A_573 : memref<1600xi32, #tpu.memory_space<hbm>>) dst(%arg11 : memref<1600xi32, #tpu.memory_space<vmem>>)
        %add3A_574 = arith.constant 2 : i32
        %add3A_575 = arith.addi %add3A_164, %add3A_574 : i32
        %broadcast_in_dim3A_576 = arith.constant 0 : i32
        %broadcast_in_dim3A_577 = vector.broadcast %broadcast_in_dim3A_576 : i32 to vector<16xi32>
        %scan3A_578 = arith.constant 0 : i32
        %scan3A_579 = arith.constant 8 : i32
        %scan3A_580 = arith.addi %scan3A_578, %scan3A_579 : i32
        %scan3A_581 = arith.constant 1 : i32
        %scan3A_582 = scf.for %scan3A_694 = %scan3A_578 to %scan3A_580 step %scan3A_581 iter_args(%scan3A_695 = %broadcast_in_dim3A_577) -> (vector<16xi32>)  : i32 {
          %broadcast_in_dim3A_696 = arith.constant 0 : i32
          %broadcast_in_dim3A_697 = vector.broadcast %broadcast_in_dim3A_696 : i32 to vector<16xi32>
          %add3A_698 = vector.broadcast %scan3A_694 : i32 to vector<16xi32>
          %add3A_699 = arith.addi %broadcast_in_dim3A_697, %add3A_698 : vector<16xi32>
          tpu.vector_store_idx %arg18[%add3A_699], %scan3A_695 masked %eq3A_4 : memref<16xi32, #tpu.memory_space<vmem>>[vector<16xi32>], vector<16xi32>, vector<16xi1>
          %mul3A_700 = arith.constant 8 : i32
          %mul3A_701 = arith.muli %add3A_575, %mul3A_700 : i32
          %add3A_702 = arith.addi %mul3A_701, %scan3A_694 : i32
          %broadcast_in_dim3A_703 = arith.constant 0 : i32
          %broadcast_in_dim3A_704 = vector.broadcast %broadcast_in_dim3A_703 : i32 to vector<16xi32>
          %add3A_705 = vector.broadcast %add3A_702 : i32 to vector<16xi32>
          %add3A_706 = arith.addi %broadcast_in_dim3A_704, %add3A_705 : vector<16xi32>
          %gather3A_707 = tpu.vector_load_idx %arg15[%add3A_706] : memref<512xi32, #tpu.memory_space<vmem>>[vector<16xi32>], vector<16xi32>,
          %mul3A_708 = arith.constant 200 : i32
          %mul3A_709 = arith.muli %scan3A_694, %mul3A_708 : i32
          %add3A_710 = arith.constant 0 : i32
          %add3A_711 = arith.addi %mul3A_709, %add3A_710 : i32
          %add3A_712 = arith.constant 0 : i32
          %add3A_713 = vector.broadcast %add3A_712 : i32 to vector<16xi32>
          %add3A_714 = arith.addi %iota3A, %add3A_713 : vector<16xi32>
          %get3A = arith.index_cast %add3A_711 : i32 to index
          %get3A_715 = tpu.vector_load %arg11[%get3A] {strides = array<i32>} : memref<1600xi32, #tpu.memory_space<vmem>>, vector<16xi32>,
          %lt3A_716 = arith.cmpi slt, %add3A_714, %gather3A_707 : vector<16xi32>
          %eq3A_717 = arith.constant 0 : i32
          %eq3A_718 = vector.broadcast %eq3A_717 : i32 to vector<16xi32>
          %eq3A_719 = arith.cmpi eq, %get3A_715, %eq3A_718 : vector<16xi32>
          %and3A_720 = arith.andi %lt3A_716, %eq3A_719 : vector<16xi1>
          %convert_element_type3A_721 = arith.extui %and3A_720 : vector<16xi1> to vector<16xi32>
          %broadcast_in_dim3A_722 = arith.constant true
          %broadcast_in_dim3A_723 = vector.broadcast %broadcast_in_dim3A_722 : i1 to vector<16xi1>
          %masked_cumsum3A = tpu.scan <sum>, %convert_element_type3A_721 masked %broadcast_in_dim3A_723 : vector<16xi32>, vector<16xi1> -> vector<16xi32>
          %add3A_724 = arith.addi %scan3A_695, %masked_cumsum3A : vector<16xi32>
          %sub3A_725 = arith.constant 1 : i32
          %sub3A_726 = vector.broadcast %sub3A_725 : i32 to vector<16xi32>
          %sub3A_727 = arith.subi %add3A_724, %sub3A_726 : vector<16xi32>
          %get3A_728 = arith.index_cast %add3A_711 : i32 to index
          %get3A_729 = tpu.vector_load %arg9[%get3A_728] {strides = array<i32>} : memref<1600xi32, #tpu.memory_space<vmem>>, vector<16xi32>,
          tpu.vector_store_idx %arg16[%sub3A_727], %get3A_729 masked %and3A_720 : memref<1664xi32, #tpu.memory_space<vmem>>[vector<16xi32>], vector<16xi32>, vector<16xi1>
          %get3A_730 = arith.index_cast %add3A_711 : i32 to index
          %get3A_731 = tpu.vector_load %arg10[%get3A_730] {strides = array<i32>} : memref<1600xi32, #tpu.memory_space<vmem>>, vector<16xi32>,
          tpu.vector_store_idx %arg17[%sub3A_727], %get3A_731 masked %and3A_720 : memref<1664xi32, #tpu.memory_space<vmem>>[vector<16xi32>], vector<16xi32>, vector<16xi1>
          %all_reduce_population_count3A = tpu.all_reduce %and3A_720 {dim = 0 : i64, kind = #tpu.reduction_kind<sum>} : vector<16xi1> -> vector<16xi32>
          %add3A_732 = arith.addi %scan3A_695, %all_reduce_population_count3A : vector<16xi32>
          %mul3A_733 = arith.constant 200 : i32
          %mul3A_734 = arith.muli %scan3A_694, %mul3A_733 : i32
          %add3A_735 = arith.constant 16 : i32
          %add3A_736 = arith.addi %mul3A_734, %add3A_735 : i32
          %add3A_737 = arith.constant 16 : i32
          %add3A_738 = vector.broadcast %add3A_737 : i32 to vector<16xi32>
          %add3A_739 = arith.addi %iota3A, %add3A_738 : vector<16xi32>
          %get3A_740 = arith.index_cast %add3A_736 : i32 to index
          %get3A_741 = tpu.vector_load %arg11[%get3A_740] {strides = array<i32>} : memref<1600xi32, #tpu.memory_space<vmem>>, vector<16xi32>,
          %lt3A_742 = arith.cmpi slt, %add3A_739, %gather3A_707 : vector<16xi32>
          %eq3A_743 = arith.constant 0 : i32
          %eq3A_744 = vector.broadcast %eq3A_743 : i32 to vector<16xi32>
          %eq3A_745 = arith.cmpi eq, %get3A_741, %eq3A_744 : vector<16xi32>
          %and3A_746 = arith.andi %lt3A_742, %eq3A_745 : vector<16xi1>
          %convert_element_type3A_747 = arith.extui %and3A_746 : vector<16xi1> to vector<16xi32>
          %broadcast_in_dim3A_748 = arith.constant true
          %broadcast_in_dim3A_749 = vector.broadcast %broadcast_in_dim3A_748 : i1 to vector<16xi1>
          %masked_cumsum3A_750 = tpu.scan <sum>, %convert_element_type3A_747 masked %broadcast_in_dim3A_749 : vector<16xi32>, vector<16xi1> -> vector<16xi32>
          %add3A_751 = arith.addi %add3A_732, %masked_cumsum3A_750 : vector<16xi32>
          %sub3A_752 = arith.constant 1 : i32
          %sub3A_753 = vector.broadcast %sub3A_752 : i32 to vector<16xi32>
          %sub3A_754 = arith.subi %add3A_751, %sub3A_753 : vector<16xi32>
          %get3A_755 = arith.index_cast %add3A_736 : i32 to index
          %get3A_756 = tpu.vector_load %arg9[%get3A_755] {strides = array<i32>} : memref<1600xi32, #tpu.memory_space<vmem>>, vector<16xi32>,
          tpu.vector_store_idx %arg16[%sub3A_754], %get3A_756 masked %and3A_746 : memref<1664xi32, #tpu.memory_space<vmem>>[vector<16xi32>], vector<16xi32>, vector<16xi1>
          %get3A_757 = arith.index_cast %add3A_736 : i32 to index
          %get3A_758 = tpu.vector_load %arg10[%get3A_757] {strides = array<i32>} : memref<1600xi32, #tpu.memory_space<vmem>>, vector<16xi32>,
          tpu.vector_store_idx %arg17[%sub3A_754], %get3A_758 masked %and3A_746 : memref<1664xi32, #tpu.memory_space<vmem>>[vector<16xi32>], vector<16xi32>, vector<16xi1>
          %all_reduce_population_count3A_759 = tpu.all_reduce %and3A_746 {dim = 0 : i64, kind = #tpu.reduction_kind<sum>} : vector<16xi1> -> vector<16xi32>
          %add3A_760 = arith.addi %add3A_732, %all_reduce_population_count3A_759 : vector<16xi32>
          %mul3A_761 = arith.constant 200 : i32
          %mul3A_762 = arith.muli %scan3A_694, %mul3A_761 : i32
          %add3A_763 = arith.constant 32 : i32
          %add3A_764 = arith.addi %mul3A_762, %add3A_763 : i32
          %add3A_765 = arith.constant 32 : i32
          %add3A_766 = vector.broadcast %add3A_765 : i32 to vector<16xi32>
          %add3A_767 = arith.addi %iota3A, %add3A_766 : vector<16xi32>
          %get3A_768 = arith.index_cast %add3A_764 : i32 to index
          %get3A_769 = tpu.vector_load %arg11[%get3A_768] {strides = array<i32>} : memref<1600xi32, #tpu.memory_space<vmem>>, vector<16xi32>,
          %lt3A_770 = arith.cmpi slt, %add3A_767, %gather3A_707 : vector<16xi32>
          %eq3A_771 = arith.constant 0 : i32
          %eq3A_772 = vector.broadcast %eq3A_771 : i32 to vector<16xi32>
          %eq3A_773 = arith.cmpi eq, %get3A_769, %eq3A_772 : vector<16xi32>
          %and3A_774 = arith.andi %lt3A_770, %eq3A_773 : vector<16xi1>
          %convert_element_type3A_775 = arith.extui %and3A_774 : vector<16xi1> to vector<16xi32>
          %broadcast_in_dim3A_776 = arith.constant true
          %broadcast_in_dim3A_777 = vector.broadcast %broadcast_in_dim3A_776 : i1 to vector<16xi1>
          %masked_cumsum3A_778 = tpu.scan <sum>, %convert_element_type3A_775 masked %broadcast_in_dim3A_777 : vector<16xi32>, vector<16xi1> -> vector<16xi32>
          %add3A_779 = arith.addi %add3A_760, %masked_cumsum3A_778 : vector<16xi32>
          %sub3A_780 = arith.constant 1 : i32
          %sub3A_781 = vector.broadcast %sub3A_780 : i32 to vector<16xi32>
          %sub3A_782 = arith.subi %add3A_779, %sub3A_781 : vector<16xi32>
          %get3A_783 = arith.index_cast %add3A_764 : i32 to index
          %get3A_784 = tpu.vector_load %arg9[%get3A_783] {strides = array<i32>} : memref<1600xi32, #tpu.memory_space<vmem>>, vector<16xi32>,
          tpu.vector_store_idx %arg16[%sub3A_782], %get3A_784 masked %and3A_774 : memref<1664xi32, #tpu.memory_space<vmem>>[vector<16xi32>], vector<16xi32>, vector<16xi1>
          %get3A_785 = arith.index_cast %add3A_764 : i32 to index
          %get3A_786 = tpu.vector_load %arg10[%get3A_785] {strides = array<i32>} : memref<1600xi32, #tpu.memory_space<vmem>>, vector<16xi32>,
          tpu.vector_store_idx %arg17[%sub3A_782], %get3A_786 masked %and3A_774 : memref<1664xi32, #tpu.memory_space<vmem>>[vector<16xi32>], vector<16xi32>, vector<16xi1>
          %all_reduce_population_count3A_787 = tpu.all_reduce %and3A_774 {dim = 0 : i64, kind = #tpu.reduction_kind<sum>} : vector<16xi1> -> vector<16xi32>
          %add3A_788 = arith.addi %add3A_760, %all_reduce_population_count3A_787 : vector<16xi32>
          %mul3A_789 = arith.constant 200 : i32
          %mul3A_790 = arith.muli %scan3A_694, %mul3A_789 : i32
          %add3A_791 = arith.constant 48 : i32
          %add3A_792 = arith.addi %mul3A_790, %add3A_791 : i32
          %add3A_793 = arith.constant 48 : i32
          %add3A_794 = vector.broadcast %add3A_793 : i32 to vector<16xi32>
          %add3A_795 = arith.addi %iota3A, %add3A_794 : vector<16xi32>
          %get3A_796 = arith.index_cast %add3A_792 : i32 to index
          %get3A_797 = tpu.vector_load %arg11[%get3A_796] {strides = array<i32>} : memref<1600xi32, #tpu.memory_space<vmem>>, vector<16xi32>,
          %lt3A_798 = arith.cmpi slt, %add3A_795, %gather3A_707 : vector<16xi32>
          %eq3A_799 = arith.constant 0 : i32
          %eq3A_800 = vector.broadcast %eq3A_799 : i32 to vector<16xi32>
          %eq3A_801 = arith.cmpi eq, %get3A_797, %eq3A_800 : vector<16xi32>
          %and3A_802 = arith.andi %lt3A_798, %eq3A_801 : vector<16xi1>
          %convert_element_type3A_803 = arith.extui %and3A_802 : vector<16xi1> to vector<16xi32>
          %broadcast_in_dim3A_804 = arith.constant true
          %broadcast_in_dim3A_805 = vector.broadcast %broadcast_in_dim3A_804 : i1 to vector<16xi1>
          %masked_cumsum3A_806 = tpu.scan <sum>, %convert_element_type3A_803 masked %broadcast_in_dim3A_805 : vector<16xi32>, vector<16xi1> -> vector<16xi32>
          %add3A_807 = arith.addi %add3A_788, %masked_cumsum3A_806 : vector<16xi32>
          %sub3A_808 = arith.constant 1 : i32
          %sub3A_809 = vector.broadcast %sub3A_808 : i32 to vector<16xi32>
          %sub3A_810 = arith.subi %add3A_807, %sub3A_809 : vector<16xi32>
          %get3A_811 = arith.index_cast %add3A_792 : i32 to index
          %get3A_812 = tpu.vector_load %arg9[%get3A_811] {strides = array<i32>} : memref<1600xi32, #tpu.memory_space<vmem>>, vector<16xi32>,
          tpu.vector_store_idx %arg16[%sub3A_810], %get3A_812 masked %and3A_802 : memref<1664xi32, #tpu.memory_space<vmem>>[vector<16xi32>], vector<16xi32>, vector<16xi1>
          %get3A_813 = arith.index_cast %add3A_792 : i32 to index
          %get3A_814 = tpu.vector_load %arg10[%get3A_813] {strides = array<i32>} : memref<1600xi32, #tpu.memory_space<vmem>>, vector<16xi32>,
          tpu.vector_store_idx %arg17[%sub3A_810], %get3A_814 masked %and3A_802 : memref<1664xi32, #tpu.memory_space<vmem>>[vector<16xi32>], vector<16xi32>, vector<16xi1>
          %all_reduce_population_count3A_815 = tpu.all_reduce %and3A_802 {dim = 0 : i64, kind = #tpu.reduction_kind<sum>} : vector<16xi1> -> vector<16xi32>
          %add3A_816 = arith.addi %add3A_788, %all_reduce_population_count3A_815 : vector<16xi32>
          %mul3A_817 = arith.constant 200 : i32
          %mul3A_818 = arith.muli %scan3A_694, %mul3A_817 : i32
          %add3A_819 = arith.constant 64 : i32
          %add3A_820 = arith.addi %mul3A_818, %add3A_819 : i32
          %add3A_821 = arith.constant 64 : i32
          %add3A_822 = vector.broadcast %add3A_821 : i32 to vector<16xi32>
          %add3A_823 = arith.addi %iota3A, %add3A_822 : vector<16xi32>
          %get3A_824 = arith.index_cast %add3A_820 : i32 to index
          %get3A_825 = tpu.vector_load %arg11[%get3A_824] {strides = array<i32>} : memref<1600xi32, #tpu.memory_space<vmem>>, vector<16xi32>,
          %lt3A_826 = arith.cmpi slt, %add3A_823, %gather3A_707 : vector<16xi32>
          %eq3A_827 = arith.constant 0 : i32
          %eq3A_828 = vector.broadcast %eq3A_827 : i32 to vector<16xi32>
          %eq3A_829 = arith.cmpi eq, %get3A_825, %eq3A_828 : vector<16xi32>
          %and3A_830 = arith.andi %lt3A_826, %eq3A_829 : vector<16xi1>
          %convert_element_type3A_831 = arith.extui %and3A_830 : vector<16xi1> to vector<16xi32>
          %broadcast_in_dim3A_832 = arith.constant true
          %broadcast_in_dim3A_833 = vector.broadcast %broadcast_in_dim3A_832 : i1 to vector<16xi1>
          %masked_cumsum3A_834 = tpu.scan <sum>, %convert_element_type3A_831 masked %broadcast_in_dim3A_833 : vector<16xi32>, vector<16xi1> -> vector<16xi32>
          %add3A_835 = arith.addi %add3A_816, %masked_cumsum3A_834 : vector<16xi32>
          %sub3A_836 = arith.constant 1 : i32
          %sub3A_837 = vector.broadcast %sub3A_836 : i32 to vector<16xi32>
          %sub3A_838 = arith.subi %add3A_835, %sub3A_837 : vector<16xi32>
          %get3A_839 = arith.index_cast %add3A_820 : i32 to index
          %get3A_840 = tpu.vector_load %arg9[%get3A_839] {strides = array<i32>} : memref<1600xi32, #tpu.memory_space<vmem>>, vector<16xi32>,
          tpu.vector_store_idx %arg16[%sub3A_838], %get3A_840 masked %and3A_830 : memref<1664xi32, #tpu.memory_space<vmem>>[vector<16xi32>], vector<16xi32>, vector<16xi1>
          %get3A_841 = arith.index_cast %add3A_820 : i32 to index
          %get3A_842 = tpu.vector_load %arg10[%get3A_841] {strides = array<i32>} : memref<1600xi32, #tpu.memory_space<vmem>>, vector<16xi32>,
          tpu.vector_store_idx %arg17[%sub3A_838], %get3A_842 masked %and3A_830 : memref<1664xi32, #tpu.memory_space<vmem>>[vector<16xi32>], vector<16xi32>, vector<16xi1>
          %all_reduce_population_count3A_843 = tpu.all_reduce %and3A_830 {dim = 0 : i64, kind = #tpu.reduction_kind<sum>} : vector<16xi1> -> vector<16xi32>
          %add3A_844 = arith.addi %add3A_816, %all_reduce_population_count3A_843 : vector<16xi32>
          %mul3A_845 = arith.constant 200 : i32
          %mul3A_846 = arith.muli %scan3A_694, %mul3A_845 : i32
          %add3A_847 = arith.constant 80 : i32
          %add3A_848 = arith.addi %mul3A_846, %add3A_847 : i32
          %add3A_849 = arith.constant 80 : i32
          %add3A_850 = vector.broadcast %add3A_849 : i32 to vector<16xi32>
          %add3A_851 = arith.addi %iota3A, %add3A_850 : vector<16xi32>
          %get3A_852 = arith.index_cast %add3A_848 : i32 to index
          %get3A_853 = tpu.vector_load %arg11[%get3A_852] {strides = array<i32>} : memref<1600xi32, #tpu.memory_space<vmem>>, vector<16xi32>,
          %lt3A_854 = arith.cmpi slt, %add3A_851, %gather3A_707 : vector<16xi32>
          %eq3A_855 = arith.constant 0 : i32
          %eq3A_856 = vector.broadcast %eq3A_855 : i32 to vector<16xi32>
          %eq3A_857 = arith.cmpi eq, %get3A_853, %eq3A_856 : vector<16xi32>
          %and3A_858 = arith.andi %lt3A_854, %eq3A_857 : vector<16xi1>
          %convert_element_type3A_859 = arith.extui %and3A_858 : vector<16xi1> to vector<16xi32>
          %broadcast_in_dim3A_860 = arith.constant true
          %broadcast_in_dim3A_861 = vector.broadcast %broadcast_in_dim3A_860 : i1 to vector<16xi1>
          %masked_cumsum3A_862 = tpu.scan <sum>, %convert_element_type3A_859 masked %broadcast_in_dim3A_861 : vector<16xi32>, vector<16xi1> -> vector<16xi32>
          %add3A_863 = arith.addi %add3A_844, %masked_cumsum3A_862 : vector<16xi32>
          %sub3A_864 = arith.constant 1 : i32
          %sub3A_865 = vector.broadcast %sub3A_864 : i32 to vector<16xi32>
          %sub3A_866 = arith.subi %add3A_863, %sub3A_865 : vector<16xi32>
          %get3A_867 = arith.index_cast %add3A_848 : i32 to index
          %get3A_868 = tpu.vector_load %arg9[%get3A_867] {strides = array<i32>} : memref<1600xi32, #tpu.memory_space<vmem>>, vector<16xi32>,
          tpu.vector_store_idx %arg16[%sub3A_866], %get3A_868 masked %and3A_858 : memref<1664xi32, #tpu.memory_space<vmem>>[vector<16xi32>], vector<16xi32>, vector<16xi1>
          %get3A_869 = arith.index_cast %add3A_848 : i32 to index
          %get3A_870 = tpu.vector_load %arg10[%get3A_869] {strides = array<i32>} : memref<1600xi32, #tpu.memory_space<vmem>>, vector<16xi32>,
          tpu.vector_store_idx %arg17[%sub3A_866], %get3A_870 masked %and3A_858 : memref<1664xi32, #tpu.memory_space<vmem>>[vector<16xi32>], vector<16xi32>, vector<16xi1>
          %all_reduce_population_count3A_871 = tpu.all_reduce %and3A_858 {dim = 0 : i64, kind = #tpu.reduction_kind<sum>} : vector<16xi1> -> vector<16xi32>
          %add3A_872 = arith.addi %add3A_844, %all_reduce_population_count3A_871 : vector<16xi32>
          %mul3A_873 = arith.constant 200 : i32
          %mul3A_874 = arith.muli %scan3A_694, %mul3A_873 : i32
          %add3A_875 = arith.constant 96 : i32
          %add3A_876 = arith.addi %mul3A_874, %add3A_875 : i32
          %add3A_877 = arith.constant 96 : i32
          %add3A_878 = vector.broadcast %add3A_877 : i32 to vector<16xi32>
          %add3A_879 = arith.addi %iota3A, %add3A_878 : vector<16xi32>
          %get3A_880 = arith.index_cast %add3A_876 : i32 to index
          %get3A_881 = tpu.vector_load %arg11[%get3A_880] {strides = array<i32>} : memref<1600xi32, #tpu.memory_space<vmem>>, vector<16xi32>,
          %lt3A_882 = arith.cmpi slt, %add3A_879, %gather3A_707 : vector<16xi32>
          %eq3A_883 = arith.constant 0 : i32
          %eq3A_884 = vector.broadcast %eq3A_883 : i32 to vector<16xi32>
          %eq3A_885 = arith.cmpi eq, %get3A_881, %eq3A_884 : vector<16xi32>
          %and3A_886 = arith.andi %lt3A_882, %eq3A_885 : vector<16xi1>
          %convert_element_type3A_887 = arith.extui %and3A_886 : vector<16xi1> to vector<16xi32>
          %broadcast_in_dim3A_888 = arith.constant true
          %broadcast_in_dim3A_889 = vector.broadcast %broadcast_in_dim3A_888 : i1 to vector<16xi1>
          %masked_cumsum3A_890 = tpu.scan <sum>, %convert_element_type3A_887 masked %broadcast_in_dim3A_889 : vector<16xi32>, vector<16xi1> -> vector<16xi32>
          %add3A_891 = arith.addi %add3A_872, %masked_cumsum3A_890 : vector<16xi32>
          %sub3A_892 = arith.constant 1 : i32
          %sub3A_893 = vector.broadcast %sub3A_892 : i32 to vector<16xi32>
          %sub3A_894 = arith.subi %add3A_891, %sub3A_893 : vector<16xi32>
          %get3A_895 = arith.index_cast %add3A_876 : i32 to index
          %get3A_896 = tpu.vector_load %arg9[%get3A_895] {strides = array<i32>} : memref<1600xi32, #tpu.memory_space<vmem>>, vector<16xi32>,
          tpu.vector_store_idx %arg16[%sub3A_894], %get3A_896 masked %and3A_886 : memref<1664xi32, #tpu.memory_space<vmem>>[vector<16xi32>], vector<16xi32>, vector<16xi1>
          %get3A_897 = arith.index_cast %add3A_876 : i32 to index
          %get3A_898 = tpu.vector_load %arg10[%get3A_897] {strides = array<i32>} : memref<1600xi32, #tpu.memory_space<vmem>>, vector<16xi32>,
          tpu.vector_store_idx %arg17[%sub3A_894], %get3A_898 masked %and3A_886 : memref<1664xi32, #tpu.memory_space<vmem>>[vector<16xi32>], vector<16xi32>, vector<16xi1>
          %all_reduce_population_count3A_899 = tpu.all_reduce %and3A_886 {dim = 0 : i64, kind = #tpu.reduction_kind<sum>} : vector<16xi1> -> vector<16xi32>
          %add3A_900 = arith.addi %add3A_872, %all_reduce_population_count3A_899 : vector<16xi32>
          %mul3A_901 = arith.constant 200 : i32
          %mul3A_902 = arith.muli %scan3A_694, %mul3A_901 : i32
          %add3A_903 = arith.constant 112 : i32
          %add3A_904 = arith.addi %mul3A_902, %add3A_903 : i32
          %add3A_905 = arith.constant 112 : i32
          %add3A_906 = vector.broadcast %add3A_905 : i32 to vector<16xi32>
          %add3A_907 = arith.addi %iota3A, %add3A_906 : vector<16xi32>
          %get3A_908 = arith.index_cast %add3A_904 : i32 to index
          %get3A_909 = tpu.vector_load %arg11[%get3A_908] {strides = array<i32>} : memref<1600xi32, #tpu.memory_space<vmem>>, vector<16xi32>,
          %lt3A_910 = arith.cmpi slt, %add3A_907, %gather3A_707 : vector<16xi32>
          %eq3A_911 = arith.constant 0 : i32
          %eq3A_912 = vector.broadcast %eq3A_911 : i32 to vector<16xi32>
          %eq3A_913 = arith.cmpi eq, %get3A_909, %eq3A_912 : vector<16xi32>
          %and3A_914 = arith.andi %lt3A_910, %eq3A_913 : vector<16xi1>
          %convert_element_type3A_915 = arith.extui %and3A_914 : vector<16xi1> to vector<16xi32>
          %broadcast_in_dim3A_916 = arith.constant true
          %broadcast_in_dim3A_917 = vector.broadcast %broadcast_in_dim3A_916 : i1 to vector<16xi1>
          %masked_cumsum3A_918 = tpu.scan <sum>, %convert_element_type3A_915 masked %broadcast_in_dim3A_917 : vector<16xi32>, vector<16xi1> -> vector<16xi32>
          %add3A_919 = arith.addi %add3A_900, %masked_cumsum3A_918 : vector<16xi32>
          %sub3A_920 = arith.constant 1 : i32
          %sub3A_921 = vector.broadcast %sub3A_920 : i32 to vector<16xi32>
          %sub3A_922 = arith.subi %add3A_919, %sub3A_921 : vector<16xi32>
          %get3A_923 = arith.index_cast %add3A_904 : i32 to index
          %get3A_924 = tpu.vector_load %arg9[%get3A_923] {strides = array<i32>} : memref<1600xi32, #tpu.memory_space<vmem>>, vector<16xi32>,
          tpu.vector_store_idx %arg16[%sub3A_922], %get3A_924 masked %and3A_914 : memref<1664xi32, #tpu.memory_space<vmem>>[vector<16xi32>], vector<16xi32>, vector<16xi1>
          %get3A_925 = arith.index_cast %add3A_904 : i32 to index
          %get3A_926 = tpu.vector_load %arg10[%get3A_925] {strides = array<i32>} : memref<1600xi32, #tpu.memory_space<vmem>>, vector<16xi32>,
          tpu.vector_store_idx %arg17[%sub3A_922], %get3A_926 masked %and3A_914 : memref<1664xi32, #tpu.memory_space<vmem>>[vector<16xi32>], vector<16xi32>, vector<16xi1>
          %all_reduce_population_count3A_927 = tpu.all_reduce %and3A_914 {dim = 0 : i64, kind = #tpu.reduction_kind<sum>} : vector<16xi1> -> vector<16xi32>
          %add3A_928 = arith.addi %add3A_900, %all_reduce_population_count3A_927 : vector<16xi32>
          %mul3A_929 = arith.constant 200 : i32
          %mul3A_930 = arith.muli %scan3A_694, %mul3A_929 : i32
          %add3A_931 = arith.constant 128 : i32
          %add3A_932 = arith.addi %mul3A_930, %add3A_931 : i32
          %add3A_933 = arith.constant 128 : i32
          %add3A_934 = vector.broadcast %add3A_933 : i32 to vector<16xi32>
          %add3A_935 = arith.addi %iota3A, %add3A_934 : vector<16xi32>
          %get3A_936 = arith.index_cast %add3A_932 : i32 to index
          %get3A_937 = tpu.vector_load %arg11[%get3A_936] {strides = array<i32>} : memref<1600xi32, #tpu.memory_space<vmem>>, vector<16xi32>,
          %lt3A_938 = arith.cmpi slt, %add3A_935, %gather3A_707 : vector<16xi32>
          %eq3A_939 = arith.constant 0 : i32
          %eq3A_940 = vector.broadcast %eq3A_939 : i32 to vector<16xi32>
          %eq3A_941 = arith.cmpi eq, %get3A_937, %eq3A_940 : vector<16xi32>
          %and3A_942 = arith.andi %lt3A_938, %eq3A_941 : vector<16xi1>
          %convert_element_type3A_943 = arith.extui %and3A_942 : vector<16xi1> to vector<16xi32>
          %broadcast_in_dim3A_944 = arith.constant true
          %broadcast_in_dim3A_945 = vector.broadcast %broadcast_in_dim3A_944 : i1 to vector<16xi1>
          %masked_cumsum3A_946 = tpu.scan <sum>, %convert_element_type3A_943 masked %broadcast_in_dim3A_945 : vector<16xi32>, vector<16xi1> -> vector<16xi32>
          %add3A_947 = arith.addi %add3A_928, %masked_cumsum3A_946 : vector<16xi32>
          %sub3A_948 = arith.constant 1 : i32
          %sub3A_949 = vector.broadcast %sub3A_948 : i32 to vector<16xi32>
          %sub3A_950 = arith.subi %add3A_947, %sub3A_949 : vector<16xi32>
          %get3A_951 = arith.index_cast %add3A_932 : i32 to index
          %get3A_952 = tpu.vector_load %arg9[%get3A_951] {strides = array<i32>} : memref<1600xi32, #tpu.memory_space<vmem>>, vector<16xi32>,
          tpu.vector_store_idx %arg16[%sub3A_950], %get3A_952 masked %and3A_942 : memref<1664xi32, #tpu.memory_space<vmem>>[vector<16xi32>], vector<16xi32>, vector<16xi1>
          %get3A_953 = arith.index_cast %add3A_932 : i32 to index
          %get3A_954 = tpu.vector_load %arg10[%get3A_953] {strides = array<i32>} : memref<1600xi32, #tpu.memory_space<vmem>>, vector<16xi32>,
          tpu.vector_store_idx %arg17[%sub3A_950], %get3A_954 masked %and3A_942 : memref<1664xi32, #tpu.memory_space<vmem>>[vector<16xi32>], vector<16xi32>, vector<16xi1>
          %all_reduce_population_count3A_955 = tpu.all_reduce %and3A_942 {dim = 0 : i64, kind = #tpu.reduction_kind<sum>} : vector<16xi1> -> vector<16xi32>
          %add3A_956 = arith.addi %add3A_928, %all_reduce_population_count3A_955 : vector<16xi32>
          %mul3A_957 = arith.constant 200 : i32
          %mul3A_958 = arith.muli %scan3A_694, %mul3A_957 : i32
          %add3A_959 = arith.constant 144 : i32
          %add3A_960 = arith.addi %mul3A_958, %add3A_959 : i32
          %add3A_961 = arith.constant 144 : i32
          %add3A_962 = vector.broadcast %add3A_961 : i32 to vector<16xi32>
          %add3A_963 = arith.addi %iota3A, %add3A_962 : vector<16xi32>
          %get3A_964 = arith.index_cast %add3A_960 : i32 to index
          %get3A_965 = tpu.vector_load %arg11[%get3A_964] {strides = array<i32>} : memref<1600xi32, #tpu.memory_space<vmem>>, vector<16xi32>,
          %lt3A_966 = arith.cmpi slt, %add3A_963, %gather3A_707 : vector<16xi32>
          %eq3A_967 = arith.constant 0 : i32
          %eq3A_968 = vector.broadcast %eq3A_967 : i32 to vector<16xi32>
          %eq3A_969 = arith.cmpi eq, %get3A_965, %eq3A_968 : vector<16xi32>
          %and3A_970 = arith.andi %lt3A_966, %eq3A_969 : vector<16xi1>
          %convert_element_type3A_971 = arith.extui %and3A_970 : vector<16xi1> to vector<16xi32>
          %broadcast_in_dim3A_972 = arith.constant true
          %broadcast_in_dim3A_973 = vector.broadcast %broadcast_in_dim3A_972 : i1 to vector<16xi1>
          %masked_cumsum3A_974 = tpu.scan <sum>, %convert_element_type3A_971 masked %broadcast_in_dim3A_973 : vector<16xi32>, vector<16xi1> -> vector<16xi32>
          %add3A_975 = arith.addi %add3A_956, %masked_cumsum3A_974 : vector<16xi32>
          %sub3A_976 = arith.constant 1 : i32
          %sub3A_977 = vector.broadcast %sub3A_976 : i32 to vector<16xi32>
          %sub3A_978 = arith.subi %add3A_975, %sub3A_977 : vector<16xi32>
          %get3A_979 = arith.index_cast %add3A_960 : i32 to index
          %get3A_980 = tpu.vector_load %arg9[%get3A_979] {strides = array<i32>} : memref<1600xi32, #tpu.memory_space<vmem>>, vector<16xi32>,
          tpu.vector_store_idx %arg16[%sub3A_978], %get3A_980 masked %and3A_970 : memref<1664xi32, #tpu.memory_space<vmem>>[vector<16xi32>], vector<16xi32>, vector<16xi1>
          %get3A_981 = arith.index_cast %add3A_960 : i32 to index
          %get3A_982 = tpu.vector_load %arg10[%get3A_981] {strides = array<i32>} : memref<1600xi32, #tpu.memory_space<vmem>>, vector<16xi32>,
          tpu.vector_store_idx %arg17[%sub3A_978], %get3A_982 masked %and3A_970 : memref<1664xi32, #tpu.memory_space<vmem>>[vector<16xi32>], vector<16xi32>, vector<16xi1>
          %all_reduce_population_count3A_983 = tpu.all_reduce %and3A_970 {dim = 0 : i64, kind = #tpu.reduction_kind<sum>} : vector<16xi1> -> vector<16xi32>
          %add3A_984 = arith.addi %add3A_956, %all_reduce_population_count3A_983 : vector<16xi32>
          %mul3A_985 = arith.constant 200 : i32
          %mul3A_986 = arith.muli %scan3A_694, %mul3A_985 : i32
          %add3A_987 = arith.constant 160 : i32
          %add3A_988 = arith.addi %mul3A_986, %add3A_987 : i32
          %add3A_989 = arith.constant 160 : i32
          %add3A_990 = vector.broadcast %add3A_989 : i32 to vector<16xi32>
          %add3A_991 = arith.addi %iota3A, %add3A_990 : vector<16xi32>
          %get3A_992 = arith.index_cast %add3A_988 : i32 to index
          %get3A_993 = tpu.vector_load %arg11[%get3A_992] {strides = array<i32>} : memref<1600xi32, #tpu.memory_space<vmem>>, vector<16xi32>,
          %lt3A_994 = arith.cmpi slt, %add3A_991, %gather3A_707 : vector<16xi32>
          %eq3A_995 = arith.constant 0 : i32
          %eq3A_996 = vector.broadcast %eq3A_995 : i32 to vector<16xi32>
          %eq3A_997 = arith.cmpi eq, %get3A_993, %eq3A_996 : vector<16xi32>
          %and3A_998 = arith.andi %lt3A_994, %eq3A_997 : vector<16xi1>
          %convert_element_type3A_999 = arith.extui %and3A_998 : vector<16xi1> to vector<16xi32>
          %broadcast_in_dim3A_1000 = arith.constant true
          %broadcast_in_dim3A_1001 = vector.broadcast %broadcast_in_dim3A_1000 : i1 to vector<16xi1>
          %masked_cumsum3A_1002 = tpu.scan <sum>, %convert_element_type3A_999 masked %broadcast_in_dim3A_1001 : vector<16xi32>, vector<16xi1> -> vector<16xi32>
          %add3A_1003 = arith.addi %add3A_984, %masked_cumsum3A_1002 : vector<16xi32>
          %sub3A_1004 = arith.constant 1 : i32
          %sub3A_1005 = vector.broadcast %sub3A_1004 : i32 to vector<16xi32>
          %sub3A_1006 = arith.subi %add3A_1003, %sub3A_1005 : vector<16xi32>
          %get3A_1007 = arith.index_cast %add3A_988 : i32 to index
          %get3A_1008 = tpu.vector_load %arg9[%get3A_1007] {strides = array<i32>} : memref<1600xi32, #tpu.memory_space<vmem>>, vector<16xi32>,
          tpu.vector_store_idx %arg16[%sub3A_1006], %get3A_1008 masked %and3A_998 : memref<1664xi32, #tpu.memory_space<vmem>>[vector<16xi32>], vector<16xi32>, vector<16xi1>
          %get3A_1009 = arith.index_cast %add3A_988 : i32 to index
          %get3A_1010 = tpu.vector_load %arg10[%get3A_1009] {strides = array<i32>} : memref<1600xi32, #tpu.memory_space<vmem>>, vector<16xi32>,
          tpu.vector_store_idx %arg17[%sub3A_1006], %get3A_1010 masked %and3A_998 : memref<1664xi32, #tpu.memory_space<vmem>>[vector<16xi32>], vector<16xi32>, vector<16xi1>
          %all_reduce_population_count3A_1011 = tpu.all_reduce %and3A_998 {dim = 0 : i64, kind = #tpu.reduction_kind<sum>} : vector<16xi1> -> vector<16xi32>
          %add3A_1012 = arith.addi %add3A_984, %all_reduce_population_count3A_1011 : vector<16xi32>
          %mul3A_1013 = arith.constant 200 : i32
          %mul3A_1014 = arith.muli %scan3A_694, %mul3A_1013 : i32
          %add3A_1015 = arith.constant 176 : i32
          %add3A_1016 = arith.addi %mul3A_1014, %add3A_1015 : i32
          %add3A_1017 = arith.constant 176 : i32
          %add3A_1018 = vector.broadcast %add3A_1017 : i32 to vector<16xi32>
          %add3A_1019 = arith.addi %iota3A, %add3A_1018 : vector<16xi32>
          %get3A_1020 = arith.index_cast %add3A_1016 : i32 to index
          %get3A_1021 = tpu.vector_load %arg11[%get3A_1020] {strides = array<i32>} : memref<1600xi32, #tpu.memory_space<vmem>>, vector<16xi32>,
          %lt3A_1022 = arith.cmpi slt, %add3A_1019, %gather3A_707 : vector<16xi32>
          %eq3A_1023 = arith.constant 0 : i32
          %eq3A_1024 = vector.broadcast %eq3A_1023 : i32 to vector<16xi32>
          %eq3A_1025 = arith.cmpi eq, %get3A_1021, %eq3A_1024 : vector<16xi32>
          %and3A_1026 = arith.andi %lt3A_1022, %eq3A_1025 : vector<16xi1>
          %convert_element_type3A_1027 = arith.extui %and3A_1026 : vector<16xi1> to vector<16xi32>
          %broadcast_in_dim3A_1028 = arith.constant true
          %broadcast_in_dim3A_1029 = vector.broadcast %broadcast_in_dim3A_1028 : i1 to vector<16xi1>
          %masked_cumsum3A_1030 = tpu.scan <sum>, %convert_element_type3A_1027 masked %broadcast_in_dim3A_1029 : vector<16xi32>, vector<16xi1> -> vector<16xi32>
          %add3A_1031 = arith.addi %add3A_1012, %masked_cumsum3A_1030 : vector<16xi32>
          %sub3A_1032 = arith.constant 1 : i32
          %sub3A_1033 = vector.broadcast %sub3A_1032 : i32 to vector<16xi32>
          %sub3A_1034 = arith.subi %add3A_1031, %sub3A_1033 : vector<16xi32>
          %get3A_1035 = arith.index_cast %add3A_1016 : i32 to index
          %get3A_1036 = tpu.vector_load %arg9[%get3A_1035] {strides = array<i32>} : memref<1600xi32, #tpu.memory_space<vmem>>, vector<16xi32>,
          tpu.vector_store_idx %arg16[%sub3A_1034], %get3A_1036 masked %and3A_1026 : memref<1664xi32, #tpu.memory_space<vmem>>[vector<16xi32>], vector<16xi32>, vector<16xi1>
          %get3A_1037 = arith.index_cast %add3A_1016 : i32 to index
          %get3A_1038 = tpu.vector_load %arg10[%get3A_1037] {strides = array<i32>} : memref<1600xi32, #tpu.memory_space<vmem>>, vector<16xi32>,
          tpu.vector_store_idx %arg17[%sub3A_1034], %get3A_1038 masked %and3A_1026 : memref<1664xi32, #tpu.memory_space<vmem>>[vector<16xi32>], vector<16xi32>, vector<16xi1>
          %all_reduce_population_count3A_1039 = tpu.all_reduce %and3A_1026 {dim = 0 : i64, kind = #tpu.reduction_kind<sum>} : vector<16xi1> -> vector<16xi32>
          %add3A_1040 = arith.addi %add3A_1012, %all_reduce_population_count3A_1039 : vector<16xi32>
          %mul3A_1041 = arith.constant 200 : i32
          %mul3A_1042 = arith.muli %scan3A_694, %mul3A_1041 : i32
          %add3A_1043 = arith.constant 192 : i32
          %add3A_1044 = arith.addi %mul3A_1042, %add3A_1043 : i32
          %add3A_1045 = arith.constant 192 : i32
          %add3A_1046 = vector.broadcast %add3A_1045 : i32 to vector<16xi32>
          %add3A_1047 = arith.addi %iota3A, %add3A_1046 : vector<16xi32>
          %get3A_1048 = arith.index_cast %add3A_1044 : i32 to index
          %get3A_1049 = tpu.vector_load %arg11[%get3A_1048] {strides = array<i32>} : memref<1600xi32, #tpu.memory_space<vmem>>, vector<16xi32>,
          %lt3A_1050 = arith.cmpi slt, %add3A_1047, %gather3A_707 : vector<16xi32>
          %eq3A_1051 = arith.constant 0 : i32
          %eq3A_1052 = vector.broadcast %eq3A_1051 : i32 to vector<16xi32>
          %eq3A_1053 = arith.cmpi eq, %get3A_1049, %eq3A_1052 : vector<16xi32>
          %and3A_1054 = arith.andi %lt3A_1050, %eq3A_1053 : vector<16xi1>
          %lt3A_1055 = arith.constant 8 : i32
          %lt3A_1056 = vector.broadcast %lt3A_1055 : i32 to vector<16xi32>
          %lt3A_1057 = arith.cmpi slt, %iota3A, %lt3A_1056 : vector<16xi32>
          %and3A_1058 = arith.andi %and3A_1054, %lt3A_1057 : vector<16xi1>
          %convert_element_type3A_1059 = arith.extui %and3A_1058 : vector<16xi1> to vector<16xi32>
          %broadcast_in_dim3A_1060 = arith.constant true
          %broadcast_in_dim3A_1061 = vector.broadcast %broadcast_in_dim3A_1060 : i1 to vector<16xi1>
          %masked_cumsum3A_1062 = tpu.scan <sum>, %convert_element_type3A_1059 masked %broadcast_in_dim3A_1061 : vector<16xi32>, vector<16xi1> -> vector<16xi32>
          %add3A_1063 = arith.addi %add3A_1040, %masked_cumsum3A_1062 : vector<16xi32>
          %sub3A_1064 = arith.constant 1 : i32
          %sub3A_1065 = vector.broadcast %sub3A_1064 : i32 to vector<16xi32>
          %sub3A_1066 = arith.subi %add3A_1063, %sub3A_1065 : vector<16xi32>
          %get3A_1067 = arith.index_cast %add3A_1044 : i32 to index
          %get3A_1068 = tpu.vector_load %arg9[%get3A_1067] {strides = array<i32>} : memref<1600xi32, #tpu.memory_space<vmem>>, vector<16xi32>,
          tpu.vector_store_idx %arg16[%sub3A_1066], %get3A_1068 masked %and3A_1058 : memref<1664xi32, #tpu.memory_space<vmem>>[vector<16xi32>], vector<16xi32>, vector<16xi1>
          %get3A_1069 = arith.index_cast %add3A_1044 : i32 to index
          %get3A_1070 = tpu.vector_load %arg10[%get3A_1069] {strides = array<i32>} : memref<1600xi32, #tpu.memory_space<vmem>>, vector<16xi32>,
          tpu.vector_store_idx %arg17[%sub3A_1066], %get3A_1070 masked %and3A_1058 : memref<1664xi32, #tpu.memory_space<vmem>>[vector<16xi32>], vector<16xi32>, vector<16xi1>
          %all_reduce_population_count3A_1071 = tpu.all_reduce %and3A_1058 {dim = 0 : i64, kind = #tpu.reduction_kind<sum>} : vector<16xi1> -> vector<16xi32>
          %add3A_1072 = arith.addi %add3A_1040, %all_reduce_population_count3A_1071 : vector<16xi32>
          %and3A_1073 = arith.constant 1 : i32
          %and3A_1074 = vector.broadcast %and3A_1073 : i32 to vector<16xi32>
          %and3A_1075 = arith.andi %add3A_1072, %and3A_1074 : vector<16xi32>
          %eq3A_1076 = arith.constant 1 : i32
          %eq3A_1077 = vector.broadcast %eq3A_1076 : i32 to vector<16xi32>
          %eq3A_1078 = arith.cmpi eq, %and3A_1075, %eq3A_1077 : vector<16xi32>
          %and3A_1079 = arith.andi %eq3A_4, %eq3A_1078 : vector<16xi1>
          %broadcast_in_dim3A_1080 = arith.constant 0 : i32
          %broadcast_in_dim3A_1081 = vector.broadcast %broadcast_in_dim3A_1080 : i32 to vector<16xi32>
          %add3A_1082 = arith.constant 100000 : i32
          %add3A_1083 = vector.broadcast %add3A_1082 : i32 to vector<16xi32>
          %add3A_1084 = arith.addi %broadcast_in_dim3A_1081, %add3A_1083 : vector<16xi32>
          tpu.vector_store_idx %arg16[%add3A_1072], %add3A_1084 masked %and3A_1079 : memref<1664xi32, #tpu.memory_space<vmem>>[vector<16xi32>], vector<16xi32>, vector<16xi1>
          %broadcast_in_dim3A_1085 = arith.constant 0 : i32
          %broadcast_in_dim3A_1086 = vector.broadcast %broadcast_in_dim3A_1085 : i32 to vector<16xi32>
          %add3A_1087 = arith.constant 0 : i32
          %add3A_1088 = vector.broadcast %add3A_1087 : i32 to vector<16xi32>
          %add3A_1089 = arith.addi %broadcast_in_dim3A_1086, %add3A_1088 : vector<16xi32>
          tpu.vector_store_idx %arg17[%add3A_1072], %add3A_1089 masked %and3A_1079 : memref<1664xi32, #tpu.memory_space<vmem>>[vector<16xi32>], vector<16xi32>, vector<16xi1>
          %add3A_1090 = arith.addi %add3A_1072, %and3A_1075 : vector<16xi32>
          scf.yield %add3A_1090 : vector<16xi32>
        }
        %scan3A_583 = arith.constant 8 : i32
        %broadcast_in_dim3A_584 = arith.constant 0 : i32
        %broadcast_in_dim3A_585 = vector.broadcast %broadcast_in_dim3A_584 : i32 to vector<16xi32>
        %add3A_586 = arith.constant 8 : i32
        %add3A_587 = vector.broadcast %add3A_586 : i32 to vector<16xi32>
        %add3A_588 = arith.addi %broadcast_in_dim3A_585, %add3A_587 : vector<16xi32>
        tpu.vector_store_idx %arg18[%add3A_588], %scan3A_582 masked %eq3A_4 : memref<16xi32, #tpu.memory_space<vmem>>[vector<16xi32>], vector<16xi32>, vector<16xi1>
        %broadcast_in_dim3A_589 = arith.constant 0 : i32
        %broadcast_in_dim3A_590 = vector.broadcast %broadcast_in_dim3A_589 : i32 to vector<16xi32>
        %add3A_591 = arith.constant 8 : i32
        %add3A_592 = vector.broadcast %add3A_591 : i32 to vector<16xi32>
        %add3A_593 = arith.addi %broadcast_in_dim3A_590, %add3A_592 : vector<16xi32>
        %gather3A_594 = tpu.vector_load_idx %arg18[%add3A_593] : memref<16xi32, #tpu.memory_space<vmem>>[vector<16xi32>], vector<16xi32>,
        %reduce_max3A_595 = arith.constant true
        %reduce_max3A_596 = vector.broadcast %reduce_max3A_595 : i1 to vector<16xi1>
        %reduce_max3A_597 = arith.constant -2147483648 : i32
        %reduce_max3A_598 = vector.broadcast %reduce_max3A_597 : i32 to vector<16xi32>
        %reduce_max3A_599 = arith.xori %gather3A_594, %reduce_max3A_598 : vector<16xi32>
        %reduce_max3A_600 = tpu.scan <max>, %reduce_max3A_599 masked %reduce_max3A_596 : vector<16xi32>, vector<16xi1> -> vector<16xi32>
        %reduce_max3A_601 = arith.xori %reduce_max3A_600, %reduce_max3A_598 : vector<16xi32>
        %reduce_max3A_602 = vector.extract %reduce_max3A_601[15] : i32 from vector<16xi32>
        %jit3A_603 = arith.constant 128 : i32
        %div3A_604 = arith.divsi %reduce_max3A_602, %jit3A_603 : i32
        %sign3A_605 = arith.constant 0 : i32
        %sign3A_606 = arith.cmpi sgt, %reduce_max3A_602, %sign3A_605 : i32
        %sign3A_607 = arith.extui %sign3A_606 : i1 to i32
        %sign3A_608 = arith.constant 0 : i32
        %sign3A_609 = arith.cmpi slt, %reduce_max3A_602, %sign3A_608 : i32
        %sign3A_610 = arith.extui %sign3A_609 : i1 to i32
        %sign3A_611 = arith.subi %sign3A_607, %sign3A_610 : i32
        %sign3A_612 = arith.constant 0 : i32
        %sign3A_613 = arith.cmpi sgt, %jit3A_603, %sign3A_612 : i32
        %sign3A_614 = arith.extui %sign3A_613 : i1 to i32
        %sign3A_615 = arith.constant 0 : i32
        %sign3A_616 = arith.cmpi slt, %jit3A_603, %sign3A_615 : i32
        %sign3A_617 = arith.extui %sign3A_616 : i1 to i32
        %sign3A_618 = arith.subi %sign3A_614, %sign3A_617 : i32
        %ne3A_619 = arith.cmpi ne, %sign3A_611, %sign3A_618 : i32
        %rem3A_620 = arith.remsi %reduce_max3A_602, %jit3A_603 : i32
        %ne3A_621 = arith.constant 0 : i32
        %ne3A_622 = arith.cmpi ne, %rem3A_620, %ne3A_621 : i32
        %and3A_623 = arith.andi %ne3A_619, %ne3A_622 : i1
        %sub3A_624 = arith.constant 1 : i32
        %sub3A_625 = arith.subi %div3A_604, %sub3A_624 : i32
        %select_n3A_626 = arith.select %and3A_623, %sub3A_625, %div3A_604 : i32
        %mul3A_627 = arith.constant 128 : i32
        %mul3A_628 = arith.muli %select_n3A_626, %mul3A_627 : i32
        %sub3A_629 = arith.subi %reduce_max3A_602, %mul3A_628 : i32
        %add3A_630 = arith.constant 31 : i32
        %add3A_631 = arith.addi %sub3A_629, %add3A_630 : i32
        %jit3A_632 = arith.constant 32 : i32
        %div3A_633 = arith.divsi %add3A_631, %jit3A_632 : i32
        %sign3A_634 = arith.constant 0 : i32
        %sign3A_635 = arith.cmpi sgt, %add3A_631, %sign3A_634 : i32
        %sign3A_636 = arith.extui %sign3A_635 : i1 to i32
        %sign3A_637 = arith.constant 0 : i32
        %sign3A_638 = arith.cmpi slt, %add3A_631, %sign3A_637 : i32
        %sign3A_639 = arith.extui %sign3A_638 : i1 to i32
        %sign3A_640 = arith.subi %sign3A_636, %sign3A_639 : i32
        %sign3A_641 = arith.constant 0 : i32
        %sign3A_642 = arith.cmpi sgt, %jit3A_632, %sign3A_641 : i32
        %sign3A_643 = arith.extui %sign3A_642 : i1 to i32
        %sign3A_644 = arith.constant 0 : i32
        %sign3A_645 = arith.cmpi slt, %jit3A_632, %sign3A_644 : i32
        %sign3A_646 = arith.extui %sign3A_645 : i1 to i32
        %sign3A_647 = arith.subi %sign3A_643, %sign3A_646 : i32
        %ne3A_648 = arith.cmpi ne, %sign3A_640, %sign3A_647 : i32
        %rem3A_649 = arith.remsi %add3A_631, %jit3A_632 : i32
        %ne3A_650 = arith.constant 0 : i32
        %ne3A_651 = arith.cmpi ne, %rem3A_649, %ne3A_650 : i32
        %and3A_652 = arith.andi %ne3A_648, %ne3A_651 : i1
        %sub3A_653 = arith.constant 1 : i32
        %sub3A_654 = arith.subi %div3A_633, %sub3A_653 : i32
        %select_n3A_655 = arith.select %and3A_652, %sub3A_654, %div3A_633 : i32
        %sub3A_656 = arith.constant 0 : i32
        %sub3A_657 = arith.subi %select_n3A_626, %sub3A_656 : i32
        %sub3A_658 = arith.constant 1 : i32
        %sub3A_659 = arith.constant 1 : i32
        %sub3A_660 = arith.subi %sub3A_658, %sub3A_659 : i32
        %add3A_661 = arith.addi %sub3A_657, %sub3A_660 : i32
        %div3A_662 = arith.constant 1 : i32
        %div3A_663 = arith.divsi %add3A_661, %div3A_662 : i32
        %while3A_664 = arith.constant 1 : i32
        %while3A_665 = arith.constant 0 : i32
        %while3A_666 = arith.constant 0 : i32
        %while3A_667 = arith.subi %div3A_663, %while3A_666 : i32
        %while3A_668 = arith.addi %while3A_666, %while3A_667 : i32
        %while3A_669 = arith.constant 1 : i32
        %while3A_670 = arith.divsi %while3A_667, %while3A_669 : i32
        %while3A_671 = arith.muli %while3A_670, %while3A_669 : i32
        %while3A_672 = arith.addi %while3A_666, %while3A_671 : i32
        %while3A_673 = arith.constant 1 : i32
        scf.for %while3A_694 = %while3A_666 to %while3A_672 step %while3A_673  : i32 {
          %mul3A_695 = arith.muli %while3A_694, %while3A_664 : i32
          %add3A_696 = arith.addi %while3A_665, %mul3A_695 : i32
          %mul3A_697 = arith.constant 128 : i32
          %mul3A_698 = arith.muli %add3A_696, %mul3A_697 : i32
          %dma_start3A_699 = arith.constant 0 : i32
          %dma_start3A_700 = tpu.memref_slice %arg19[%mul3A_698, %dma_start3A_699] : memref<1664x32xbf16, #tpu.memory_space<vmem>> -> memref<128x32xbf16, #tpu.memory_space<vmem>>
          %dma_start3A_701 = tpu.memref_slice %arg16[%mul3A_698] : memref<1664xi32, #tpu.memory_space<vmem>> -> memref<128xi32, #tpu.memory_space<vmem>>
          %dma_start3A_702 = arith.constant 0 : i32
          %dma_start3A_703 = arith.constant 0 : i32
          %dma_start3A_704 = tpu.memref_slice %arg6[%dma_start3A_702, %dma_start3A_703] : memref<100008x32xbf16, #tpu.memory_space<hbm>> -> memref<100008x32xbf16, #tpu.memory_space<hbm>>
          tpu.enqueue_indirect_dma source(%dma_start3A_704 : memref<100008x32xbf16, #tpu.memory_space<hbm>>) target(%dma_start3A_700 : memref<128x32xbf16, #tpu.memory_space<vmem>>) offsets(%dma_start3A_701 : memref<128xi32, #tpu.memory_space<vmem>>) semaphore(%arg30 : memref<!tpu.dma_semaphore, #tpu.memory_space<semaphore_mem>>)
          %dma_start3A_705 = arith.constant 0 : i32
          %dma_start3A_706 = tpu.memref_slice %arg20[%mul3A_698, %dma_start3A_705] : memref<1664x32xbf16, #tpu.memory_space<vmem>> -> memref<128x32xbf16, #tpu.memory_space<vmem>>
          %dma_start3A_707 = tpu.memref_slice %arg17[%mul3A_698] : memref<1664xi32, #tpu.memory_space<vmem>> -> memref<128xi32, #tpu.memory_space<vmem>>
          %dma_start3A_708 = arith.constant 0 : i32
          %dma_start3A_709 = arith.constant 0 : i32
          %dma_start3A_710 = tpu.memref_slice %arg7[%dma_start3A_708, %dma_start3A_709] : memref<100000x32xbf16, #tpu.memory_space<hbm>> -> memref<100000x32xbf16, #tpu.memory_space<hbm>>
          tpu.enqueue_indirect_dma source(%dma_start3A_710 : memref<100000x32xbf16, #tpu.memory_space<hbm>>) target(%dma_start3A_706 : memref<128x32xbf16, #tpu.memory_space<vmem>>) offsets(%dma_start3A_707 : memref<128xi32, #tpu.memory_space<vmem>>) semaphore(%arg30 : memref<!tpu.dma_semaphore, #tpu.memory_space<semaphore_mem>>)
        }
        %while3A_674 = arith.constant 1 : i32
        scf.for %while3A_694 = %while3A_672 to %while3A_668 step %while3A_674  : i32 {
          %mul3A_695 = arith.muli %while3A_694, %while3A_664 : i32
          %add3A_696 = arith.addi %while3A_665, %mul3A_695 : i32
          %mul3A_697 = arith.constant 128 : i32
          %mul3A_698 = arith.muli %add3A_696, %mul3A_697 : i32
          %dma_start3A_699 = arith.constant 0 : i32
          %dma_start3A_700 = tpu.memref_slice %arg19[%mul3A_698, %dma_start3A_699] : memref<1664x32xbf16, #tpu.memory_space<vmem>> -> memref<128x32xbf16, #tpu.memory_space<vmem>>
          %dma_start3A_701 = tpu.memref_slice %arg16[%mul3A_698] : memref<1664xi32, #tpu.memory_space<vmem>> -> memref<128xi32, #tpu.memory_space<vmem>>
          %dma_start3A_702 = arith.constant 0 : i32
          %dma_start3A_703 = arith.constant 0 : i32
          %dma_start3A_704 = tpu.memref_slice %arg6[%dma_start3A_702, %dma_start3A_703] : memref<100008x32xbf16, #tpu.memory_space<hbm>> -> memref<100008x32xbf16, #tpu.memory_space<hbm>>
          tpu.enqueue_indirect_dma source(%dma_start3A_704 : memref<100008x32xbf16, #tpu.memory_space<hbm>>) target(%dma_start3A_700 : memref<128x32xbf16, #tpu.memory_space<vmem>>) offsets(%dma_start3A_701 : memref<128xi32, #tpu.memory_space<vmem>>) semaphore(%arg30 : memref<!tpu.dma_semaphore, #tpu.memory_space<semaphore_mem>>)
          %dma_start3A_705 = arith.constant 0 : i32
          %dma_start3A_706 = tpu.memref_slice %arg20[%mul3A_698, %dma_start3A_705] : memref<1664x32xbf16, #tpu.memory_space<vmem>> -> memref<128x32xbf16, #tpu.memory_space<vmem>>
          %dma_start3A_707 = tpu.memref_slice %arg17[%mul3A_698] : memref<1664xi32, #tpu.memory_space<vmem>> -> memref<128xi32, #tpu.memory_space<vmem>>
          %dma_start3A_708 = arith.constant 0 : i32
          %dma_start3A_709 = arith.constant 0 : i32
          %dma_start3A_710 = tpu.memref_slice %arg7[%dma_start3A_708, %dma_start3A_709] : memref<100000x32xbf16, #tpu.memory_space<hbm>> -> memref<100000x32xbf16, #tpu.memory_space<hbm>>
          tpu.enqueue_indirect_dma source(%dma_start3A_710 : memref<100000x32xbf16, #tpu.memory_space<hbm>>) target(%dma_start3A_706 : memref<128x32xbf16, #tpu.memory_space<vmem>>) offsets(%dma_start3A_707 : memref<128xi32, #tpu.memory_space<vmem>>) semaphore(%arg30 : memref<!tpu.dma_semaphore, #tpu.memory_space<semaphore_mem>>)
        }
        %sub3A_675 = arith.constant 0 : i32
        %sub3A_676 = arith.subi %select_n3A_655, %sub3A_675 : i32
        %sub3A_677 = arith.constant 1 : i32
        %sub3A_678 = arith.constant 1 : i32
        %sub3A_679 = arith.subi %sub3A_677, %sub3A_678 : i32
        %add3A_680 = arith.addi %sub3A_676, %sub3A_679 : i32
        %div3A_681 = arith.constant 1 : i32
        %div3A_682 = arith.divsi %add3A_680, %div3A_681 : i32
        %while3A_683 = arith.constant 1 : i32
        %while3A_684 = arith.constant 0 : i32
        %while3A_685 = arith.constant 0 : i32
        %while3A_686 = arith.subi %div3A_682, %while3A_685 : i32
        %while3A_687 = arith.addi %while3A_685, %while3A_686 : i32
        %while3A_688 = arith.constant 1 : i32
        %while3A_689 = arith.divsi %while3A_686, %while3A_688 : i32
        %while3A_690 = arith.muli %while3A_689, %while3A_688 : i32
        %while3A_691 = arith.addi %while3A_685, %while3A_690 : i32
        %while3A_692 = arith.constant 1 : i32
        scf.for %while3A_694 = %while3A_685 to %while3A_691 step %while3A_692  : i32 {
          %mul3A_695 = arith.muli %while3A_694, %while3A_683 : i32
          %add3A_696 = arith.addi %while3A_684, %mul3A_695 : i32
          %mul3A_697 = arith.constant 128 : i32
          %mul3A_698 = arith.muli %select_n3A_626, %mul3A_697 : i32
          %mul3A_699 = arith.constant 32 : i32
          %mul3A_700 = arith.muli %add3A_696, %mul3A_699 : i32
          %add3A_701 = arith.addi %mul3A_698, %mul3A_700 : i32
          %dma_start3A_702 = arith.constant 0 : i32
          %dma_start3A_703 = tpu.memref_slice %arg19[%add3A_701, %dma_start3A_702] : memref<1664x32xbf16, #tpu.memory_space<vmem>> -> memref<32x32xbf16, #tpu.memory_space<vmem>>
          %dma_start3A_704 = tpu.memref_slice %arg16[%add3A_701] : memref<1664xi32, #tpu.memory_space<vmem>> -> memref<32xi32, #tpu.memory_space<vmem>>
          %dma_start3A_705 = arith.constant 0 : i32
          %dma_start3A_706 = arith.constant 0 : i32
          %dma_start3A_707 = tpu.memref_slice %arg6[%dma_start3A_705, %dma_start3A_706] : memref<100008x32xbf16, #tpu.memory_space<hbm>> -> memref<100008x32xbf16, #tpu.memory_space<hbm>>
          tpu.enqueue_indirect_dma source(%dma_start3A_707 : memref<100008x32xbf16, #tpu.memory_space<hbm>>) target(%dma_start3A_703 : memref<32x32xbf16, #tpu.memory_space<vmem>>) offsets(%dma_start3A_704 : memref<32xi32, #tpu.memory_space<vmem>>) semaphore(%arg30 : memref<!tpu.dma_semaphore, #tpu.memory_space<semaphore_mem>>)
          %dma_start3A_708 = arith.constant 0 : i32
          %dma_start3A_709 = tpu.memref_slice %arg20[%add3A_701, %dma_start3A_708] : memref<1664x32xbf16, #tpu.memory_space<vmem>> -> memref<32x32xbf16, #tpu.memory_space<vmem>>
          %dma_start3A_710 = tpu.memref_slice %arg17[%add3A_701] : memref<1664xi32, #tpu.memory_space<vmem>> -> memref<32xi32, #tpu.memory_space<vmem>>
          %dma_start3A_711 = arith.constant 0 : i32
          %dma_start3A_712 = arith.constant 0 : i32
          %dma_start3A_713 = tpu.memref_slice %arg7[%dma_start3A_711, %dma_start3A_712] : memref<100000x32xbf16, #tpu.memory_space<hbm>> -> memref<100000x32xbf16, #tpu.memory_space<hbm>>
          tpu.enqueue_indirect_dma source(%dma_start3A_713 : memref<100000x32xbf16, #tpu.memory_space<hbm>>) target(%dma_start3A_709 : memref<32x32xbf16, #tpu.memory_space<vmem>>) offsets(%dma_start3A_710 : memref<32xi32, #tpu.memory_space<vmem>>) semaphore(%arg30 : memref<!tpu.dma_semaphore, #tpu.memory_space<semaphore_mem>>)
        }
        %while3A_693 = arith.constant 1 : i32
        scf.for %while3A_694 = %while3A_691 to %while3A_687 step %while3A_693  : i32 {
          %mul3A_695 = arith.muli %while3A_694, %while3A_683 : i32
          %add3A_696 = arith.addi %while3A_684, %mul3A_695 : i32
          %mul3A_697 = arith.constant 128 : i32
          %mul3A_698 = arith.muli %select_n3A_626, %mul3A_697 : i32
          %mul3A_699 = arith.constant 32 : i32
          %mul3A_700 = arith.muli %add3A_696, %mul3A_699 : i32
          %add3A_701 = arith.addi %mul3A_698, %mul3A_700 : i32
          %dma_start3A_702 = arith.constant 0 : i32
          %dma_start3A_703 = tpu.memref_slice %arg19[%add3A_701, %dma_start3A_702] : memref<1664x32xbf16, #tpu.memory_space<vmem>> -> memref<32x32xbf16, #tpu.memory_space<vmem>>
          %dma_start3A_704 = tpu.memref_slice %arg16[%add3A_701] : memref<1664xi32, #tpu.memory_space<vmem>> -> memref<32xi32, #tpu.memory_space<vmem>>
          %dma_start3A_705 = arith.constant 0 : i32
          %dma_start3A_706 = arith.constant 0 : i32
          %dma_start3A_707 = tpu.memref_slice %arg6[%dma_start3A_705, %dma_start3A_706] : memref<100008x32xbf16, #tpu.memory_space<hbm>> -> memref<100008x32xbf16, #tpu.memory_space<hbm>>
          tpu.enqueue_indirect_dma source(%dma_start3A_707 : memref<100008x32xbf16, #tpu.memory_space<hbm>>) target(%dma_start3A_703 : memref<32x32xbf16, #tpu.memory_space<vmem>>) offsets(%dma_start3A_704 : memref<32xi32, #tpu.memory_space<vmem>>) semaphore(%arg30 : memref<!tpu.dma_semaphore, #tpu.memory_space<semaphore_mem>>)
          %dma_start3A_708 = arith.constant 0 : i32
          %dma_start3A_709 = tpu.memref_slice %arg20[%add3A_701, %dma_start3A_708] : memref<1664x32xbf16, #tpu.memory_space<vmem>> -> memref<32x32xbf16, #tpu.memory_space<vmem>>
          %dma_start3A_710 = tpu.memref_slice %arg17[%add3A_701] : memref<1664xi32, #tpu.memory_space<vmem>> -> memref<32xi32, #tpu.memory_space<vmem>>
          %dma_start3A_711 = arith.constant 0 : i32
          %dma_start3A_712 = arith.constant 0 : i32
          %dma_start3A_713 = tpu.memref_slice %arg7[%dma_start3A_711, %dma_start3A_712] : memref<100000x32xbf16, #tpu.memory_space<hbm>> -> memref<100000x32xbf16, #tpu.memory_space<hbm>>
          tpu.enqueue_indirect_dma source(%dma_start3A_713 : memref<100000x32xbf16, #tpu.memory_space<hbm>>) target(%dma_start3A_709 : memref<32x32xbf16, #tpu.memory_space<vmem>>) offsets(%dma_start3A_710 : memref<32xi32, #tpu.memory_space<vmem>>) semaphore(%arg30 : memref<!tpu.dma_semaphore, #tpu.memory_space<semaphore_mem>>)
        }
      } else {
      }
      %broadcast_in_dim3A_430 = arith.constant 0 : i32
      %broadcast_in_dim3A_431 = vector.broadcast %broadcast_in_dim3A_430 : i32 to vector<16xi32>
      %add3A_432 = arith.constant 8 : i32
      %add3A_433 = vector.broadcast %add3A_432 : i32 to vector<16xi32>
      %add3A_434 = arith.addi %broadcast_in_dim3A_431, %add3A_433 : vector<16xi32>
      %gather3A_435 = tpu.vector_load_idx %arg23[%add3A_434] : memref<16xi32, #tpu.memory_space<vmem>>[vector<16xi32>], vector<16xi32>,
      %reduce_max3A_436 = arith.constant true
      %reduce_max3A_437 = vector.broadcast %reduce_max3A_436 : i1 to vector<16xi1>
      %reduce_max3A_438 = arith.constant -2147483648 : i32
      %reduce_max3A_439 = vector.broadcast %reduce_max3A_438 : i32 to vector<16xi32>
      %reduce_max3A_440 = arith.xori %gather3A_435, %reduce_max3A_439 : vector<16xi32>
      %reduce_max3A_441 = tpu.scan <max>, %reduce_max3A_440 masked %reduce_max3A_437 : vector<16xi32>, vector<16xi1> -> vector<16xi32>
      %reduce_max3A_442 = arith.xori %reduce_max3A_441, %reduce_max3A_439 : vector<16xi32>
      %reduce_max3A_443 = vector.extract %reduce_max3A_442[15] : i32 from vector<16xi32>
      %jit3A_444 = arith.constant 128 : i32
      %div3A_445 = arith.divsi %reduce_max3A_443, %jit3A_444 : i32
      %sign3A_446 = arith.constant 0 : i32
      %sign3A_447 = arith.cmpi sgt, %reduce_max3A_443, %sign3A_446 : i32
      %sign3A_448 = arith.extui %sign3A_447 : i1 to i32
      %sign3A_449 = arith.constant 0 : i32
      %sign3A_450 = arith.cmpi slt, %reduce_max3A_443, %sign3A_449 : i32
      %sign3A_451 = arith.extui %sign3A_450 : i1 to i32
      %sign3A_452 = arith.subi %sign3A_448, %sign3A_451 : i32
      %sign3A_453 = arith.constant 0 : i32
      %sign3A_454 = arith.cmpi sgt, %jit3A_444, %sign3A_453 : i32
      %sign3A_455 = arith.extui %sign3A_454 : i1 to i32
      %sign3A_456 = arith.constant 0 : i32
      %sign3A_457 = arith.cmpi slt, %jit3A_444, %sign3A_456 : i32
      %sign3A_458 = arith.extui %sign3A_457 : i1 to i32
      %sign3A_459 = arith.subi %sign3A_455, %sign3A_458 : i32
      %ne3A_460 = arith.cmpi ne, %sign3A_452, %sign3A_459 : i32
      %rem3A_461 = arith.remsi %reduce_max3A_443, %jit3A_444 : i32
      %ne3A_462 = arith.constant 0 : i32
      %ne3A_463 = arith.cmpi ne, %rem3A_461, %ne3A_462 : i32
      %and3A_464 = arith.andi %ne3A_460, %ne3A_463 : i1
      %sub3A_465 = arith.constant 1 : i32
      %sub3A_466 = arith.subi %div3A_445, %sub3A_465 : i32
      %select_n3A_467 = arith.select %and3A_464, %sub3A_466, %div3A_445 : i32
      %mul3A_468 = arith.constant 128 : i32
      %mul3A_469 = arith.muli %select_n3A_467, %mul3A_468 : i32
      %sub3A_470 = arith.subi %reduce_max3A_443, %mul3A_469 : i32
      %add3A_471 = arith.constant 31 : i32
      %add3A_472 = arith.addi %sub3A_470, %add3A_471 : i32
      %jit3A_473 = arith.constant 32 : i32
      %div3A_474 = arith.divsi %add3A_472, %jit3A_473 : i32
      %sign3A_475 = arith.constant 0 : i32
      %sign3A_476 = arith.cmpi sgt, %add3A_472, %sign3A_475 : i32
      %sign3A_477 = arith.extui %sign3A_476 : i1 to i32
      %sign3A_478 = arith.constant 0 : i32
      %sign3A_479 = arith.cmpi slt, %add3A_472, %sign3A_478 : i32
      %sign3A_480 = arith.extui %sign3A_479 : i1 to i32
      %sign3A_481 = arith.subi %sign3A_477, %sign3A_480 : i32
      %sign3A_482 = arith.constant 0 : i32
      %sign3A_483 = arith.cmpi sgt, %jit3A_473, %sign3A_482 : i32
      %sign3A_484 = arith.extui %sign3A_483 : i1 to i32
      %sign3A_485 = arith.constant 0 : i32
      %sign3A_486 = arith.cmpi slt, %jit3A_473, %sign3A_485 : i32
      %sign3A_487 = arith.extui %sign3A_486 : i1 to i32
      %sign3A_488 = arith.subi %sign3A_484, %sign3A_487 : i32
      %ne3A_489 = arith.cmpi ne, %sign3A_481, %sign3A_488 : i32
      %rem3A_490 = arith.remsi %add3A_472, %jit3A_473 : i32
      %ne3A_491 = arith.constant 0 : i32
      %ne3A_492 = arith.cmpi ne, %rem3A_490, %ne3A_491 : i32
      %and3A_493 = arith.andi %ne3A_489, %ne3A_492 : i1
      %sub3A_494 = arith.constant 1 : i32
      %sub3A_495 = arith.subi %div3A_474, %sub3A_494 : i32
      %select_n3A_496 = arith.select %and3A_493, %sub3A_495, %div3A_474 : i32
      %sub3A_497 = arith.constant 0 : i32
      %sub3A_498 = arith.subi %select_n3A_467, %sub3A_497 : i32
      %sub3A_499 = arith.constant 1 : i32
      %sub3A_500 = arith.constant 1 : i32
      %sub3A_501 = arith.subi %sub3A_499, %sub3A_500 : i32
      %add3A_502 = arith.addi %sub3A_498, %sub3A_501 : i32
      %div3A_503 = arith.constant 1 : i32
      %div3A_504 = arith.divsi %add3A_502, %div3A_503 : i32
      %while3A_505 = arith.constant 1 : i32
      %while3A_506 = arith.constant 0 : i32
      %while3A_507 = arith.constant 0 : i32
      %while3A_508 = arith.subi %div3A_504, %while3A_507 : i32
      %while3A_509 = arith.addi %while3A_507, %while3A_508 : i32
      %while3A_510 = arith.constant 1 : i32
      %while3A_511 = arith.divsi %while3A_508, %while3A_510 : i32
      %while3A_512 = arith.muli %while3A_511, %while3A_510 : i32
      %while3A_513 = arith.addi %while3A_507, %while3A_512 : i32
      %while3A_514 = arith.constant 1 : i32
      scf.for %while3A_561 = %while3A_507 to %while3A_513 step %while3A_514  : i32 {
        %mul3A_562 = arith.muli %while3A_561, %while3A_505 : i32
        %add3A_563 = arith.addi %while3A_506, %mul3A_562 : i32
        %mul3A_564 = arith.constant 128 : i32
        %mul3A_565 = arith.muli %add3A_563, %mul3A_564 : i32
        %dma_wait3A_566 = arith.constant 0 : i32
        %dma_wait3A_567 = tpu.memref_slice %arg24[%mul3A_565, %dma_wait3A_566] : memref<1664x32xbf16, #tpu.memory_space<vmem>> -> memref<128x32xbf16, #tpu.memory_space<vmem>>
        %dma_wait3A_568 = tpu.memref_slice %arg21[%mul3A_565] : memref<1664xi32, #tpu.memory_space<vmem>> -> memref<128xi32, #tpu.memory_space<vmem>>
        %dma_wait3A_569 = arith.constant 0 : i32
        %dma_wait3A_570 = arith.constant 0 : i32
        %dma_wait3A_571 = tpu.memref_slice %arg6[%dma_wait3A_569, %dma_wait3A_570] : memref<100008x32xbf16, #tpu.memory_space<hbm>> -> memref<100008x32xbf16, #tpu.memory_space<hbm>>
        tpu.wait_indirect_dma semaphore(%arg31 : memref<!tpu.dma_semaphore, #tpu.memory_space<semaphore_mem>>) src(%dma_wait3A_571 : memref<100008x32xbf16, #tpu.memory_space<hbm>>) dst(%dma_wait3A_567 : memref<128x32xbf16, #tpu.memory_space<vmem>>)
        %dma_wait3A_572 = arith.constant 0 : i32
        %dma_wait3A_573 = tpu.memref_slice %arg25[%mul3A_565, %dma_wait3A_572] : memref<1664x32xbf16, #tpu.memory_space<vmem>> -> memref<128x32xbf16, #tpu.memory_space<vmem>>
        %dma_wait3A_574 = tpu.memref_slice %arg22[%mul3A_565] : memref<1664xi32, #tpu.memory_space<vmem>> -> memref<128xi32, #tpu.memory_space<vmem>>
        %dma_wait3A_575 = arith.constant 0 : i32
        %dma_wait3A_576 = arith.constant 0 : i32
        %dma_wait3A_577 = tpu.memref_slice %arg7[%dma_wait3A_575, %dma_wait3A_576] : memref<100000x32xbf16, #tpu.memory_space<hbm>> -> memref<100000x32xbf16, #tpu.memory_space<hbm>>
        tpu.wait_indirect_dma semaphore(%arg31 : memref<!tpu.dma_semaphore, #tpu.memory_space<semaphore_mem>>) src(%dma_wait3A_577 : memref<100000x32xbf16, #tpu.memory_space<hbm>>) dst(%dma_wait3A_573 : memref<128x32xbf16, #tpu.memory_space<vmem>>)
      }
      %while3A_515 = arith.constant 1 : i32
      scf.for %while3A_561 = %while3A_513 to %while3A_509 step %while3A_515  : i32 {
        %mul3A_562 = arith.muli %while3A_561, %while3A_505 : i32
        %add3A_563 = arith.addi %while3A_506, %mul3A_562 : i32
        %mul3A_564 = arith.constant 128 : i32
        %mul3A_565 = arith.muli %add3A_563, %mul3A_564 : i32
        %dma_wait3A_566 = arith.constant 0 : i32
        %dma_wait3A_567 = tpu.memref_slice %arg24[%mul3A_565, %dma_wait3A_566] : memref<1664x32xbf16, #tpu.memory_space<vmem>> -> memref<128x32xbf16, #tpu.memory_space<vmem>>
        %dma_wait3A_568 = tpu.memref_slice %arg21[%mul3A_565] : memref<1664xi32, #tpu.memory_space<vmem>> -> memref<128xi32, #tpu.memory_space<vmem>>
        %dma_wait3A_569 = arith.constant 0 : i32
        %dma_wait3A_570 = arith.constant 0 : i32
        %dma_wait3A_571 = tpu.memref_slice %arg6[%dma_wait3A_569, %dma_wait3A_570] : memref<100008x32xbf16, #tpu.memory_space<hbm>> -> memref<100008x32xbf16, #tpu.memory_space<hbm>>
        tpu.wait_indirect_dma semaphore(%arg31 : memref<!tpu.dma_semaphore, #tpu.memory_space<semaphore_mem>>) src(%dma_wait3A_571 : memref<100008x32xbf16, #tpu.memory_space<hbm>>) dst(%dma_wait3A_567 : memref<128x32xbf16, #tpu.memory_space<vmem>>)
        %dma_wait3A_572 = arith.constant 0 : i32
        %dma_wait3A_573 = tpu.memref_slice %arg25[%mul3A_565, %dma_wait3A_572] : memref<1664x32xbf16, #tpu.memory_space<vmem>> -> memref<128x32xbf16, #tpu.memory_space<vmem>>
        %dma_wait3A_574 = tpu.memref_slice %arg22[%mul3A_565] : memref<1664xi32, #tpu.memory_space<vmem>> -> memref<128xi32, #tpu.memory_space<vmem>>
        %dma_wait3A_575 = arith.constant 0 : i32
        %dma_wait3A_576 = arith.constant 0 : i32
        %dma_wait3A_577 = tpu.memref_slice %arg7[%dma_wait3A_575, %dma_wait3A_576] : memref<100000x32xbf16, #tpu.memory_space<hbm>> -> memref<100000x32xbf16, #tpu.memory_space<hbm>>
        tpu.wait_indirect_dma semaphore(%arg31 : memref<!tpu.dma_semaphore, #tpu.memory_space<semaphore_mem>>) src(%dma_wait3A_577 : memref<100000x32xbf16, #tpu.memory_space<hbm>>) dst(%dma_wait3A_573 : memref<128x32xbf16, #tpu.memory_space<vmem>>)
      }
      %sub3A_516 = arith.constant 0 : i32
      %sub3A_517 = arith.subi %select_n3A_496, %sub3A_516 : i32
      %sub3A_518 = arith.constant 1 : i32
      %sub3A_519 = arith.constant 1 : i32
      %sub3A_520 = arith.subi %sub3A_518, %sub3A_519 : i32
      %add3A_521 = arith.addi %sub3A_517, %sub3A_520 : i32
      %div3A_522 = arith.constant 1 : i32
      %div3A_523 = arith.divsi %add3A_521, %div3A_522 : i32
      %while3A_524 = arith.constant 1 : i32
      %while3A_525 = arith.constant 0 : i32
      %while3A_526 = arith.constant 0 : i32
      %while3A_527 = arith.subi %div3A_523, %while3A_526 : i32
      %while3A_528 = arith.addi %while3A_526, %while3A_527 : i32
      %while3A_529 = arith.constant 1 : i32
      %while3A_530 = arith.divsi %while3A_527, %while3A_529 : i32
      %while3A_531 = arith.muli %while3A_530, %while3A_529 : i32
      %while3A_532 = arith.addi %while3A_526, %while3A_531 : i32
      %while3A_533 = arith.constant 1 : i32
      scf.for %while3A_561 = %while3A_526 to %while3A_532 step %while3A_533  : i32 {
        %mul3A_562 = arith.muli %while3A_561, %while3A_524 : i32
        %add3A_563 = arith.addi %while3A_525, %mul3A_562 : i32
        %mul3A_564 = arith.constant 128 : i32
        %mul3A_565 = arith.muli %select_n3A_467, %mul3A_564 : i32
        %mul3A_566 = arith.constant 32 : i32
        %mul3A_567 = arith.muli %add3A_563, %mul3A_566 : i32
        %add3A_568 = arith.addi %mul3A_565, %mul3A_567 : i32
        %dma_wait3A_569 = arith.constant 0 : i32
        %dma_wait3A_570 = tpu.memref_slice %arg24[%add3A_568, %dma_wait3A_569] : memref<1664x32xbf16, #tpu.memory_space<vmem>> -> memref<32x32xbf16, #tpu.memory_space<vmem>>
        %dma_wait3A_571 = tpu.memref_slice %arg21[%add3A_568] : memref<1664xi32, #tpu.memory_space<vmem>> -> memref<32xi32, #tpu.memory_space<vmem>>
        %dma_wait3A_572 = arith.constant 0 : i32
        %dma_wait3A_573 = arith.constant 0 : i32
        %dma_wait3A_574 = tpu.memref_slice %arg6[%dma_wait3A_572, %dma_wait3A_573] : memref<100008x32xbf16, #tpu.memory_space<hbm>> -> memref<100008x32xbf16, #tpu.memory_space<hbm>>
        tpu.wait_indirect_dma semaphore(%arg31 : memref<!tpu.dma_semaphore, #tpu.memory_space<semaphore_mem>>) src(%dma_wait3A_574 : memref<100008x32xbf16, #tpu.memory_space<hbm>>) dst(%dma_wait3A_570 : memref<32x32xbf16, #tpu.memory_space<vmem>>)
        %dma_wait3A_575 = arith.constant 0 : i32
        %dma_wait3A_576 = tpu.memref_slice %arg25[%add3A_568, %dma_wait3A_575] : memref<1664x32xbf16, #tpu.memory_space<vmem>> -> memref<32x32xbf16, #tpu.memory_space<vmem>>
        %dma_wait3A_577 = tpu.memref_slice %arg22[%add3A_568] : memref<1664xi32, #tpu.memory_space<vmem>> -> memref<32xi32, #tpu.memory_space<vmem>>
        %dma_wait3A_578 = arith.constant 0 : i32
        %dma_wait3A_579 = arith.constant 0 : i32
        %dma_wait3A_580 = tpu.memref_slice %arg7[%dma_wait3A_578, %dma_wait3A_579] : memref<100000x32xbf16, #tpu.memory_space<hbm>> -> memref<100000x32xbf16, #tpu.memory_space<hbm>>
        tpu.wait_indirect_dma semaphore(%arg31 : memref<!tpu.dma_semaphore, #tpu.memory_space<semaphore_mem>>) src(%dma_wait3A_580 : memref<100000x32xbf16, #tpu.memory_space<hbm>>) dst(%dma_wait3A_576 : memref<32x32xbf16, #tpu.memory_space<vmem>>)
      }
      %while3A_534 = arith.constant 1 : i32
      scf.for %while3A_561 = %while3A_532 to %while3A_528 step %while3A_534  : i32 {
        %mul3A_562 = arith.muli %while3A_561, %while3A_524 : i32
        %add3A_563 = arith.addi %while3A_525, %mul3A_562 : i32
        %mul3A_564 = arith.constant 128 : i32
        %mul3A_565 = arith.muli %select_n3A_467, %mul3A_564 : i32
        %mul3A_566 = arith.constant 32 : i32
        %mul3A_567 = arith.muli %add3A_563, %mul3A_566 : i32
        %add3A_568 = arith.addi %mul3A_565, %mul3A_567 : i32
        %dma_wait3A_569 = arith.constant 0 : i32
        %dma_wait3A_570 = tpu.memref_slice %arg24[%add3A_568, %dma_wait3A_569] : memref<1664x32xbf16, #tpu.memory_space<vmem>> -> memref<32x32xbf16, #tpu.memory_space<vmem>>
        %dma_wait3A_571 = tpu.memref_slice %arg21[%add3A_568] : memref<1664xi32, #tpu.memory_space<vmem>> -> memref<32xi32, #tpu.memory_space<vmem>>
        %dma_wait3A_572 = arith.constant 0 : i32
        %dma_wait3A_573 = arith.constant 0 : i32
        %dma_wait3A_574 = tpu.memref_slice %arg6[%dma_wait3A_572, %dma_wait3A_573] : memref<100008x32xbf16, #tpu.memory_space<hbm>> -> memref<100008x32xbf16, #tpu.memory_space<hbm>>
        tpu.wait_indirect_dma semaphore(%arg31 : memref<!tpu.dma_semaphore, #tpu.memory_space<semaphore_mem>>) src(%dma_wait3A_574 : memref<100008x32xbf16, #tpu.memory_space<hbm>>) dst(%dma_wait3A_570 : memref<32x32xbf16, #tpu.memory_space<vmem>>)
        %dma_wait3A_575 = arith.constant 0 : i32
        %dma_wait3A_576 = tpu.memref_slice %arg25[%add3A_568, %dma_wait3A_575] : memref<1664x32xbf16, #tpu.memory_space<vmem>> -> memref<32x32xbf16, #tpu.memory_space<vmem>>
        %dma_wait3A_577 = tpu.memref_slice %arg22[%add3A_568] : memref<1664xi32, #tpu.memory_space<vmem>> -> memref<32xi32, #tpu.memory_space<vmem>>
        %dma_wait3A_578 = arith.constant 0 : i32
        %dma_wait3A_579 = arith.constant 0 : i32
        %dma_wait3A_580 = tpu.memref_slice %arg7[%dma_wait3A_578, %dma_wait3A_579] : memref<100000x32xbf16, #tpu.memory_space<hbm>> -> memref<100000x32xbf16, #tpu.memory_space<hbm>>
        tpu.wait_indirect_dma semaphore(%arg31 : memref<!tpu.dma_semaphore, #tpu.memory_space<semaphore_mem>>) src(%dma_wait3A_580 : memref<100000x32xbf16, #tpu.memory_space<hbm>>) dst(%dma_wait3A_576 : memref<32x32xbf16, #tpu.memory_space<vmem>>)
      }
      %add3A_535 = arith.constant 3 : i32
      %add3A_536 = arith.addi %add3A_164, %add3A_535 : i32
      %lt3A_537 = arith.constant 64 : i32
      %lt3A_538 = arith.cmpi slt, %add3A_536, %lt3A_537 : i32
      %convert_element_type3A_539 = arith.extui %lt3A_538 : i1 to i32
      %cond3A_540 = arith.constant 0 : i32
      %cond3A_541 = arith.cmpi ne, %convert_element_type3A_539, %cond3A_540 : i32
      scf.if %cond3A_541 {
        %add3A_561 = arith.constant 3 : i32
        %add3A_562 = arith.addi %add3A_164, %add3A_561 : i32
        %mul3A_563 = arith.constant 200 : i32
        %mul3A_564 = arith.muli %mul3A_2, %mul3A_563 : i32
        %mul3A_565 = arith.constant 1600 : i32
        %mul3A_566 = arith.muli %add3A_562, %mul3A_565 : i32
        %add3A_567 = arith.addi %mul3A_564, %mul3A_566 : i32
        %dma_start3A_568 = tpu.memref_slice %arg2[%add3A_567] : memref<3276800xi32, #tpu.memory_space<hbm>> -> memref<1600xi32, #tpu.memory_space<hbm>>
        %dma_start3A_569 = tpu.memref_slice %arg2[%add3A_567] : memref<3276800xi32, #tpu.memory_space<hbm>> -> memref<1600xi32, #tpu.memory_space<hbm>>
        tpu.enqueue_dma source(%dma_start3A_569 : memref<1600xi32, #tpu.memory_space<hbm>>) target(%arg12 : memref<1600xi32, #tpu.memory_space<vmem>>) target_semaphore(%arg29 : memref<!tpu.dma_semaphore, #tpu.memory_space<semaphore_mem>>)
        %dma_start3A_570 = tpu.memref_slice %arg3[%add3A_567] : memref<3276800xi32, #tpu.memory_space<hbm>> -> memref<1600xi32, #tpu.memory_space<hbm>>
        %dma_start3A_571 = tpu.memref_slice %arg3[%add3A_567] : memref<3276800xi32, #tpu.memory_space<hbm>> -> memref<1600xi32, #tpu.memory_space<hbm>>
        tpu.enqueue_dma source(%dma_start3A_571 : memref<1600xi32, #tpu.memory_space<hbm>>) target(%arg13 : memref<1600xi32, #tpu.memory_space<vmem>>) target_semaphore(%arg29 : memref<!tpu.dma_semaphore, #tpu.memory_space<semaphore_mem>>)
        %dma_start3A_572 = tpu.memref_slice %arg4[%add3A_567] : memref<3276800xi32, #tpu.memory_space<hbm>> -> memref<1600xi32, #tpu.memory_space<hbm>>
        %dma_start3A_573 = tpu.memref_slice %arg4[%add3A_567] : memref<3276800xi32, #tpu.memory_space<hbm>> -> memref<1600xi32, #tpu.memory_space<hbm>>
        tpu.enqueue_dma source(%dma_start3A_573 : memref<1600xi32, #tpu.memory_space<hbm>>) target(%arg14 : memref<1600xi32, #tpu.memory_space<vmem>>) target_semaphore(%arg29 : memref<!tpu.dma_semaphore, #tpu.memory_space<semaphore_mem>>)
      } else {
      }
      %add3A_542 = arith.constant 1 : i32
      %add3A_543 = arith.addi %add3A_164, %add3A_542 : i32
      %ge3A_544 = arith.constant 2 : i32
      %ge3A_545 = arith.cmpi sge, %add3A_543, %ge3A_544 : i32
      %convert_element_type3A_546 = arith.extui %ge3A_545 : i1 to i32
      %cond3A_547 = arith.constant 0 : i32
      %cond3A_548 = arith.cmpi ne, %convert_element_type3A_546, %cond3A_547 : i32
      scf.if %cond3A_548 {
        %sub3A_561 = arith.constant 2 : i32
        %sub3A_562 = arith.subi %add3A_543, %sub3A_561 : i32
        %mul3A_563 = arith.constant 8 : i32
        %mul3A_564 = arith.muli %sub3A_562, %mul3A_563 : i32
        %add3A_565 = arith.addi %mul3A_2, %mul3A_564 : i32
        %dma_wait3A_566 = arith.constant 0 : i32
        %dma_wait3A_567 = tpu.memref_slice %arg8[%add3A_565, %dma_wait3A_566] : memref<16384x32xf32, #tpu.memory_space<hbm>> -> memref<8x32xf32, #tpu.memory_space<hbm>>
        %dma_wait3A_568 = arith.constant 0 : i32
        %dma_wait3A_569 = tpu.memref_slice %arg8[%add3A_565, %dma_wait3A_568] : memref<16384x32xf32, #tpu.memory_space<hbm>> -> memref<8x32xf32, #tpu.memory_space<hbm>>
        tpu.wait_dma2 semaphore(%arg33 : memref<!tpu.dma_semaphore, #tpu.memory_space<semaphore_mem>>) src(%arg27 : memref<8x32xf32, #tpu.memory_space<vmem>>) dst(%dma_wait3A_569 : memref<8x32xf32, #tpu.memory_space<hbm>>)
      } else {
      }
      %scan3A_549 = arith.constant 0 : i32
      %scan3A_550 = arith.constant 8 : i32
      %scan3A_551 = arith.addi %scan3A_549, %scan3A_550 : i32
      %scan3A_552 = arith.constant 1 : i32
      scf.for %scan3A_561 = %scan3A_549 to %scan3A_551 step %scan3A_552  : i32 {
        %mul3A_562 = arith.constant 1 : i32
        %mul3A_563 = arith.muli %scan3A_561, %mul3A_562 : i32
        %add3A_564 = arith.constant 0 : i32
        %add3A_565 = arith.addi %add3A_564, %mul3A_563 : i32
        %broadcast_in_dim3A_566 = arith.constant 0 : i32
        %broadcast_in_dim3A_567 = vector.broadcast %broadcast_in_dim3A_566 : i32 to vector<16xi32>
        %add3A_568 = vector.broadcast %add3A_565 : i32 to vector<16xi32>
        %add3A_569 = arith.addi %broadcast_in_dim3A_567, %add3A_568 : vector<16xi32>
        %gather3A_570 = tpu.vector_load_idx %arg23[%add3A_569] : memref<16xi32, #tpu.memory_space<vmem>>[vector<16xi32>], vector<16xi32>,
        %reduce_max3A_571 = arith.constant true
        %reduce_max3A_572 = vector.broadcast %reduce_max3A_571 : i1 to vector<16xi1>
        %reduce_max3A_573 = arith.constant -2147483648 : i32
        %reduce_max3A_574 = vector.broadcast %reduce_max3A_573 : i32 to vector<16xi32>
        %reduce_max3A_575 = arith.xori %gather3A_570, %reduce_max3A_574 : vector<16xi32>
        %reduce_max3A_576 = tpu.scan <max>, %reduce_max3A_575 masked %reduce_max3A_572 : vector<16xi32>, vector<16xi1> -> vector<16xi32>
        %reduce_max3A_577 = arith.xori %reduce_max3A_576, %reduce_max3A_574 : vector<16xi32>
        %reduce_max3A_578 = vector.extract %reduce_max3A_577[15] : i32 from vector<16xi32>
        %add3A_579 = arith.constant 1 : i32
        %add3A_580 = arith.addi %add3A_565, %add3A_579 : i32
        %broadcast_in_dim3A_581 = arith.constant 0 : i32
        %broadcast_in_dim3A_582 = vector.broadcast %broadcast_in_dim3A_581 : i32 to vector<16xi32>
        %add3A_583 = vector.broadcast %add3A_580 : i32 to vector<16xi32>
        %add3A_584 = arith.addi %broadcast_in_dim3A_582, %add3A_583 : vector<16xi32>
        %gather3A_585 = tpu.vector_load_idx %arg23[%add3A_584] : memref<16xi32, #tpu.memory_space<vmem>>[vector<16xi32>], vector<16xi32>,
        %reduce_max3A_586 = arith.constant true
        %reduce_max3A_587 = vector.broadcast %reduce_max3A_586 : i1 to vector<16xi1>
        %reduce_max3A_588 = arith.constant -2147483648 : i32
        %reduce_max3A_589 = vector.broadcast %reduce_max3A_588 : i32 to vector<16xi32>
        %reduce_max3A_590 = arith.xori %gather3A_585, %reduce_max3A_589 : vector<16xi32>
        %reduce_max3A_591 = tpu.scan <max>, %reduce_max3A_590 masked %reduce_max3A_587 : vector<16xi32>, vector<16xi1> -> vector<16xi32>
        %reduce_max3A_592 = arith.xori %reduce_max3A_591, %reduce_max3A_589 : vector<16xi32>
        %reduce_max3A_593 = vector.extract %reduce_max3A_592[15] : i32 from vector<16xi32>
        %broadcast_in_dim3A_594 = arith.constant 0.000000e+00 : f32
        %broadcast_in_dim3A_595 = vector.broadcast %broadcast_in_dim3A_594 : f32 to vector<16xf32>
        %jit3A_596 = arith.constant 2 : i32
        %div3A_597 = arith.divsi %reduce_max3A_578, %jit3A_596 : i32
        %sign3A_598 = arith.constant 0 : i32
        %sign3A_599 = arith.cmpi sgt, %reduce_max3A_578, %sign3A_598 : i32
        %sign3A_600 = arith.extui %sign3A_599 : i1 to i32
        %sign3A_601 = arith.constant 0 : i32
        %sign3A_602 = arith.cmpi slt, %reduce_max3A_578, %sign3A_601 : i32
        %sign3A_603 = arith.extui %sign3A_602 : i1 to i32
        %sign3A_604 = arith.subi %sign3A_600, %sign3A_603 : i32
        %sign3A_605 = arith.constant 0 : i32
        %sign3A_606 = arith.cmpi sgt, %jit3A_596, %sign3A_605 : i32
        %sign3A_607 = arith.extui %sign3A_606 : i1 to i32
        %sign3A_608 = arith.constant 0 : i32
        %sign3A_609 = arith.cmpi slt, %jit3A_596, %sign3A_608 : i32
        %sign3A_610 = arith.extui %sign3A_609 : i1 to i32
        %sign3A_611 = arith.subi %sign3A_607, %sign3A_610 : i32
        %ne3A_612 = arith.cmpi ne, %sign3A_604, %sign3A_611 : i32
        %rem3A_613 = arith.remsi %reduce_max3A_578, %jit3A_596 : i32
        %ne3A_614 = arith.constant 0 : i32
        %ne3A_615 = arith.cmpi ne, %rem3A_613, %ne3A_614 : i32
        %and3A_616 = arith.andi %ne3A_612, %ne3A_615 : i1
        %sub3A_617 = arith.constant 1 : i32
        %sub3A_618 = arith.subi %div3A_597, %sub3A_617 : i32
        %select_n3A_619 = arith.select %and3A_616, %sub3A_618, %div3A_597 : i32
        %jit3A_620 = arith.constant 2 : i32
        %div3A_621 = arith.divsi %reduce_max3A_593, %jit3A_620 : i32
        %sign3A_622 = arith.constant 0 : i32
        %sign3A_623 = arith.cmpi sgt, %reduce_max3A_593, %sign3A_622 : i32
        %sign3A_624 = arith.extui %sign3A_623 : i1 to i32
        %sign3A_625 = arith.constant 0 : i32
        %sign3A_626 = arith.cmpi slt, %reduce_max3A_593, %sign3A_625 : i32
        %sign3A_627 = arith.extui %sign3A_626 : i1 to i32
        %sign3A_628 = arith.subi %sign3A_624, %sign3A_627 : i32
        %sign3A_629 = arith.constant 0 : i32
        %sign3A_630 = arith.cmpi sgt, %jit3A_620, %sign3A_629 : i32
        %sign3A_631 = arith.extui %sign3A_630 : i1 to i32
        %sign3A_632 = arith.constant 0 : i32
        %sign3A_633 = arith.cmpi slt, %jit3A_620, %sign3A_632 : i32
        %sign3A_634 = arith.extui %sign3A_633 : i1 to i32
        %sign3A_635 = arith.subi %sign3A_631, %sign3A_634 : i32
        %ne3A_636 = arith.cmpi ne, %sign3A_628, %sign3A_635 : i32
        %rem3A_637 = arith.remsi %reduce_max3A_593, %jit3A_620 : i32
        %ne3A_638 = arith.constant 0 : i32
        %ne3A_639 = arith.cmpi ne, %rem3A_637, %ne3A_638 : i32
        %and3A_640 = arith.andi %ne3A_636, %ne3A_639 : i1
        %sub3A_641 = arith.constant 1 : i32
        %sub3A_642 = arith.subi %div3A_621, %sub3A_641 : i32
        %select_n3A_643 = arith.select %and3A_640, %sub3A_642, %div3A_621 : i32
        %while3A_644 = arith.subi %select_n3A_643, %select_n3A_619 : i32
        %while3A_645 = arith.addi %select_n3A_619, %while3A_644 : i32
        %while3A_646 = arith.constant 1 : i32
        %while3A_647 = arith.divsi %while3A_644, %while3A_646 : i32
        %while3A_648 = arith.muli %while3A_647, %while3A_646 : i32
        %while3A_649 = arith.addi %select_n3A_619, %while3A_648 : i32
        %while3A_650 = arith.constant 1 : i32
        %while3A_651:2 = scf.for %while3A_659 = %select_n3A_619 to %while3A_649 step %while3A_650 iter_args(%while3A_660 = %broadcast_in_dim3A_595, %while3A_661 = %broadcast_in_dim3A_595) -> (vector<16xf32>, vector<16xf32>)  : i32 {
          %mul3A_662 = arith.constant 2 : i32
          %mul3A_663 = arith.muli %mul3A_662, %while3A_659 : i32
          %get3A = arith.index_cast %mul3A_663 : i32 to index
          %get3A_664 = arith.constant 0 : index
          %get3A_665 = tpu.vector_load %arg24[%get3A, %get3A_664] {strides = array<i32>} : memref<1664x32xbf16, #tpu.memory_space<vmem>>, vector<32xbf16>,
          %get3A_666 = arith.index_cast %mul3A_663 : i32 to index
          %get3A_667 = arith.constant 0 : index
          %get3A_668 = tpu.vector_load %arg25[%get3A_666, %get3A_667] {strides = array<i32>} : memref<1664x32xbf16, #tpu.memory_space<vmem>>, vector<32xbf16>,
          %add3A_669 = arith.constant 1 : i32
          %add3A_670 = arith.addi %mul3A_663, %add3A_669 : i32
          %get3A_671 = arith.index_cast %add3A_670 : i32 to index
          %get3A_672 = arith.constant 0 : index
          %get3A_673 = tpu.vector_load %arg24[%get3A_671, %get3A_672] {strides = array<i32>} : memref<1664x32xbf16, #tpu.memory_space<vmem>>, vector<32xbf16>,
          %add3A_674 = arith.constant 1 : i32
          %add3A_675 = arith.addi %mul3A_663, %add3A_674 : i32
          %get3A_676 = arith.index_cast %add3A_675 : i32 to index
          %get3A_677 = arith.constant 0 : index
          %get3A_678 = tpu.vector_load %arg25[%get3A_676, %get3A_677] {strides = array<i32>} : memref<1664x32xbf16, #tpu.memory_space<vmem>>, vector<32xbf16>,
          %mul3A_679 = arith.mulf %get3A_665, %get3A_668 : vector<32xbf16>
          %unpack3A = tpu.unpack_subelements %mul3A_679, 0 {pack_format = #tpu.pack_format<interleaved>} : vector<32xbf16> -> vector<16xf32>
          %unpack3A_680 = tpu.unpack_subelements %mul3A_679, 1 {pack_format = #tpu.pack_format<interleaved>} : vector<32xbf16> -> vector<16xf32>
          %mul3A_681 = arith.mulf %get3A_673, %get3A_678 : vector<32xbf16>
          %unpack3A_682 = tpu.unpack_subelements %mul3A_681, 0 {pack_format = #tpu.pack_format<interleaved>} : vector<32xbf16> -> vector<16xf32>
          %unpack3A_683 = tpu.unpack_subelements %mul3A_681, 1 {pack_format = #tpu.pack_format<interleaved>} : vector<32xbf16> -> vector<16xf32>
          %add3A_684 = arith.addf %while3A_660, %unpack3A : vector<16xf32>
          %add3A_685 = arith.addf %add3A_684, %unpack3A_682 : vector<16xf32>
          %add3A_686 = arith.addf %while3A_661, %unpack3A_680 : vector<16xf32>
          %add3A_687 = arith.addf %add3A_686, %unpack3A_683 : vector<16xf32>
          scf.yield %add3A_685, %add3A_687 : vector<16xf32>, vector<16xf32>
        }
        %while3A_652 = arith.constant 1 : i32
        %while3A_653:2 = scf.for %while3A_659 = %while3A_649 to %while3A_645 step %while3A_652 iter_args(%while3A_660 = %while3A_651#0, %while3A_661 = %while3A_651#1) -> (vector<16xf32>, vector<16xf32>)  : i32 {
          %mul3A_662 = arith.constant 2 : i32
          %mul3A_663 = arith.muli %mul3A_662, %while3A_659 : i32
          %get3A = arith.index_cast %mul3A_663 : i32 to index
          %get3A_664 = arith.constant 0 : index
          %get3A_665 = tpu.vector_load %arg24[%get3A, %get3A_664] {strides = array<i32>} : memref<1664x32xbf16, #tpu.memory_space<vmem>>, vector<32xbf16>,
          %get3A_666 = arith.index_cast %mul3A_663 : i32 to index
          %get3A_667 = arith.constant 0 : index
          %get3A_668 = tpu.vector_load %arg25[%get3A_666, %get3A_667] {strides = array<i32>} : memref<1664x32xbf16, #tpu.memory_space<vmem>>, vector<32xbf16>,
          %add3A_669 = arith.constant 1 : i32
          %add3A_670 = arith.addi %mul3A_663, %add3A_669 : i32
          %get3A_671 = arith.index_cast %add3A_670 : i32 to index
          %get3A_672 = arith.constant 0 : index
          %get3A_673 = tpu.vector_load %arg24[%get3A_671, %get3A_672] {strides = array<i32>} : memref<1664x32xbf16, #tpu.memory_space<vmem>>, vector<32xbf16>,
          %add3A_674 = arith.constant 1 : i32
          %add3A_675 = arith.addi %mul3A_663, %add3A_674 : i32
          %get3A_676 = arith.index_cast %add3A_675 : i32 to index
          %get3A_677 = arith.constant 0 : index
          %get3A_678 = tpu.vector_load %arg25[%get3A_676, %get3A_677] {strides = array<i32>} : memref<1664x32xbf16, #tpu.memory_space<vmem>>, vector<32xbf16>,
          %mul3A_679 = arith.mulf %get3A_665, %get3A_668 : vector<32xbf16>
          %unpack3A = tpu.unpack_subelements %mul3A_679, 0 {pack_format = #tpu.pack_format<interleaved>} : vector<32xbf16> -> vector<16xf32>
          %unpack3A_680 = tpu.unpack_subelements %mul3A_679, 1 {pack_format = #tpu.pack_format<interleaved>} : vector<32xbf16> -> vector<16xf32>
          %mul3A_681 = arith.mulf %get3A_673, %get3A_678 : vector<32xbf16>
          %unpack3A_682 = tpu.unpack_subelements %mul3A_681, 0 {pack_format = #tpu.pack_format<interleaved>} : vector<32xbf16> -> vector<16xf32>
          %unpack3A_683 = tpu.unpack_subelements %mul3A_681, 1 {pack_format = #tpu.pack_format<interleaved>} : vector<32xbf16> -> vector<16xf32>
          %add3A_684 = arith.addf %while3A_660, %unpack3A : vector<16xf32>
          %add3A_685 = arith.addf %add3A_684, %unpack3A_682 : vector<16xf32>
          %add3A_686 = arith.addf %while3A_661, %unpack3A_680 : vector<16xf32>
          %add3A_687 = arith.addf %add3A_686, %unpack3A_683 : vector<16xf32>
          scf.yield %add3A_685, %add3A_687 : vector<16xf32>, vector<16xf32>
        }
        %swap3A = arith.index_cast %add3A_565 : i32 to index
        %swap3A_654 = arith.constant 0 : index
        %swap3A_655 = tpu.vector_load %arg27[%swap3A, %swap3A_654] {strides = array<i32>} : memref<8x32xf32, #tpu.memory_space<vmem>>, vector<16xf32>,
        tpu.vector_store %arg27[%swap3A, %swap3A_654], %while3A_653#0 {strides = array<i32>} : memref<8x32xf32, #tpu.memory_space<vmem>>, vector<16xf32>,
        %swap3A_656 = arith.index_cast %add3A_565 : i32 to index
        %swap3A_657 = arith.constant 16 : index
        %swap3A_658 = tpu.vector_load %arg27[%swap3A_656, %swap3A_657] {strides = array<i32>} : memref<8x32xf32, #tpu.memory_space<vmem>>, vector<16xf32>,
        tpu.vector_store %arg27[%swap3A_656, %swap3A_657], %while3A_653#1 {strides = array<i32>} : memref<8x32xf32, #tpu.memory_space<vmem>>, vector<16xf32>,
      }
      %scan3A_553 = arith.constant 8 : i32
      %mul3A_554 = arith.constant 8 : i32
      %mul3A_555 = arith.muli %add3A_543, %mul3A_554 : i32
      %add3A_556 = arith.addi %mul3A_2, %mul3A_555 : i32
      %dma_start3A_557 = arith.constant 0 : i32
      %dma_start3A_558 = tpu.memref_slice %arg8[%add3A_556, %dma_start3A_557] : memref<16384x32xf32, #tpu.memory_space<hbm>> -> memref<8x32xf32, #tpu.memory_space<hbm>>
      %dma_start3A_559 = arith.constant 0 : i32
      %dma_start3A_560 = tpu.memref_slice %arg8[%add3A_556, %dma_start3A_559] : memref<16384x32xf32, #tpu.memory_space<hbm>> -> memref<8x32xf32, #tpu.memory_space<hbm>>
      tpu.enqueue_dma source(%arg27 : memref<8x32xf32, #tpu.memory_space<vmem>>) target(%dma_start3A_560 : memref<8x32xf32, #tpu.memory_space<hbm>>) target_semaphore(%arg33 : memref<!tpu.dma_semaphore, #tpu.memory_space<semaphore_mem>>)
    }
    %scan3A_147 = arith.constant 32 : i32
    %add3A_148 = arith.constant 496 : i32
    %add3A_149 = arith.addi %mul3A_2, %add3A_148 : i32
    %add3A_150 = arith.constant 504 : i32
    %add3A_151 = arith.addi %mul3A_2, %add3A_150 : i32
    %dma_wait3A_152 = arith.constant 0 : i32
    %dma_wait3A_153 = tpu.memref_slice %arg8[%add3A_149, %dma_wait3A_152] : memref<16384x32xf32, #tpu.memory_space<hbm>> -> memref<8x32xf32, #tpu.memory_space<hbm>>
    %dma_wait3A_154 = arith.constant 0 : i32
    %dma_wait3A_155 = tpu.memref_slice %arg8[%add3A_149, %dma_wait3A_154] : memref<16384x32xf32, #tpu.memory_space<hbm>> -> memref<8x32xf32, #tpu.memory_space<hbm>>
    tpu.wait_dma2 semaphore(%arg32 : memref<!tpu.dma_semaphore, #tpu.memory_space<semaphore_mem>>) src(%arg26 : memref<8x32xf32, #tpu.memory_space<vmem>>) dst(%dma_wait3A_155 : memref<8x32xf32, #tpu.memory_space<hbm>>)
    %dma_wait3A_156 = arith.constant 0 : i32
    %dma_wait3A_157 = tpu.memref_slice %arg8[%add3A_151, %dma_wait3A_156] : memref<16384x32xf32, #tpu.memory_space<hbm>> -> memref<8x32xf32, #tpu.memory_space<hbm>>
    %dma_wait3A_158 = arith.constant 0 : i32
    %dma_wait3A_159 = tpu.memref_slice %arg8[%add3A_151, %dma_wait3A_158] : memref<16384x32xf32, #tpu.memory_space<hbm>> -> memref<8x32xf32, #tpu.memory_space<hbm>>
    tpu.wait_dma2 semaphore(%arg33 : memref<!tpu.dma_semaphore, #tpu.memory_space<semaphore_mem>>) src(%arg27 : memref<8x32xf32, #tpu.memory_space<vmem>>) dst(%dma_wait3A_159 : memref<8x32xf32, #tpu.memory_space<hbm>>)
    return
  }
}

</mosaic_0001>

<sc_bundles>
// kernel: kernel.3.cloned.1.call-start
scs
__scs_entry_jumppad:
0x0: {  	(pc) =	sbr.rel $0x88, $3  }
0x1: {  	(tag) =	ssettag $0x0;
	lr =	simm.s32 $0x1  }
0x2: {  	[smem:$0x3F9B] =	sst lr;
	_ =	strace $0xD0000000  }
0x3: {  	_ = 	snop  }
0x4: {  	_ = 	snop  }
0x5: {  	_ = 	snop  }
0x6: {  	_ = 	snop  }
0x7: {  	_ = 	snop  }
__scs_overlays_trampoline_lowered:
0x8: {  	[smem:$0x3FAA] =	sst s0  }
0x9: {  	[smem:$0x3FAB] =	sst s1  }
0xa: {  	[smem:$0x3FAC] =	sst s2  }
0xb: {  	[smem:$0x3FAD] =	sst s3  }
0xc: {  	[smem:$0x3FAE] =	sst s4  }
0xd: {  	[smem:$0x3FAF] =	sst s5  }
0xe: {  	[smem:$0x3FB0] =	sst s6  }
0xf: {  	[smem:$0x3FB1] =	sst s7  }
0x10: {  	[smem:$0x3FB2] =	sst s8  }
0x11: {  	[smem:$0x3FB3] =	sst s9;
	s0 =	simm.s32 @!p0 $0x0  }
0x12: {  	s1 =	sld [smem:$0x3F99];
	s0 =	simm.s32 @p0 $0x1  }
0x13: {  	[smem:$0x3FB4] =	sst s0;
	s0 =	simm.s32 @!p1 $0x0  }
0x14: {  	s2 =	sld [smem:$0x3F98];
	s0 =	simm.s32 @p1 $0x1  }
0x15: {  	[smem:$0x3FB5] =	sst s0;
	s0 =	simm.s32 @!p2 $0x0  }
0x16: {  	s3 =	sld [smem:$0x3FDB];
	s0 =	simm.s32 @p2 $0x1  }
0x17: {  	s4 =	simm.s32 $0x1BF5;
	[smem:$0x3FB7] =	sst s0  }
0x18: {  	s0 =	sld [smem:$0x3F9A];
	_ =	swait.ge [sflag:s4], $0x0  }
0x19: {  	s7 =	sld [smem:$0x3F9B]  }
0x1a: {  	s8 =	sadd.s32 $0xFFFFE003, lr  }
0x1b: {  	s9 =	sadd.s32 $0xFFFFFEF7, lr;
	s5 =	simm.s32 $0xFFFFFFFF;
	p2 =	slt.u32 s8, $0xFFFFF086  }
0x1c: {  	p1 =	slt.u32 s9, $0xF7A;
	s5 =	simm.s32 @!p2 $0x0  }
0x1d: {  	s5 =	simm.s32 @p1 $0x1;
	p0 =	seq.s32 s7, s2  }
0x1e: {  	s7 =	smul.u32 @!p0 $0xF7A, s2;
	p2 =	seq.s32 @!p0 s5, $0x0  }
0x1f: {  	s9 =	smul.u32 $0xF7A, s1;
	s8 =	simm.s32 @!p0 $0x1BF5;
	p2 =	por !p2, p0  }
0x20: {  	[sflag:s8] =	ssyncset.s32 @!p0 $0xFFFFF086;
	s6 =	sadd.s32 @!p0 s3, s7;
	s7 =	simm.s32 @!p0 $0x108  }
0x21: {  	s3 =	sadd.s32 s3, s9;
	s6 =	sadd.s32 @!p0 $0x88, s6;
	s7 =	simm.s32 @p2 $0x1082  }
0x22: {  	[simem:s7], [sflag:s8] =	dma.local @!p0 [hbm:s6], $0xF7A  }
0x23: {  	s9 =	sor.u32 $0xD0000000, s2;
	s6 =	simm.s32 $0x108;
	_ =	swait.ge @!p0 [sflag:s8], $0x0  }
0x24: {  	s3 =	sadd.s32 $0x88, s3;
	s6 =	simm.s32 @!p1 $0x1082;
	[sflag:s4] =	ssyncset.s32 $0xFFFFF086  }
0x25: {  	[simem:s6], [sflag:s4] =	dma.local [hbm:s3], $0xF7A  }
0x26: {  	[smem:$0x3F9B] =	sst s1;
	(tag) =	ssettag s2;
	_ =	strace s9  }
0x27: {  	s1 =	sld [smem:$0x3FAB]  }
0x28: {  	s2 =	sld [smem:$0x3FAC]  }
0x29: {  	s4 =	sld [smem:$0x3FAE]  }
0x2a: {  	p0 =	seq.s32 s5, $0x0;
	s5 =	sld [smem:$0x3FAF]  }
0x2b: {  	s6 =	sld [smem:$0x3FB0]  }
0x2c: {  	s7 =	sld [smem:$0x3FB1]  }
0x2d: {  	s3 =	simm.s32 $0x108;
	s8 =	sld [smem:$0x3FB2]  }
0x2e: {  	s3 =	simm.s32 @!p0 $0x1082;
	s9 =	sld [smem:$0x3FB3]  }
0x2f: {  	lr =	sadd.s32 s0, s3;
	s0 =	sld [smem:$0x3FAA]  }
0x30: {  	s3 =	sld [smem:$0x3FAD]  }
0x31: {  	[smem:$0x3FB6] =	sst s10  }
0x32: {  	s10 =	sld [smem:$0x3FB4];
	_ =	sdelay $0x3  }
0x33: {  	p0 =	seq.s32 s10, $0x1;
	s10 =	sld [smem:$0x3FB6];
	_ =	sdelay $0x3  }
0x34: {  	[smem:$0x3FB6] =	sst s10  }
0x35: {  	s10 =	sld [smem:$0x3FB5];
	_ =	sdelay $0x3  }
0x36: {  	p1 =	seq.s32 s10, $0x1;
	s10 =	sld [smem:$0x3FB6];
	_ =	sdelay $0x3  }
0x37: {  	[smem:$0x3FB6] =	sst s10  }
0x38: {  	s10 =	sld [smem:$0x3FB7]  }
0x39: {  	_ = 	snop;
	(pc) =	sbr.ind lr, $3  }
0x3a: {  	_ = 	snop  }
0x3b: {  	_ = 	snop  }
0x3c: {  	p2 =	seq.s32 s10, $0x1;
	s10 =	sld [smem:$0x3FB6]  }
0x3d: {  	_ =	shalt  }
0x3e: {  	_ =	shalt  }
0x3f: {  	_ =	shalt  }
0x40: {  	_ =	shalt  }
0x41: {  	_ =	shalt  }
0x42: {  	_ =	shalt  }
0x43: {  	_ =	shalt  }
0x44: {  	_ =	shalt  }
0x45: {  	_ =	shalt  }
0x46: {  	_ =	shalt  }
0x47: {  	_ =	shalt  }
0x48: {  	_ =	shalt  }
0x49: {  	_ =	shalt  }
0x4a: {  	_ =	shalt  }
0x4b: {  	_ =	shalt  }
0x4c: {  	_ =	shalt  }
0x4d: {  	_ =	shalt  }
0x4e: {  	_ =	shalt  }
0x4f: {  	_ =	shalt  }
0x50: {  	_ =	shalt  }
0x51: {  	_ =	shalt  }
0x52: {  	_ =	shalt  }
0x53: {  	_ =	shalt  }
0x54: {  	_ =	shalt  }
0x55: {  	_ =	shalt  }
0x56: {  	_ =	shalt  }
0x57: {  	_ =	shalt  }
0x58: {  	_ =	shalt  }
0x59: {  	_ =	shalt  }
0x5a: {  	_ =	shalt  }
0x5b: {  	_ =	shalt  }
0x5c: {  	_ =	shalt  }
0x5d: {  	_ =	shalt  }
0x5e: {  	_ =	shalt  }
0x5f: {  	_ =	shalt  }
0x60: {  	_ =	shalt  }
0x61: {  	_ =	shalt  }
0x62: {  	_ =	shalt  }
0x63: {  	_ =	shalt  }
0x64: {  	_ =	shalt  }
0x65: {  	_ =	shalt  }
0x66: {  	_ =	shalt  }
0x67: {  	_ =	shalt  }
0x68: {  	_ =	shalt  }
0x69: {  	_ =	shalt  }
0x6a: {  	_ =	shalt  }
0x6b: {  	_ =	shalt  }
0x6c: {  	_ =	shalt  }
0x6d: {  	_ =	shalt  }
0x6e: {  	_ =	shalt  }
0x6f: {  	_ =	shalt  }
0x70: {  	_ =	shalt  }
0x71: {  	_ =	shalt  }
0x72: {  	_ =	shalt  }
0x73: {  	_ =	shalt  }
0x74: {  	_ =	shalt  }
0x75: {  	_ =	shalt  }
0x76: {  	_ =	shalt  }
0x77: {  	_ =	shalt  }
0x78: {  	_ =	shalt  }
0x79: {  	_ =	shalt  }
0x7a: {  	_ =	shalt  }
0x7b: {  	_ =	shalt  }
0x7c: {  	_ =	shalt  }
0x7d: {  	_ =	shalt  }
0x7e: {  	_ =	shalt  }
0x7f: {  	_ =	shalt  }
0x80: {  	_ =	shalt  }
0x81: {  	_ =	shalt  }
0x82: {  	_ =	shalt  }
0x83: {  	_ =	shalt  }
0x84: {  	_ =	shalt  }
0x85: {  	_ =	shalt  }
0x86: {  	_ =	shalt  }
0x87: {  	_ =	shalt  }
.Lfunc_end0:
.L_simem_size_0:
called_computation_lowered:
.L_overlay_start_0:
0x88: {  	s2 =	sld [smem:$0x3FD9]  }
0x89: {  	s3 =	sld [smem:$0x3FFE];
	_ =	sdelay $0x1  }
0x8a: {  	s1 =	srdreg.scid  }
0x8b: {  	s0 =	sand.u32 $0x1, s1  }
0x8c: {  	s17 =	sshll.u32 s0, $0xA;
	s2 =	sadd.s32 s3, s2  }
0x8d: {  	s2 =	sadd.s32 s2, s17  }
0x8e: {  	[smem:$0x3FC2] =	sst s2  }
0x8f: {  	_ = 	snop  }
0x90: {  	s2 =	sld [smem:$0x3FC6]  }
0x91: {  	s18 =	sld [smem:$0x3FD0];
	(tm) =	ssettm $0x1  }
0x92: {  	s4 =	sld [smem:$0x3FFB];
	_ =	sdelay $0x3  }
0x93: {  	_ =	strace s4  }
0x94: {  	s4 =	sld [smem:$0x3FFC];
	_ =	sdelay $0x3  }
0x95: {  	_ =	strace s4  }
0x96: {  	s4 =	sld [smem:$0x3FFD];
	_ =	sdelay $0x3  }
0x97: {  	_ =	strace s4  }
0x98: {  	_ =	strace $0x8FFFFFFF  }
0x99: {  	s19 =	sld [smem:$0x3FDB];
	_ =	sdelay $0x1  }
0x9a: {  	s5 =	simm.s32 $_scs_section_size  }
0x9b: {  	s6 =	simm.s32 $_size__tile_overlayer_lowered;
	s7 =	simm.s32 $_tile_overlayer_lowered  }
0x9c: {  	s22 =	simm.s32 $0x1BFF;
	s21 =	sshll.u32 s7, $0x1;
	s4 =	sadd.s32 s5, s19  }
0x9d: {  	s8 =	simm.s32 $0x0;
	s20 =	sshll.u32 s6, $0x1;
	s6 =	sadd.s32 s21, s4  }
0x9e: {  	[timem:s8], [sflag:s22] =	dma.local [hbm:s6], s20  }
0x9f: {  	_ =	swait.ge [sflag:s22], s20  }
0xa0: {  	s5 =	ssub.s32 $0x0, s20;
	[sflag:s22] =	ssyncset.done $0x0  }
0xa1: {  	[sflag:s22] =	ssyncadd.s32 s5;
	_ =	sdelay $0x1  }
0xa2: {  	s23 =	simm.s32 $0x1B8B  }
0xa3: {  	_ =	swait.ge [sflag:s23], $0x1  }
0xa4: {  	[sflag:s23] =	ssyncset.done $0x0  }
0xa5: {  	s25 =	simm.s32 $0x1B8E;
	s24 =	sld [smem:$0x3FFE];
	[sflag:s23] =	ssyncadd.s32 $0xFFFFFFFF  }
0xa6: {  	s26 =	simm.s32 $execute0_lowered;
	[smem:$0x3FD2] =	sst s25  }
0xa7: {  	s6 =	sshll.u32 s26, $0x1;
	_ =	strace $0x80000046;
	[dreg:$0x1] =	wrdreg $0xFFFFFFFF  }
0xa8: {  	s28 =	simm.s32 $_size_execute0_lowered;
	s4 =	sadd.s32 s4, s6;
	[dreg:$0x0] =	wrdreg $0x0  }
0xa9: {  	s6 =	sshll.u32 s28, $0x1;
	[dreg:$0x2] =	wrdreg s4  }
0xaa: {  	[dreg:$0x3] =	wrdreg s6  }
0xab: {  	[dreg:$0x4] =	wrdreg $0xC0  }
0xac: {  	_ =	task [dreg:s8], $0x5FFFF  }
0xad: {  	[dreg:$0x1] =	wrdreg $0xFFFFFFFF  }
0xae: {  	[dreg:$0x0] =	wrdreg $0x60  }
0xaf: {  	[dreg:$0x2] =	wrdreg s24  }
0xb0: {  	[dreg:$0x3] =	wrdreg s2  }
0xb1: {  	[dreg:$0x4] =	wrdreg s18  }
0xb2: {  	[dreg:$0x5] =	wrdreg $0x9  }
0xb3: {  	_ =	task.clear_ibuf [dreg:s8], $0x6FFFF;
	_ =	strace $0x90000046  }
0xb4: {  	s29 =	simm.s32 $0x9;
	_ =	strace $0x80000048  }
0xb5: {  	_ =	swait.ge [sflag:s29], $0x1  }
0xb6: {  	[sflag:s29] =	ssyncadd.s32 $0xFFFFFFFF  }
0xb7: {  	_ =	strace $0x90000048  }
0xb8: {  	_ =	sfence  }
0xb9: {  	s30 =	sld [smem:$0x0];
	_ =	sdelay $0x2  }
0xba: {  	s31 =	sshll.u32 s1, $0xD;
	s1 =	sshrl.u32 s1, $0x2  }
0xbb: {  	s3 =	sand.u32 $0x4000, s31;
	s1 =	sadd.s32 s1, s30  }
0xbc: {  	s0 =	sor.u32 s3, s0;
	s1 =	sshll.u32 s1, $0x11  }
0xbd: {  	s0 =	sor.u32 s1, s0  }
0xbe: {  	s0 =	sadd.s32 $0x8F2B, s0  }
0xbf: {  	[sflag:s0] =	ssyncadd.remote.s32 $0x1  }
0xc0: {  	_ =	sfence.sel $0xFFFF  }
0xc1: {  	[dreg:$0x0] =	wrdreg $0xFFFFFFFF;
	(pc) =	sbr.abs _section_cstart, $3  }
0xc2: {  	[dreg:$0x1] =	wrdreg $0xFFFFFFFF  }
0xc3: {  	_ =	task.clear_ibuf [dreg:s8], $0x2FFFF;
	_ =	strace $0x9FFFFFFF  }
0xc4: {  	(tm) =	ssettm $0x7FFFFFFF  }
0xc5: {  	_ =	shalt  }
tec
execute0_lowered:
.L_overlay_start_1:
0x0: {  	(tag) =	ssettag $0x1  }
0x1: {  	s0 =	rddreg [dreg:$0x0]  }
0x2: {  	s1 =	rddreg [dreg:$0x1]  }
0x3: {  	s2 =	rddreg [dreg:$0x2];
	s4 =	simm.s32 $0x0;
	s3 =	srdreg.scid  }
0x4: {  	s7 =	stileid.u32;
	s28 =	simm.s32 $0x3480;
	s29 =	simm.s32 $0x2780  }
0x5: {  	s30 =	simm.s32 $0x2E00;
	s31 =	simm.s32 $0x80;
	[smem:$0x7FF] =	sst s4  }
0x6: {  	s6 =	sand.u32 $0x1, s3;
	s3 =	sadd.s32 $0x64200, s0;
	s4 =	sadd.s32 $0x12C200, s0  }
0x7: {  	s8 =	sadd.s32 $0x33400, s0;
	_ =	strace $0x80000047;
	s5 =	sshll.u32 s6, $0x4  }
0x8: {  	s6 =	ssub.s32 $0x2, s6;
	s9 =	sor.u32 s7, s5;
	s5 =	sadd.s32 $0xC8200, s0  }
0x9: {  	s7 =	sadd.s32 $0x2600, s0;
	s17 =	sshrl.u32 s6, $0x1;
	s11 =	smul.u32 $0x19000, s9  }
0xa: {  	s0 =	ssub.s32 s6, s17;
	s18 =	sshll.u32 s9, $0x6;
	s25 =	sshll.u32 s9, $0xB  }
0xb: {  	s9 =	simm.s32 $0x4;
	s1 =	sadd.s32 s1, s18;
	s16 =	sadd.s32 s2, s25  }
0xc: {  	s0 =	smax.u32 s0, $0x1;
	s2 =	simm.s32 $0x2;
	[dreg:$0x5] =	wrdreg s1  }
0xd: {  	s10 =	sshrl.u32 s11, $0x3;
	[dreg:$0x4] =	wrdreg s11;
	s26 =	sadd.s32 $0x12C0, s11  }
0xe: {  	[dreg:$0xd] =	wrdreg s0;
	s0 =	simm.s32 $0x20;
	s19 =	sadd.s32 s3, s10  }
0xf: {  	s20 =	sor.u32 $0xC8, s10;
	s21 =	sadd.s32 s4, s10;
	[dreg:$0xc] =	wrdreg s26  }
0x10: {  	v0 =	vimm.s32 $0x0;
	vm0 =	vmmov $0x1;
	v1 =	vlaneseq.u32;
	s22 =	sadd.s32 s5, s10;
	s26 =	simm.s32 $0x1;
	[dreg:$0x6] =	wrdreg s19  }
.Ltmp0:
0x11: {  	vm1 =	vmmov $0xff;
	v14 =	vimm.s32 $0x186A0;
	v15 =	vimm.s32 $0x8;
	s10 =	simm.s32 $0x0;
	[dreg:$0x7] =	wrdreg s21;
	(pc) =	sbr.rel .LBB2_1-.Ltmp0, $4  }
0x12: {  	v2 =	vor.u32 $0x10, v1;
	v3 =	vor.u32 $0x20, v1;
	v4 =	vor.u32 $0x30, v1;
	[dreg:$0x8] =	wrdreg s22;
	s23 =	sadd.s32 s3, s20;
	s24 =	sadd.s32 s4, s20  }
0x13: {  	v5 =	vor.u32 $0x40, v1;
	v6 =	vor.u32 $0x50, v1;
	v7 =	vor.u32 $0x60, v1;
	s1 =	sadd.s32 s5, s20;
	s19 =	simm.s32 $0x2580;
	[dreg:$0x9] =	wrdreg s23  }
0x14: {  	v8 =	vor.u32 $0x70, v1;
	v9 =	vor.u32 $0x80, v1;
	v10 =	vor.u32 $0x90, v1;
	s21 =	simm.s32 $0x11190;
	s22 =	simm.s32 $0x10490;
	[dreg:$0xa] =	wrdreg s24  }
0x15: {  	v11 =	vor.u32 $0xA0, v1;
	v12 =	vor.u32 $0xB0, v1;
	v13 =	vor.u32 $0xC0, v1;
	[dreg:$0xb] =	wrdreg s1;
	s23 =	simm.s32 $0x10B10;
	s24 =	simm.s32 $0x3  }
.LBB2_65:
0x16: {  	s1 =	simm.s32 $0x5  }
0x17: {  	_ =	swait.ge [sflag:s1], $0x100  }
0x18: {  	[sflag:s1] =	ssyncset.done $0x0  }
0x19: {  	s6 =	simm.s32 $0x6;
	[sflag:s1] =	ssyncadd.s32 $0xFFFFFF00  }
0x1a: {  	_ =	swait.ge [sflag:s6], $0x100  }
0x1b: {  	s10 =	rddreg [dreg:$0xe]  }
0x1c: {  	s25 =	rddreg [dreg:$0xd];
	s10 =	sadd.s32 $0x1, s10  }
0x1d: {  	p0 =	sne.s32 s10, s25  }
.Ltmp1:
0x1e: {  	_ = 	snop;
	(pc) =	sbr.rel @!p0 .LBB2_66-.Ltmp1, $3  }
0x1f: {  	_ =	sdelay $0x1  }
0x20: {  	[sflag:s6] =	ssyncset.done $0x0  }
0x21: {  	[sflag:s6] =	ssyncadd.s32 $0xFFFFFF00  }
.LBB2_1:
0x22: {  	[dreg:$0xe] =	wrdreg s10  }
0x23: {  	s1 =	simm.s32 $0x0;
	s6 =	rddreg [dreg:$0x5];
	s25 =	simm.s32 $0x7  }
0x24: {  	[tilespmem:s19], [sflag:$0x7] =	stream.linear.gather [hbm4b:s6+s1], $0x200, $0x38;
	[tilespmem:$0x1E3A0] =	vst v63  }
0x25: {  	_ =	swait.ge [sflag:s25], $0x200  }
0x26: {  	[sflag:s25] =	ssyncset.done $0x0  }
0x27: {  	s6 =	simm.s32 $0x40;
	s1 =	simm.s32 $0x0;
	[sflag:s25] =	ssyncadd.s32 $0xFFFFFE00  }
.LBB2_2:
0x28: {  	p0 =	sne.s32 s6, $0x19C0;
	[tilespmem:s1+$0x10B10] =	vst v0;
	s10 =	smov.u32 s6;
	s6 =	sadd.s32 $0x40, s6  }
.Ltmp2:
0x29: {  	[tilespmem:s1+$0x10490] =	vst v0;
	(pc) =	sbr.rel @p0 .LBB2_2-.Ltmp2, $3  }
0x2a: {  	[tilespmem:s1+$0x2780] =	vst v0  }
0x2b: {  	[tilespmem:s1+$0x2E00] =	vst v0;
	_ =	sdelay $0x1  }
0x2c: {  	s1 =	sshra.s32 s10, $0x2  }
0x2d: {  	[tilespmem:s1+$0x10B10] =	vst v0  }
0x2e: {  	[tilespmem:s1+$0x10490] =	vst v0  }
0x2f: {  	[tilespmem:s1+$0x2780] =	vst v0  }
0x30: {  	[tilespmem:s1+$0x2E00] =	vst v0;
	s13 =	simm.s32 $0x0;
	s6 =	rddreg [dreg:$0x6]  }
0x31: {  	[tilespmem:s13], [sflag:$0x1] =	stream.linear.gather [hbm4b:s6+s13], $0x640, $0x38;
	[tilespmem:$0x1E3A0] =	vst v63  }
0x32: {  	s10 =	rddreg [dreg:$0x7];
	s6 =	simm.s32 $0x640  }
0x33: {  	[tilespmem:s6], [sflag:$0x1] =	stream.linear.gather [hbm4b:s10+s13], $0x640, $0x38;
	[tilespmem:$0x1E3A0] =	vst v63  }
0x34: {  	s11 =	rddreg [dreg:$0x8];
	s12 =	simm.s32 $0xC80  }
0x35: {  	[tilespmem:s12], [sflag:$0x1] =	stream.linear.gather [hbm4b:s11+s13], $0x640, $0x38;
	[tilespmem:$0x1E3A0] =	vst v63  }
0x36: {  	s14 =	rddreg [dreg:$0x9];
	s15 =	simm.s32 $0x12C0  }
0x37: {  	[tilespmem:s15], [sflag:$0x2] =	stream.linear.gather [hbm4b:s14+s13], $0x640, $0x38;
	[tilespmem:$0x1E3A0] =	vst v63  }
0x38: {  	s17 =	rddreg [dreg:$0xa];
	s18 =	simm.s32 $0x1900  }
0x39: {  	[tilespmem:s18], [sflag:$0x2] =	stream.linear.gather [hbm4b:s17+s13], $0x640, $0x38;
	[tilespmem:$0x1E3A0] =	vst v63  }
0x3a: {  	s20 =	rddreg [dreg:$0xb];
	s25 =	simm.s32 $0x1F40  }
0x3b: {  	[tilespmem:s25], [sflag:$0x2] =	stream.linear.gather [hbm4b:s20+s13], $0x640, $0x38;
	[tilespmem:$0x1E3A0] =	vst v63  }
0x3c: {  	_ =	swait.ge [sflag:s26], $0x640  }
0x3d: {  	[sflag:s26] =	ssyncset.done $0x0  }
0x3e: {  	[sflag:s26] =	ssyncadd.s32 $0xFFFFF9C0  }
0x3f: {  	_ =	swait.ge [sflag:s26], $0x640  }
0x40: {  	[sflag:s26] =	ssyncset.done $0x0  }
0x41: {  	[sflag:s26] =	ssyncadd.s32 $0xFFFFF9C0  }
0x42: {  	_ =	swait.ge [sflag:s26], $0x640  }
0x43: {  	s10 =	simm.s32 $0x60;
	[sflag:s26] =	ssyncset.done $0x0  }
0x44: {  	v17 =	vimm.s32 $0x0;
	s6 =	simm.s32 $0x6A0;
	s12 =	simm.s32 $0xCE0;
	[sflag:s26] =	ssyncadd.s32 $0xFFFFF9C0  }
.LBB2_4:
0x45: {  	v16 =	vmov s13;
	_ =	sdelay $0x4  }
0x46: {  	[tilespmem:v16+s28+$0x0] =	vst.idx.msk $0x1, v17  }
0x47: {  	v16 =	vld.idx.msk [tilespmem:v16+s19+$0x0], $0xffff  }
0x48: {  	v18 =	vld [tilespmem:s12+$0xFFFFFFA0];
	_ =	sdelay $0x4  }
0x49: {  	vm2 =	vgt.s32 v16, v1;
	vm3 =	veq.s32 v18, $0x0  }
0x4a: {  	vm2 =	vmand vm2, vm3  }
0x4b: {  	v18 =	vsel vm2, $0x1, v0  }
0x4c: {  	(xrf0) =	vadd.scan.msk.s32 $0xffff, v18;
	_ =	sdelay $0x5  }
0x4d: {  	v18, _, _ =	vpop (xrf0)  }
0x4e: {  	v18 =	vadd.s32 v18, v17  }
0x4f: {  	v19 =	vld [tilespmem:s10+$0xFFFFFFA0];
	v18 =	vadd.s32 $0xFFFFFFFF, v18;
	_ =	sdelay $0x4  }
0x50: {  	[tilespmem:v18+s29+$0x0] =	vst.idx.msk vm2, v19  }
0x51: {  	v19 =	vld [tilespmem:s6+$0xFFFFFFA0];
	_ =	sdelay $0x4  }
0x52: {  	[tilespmem:v18+s30+$0x0] =	vst.idx.msk vm2, v19  }
0x53: {  	v18 =	vld [tilespmem:s12+$0xFFFFFFB0];
	_ =	sdelay $0x4  }
0x54: {  	vm3 =	vgt.s32 v16, v2;
	vm4 =	veq.s32 v18, $0x0  }
0x55: {  	vm3 =	vmand vm3, vm4  }
0x56: {  	v18 =	vsel vm3, $0x1, v0  }
0x57: {  	(xrf0) =	vadd.scan.msk.s32 $0xffff, v18;
	_ =	sdelay $0x1  }
0x58: {  	v18 =	vmpcnt.ones.xlane vm2;
	_ =	sdelay $0x3  }
0x59: {  	v17 =	vadd.s32 v17, v18;
	v18, _, _ =	vpop (xrf0)  }
0x5a: {  	v18 =	vadd.s32 v18, v17  }
0x5b: {  	v19 =	vld [tilespmem:s10+$0xFFFFFFB0];
	v18 =	vadd.s32 $0xFFFFFFFF, v18;
	_ =	sdelay $0x4  }
0x5c: {  	[tilespmem:v18+s29+$0x0] =	vst.idx.msk vm3, v19  }
0x5d: {  	v19 =	vld [tilespmem:s6+$0xFFFFFFB0];
	_ =	sdelay $0x4  }
0x5e: {  	[tilespmem:v18+s30+$0x0] =	vst.idx.msk vm3, v19  }
0x5f: {  	v18 =	vld [tilespmem:s12+$0xFFFFFFC0];
	_ =	sdelay $0x4  }
0x60: {  	vm2 =	vgt.s32 v16, v3;
	vm13 =	veq.s32 v18, $0x0  }
0x61: {  	vm2 =	vmand vm2, vm13  }
0x62: {  	v18 =	vsel vm2, $0x1, v0  }
0x63: {  	(xrf0) =	vadd.scan.msk.s32 $0xffff, v18;
	_ =	sdelay $0x1  }
0x64: {  	v18 =	vmpcnt.ones.xlane vm3;
	_ =	sdelay $0x3  }
0x65: {  	v17 =	vadd.s32 v17, v18;
	v18, _, _ =	vpop (xrf0)  }
0x66: {  	v18 =	vadd.s32 v18, v17  }
0x67: {  	v19 =	vld [tilespmem:s10+$0xFFFFFFC0];
	v18 =	vadd.s32 $0xFFFFFFFF, v18;
	_ =	sdelay $0x4  }
0x68: {  	[tilespmem:v18+s29+$0x0] =	vst.idx.msk vm2, v19  }
0x69: {  	v19 =	vld [tilespmem:s6+$0xFFFFFFC0];
	_ =	sdelay $0x4  }
0x6a: {  	[tilespmem:v18+s30+$0x0] =	vst.idx.msk vm2, v19  }
0x6b: {  	v18 =	vld [tilespmem:s12+$0xFFFFFFD0];
	_ =	sdelay $0x4  }
0x6c: {  	vm3 =	vgt.s32 v16, v4;
	vm14 =	veq.s32 v18, $0x0  }
0x6d: {  	vm3 =	vmand vm3, vm14  }
0x6e: {  	v18 =	vsel vm3, $0x1, v0  }
0x6f: {  	(xrf0) =	vadd.scan.msk.s32 $0xffff, v18;
	_ =	sdelay $0x1  }
0x70: {  	v18 =	vmpcnt.ones.xlane vm2;
	_ =	sdelay $0x3  }
0x71: {  	v17 =	vadd.s32 v17, v18;
	v18, _, _ =	vpop (xrf0)  }
0x72: {  	v18 =	vadd.s32 v18, v17  }
0x73: {  	v19 =	vld [tilespmem:s10+$0xFFFFFFD0];
	v18 =	vadd.s32 $0xFFFFFFFF, v18;
	_ =	sdelay $0x4  }
0x74: {  	[tilespmem:v18+s29+$0x0] =	vst.idx.msk vm3, v19  }
0x75: {  	v19 =	vld [tilespmem:s6+$0xFFFFFFD0];
	_ =	sdelay $0x4  }
0x76: {  	[tilespmem:v18+s30+$0x0] =	vst.idx.msk vm3, v19  }
0x77: {  	v18 =	vld [tilespmem:s12+$0xFFFFFFE0];
	_ =	sdelay $0x4  }
0x78: {  	vm2 =	vgt.s32 v16, v5;
	vm15 =	veq.s32 v18, $0x0  }
0x79: {  	vm2 =	vmand vm2, vm15  }
0x7a: {  	v18 =	vsel vm2, $0x1, v0  }
0x7b: {  	(xrf0) =	vadd.scan.msk.s32 $0xffff, v18;
	_ =	sdelay $0x1  }
0x7c: {  	v18 =	vmpcnt.ones.xlane vm3;
	_ =	sdelay $0x3  }
0x7d: {  	v17 =	vadd.s32 v17, v18;
	v18, _, _ =	vpop (xrf0)  }
0x7e: {  	v18 =	vadd.s32 v18, v17  }
0x7f: {  	v19 =	vld [tilespmem:s10+$0xFFFFFFE0];
	v18 =	vadd.s32 $0xFFFFFFFF, v18;
	_ =	sdelay $0x4  }
0x80: {  	[tilespmem:v18+s29+$0x0] =	vst.idx.msk vm2, v19  }
0x81: {  	v19 =	vld [tilespmem:s6+$0xFFFFFFE0];
	_ =	sdelay $0x4  }
0x82: {  	[tilespmem:v18+s30+$0x0] =	vst.idx.msk vm2, v19  }
0x83: {  	v18 =	vld [tilespmem:s12+$0xFFFFFFF0];
	_ =	sdelay $0x4  }
0x84: {  	vm3 =	vgt.s32 v16, v6;
	vm8 =	veq.s32 v18, $0x0  }
0x85: {  	vm3 =	vmand vm3, vm8  }
0x86: {  	v18 =	vsel vm3, $0x1, v0  }
0x87: {  	(xrf0) =	vadd.scan.msk.s32 $0xffff, v18;
	_ =	sdelay $0x1  }
0x88: {  	v18 =	vmpcnt.ones.xlane vm2;
	_ =	sdelay $0x3  }
0x89: {  	v17 =	vadd.s32 v17, v18;
	v18, _, _ =	vpop (xrf0)  }
0x8a: {  	v18 =	vadd.s32 v18, v17  }
0x8b: {  	v19 =	vld [tilespmem:s10+$0xFFFFFFF0];
	v18 =	vadd.s32 $0xFFFFFFFF, v18;
	_ =	sdelay $0x4  }
0x8c: {  	[tilespmem:v18+s29+$0x0] =	vst.idx.msk vm3, v19  }
0x8d: {  	v19 =	vld [tilespmem:s6+$0xFFFFFFF0];
	_ =	sdelay $0x4  }
0x8e: {  	[tilespmem:v18+s30+$0x0] =	vst.idx.msk vm3, v19  }
0x8f: {  	v18 =	vld [tilespmem:s12+$0x0];
	_ =	sdelay $0x4  }
0x90: {  	vm2 =	vgt.s32 v16, v7;
	vm9 =	veq.s32 v18, $0x0  }
0x91: {  	vm2 =	vmand vm2, vm9  }
0x92: {  	v18 =	vsel vm2, $0x1, v0  }
0x93: {  	(xrf0) =	vadd.scan.msk.s32 $0xffff, v18;
	_ =	sdelay $0x1  }
0x94: {  	v18 =	vmpcnt.ones.xlane vm3;
	_ =	sdelay $0x3  }
0x95: {  	v17 =	vadd.s32 v17, v18;
	v18, _, _ =	vpop (xrf0)  }
0x96: {  	v18 =	vadd.s32 v18, v17  }
0x97: {  	v19 =	vld [tilespmem:s10+$0x0];
	v18 =	vadd.s32 $0xFFFFFFFF, v18;
	_ =	sdelay $0x4  }
0x98: {  	[tilespmem:v18+s29+$0x0] =	vst.idx.msk vm2, v19  }
0x99: {  	v19 =	vld [tilespmem:s6+$0x0];
	_ =	sdelay $0x4  }
0x9a: {  	[tilespmem:v18+s30+$0x0] =	vst.idx.msk vm2, v19  }
0x9b: {  	v18 =	vld [tilespmem:s12+$0x10];
	_ =	sdelay $0x4  }
0x9c: {  	vm3 =	vgt.s32 v16, v8;
	vm10 =	veq.s32 v18, $0x0  }
0x9d: {  	vm3 =	vmand vm3, vm10  }
0x9e: {  	v18 =	vsel vm3, $0x1, v0  }
0x9f: {  	(xrf0) =	vadd.scan.msk.s32 $0xffff, v18;
	_ =	sdelay $0x1  }
0xa0: {  	v18 =	vmpcnt.ones.xlane vm2;
	_ =	sdelay $0x3  }
0xa1: {  	v17 =	vadd.s32 v17, v18;
	v18, _, _ =	vpop (xrf0)  }
0xa2: {  	v18 =	vadd.s32 v18, v17  }
0xa3: {  	v19 =	vld [tilespmem:s10+$0x10];
	v18 =	vadd.s32 $0xFFFFFFFF, v18;
	_ =	sdelay $0x4  }
0xa4: {  	[tilespmem:v18+s29+$0x0] =	vst.idx.msk vm3, v19  }
0xa5: {  	v19 =	vld [tilespmem:s6+$0x10];
	_ =	sdelay $0x4  }
0xa6: {  	[tilespmem:v18+s30+$0x0] =	vst.idx.msk vm3, v19  }
0xa7: {  	v18 =	vld [tilespmem:s12+$0x20];
	_ =	sdelay $0x4  }
0xa8: {  	vm2 =	vgt.s32 v16, v9;
	vm11 =	veq.s32 v18, $0x0  }
0xa9: {  	vm2 =	vmand vm2, vm11  }
0xaa: {  	v18 =	vsel vm2, $0x1, v0  }
0xab: {  	(xrf0) =	vadd.scan.msk.s32 $0xffff, v18;
	_ =	sdelay $0x1  }
0xac: {  	v18 =	vmpcnt.ones.xlane vm3;
	_ =	sdelay $0x3  }
0xad: {  	v17 =	vadd.s32 v17, v18;
	v18, _, _ =	vpop (xrf0)  }
0xae: {  	v18 =	vadd.s32 v18, v17  }
0xaf: {  	v19 =	vld [tilespmem:s10+$0x20];
	v18 =	vadd.s32 $0xFFFFFFFF, v18;
	_ =	sdelay $0x4  }
0xb0: {  	[tilespmem:v18+s29+$0x0] =	vst.idx.msk vm2, v19  }
0xb1: {  	v19 =	vld [tilespmem:s6+$0x20];
	_ =	sdelay $0x4  }
0xb2: {  	[tilespmem:v18+s30+$0x0] =	vst.idx.msk vm2, v19  }
0xb3: {  	v18 =	vld [tilespmem:s12+$0x30];
	_ =	sdelay $0x4  }
0xb4: {  	vm3 =	vgt.s32 v16, v10;
	vm12 =	veq.s32 v18, $0x0  }
0xb5: {  	vm3 =	vmand vm3, vm12  }
0xb6: {  	v18 =	vsel vm3, $0x1, v0  }
0xb7: {  	(xrf0) =	vadd.scan.msk.s32 $0xffff, v18;
	_ =	sdelay $0x1  }
0xb8: {  	v18 =	vmpcnt.ones.xlane vm2;
	_ =	sdelay $0x3  }
0xb9: {  	v17 =	vadd.s32 v17, v18;
	v18, _, _ =	vpop (xrf0)  }
0xba: {  	v18 =	vadd.s32 v18, v17  }
0xbb: {  	v19 =	vld [tilespmem:s10+$0x30];
	v18 =	vadd.s32 $0xFFFFFFFF, v18;
	_ =	sdelay $0x4  }
0xbc: {  	[tilespmem:v18+s29+$0x0] =	vst.idx.msk vm3, v19  }
0xbd: {  	v19 =	vld [tilespmem:s6+$0x30];
	_ =	sdelay $0x4  }
0xbe: {  	[tilespmem:v18+s30+$0x0] =	vst.idx.msk vm3, v19  }
0xbf: {  	v18 =	vld [tilespmem:s12+$0x40];
	_ =	sdelay $0x4  }
0xc0: {  	vm2 =	vgt.s32 v16, v11;
	vm13 =	veq.s32 v18, $0x0  }
0xc1: {  	vm2 =	vmand vm2, vm13  }
0xc2: {  	v18 =	vsel vm2, $0x1, v0  }
0xc3: {  	(xrf0) =	vadd.scan.msk.s32 $0xffff, v18;
	_ =	sdelay $0x1  }
0xc4: {  	v18 =	vmpcnt.ones.xlane vm3;
	_ =	sdelay $0x3  }
0xc5: {  	v17 =	vadd.s32 v17, v18;
	v18, _, _ =	vpop (xrf0)  }
0xc6: {  	v18 =	vadd.s32 v18, v17  }
0xc7: {  	v19 =	vld [tilespmem:s10+$0x40];
	v18 =	vadd.s32 $0xFFFFFFFF, v18;
	_ =	sdelay $0x4  }
0xc8: {  	[tilespmem:v18+s29+$0x0] =	vst.idx.msk vm2, v19  }
0xc9: {  	v19 =	vld [tilespmem:s6+$0x40];
	_ =	sdelay $0x4  }
0xca: {  	[tilespmem:v18+s30+$0x0] =	vst.idx.msk vm2, v19  }
0xcb: {  	v18 =	vld [tilespmem:s12+$0x50];
	_ =	sdelay $0x4  }
0xcc: {  	vm3 =	vgt.s32 v16, v12;
	vm14 =	veq.s32 v18, $0x0  }
0xcd: {  	vm3 =	vmand vm3, vm14  }
0xce: {  	v18 =	vsel vm3, $0x1, v0  }
0xcf: {  	(xrf0) =	vadd.scan.msk.s32 $0xffff, v18;
	_ =	sdelay $0x1  }
0xd0: {  	v18 =	vmpcnt.ones.xlane vm2;
	_ =	sdelay $0x3  }
0xd1: {  	v17 =	vadd.s32 v17, v18;
	v18, _, _ =	vpop (xrf0)  }
0xd2: {  	v18 =	vadd.s32 v18, v17  }
0xd3: {  	v19 =	vld [tilespmem:s10+$0x50];
	v18 =	vadd.s32 $0xFFFFFFFF, v18;
	_ =	sdelay $0x4  }
0xd4: {  	[tilespmem:v18+s29+$0x0] =	vst.idx.msk vm3, v19  }
0xd5: {  	v19 =	vld [tilespmem:s6+$0x50];
	_ =	sdelay $0x4  }
0xd6: {  	[tilespmem:v18+s30+$0x0] =	vst.idx.msk vm3, v19  }
0xd7: {  	v18 =	vld [tilespmem:s12+$0x60];
	_ =	sdelay $0x4  }
0xd8: {  	vm2 =	vgt.s32 v16, v13;
	vm15 =	veq.s32 v18, $0x0  }
0xd9: {  	vm2 =	vmand vm2, vm15  }
0xda: {  	vm2 =	vmand vm2, vm1  }
0xdb: {  	v16 =	vsel vm2, $0x1, v0  }
0xdc: {  	(xrf0) =	vadd.scan.msk.s32 $0xffff, v16;
	_ =	sdelay $0x3  }
0xdd: {  	v16 =	vmpcnt.ones.xlane vm3;
	_ =	sdelay $0x1  }
0xde: {  	v16 =	vadd.s32 v17, v16;
	v17, _, _ =	vpop (xrf0)  }
0xdf: {  	v17 =	vadd.s32 v17, v16  }
0xe0: {  	v18 =	vld [tilespmem:s10+$0x60];
	v17 =	vadd.s32 $0xFFFFFFFF, v17  }
0xe1: {  	v19 =	vmpcnt.ones.xlane vm2;
	_ =	sdelay $0x1  }
0xe2: {  	v16 =	vadd.s32 v16, v19  }
0xe3: {  	v19 =	vand.u32 $0x1, v16  }
0xe4: {  	vm3 =	veq.s32 v19, $0x1;
	[tilespmem:v17+s29+$0x0] =	vst.idx.msk vm2, v18  }
0xe5: {  	vm3 =	vmand vm3, vm0;
	v18 =	vld [tilespmem:s6+$0x60];
	_ =	sdelay $0x1  }
0xe6: {  	p0 =	sne.s32 s13, $0x7  }
.Ltmp3:
0xe7: {  	_ = 	snop;
	(pc) =	sbr.rel @p0 .LBB2_4-.Ltmp3, $4  }
0xe8: {  	_ = 	snop  }
0xe9: {  	[tilespmem:v17+s30+$0x0] =	vst.idx.msk vm2, v18  }
0xea: {  	s13 =	sadd.s32 $0x1, s13;
	[tilespmem:v16+s29+$0x0] =	vst.idx.msk vm3, v14  }
0xeb: {  	s12 =	sadd.s32 $0xC8, s12;
	s10 =	sadd.s32 $0xC8, s10;
	s6 =	sadd.s32 $0xC8, s6;
	v17 =	vadd.s32 v16, v19;
	[tilespmem:v16+s30+$0x0] =	vst.idx.msk vm3, v0  }
0xec: {  	_ =	sdelay $0x3  }
0xed: {  	[tilespmem:v15+s28+$0x0] =	vst.idx.msk $0x1, v17  }
0xee: {  	v16 =	vld.idx.msk [tilespmem:v15+s28+$0x0], $0xffff;
	_ =	sdelay $0x4  }
0xef: {  	v16 =	vxor.u32 $0x80000000, v16  }
0xf0: {  	(xrf0) =	vmax.scan.msk.u32 $0xffff, v16;
	_ =	sdelay $0x5  }
0xf1: {  	v16, _, _ =	vpop (xrf0)  }
0xf2: {  	(v2sf) =	vpush v16, $0xF;
	_ =	sdelay $0xe  }
0xf3: {  	s1 =	spop (v2sf)  }
0xf4: {  	s10 =	sxor.u32 $0x80000000, s1  }
0xf5: {  	p1 =	sgt.s32 s1, $0xFFFFFFFF;
	s1 =	sand.u32 $0x7F, s1;
	p0 =	slt.s32 s10, $0x1  }
0xf6: {  	s6 =	sshra.s32 s10, $0x1F;
	p6 =	sne.s32 s1, $0x0;
	p0 =	por p1, p0  }
0xf7: {  	s25 =	sshrl.u32 s6, $0x19;
	p0 =	por !p6, !p0  }
0xf8: {  	s6 =	simm.s32 $0x1;
	s1 =	sadd.s32 s25, s10;
	p0 =	por !p0, !p0  }
0xf9: {  	s1 =	sshra.s32 s1, $0x7;
	s6 =	simm.s32 @!p0 $0x0  }
0xfa: {  	s6 =	ssub.s32 s1, s6  }
0xfb: {  	p0 =	sgt.s32 s6, $0x0  }
.Ltmp4:
0xfc: {  	_ = 	snop;
	(pc) =	sbr.rel @!p0 .LBB2_8-.Ltmp4, $1  }
0xfd: {  	_ =	sdelay $0x3  }
0xfe: {  	p0 =	seq.s32 s6, $0x1  }
.Ltmp5:
0xff: {  	s11 =	simm.s32 $0x2780;
	(pc) =	sbr.rel @p0 .LBB2_8-.Ltmp5, $4  }
0x100: {  	s1 =	simm.s32 $0x2E00;
	s12 =	simm.s32 $0x9C90;
	s13 =	simm.s32 $0x3490  }
0x101: {  	[tilespmem:s13], [sflag:$0x3] =	stream.indirect.gather [hbm4b:s7+s31], $0x10, s11, s31, $0xb8;
	[tilespmem:$0x1E3A0] =	vst v63  }
0x102: {  	s14 =	simm.s32 $0x2800;
	s15 =	simm.s32 $0x3C90;
	s13 =	sadd.s32 $0xFFFFFFFF, s6  }
0x103: {  	[tilespmem:s12], [sflag:$0x3] =	stream.indirect.gather [hbm4b:s8+s31], $0x10, s1, s31, $0xb8;
	[tilespmem:$0x1E3A0] =	vst v63  }
.LBB2_7:
0x104: {  	[tilespmem:s15], [sflag:$0x3] =	stream.indirect.gather [hbm4b:s7+s31], $0x10, s14, s31, $0xb8;
	[tilespmem:$0x1E3A0] =	vst v63  }
0x105: {  	p0 =	seq.s32 s13, $0x1  }
.Ltmp6:
0x106: {  	s13 =	sadd.s32 $0xFFFFFFFF, s13;
	(pc) =	sbr.rel @!p0 .LBB2_7-.Ltmp6, $4  }
0x107: {  	s1 =	sadd.s32 $0x80, s1;
	s12 =	sadd.s32 $0x800, s12  }
0x108: {  	[tilespmem:s12], [sflag:$0x3] =	stream.indirect.gather [hbm4b:s8+s31], $0x10, s1, s31, $0xb8;
	[tilespmem:$0x1E3A0] =	vst v63  }
0x109: {  	_ = 	snop  }
0x10a: {  	s14 =	sadd.s32 $0x80, s14;
	s15 =	sadd.s32 $0x800, s15  }
.LBB2_8:
0x10b: {  	s1 =	sshll.u32 s6, $0x7  }
0x10c: {  	s1 =	ssub.s32 s10, s1  }
0x10d: {  	s1 =	sadd.s32 $0x1F, s1  }
0x10e: {  	s20 =	sand.u32 $0x1F, s1  }
0x10f: {  	s25 =	sshra.s32 s1, $0x1F;
	p1 =	slt.s32 s1, $0x1;
	p0 =	sne.s32 s20, $0x0  }
0x110: {  	s10 =	sshrl.u32 s25, $0x1B;
	p0 =	por !p1, !p0  }
0x111: {  	s1 =	sadd.s32 s10, s1;
	s10 =	simm.s32 $0x1;
	p0 =	por !p0, !p0  }
0x112: {  	s1 =	sshra.s32 s1, $0x5;
	s10 =	simm.s32 @!p0 $0x0  }
0x113: {  	s10 =	ssub.s32 s1, s10  }
0x114: {  	p0 =	slt.s32 s10, $0x1  }
.Ltmp7:
0x115: {  	_ = 	snop;
	(pc) =	sbr.rel @p0 .LBB2_11-.Ltmp7, $1  }
0x116: {  	_ =	sdelay $0x3  }
0x117: {  	s1 =	sshll.u32 s6, $0x9  }
0x118: {  	s25 =	sshll.u32 s6, $0xD;
	p0 =	sne.s32 s10, $0x1;
	s10 =	sadd.s32 $0xFFFFFFFF, s10  }
.Ltmp8:
0x119: {  	s1 =	sshra.s32 s1, $0x2;
	s6 =	sshra.s32 s25, $0x2;
	(pc) =	sbr.rel @!p0 .LBB2_11-.Ltmp8, $4  }
0x11a: {  	s11 =	sadd.s32 $0x2780, s1;
	s1 =	sadd.s32 $0x2E00, s1;
	s13 =	sadd.s32 $0x3490, s6  }
0x11b: {  	[tilespmem:s13], [sflag:$0x3] =	stream.indirect.gather [hbm4b:s7+s0], $0x10, s11, s0, $0xb8;
	[tilespmem:$0x1E3A0] =	vst v63  }
0x11c: {  	s6 =	sadd.s32 $0x9C90, s6;
	s12 =	sadd.s32 $0x20, s11;
	s13 =	sadd.s32 $0x200, s13  }
0x11d: {  	[tilespmem:s6], [sflag:$0x3] =	stream.indirect.gather [hbm4b:s8+s0], $0x10, s1, s0, $0xb8;
	[tilespmem:$0x1E3A0] =	vst v63  }
.LBB2_10:
0x11e: {  	[tilespmem:s13], [sflag:$0x3] =	stream.indirect.gather [hbm4b:s7+s0], $0x10, s12, s0, $0xb8;
	[tilespmem:$0x1E3A0] =	vst v63  }
0x11f: {  	p0 =	sne.s32 s10, $0x1  }
.Ltmp9:
0x120: {  	s10 =	sadd.s32 $0xFFFFFFFF, s10;
	(pc) =	sbr.rel @p0 .LBB2_10-.Ltmp9, $4  }
0x121: {  	s1 =	sadd.s32 $0x20, s1;
	s6 =	sadd.s32 $0x200, s6  }
0x122: {  	[tilespmem:s6], [sflag:$0x3] =	stream.indirect.gather [hbm4b:s8+s0], $0x10, s1, s0, $0xb8;
	[tilespmem:$0x1E3A0] =	vst v63  }
0x123: {  	_ = 	snop  }
0x124: {  	s12 =	sadd.s32 $0x20, s12;
	s13 =	sadd.s32 $0x200, s13  }
.LBB2_11:
.Ltmp10:
0x125: {  	(pc) =	sbr.rel .LBB2_12-.Ltmp10, $2  }
0x126: {  	_ =	sdelay $0x2  }
0x127: {  	s14 =	simm.s32 $0x0;
	s15 =	simm.s32 $0x8;
	s18 =	simm.s32 $0x10  }
.LBB2_64:
0x128: {  	s14 =	sadd.s32 $0x1, s14  }
0x129: {  	p0 =	sne.s32 s14, $0x20  }
.Ltmp11:
0x12a: {  	_ = 	snop;
	(pc) =	sbr.rel @!p0 .LBB2_65-.Ltmp11, $4  }
0x12b: {  	_ = 	snop  }
0x12c: {  	s1 =	sshll.u32 s20, $0x5;
	s6 =	simm.s32 $0x0;
	s10 =	simm.s32 $0x1E2A0  }
0x12d: {  	s15 =	sadd.s32 $0x10, s15;
	s18 =	sadd.s32 $0x10, s18;
	s1 =	sadd.s32 s1, s16  }
0x12e: {  	[hbm4b:s1+s6] =	stream.linear.scatter [tilespmem:s10], [sflag:$0x6], $0x100, $0x38;
	[tilespmem:$0x1E3A0] =	vst v63  }
.LBB2_12:
0x12f: {  	_ =	swait.ge [sflag:s2], $0x640  }
0x130: {  	[sflag:s2] =	ssyncset.done $0x0  }
0x131: {  	[sflag:s2] =	ssyncadd.s32 $0xFFFFF9C0  }
0x132: {  	_ =	swait.ge [sflag:s2], $0x640  }
0x133: {  	[sflag:s2] =	ssyncset.done $0x0  }
0x134: {  	[sflag:s2] =	ssyncadd.s32 $0xFFFFF9C0  }
0x135: {  	s13 =	sshll.u32 s14, $0x1;
	s20 =	sshllo.u32 s14, $0x1;
	_ =	swait.ge [sflag:s2], $0x640  }
0x136: {  	s25 =	simm.s32 $0x1960;
	s10 =	simm.s32 $0x1FA0;
	[sflag:s2] =	ssyncset.done $0x0  }
0x137: {  	v17 =	vimm.s32 $0x0;
	s12 =	simm.s32 $0x1320;
	s6 =	simm.s32 $0x0;
	[sflag:s2] =	ssyncadd.s32 $0xFFFFF9C0  }
.LBB2_13:
0x138: {  	v16 =	vmov s6;
	s1 =	sadd.s32 s6, s15  }
0x139: {  	v18 =	vmov s1;
	_ =	sdelay $0x3  }
0x13a: {  	[tilespmem:v16+s21+$0x0] =	vst.idx.msk $0x1, v17  }
0x13b: {  	v16 =	vld.idx.msk [tilespmem:v18+s19+$0x0], $0xffff  }
0x13c: {  	v18 =	vld [tilespmem:s10+$0xFFFFFFA0];
	_ =	sdelay $0x4  }
0x13d: {  	vm2 =	vgt.s32 v16, v1;
	vm3 =	veq.s32 v18, $0x0  }
0x13e: {  	vm2 =	vmand vm2, vm3  }
0x13f: {  	v18 =	vsel vm2, $0x1, v0  }
0x140: {  	(xrf0) =	vadd.scan.msk.s32 $0xffff, v18;
	_ =	sdelay $0x5  }
0x141: {  	v18, _, _ =	vpop (xrf0)  }
0x142: {  	v18 =	vadd.s32 v18, v17  }
0x143: {  	v19 =	vld [tilespmem:s12+$0xFFFFFFA0];
	v18 =	vadd.s32 $0xFFFFFFFF, v18;
	_ =	sdelay $0x4  }
0x144: {  	[tilespmem:v18+s22+$0x0] =	vst.idx.msk vm2, v19  }
0x145: {  	v19 =	vld [tilespmem:s25+$0xFFFFFFA0];
	_ =	sdelay $0x4  }
0x146: {  	[tilespmem:v18+s23+$0x0] =	vst.idx.msk vm2, v19  }
0x147: {  	v18 =	vld [tilespmem:s10+$0xFFFFFFB0];
	_ =	sdelay $0x4  }
0x148: {  	vm3 =	vgt.s32 v16, v2;
	vm4 =	veq.s32 v18, $0x0  }
0x149: {  	vm3 =	vmand vm3, vm4  }
0x14a: {  	v18 =	vsel vm3, $0x1, v0  }
0x14b: {  	(xrf0) =	vadd.scan.msk.s32 $0xffff, v18;
	_ =	sdelay $0x1  }
0x14c: {  	v18 =	vmpcnt.ones.xlane vm2;
	_ =	sdelay $0x3  }
0x14d: {  	v17 =	vadd.s32 v17, v18;
	v18, _, _ =	vpop (xrf0)  }
0x14e: {  	v18 =	vadd.s32 v18, v17  }
0x14f: {  	v19 =	vld [tilespmem:s12+$0xFFFFFFB0];
	v18 =	vadd.s32 $0xFFFFFFFF, v18;
	_ =	sdelay $0x4  }
0x150: {  	[tilespmem:v18+s22+$0x0] =	vst.idx.msk vm3, v19  }
0x151: {  	v19 =	vld [tilespmem:s25+$0xFFFFFFB0];
	_ =	sdelay $0x4  }
0x152: {  	[tilespmem:v18+s23+$0x0] =	vst.idx.msk vm3, v19  }
0x153: {  	v18 =	vld [tilespmem:s10+$0xFFFFFFC0];
	_ =	sdelay $0x4  }
0x154: {  	vm2 =	vgt.s32 v16, v3;
	vm13 =	veq.s32 v18, $0x0  }
0x155: {  	vm2 =	vmand vm2, vm13  }
0x156: {  	v18 =	vsel vm2, $0x1, v0  }
0x157: {  	(xrf0) =	vadd.scan.msk.s32 $0xffff, v18;
	_ =	sdelay $0x1  }
0x158: {  	v18 =	vmpcnt.ones.xlane vm3;
	_ =	sdelay $0x3  }
0x159: {  	v17 =	vadd.s32 v17, v18;
	v18, _, _ =	vpop (xrf0)  }
0x15a: {  	v18 =	vadd.s32 v18, v17  }
0x15b: {  	v19 =	vld [tilespmem:s12+$0xFFFFFFC0];
	v18 =	vadd.s32 $0xFFFFFFFF, v18;
	_ =	sdelay $0x4  }
0x15c: {  	[tilespmem:v18+s22+$0x0] =	vst.idx.msk vm2, v19  }
0x15d: {  	v19 =	vld [tilespmem:s25+$0xFFFFFFC0];
	_ =	sdelay $0x4  }
0x15e: {  	[tilespmem:v18+s23+$0x0] =	vst.idx.msk vm2, v19  }
0x15f: {  	v18 =	vld [tilespmem:s10+$0xFFFFFFD0];
	_ =	sdelay $0x4  }
0x160: {  	vm3 =	vgt.s32 v16, v4;
	vm14 =	veq.s32 v18, $0x0  }
0x161: {  	vm3 =	vmand vm3, vm14  }
0x162: {  	v18 =	vsel vm3, $0x1, v0  }
0x163: {  	(xrf0) =	vadd.scan.msk.s32 $0xffff, v18;
	_ =	sdelay $0x1  }
0x164: {  	v18 =	vmpcnt.ones.xlane vm2;
	_ =	sdelay $0x3  }
0x165: {  	v17 =	vadd.s32 v17, v18;
	v18, _, _ =	vpop (xrf0)  }
0x166: {  	v18 =	vadd.s32 v18, v17  }
0x167: {  	v19 =	vld [tilespmem:s12+$0xFFFFFFD0];
	v18 =	vadd.s32 $0xFFFFFFFF, v18;
	_ =	sdelay $0x4  }
0x168: {  	[tilespmem:v18+s22+$0x0] =	vst.idx.msk vm3, v19  }
0x169: {  	v19 =	vld [tilespmem:s25+$0xFFFFFFD0];
	_ =	sdelay $0x4  }
0x16a: {  	[tilespmem:v18+s23+$0x0] =	vst.idx.msk vm3, v19  }
0x16b: {  	v18 =	vld [tilespmem:s10+$0xFFFFFFE0];
	_ =	sdelay $0x4  }
0x16c: {  	vm2 =	vgt.s32 v16, v5;
	vm15 =	veq.s32 v18, $0x0  }
0x16d: {  	vm2 =	vmand vm2, vm15  }
0x16e: {  	v18 =	vsel vm2, $0x1, v0  }
0x16f: {  	(xrf0) =	vadd.scan.msk.s32 $0xffff, v18;
	_ =	sdelay $0x1  }
0x170: {  	v18 =	vmpcnt.ones.xlane vm3;
	_ =	sdelay $0x3  }
0x171: {  	v17 =	vadd.s32 v17, v18;
	v18, _, _ =	vpop (xrf0)  }
0x172: {  	v18 =	vadd.s32 v18, v17  }
0x173: {  	v19 =	vld [tilespmem:s12+$0xFFFFFFE0];
	v18 =	vadd.s32 $0xFFFFFFFF, v18;
	_ =	sdelay $0x4  }
0x174: {  	[tilespmem:v18+s22+$0x0] =	vst.idx.msk vm2, v19  }
0x175: {  	v19 =	vld [tilespmem:s25+$0xFFFFFFE0];
	_ =	sdelay $0x4  }
0x176: {  	[tilespmem:v18+s23+$0x0] =	vst.idx.msk vm2, v19  }
0x177: {  	v18 =	vld [tilespmem:s10+$0xFFFFFFF0];
	_ =	sdelay $0x4  }
0x178: {  	vm3 =	vgt.s32 v16, v6;
	vm8 =	veq.s32 v18, $0x0  }
0x179: {  	vm3 =	vmand vm3, vm8  }
0x17a: {  	v18 =	vsel vm3, $0x1, v0  }
0x17b: {  	(xrf0) =	vadd.scan.msk.s32 $0xffff, v18;
	_ =	sdelay $0x1  }
0x17c: {  	v18 =	vmpcnt.ones.xlane vm2;
	_ =	sdelay $0x3  }
0x17d: {  	v17 =	vadd.s32 v17, v18;
	v18, _, _ =	vpop (xrf0)  }
0x17e: {  	v18 =	vadd.s32 v18, v17  }
0x17f: {  	v19 =	vld [tilespmem:s12+$0xFFFFFFF0];
	v18 =	vadd.s32 $0xFFFFFFFF, v18;
	_ =	sdelay $0x4  }
0x180: {  	[tilespmem:v18+s22+$0x0] =	vst.idx.msk vm3, v19  }
0x181: {  	v19 =	vld [tilespmem:s25+$0xFFFFFFF0];
	_ =	sdelay $0x4  }
0x182: {  	[tilespmem:v18+s23+$0x0] =	vst.idx.msk vm3, v19  }
0x183: {  	v18 =	vld [tilespmem:s10+$0x0];
	_ =	sdelay $0x4  }
0x184: {  	vm2 =	vgt.s32 v16, v7;
	vm9 =	veq.s32 v18, $0x0  }
0x185: {  	vm2 =	vmand vm2, vm9  }
0x186: {  	v18 =	vsel vm2, $0x1, v0  }
0x187: {  	(xrf0) =	vadd.scan.msk.s32 $0xffff, v18;
	_ =	sdelay $0x1  }
0x188: {  	v18 =	vmpcnt.ones.xlane vm3;
	_ =	sdelay $0x3  }
0x189: {  	v17 =	vadd.s32 v17, v18;
	v18, _, _ =	vpop (xrf0)  }
0x18a: {  	v18 =	vadd.s32 v18, v17  }
0x18b: {  	v19 =	vld [tilespmem:s12+$0x0];
	v18 =	vadd.s32 $0xFFFFFFFF, v18;
	_ =	sdelay $0x4  }
0x18c: {  	[tilespmem:v18+s22+$0x0] =	vst.idx.msk vm2, v19  }
0x18d: {  	v19 =	vld [tilespmem:s25+$0x0];
	_ =	sdelay $0x4  }
0x18e: {  	[tilespmem:v18+s23+$0x0] =	vst.idx.msk vm2, v19  }
0x18f: {  	v18 =	vld [tilespmem:s10+$0x10];
	_ =	sdelay $0x4  }
0x190: {  	vm3 =	vgt.s32 v16, v8;
	vm10 =	veq.s32 v18, $0x0  }
0x191: {  	vm3 =	vmand vm3, vm10  }
0x192: {  	v18 =	vsel vm3, $0x1, v0  }
0x193: {  	(xrf0) =	vadd.scan.msk.s32 $0xffff, v18;
	_ =	sdelay $0x1  }
0x194: {  	v18 =	vmpcnt.ones.xlane vm2;
	_ =	sdelay $0x3  }
0x195: {  	v17 =	vadd.s32 v17, v18;
	v18, _, _ =	vpop (xrf0)  }
0x196: {  	v18 =	vadd.s32 v18, v17  }
0x197: {  	v19 =	vld [tilespmem:s12+$0x10];
	v18 =	vadd.s32 $0xFFFFFFFF, v18;
	_ =	sdelay $0x4  }
0x198: {  	[tilespmem:v18+s22+$0x0] =	vst.idx.msk vm3, v19  }
0x199: {  	v19 =	vld [tilespmem:s25+$0x10];
	_ =	sdelay $0x4  }
0x19a: {  	[tilespmem:v18+s23+$0x0] =	vst.idx.msk vm3, v19  }
0x19b: {  	v18 =	vld [tilespmem:s10+$0x20];
	_ =	sdelay $0x4  }
0x19c: {  	vm2 =	vgt.s32 v16, v9;
	vm11 =	veq.s32 v18, $0x0  }
0x19d: {  	vm2 =	vmand vm2, vm11  }
0x19e: {  	v18 =	vsel vm2, $0x1, v0  }
0x19f: {  	(xrf0) =	vadd.scan.msk.s32 $0xffff, v18;
	_ =	sdelay $0x1  }
0x1a0: {  	v18 =	vmpcnt.ones.xlane vm3;
	_ =	sdelay $0x3  }
0x1a1: {  	v17 =	vadd.s32 v17, v18;
	v18, _, _ =	vpop (xrf0)  }
0x1a2: {  	v18 =	vadd.s32 v18, v17  }
0x1a3: {  	v19 =	vld [tilespmem:s12+$0x20];
	v18 =	vadd.s32 $0xFFFFFFFF, v18;
	_ =	sdelay $0x4  }
0x1a4: {  	[tilespmem:v18+s22+$0x0] =	vst.idx.msk vm2, v19  }
0x1a5: {  	v19 =	vld [tilespmem:s25+$0x20];
	_ =	sdelay $0x4  }
0x1a6: {  	[tilespmem:v18+s23+$0x0] =	vst.idx.msk vm2, v19  }
0x1a7: {  	v18 =	vld [tilespmem:s10+$0x30];
	_ =	sdelay $0x4  }
0x1a8: {  	vm3 =	vgt.s32 v16, v10;
	vm12 =	veq.s32 v18, $0x0  }
0x1a9: {  	vm3 =	vmand vm3, vm12  }
0x1aa: {  	v18 =	vsel vm3, $0x1, v0  }
0x1ab: {  	(xrf0) =	vadd.scan.msk.s32 $0xffff, v18;
	_ =	sdelay $0x1  }
0x1ac: {  	v18 =	vmpcnt.ones.xlane vm2;
	_ =	sdelay $0x3  }
0x1ad: {  	v17 =	vadd.s32 v17, v18;
	v18, _, _ =	vpop (xrf0)  }
0x1ae: {  	v18 =	vadd.s32 v18, v17  }
0x1af: {  	v19 =	vld [tilespmem:s12+$0x30];
	v18 =	vadd.s32 $0xFFFFFFFF, v18;
	_ =	sdelay $0x4  }
0x1b0: {  	[tilespmem:v18+s22+$0x0] =	vst.idx.msk vm3, v19  }
0x1b1: {  	v19 =	vld [tilespmem:s25+$0x30];
	_ =	sdelay $0x4  }
0x1b2: {  	[tilespmem:v18+s23+$0x0] =	vst.idx.msk vm3, v19  }
0x1b3: {  	v18 =	vld [tilespmem:s10+$0x40];
	_ =	sdelay $0x4  }
0x1b4: {  	vm2 =	vgt.s32 v16, v11;
	vm13 =	veq.s32 v18, $0x0  }
0x1b5: {  	vm2 =	vmand vm2, vm13  }
0x1b6: {  	v18 =	vsel vm2, $0x1, v0  }
0x1b7: {  	(xrf0) =	vadd.scan.msk.s32 $0xffff, v18;
	_ =	sdelay $0x1  }
0x1b8: {  	v18 =	vmpcnt.ones.xlane vm3;
	_ =	sdelay $0x3  }
0x1b9: {  	v17 =	vadd.s32 v17, v18;
	v18, _, _ =	vpop (xrf0)  }
0x1ba: {  	v18 =	vadd.s32 v18, v17  }
0x1bb: {  	v19 =	vld [tilespmem:s12+$0x40];
	v18 =	vadd.s32 $0xFFFFFFFF, v18;
	_ =	sdelay $0x4  }
0x1bc: {  	[tilespmem:v18+s22+$0x0] =	vst.idx.msk vm2, v19  }
0x1bd: {  	v19 =	vld [tilespmem:s25+$0x40];
	_ =	sdelay $0x4  }
0x1be: {  	[tilespmem:v18+s23+$0x0] =	vst.idx.msk vm2, v19  }
0x1bf: {  	v18 =	vld [tilespmem:s10+$0x50];
	_ =	sdelay $0x4  }
0x1c0: {  	vm3 =	vgt.s32 v16, v12;
	vm14 =	veq.s32 v18, $0x0  }
0x1c1: {  	vm3 =	vmand vm3, vm14  }
0x1c2: {  	v18 =	vsel vm3, $0x1, v0  }
0x1c3: {  	(xrf0) =	vadd.scan.msk.s32 $0xffff, v18;
	_ =	sdelay $0x1  }
0x1c4: {  	v18 =	vmpcnt.ones.xlane vm2;
	_ =	sdelay $0x3  }
0x1c5: {  	v17 =	vadd.s32 v17, v18;
	v18, _, _ =	vpop (xrf0)  }
0x1c6: {  	v18 =	vadd.s32 v18, v17  }
0x1c7: {  	v19 =	vld [tilespmem:s12+$0x50];
	v18 =	vadd.s32 $0xFFFFFFFF, v18;
	_ =	sdelay $0x4  }
0x1c8: {  	[tilespmem:v18+s22+$0x0] =	vst.idx.msk vm3, v19  }
0x1c9: {  	v19 =	vld [tilespmem:s25+$0x50];
	_ =	sdelay $0x4  }
0x1ca: {  	[tilespmem:v18+s23+$0x0] =	vst.idx.msk vm3, v19  }
0x1cb: {  	v18 =	vld [tilespmem:s10+$0x60];
	_ =	sdelay $0x4  }
0x1cc: {  	vm2 =	vgt.s32 v16, v13;
	vm15 =	veq.s32 v18, $0x0  }
0x1cd: {  	vm2 =	vmand vm2, vm15  }
0x1ce: {  	vm2 =	vmand vm2, vm1  }
0x1cf: {  	v16 =	vsel vm2, $0x1, v0  }
0x1d0: {  	(xrf0) =	vadd.scan.msk.s32 $0xffff, v16;
	_ =	sdelay $0x3  }
0x1d1: {  	v16 =	vmpcnt.ones.xlane vm3;
	_ =	sdelay $0x1  }
0x1d2: {  	v16 =	vadd.s32 v17, v16;
	v17, _, _ =	vpop (xrf0)  }
0x1d3: {  	v17 =	vadd.s32 v17, v16  }
0x1d4: {  	v18 =	vld [tilespmem:s12+$0x60];
	v17 =	vadd.s32 $0xFFFFFFFF, v17  }
0x1d5: {  	v19 =	vmpcnt.ones.xlane vm2;
	_ =	sdelay $0x1  }
0x1d6: {  	v16 =	vadd.s32 v16, v19  }
0x1d7: {  	v19 =	vand.u32 $0x1, v16  }
0x1d8: {  	vm3 =	veq.s32 v19, $0x1;
	[tilespmem:v17+s22+$0x0] =	vst.idx.msk vm2, v18  }
0x1d9: {  	vm3 =	vmand vm3, vm0;
	v18 =	vld [tilespmem:s25+$0x60];
	_ =	sdelay $0x1  }
0x1da: {  	p0 =	sne.s32 s6, $0x7  }
.Ltmp12:
0x1db: {  	_ = 	snop;
	(pc) =	sbr.rel @p0 .LBB2_13-.Ltmp12, $4  }
0x1dc: {  	_ = 	snop  }
0x1dd: {  	[tilespmem:v17+s23+$0x0] =	vst.idx.msk vm2, v18  }
0x1de: {  	s6 =	sadd.s32 $0x1, s6;
	[tilespmem:v16+s22+$0x0] =	vst.idx.msk vm3, v14  }
0x1df: {  	s10 =	sadd.s32 $0xC8, s10;
	s12 =	sadd.s32 $0xC8, s12;
	s25 =	sadd.s32 $0xC8, s25;
	v17 =	vadd.s32 v16, v19;
	[tilespmem:v16+s23+$0x0] =	vst.idx.msk vm3, v0  }
0x1e0: {  	_ =	sdelay $0x3  }
0x1e1: {  	[tilespmem:v15+s21+$0x0] =	vst.idx.msk $0x1, v17  }
0x1e2: {  	v16 =	vld.idx.msk [tilespmem:v15+s21+$0x0], $0xffff;
	_ =	sdelay $0x4  }
0x1e3: {  	v16 =	vxor.u32 $0x80000000, v16  }
0x1e4: {  	(xrf0) =	vmax.scan.msk.u32 $0xffff, v16;
	_ =	sdelay $0x5  }
0x1e5: {  	v16, _, _ =	vpop (xrf0)  }
0x1e6: {  	(v2sf) =	vpush v16, $0xF;
	_ =	sdelay $0xe  }
0x1e7: {  	s1 =	spop (v2sf)  }
0x1e8: {  	s10 =	sxor.u32 $0x80000000, s1  }
0x1e9: {  	p1 =	sgt.s32 s1, $0xFFFFFFFF;
	s1 =	sand.u32 $0x7F, s1;
	p0 =	slt.s32 s10, $0x1  }
0x1ea: {  	s6 =	sshra.s32 s10, $0x1F;
	p6 =	sne.s32 s1, $0x0;
	p0 =	por p1, p0  }
0x1eb: {  	s25 =	sshrl.u32 s6, $0x19;
	p0 =	por !p6, !p0  }
0x1ec: {  	s6 =	simm.s32 $0x1;
	s1 =	sadd.s32 s25, s10;
	p0 =	por !p0, !p0  }
0x1ed: {  	s1 =	sshra.s32 s1, $0x7;
	s6 =	simm.s32 @!p0 $0x0  }
0x1ee: {  	s6 =	ssub.s32 s1, s6  }
0x1ef: {  	p0 =	sgt.s32 s6, $0x0  }
.Ltmp13:
0x1f0: {  	_ = 	snop;
	(pc) =	sbr.rel @!p0 .LBB2_17-.Ltmp13, $1  }
0x1f1: {  	_ =	sdelay $0x3  }
0x1f2: {  	p0 =	seq.s32 s6, $0x1  }
.Ltmp14:
0x1f3: {  	s11 =	simm.s32 $0x10490;
	(pc) =	sbr.rel @p0 .LBB2_17-.Ltmp14, $4  }
0x1f4: {  	s1 =	simm.s32 $0x10B10;
	s12 =	simm.s32 $0x179A0;
	s17 =	simm.s32 $0x111A0  }
0x1f5: {  	[tilespmem:s17], [sflag:$0x4] =	stream.indirect.gather [hbm4b:s7+s31], $0x10, s11, s31, $0xb8;
	[tilespmem:$0x1E3A0] =	vst v63  }
0x1f6: {  	s25 =	sadd.s32 $0xFFFFFFFF, s6;
	s17 =	simm.s32 $0x10510;
	s11 =	simm.s32 $0x119A0  }
0x1f7: {  	[tilespmem:s12], [sflag:$0x4] =	stream.indirect.gather [hbm4b:s8+s31], $0x10, s1, s31, $0xb8;
	[tilespmem:$0x1E3A0] =	vst v63  }
.LBB2_16:
0x1f8: {  	[tilespmem:s11], [sflag:$0x4] =	stream.indirect.gather [hbm4b:s7+s31], $0x10, s17, s31, $0xb8;
	[tilespmem:$0x1E3A0] =	vst v63  }
0x1f9: {  	p0 =	seq.s32 s25, $0x1  }
.Ltmp15:
0x1fa: {  	s25 =	sadd.s32 $0xFFFFFFFF, s25;
	(pc) =	sbr.rel @!p0 .LBB2_16-.Ltmp15, $4  }
0x1fb: {  	s1 =	sadd.s32 $0x80, s1;
	s12 =	sadd.s32 $0x800, s12  }
0x1fc: {  	[tilespmem:s12], [sflag:$0x4] =	stream.indirect.gather [hbm4b:s8+s31], $0x10, s1, s31, $0xb8;
	[tilespmem:$0x1E3A0] =	vst v63  }
0x1fd: {  	_ = 	snop  }
0x1fe: {  	s17 =	sadd.s32 $0x80, s17;
	s11 =	sadd.s32 $0x800, s11  }
.LBB2_17:
0x1ff: {  	s1 =	sshll.u32 s6, $0x7  }
0x200: {  	s1 =	ssub.s32 s10, s1  }
0x201: {  	s1 =	sadd.s32 $0x1F, s1  }
0x202: {  	s17 =	sand.u32 $0x1F, s1  }
0x203: {  	s25 =	sshra.s32 s1, $0x1F;
	p1 =	slt.s32 s1, $0x1;
	p0 =	sne.s32 s17, $0x0  }
0x204: {  	s10 =	sshrl.u32 s25, $0x1B;
	p0 =	por !p1, !p0  }
0x205: {  	s1 =	sadd.s32 s10, s1;
	s10 =	simm.s32 $0x1;
	p0 =	por !p0, !p0  }
0x206: {  	s1 =	sshra.s32 s1, $0x5;
	s10 =	simm.s32 @!p0 $0x0  }
0x207: {  	s10 =	ssub.s32 s1, s10  }
0x208: {  	p0 =	slt.s32 s10, $0x1  }
.Ltmp16:
0x209: {  	_ = 	snop;
	(pc) =	sbr.rel @p0 .LBB2_20-.Ltmp16, $1  }
0x20a: {  	_ =	sdelay $0x3  }
0x20b: {  	s1 =	sshll.u32 s6, $0x9  }
0x20c: {  	s25 =	sshll.u32 s6, $0xD;
	p0 =	sne.s32 s10, $0x1;
	s10 =	sadd.s32 $0xFFFFFFFF, s10  }
.Ltmp17:
0x20d: {  	s1 =	sshra.s32 s1, $0x2;
	s6 =	sshra.s32 s25, $0x2;
	(pc) =	sbr.rel @!p0 .LBB2_20-.Ltmp17, $4  }
0x20e: {  	s11 =	sadd.s32 $0x10490, s1;
	s1 =	sadd.s32 $0x10B10, s1;
	s17 =	sadd.s32 $0x111A0, s6  }
0x20f: {  	[tilespmem:s17], [sflag:$0x4] =	stream.indirect.gather [hbm4b:s7+s0], $0x10, s11, s0, $0xb8;
	[tilespmem:$0x1E3A0] =	vst v63  }
0x210: {  	s6 =	sadd.s32 $0x179A0, s6;
	s12 =	sadd.s32 $0x20, s11;
	s11 =	sadd.s32 $0x200, s17  }
0x211: {  	[tilespmem:s6], [sflag:$0x4] =	stream.indirect.gather [hbm4b:s8+s0], $0x10, s1, s0, $0xb8;
	[tilespmem:$0x1E3A0] =	vst v63  }
.LBB2_19:
0x212: {  	[tilespmem:s11], [sflag:$0x4] =	stream.indirect.gather [hbm4b:s7+s0], $0x10, s12, s0, $0xb8;
	[tilespmem:$0x1E3A0] =	vst v63  }
0x213: {  	p0 =	sne.s32 s10, $0x1  }
.Ltmp18:
0x214: {  	s10 =	sadd.s32 $0xFFFFFFFF, s10;
	(pc) =	sbr.rel @p0 .LBB2_19-.Ltmp18, $4  }
0x215: {  	s1 =	sadd.s32 $0x20, s1;
	s6 =	sadd.s32 $0x200, s6  }
0x216: {  	[tilespmem:s6], [sflag:$0x4] =	stream.indirect.gather [hbm4b:s8+s0], $0x10, s1, s0, $0xb8;
	[tilespmem:$0x1E3A0] =	vst v63  }
0x217: {  	_ = 	snop  }
0x218: {  	s12 =	sadd.s32 $0x20, s12;
	s11 =	sadd.s32 $0x200, s11  }
.LBB2_20:
0x219: {  	_ =	sdelay $0x3  }
0x21a: {  	v16 =	vld.idx.msk [tilespmem:v15+s28+$0x0], $0xffff;
	_ =	sdelay $0x4  }
0x21b: {  	v16 =	vxor.u32 $0x80000000, v16  }
0x21c: {  	(xrf0) =	vmax.scan.msk.u32 $0xffff, v16;
	_ =	sdelay $0x5  }
0x21d: {  	v16, _, _ =	vpop (xrf0)  }
0x21e: {  	(v2sf) =	vpush v16, $0xF;
	_ =	sdelay $0xe  }
0x21f: {  	s1 =	spop (v2sf)  }
0x220: {  	s6 =	sxor.u32 $0x80000000, s1  }
0x221: {  	p1 =	sgt.s32 s1, $0xFFFFFFFF;
	s1 =	sand.u32 $0x7F, s1;
	p0 =	slt.s32 s6, $0x1  }
0x222: {  	s10 =	sshra.s32 s6, $0x1F;
	p6 =	sne.s32 s1, $0x0;
	p0 =	por p1, p0  }
0x223: {  	s25 =	sshrl.u32 s10, $0x19;
	p0 =	por !p6, !p0  }
0x224: {  	s10 =	simm.s32 $0x1;
	s1 =	sadd.s32 s25, s6;
	p0 =	por !p0, !p0  }
0x225: {  	s1 =	sshra.s32 s1, $0x7;
	s10 =	simm.s32 @!p0 $0x0  }
0x226: {  	s1 =	ssub.s32 s1, s10  }
0x227: {  	p0 =	sgt.s32 s1, $0x0  }
.Ltmp19:
0x228: {  	_ = 	snop;
	(pc) =	sbr.rel @!p0 .LBB2_21-.Ltmp19, $1  }
0x229: {  	_ =	sdelay $0x3  }
0x22a: {  	p0 =	seq.s32 s1, $0x1  }
.Ltmp20:
0x22b: {  	_ =	swait.ge [sflag:s24], $0x800;
	(pc) =	sbr.rel @p0 .LBB2_29-.Ltmp20, $4  }
0x22c: {  	[sflag:s24] =	ssyncset.done $0x0  }
0x22d: {  	[sflag:s24] =	ssyncadd.s32 $0xFFFFF800  }
0x22e: {  	_ =	swait.ge [sflag:s24], $0x800  }
0x22f: {  	s10 =	sadd.s32 $0xFFFFFFFF, s1;
	[sflag:s24] =	ssyncset.done $0x0  }
.LBB2_28:
0x230: {  	p0 =	seq.s32 s10, $0x1;
	s10 =	sadd.s32 $0xFFFFFFFF, s10;
	[sflag:s24] =	ssyncadd.s32 $0xFFFFF800  }
.Ltmp21:
0x231: {  	_ =	swait.ge [sflag:s24], $0x800;
	(pc) =	sbr.rel @!p0 .LBB2_28-.Ltmp21, $4  }
0x232: {  	[sflag:s24] =	ssyncset.done $0x0  }
0x233: {  	[sflag:s24] =	ssyncadd.s32 $0xFFFFF800  }
0x234: {  	_ =	swait.ge [sflag:s24], $0x800  }
0x235: {  	[sflag:s24] =	ssyncset.done $0x0  }
.LBB2_29:
0x236: {  	[sflag:s24] =	ssyncadd.s32 $0xFFFFF800  }
.LBB2_21:
0x237: {  	s1 =	sshll.u32 s1, $0x7  }
0x238: {  	s1 =	ssub.s32 s6, s1  }
0x239: {  	s1 =	sadd.s32 $0x1F, s1  }
0x23a: {  	s17 =	sand.u32 $0x1F, s1  }
0x23b: {  	s25 =	sshra.s32 s1, $0x1F;
	p1 =	slt.s32 s1, $0x1;
	p0 =	sne.s32 s17, $0x0  }
0x23c: {  	s6 =	sshrl.u32 s25, $0x1B;
	p0 =	por !p1, !p0  }
0x23d: {  	s1 =	sadd.s32 s6, s1;
	s6 =	simm.s32 $0x1;
	p0 =	por !p0, !p0  }
0x23e: {  	s1 =	sshra.s32 s1, $0x5;
	s6 =	simm.s32 @!p0 $0x0  }
0x23f: {  	s1 =	ssub.s32 s1, s6  }
0x240: {  	p0 =	sgt.s32 s1, $0x0  }
.Ltmp22:
0x241: {  	_ = 	snop;
	(pc) =	sbr.rel @!p0 .LBB2_25-.Ltmp22, $1  }
0x242: {  	_ =	sdelay $0x3  }
0x243: {  	p0 =	sne.s32 s1, $0x1  }
.Ltmp23:
0x244: {  	_ =	swait.ge [sflag:s24], $0x200;
	(pc) =	sbr.rel @!p0 .LBB2_24-.Ltmp23, $4  }
0x245: {  	[sflag:s24] =	ssyncset.done $0x0  }
0x246: {  	[sflag:s24] =	ssyncadd.s32 $0xFFFFFE00  }
0x247: {  	_ =	swait.ge [sflag:s24], $0x200  }
0x248: {  	s1 =	sadd.s32 $0xFFFFFFFF, s1;
	[sflag:s24] =	ssyncset.done $0x0  }
.LBB2_23:
0x249: {  	p0 =	sne.s32 s1, $0x1;
	s1 =	sadd.s32 $0xFFFFFFFF, s1;
	[sflag:s24] =	ssyncadd.s32 $0xFFFFFE00  }
.Ltmp24:
0x24a: {  	_ =	swait.ge [sflag:s24], $0x200;
	(pc) =	sbr.rel @p0 .LBB2_23-.Ltmp24, $4  }
0x24b: {  	[sflag:s24] =	ssyncset.done $0x0  }
0x24c: {  	[sflag:s24] =	ssyncadd.s32 $0xFFFFFE00  }
0x24d: {  	_ =	swait.ge [sflag:s24], $0x200  }
0x24e: {  	[sflag:s24] =	ssyncset.done $0x0  }
.LBB2_24:
0x24f: {  	[sflag:s24] =	ssyncadd.s32 $0xFFFFFE00  }
.LBB2_25:
0x250: {  	s1 =	sadd.s32 $0x2, s13;
	p0 =	seq.s32 s14, $0x1F  }
0x251: {  	s1 =	smul.u32 @!p0 $0x640, s1  }
0x252: {  	s6 =	rddreg [dreg:$0x4]  }
0x253: {  	s1 =	sadd.s32 @!p0 s6, s1  }
0x254: {  	p1 =	seq.s32 @!p0 s14, $0x0;
	s1 =	sshrl.u32 @!p0 s1, $0x3  }
0x255: {  	s10 =	simm.s32 @!p0 $0x0;
	p1 =	por p0, !p1;
	s6 =	sadd.s32 @!p0 s3, s1  }
0x256: {  	[tilespmem:s10], [sflag:$0x1] =	stream.linear.gather @!p0 [hbm4b:s6+s10], $0x640, $0x38;
	[tilespmem:$0x1E3A0] =	vst v63  }
.Ltmp25:
0x257: {  	_ = 	snop;
	(pc) =	sbr.rel @!p1 .LBB2_26-.Ltmp25, $4  }
0x258: {  	s11 =	simm.s32 @!p0 $0x640;
	s6 =	sadd.s32 @!p0 s4, s1  }
0x259: {  	[tilespmem:s11], [sflag:$0x1] =	stream.linear.gather @!p0 [hbm4b:s6+s10], $0x640, $0x38;
	[tilespmem:$0x1E3A0] =	vst v63  }
0x25a: {  	s1 =	sadd.s32 @!p0 s5, s1;
	s6 =	simm.s32 @!p0 $0xC80  }
0x25b: {  	[tilespmem:s6], [sflag:$0x1] =	stream.linear.gather @!p0 [hbm4b:s1+s10], $0x640, $0x38;
	[tilespmem:$0x1E3A0] =	vst v63  }
.Ltmp26:
0x25c: {  	(pc) =	sbr.rel .LBB2_31-.Ltmp26, $4  }
0x25d: {  	s1 =	simm.s32 $0x5  }
0x25e: {  	_ =	swait.ge [sflag:s1], $0x100  }
0x25f: {  	[sflag:s1] =	ssyncset.done $0x0  }
0x260: {  	p1 =	por $0x0, $0x0;
	[sflag:s1] =	ssyncadd.s32 $0xFFFFFF00  }
.LBB2_26:
0x261: {  	p1 =	por @!p0 $0x1, $0x1  }
.LBB2_31:
.Ltmp27:
0x262: {  	(pc) =	sbr.rel .LBB2_32-.Ltmp27, $2  }
0x263: {  	_ =	sdelay $0x2  }
0x264: {  	s6 =	simm.s32 $0x0  }
.LBB2_34:
0x265: {  	_ = 	snop  }
.LBB2_37:
0x266: {  	v18 =	vmul.bf16 v18, v19  }
0x267: {  	v19 =	vadd.f32 @p2 v24, v21;
	v21 =	vadd.f32 @p2 v23, v22  }
0x268: {  	v17 =	vmul.bf16 v20, v17;
	v63 =	vunpack.i.u.bf16.f32 v18  }
0x269: {  	v18 =	vunpack.i.l.bf16.f32 v18;
	v19 =	vpsel p2, v19, v16;
	v16 =	vpsel p2, v21, v16  }
0x26a: {  	v18 =	vadd.f32 v18, v19;
	v19 =	vadd.f32 v63, v16  }
0x26b: {  	v20 =	vunpack.i.u.bf16.f32 v17;
	v16 =	vunpack.i.l.bf16.f32 v17  }
0x26c: {  	v16 =	vadd.f32 v16, v18;
	v17 =	vadd.f32 v20, v19  }
.LBB2_38:
0x26d: {  	p2 =	sne.s32 s10, $0x8  }
.Ltmp28:
0x26e: {  	_ = 	snop;
	(pc) =	sbr.rel @!p2 .LBB2_39-.Ltmp28, $4  }
0x26f: {  	s1 =	sshll.u32 s6, $0x5  }
0x270: {  	s1 =	sand.u32 $0x3FFFFFE0, s1  }
0x271: {  	[tilespmem:s1+$0x1E1A0] =	vst v16  }
0x272: {  	s6 =	smov.u32 s10;
	[tilespmem:s1+$0x1E1B0] =	vst v17  }
.LBB2_32:
0x273: {  	v16 =	vmov s6;
	s10 =	sadd.s32 $0x1, s6  }
0x274: {  	v17 =	vmov s10;
	_ =	sdelay $0x3  }
0x275: {  	v16 =	vld.idx.msk [tilespmem:v16+s28+$0x0], $0xffff  }
0x276: {  	v17 =	vld.idx.msk [tilespmem:v17+s28+$0x0], $0xffff;
	_ =	sdelay $0x3  }
0x277: {  	v16 =	vxor.u32 $0x80000000, v16  }
0x278: {  	(xrf0) =	vmax.scan.msk.u32 $0xffff, v16;
	v16 =	vxor.u32 $0x80000000, v17  }
0x279: {  	(xrf0) =	vmax.scan.msk.u32 $0xffff, v16;
	_ =	sdelay $0x4  }
0x27a: {  	v16, _, _ =	vpop (xrf0)  }
0x27b: {  	(v2sf) =	vpush v16, $0xF;
	v16, _, _ =	vpop (xrf0)  }
0x27c: {  	(v2sf) =	vpush v16, $0xF;
	_ =	sdelay $0xd  }
0x27d: {  	s1 =	spop (v2sf)  }
0x27e: {  	s11 =	spop (v2sf);
	s12 =	sxor.u32 $0x80000000, s1;
	p3 =	sgt.s32 s1, $0xFFFFFFFF  }
0x27f: {  	s1 =	sand.u32 $0x1, s1;
	s13 =	sxor.u32 $0x80000000, s11;
	s17 =	sshrl.u32 s12, $0x1F  }
0x280: {  	p2 =	slt.s32 s12, $0x1;
	p4 =	sgt.s32 s11, $0xFFFFFFFF;
	s11 =	sand.u32 $0x1, s11  }
0x281: {  	p5 =	seq.s32 s1, $0x1;
	s12 =	sadd.s32 s17, s12;
	p6 =	slt.s32 s13, $0x1  }
0x282: {  	p2 =	por p3, p2;
	s25 =	sshrl.u32 s13, $0x1F;
	p3 =	por p4, p6  }
0x283: {  	p6 =	seq.s32 s11, $0x1;
	p2 =	por !p2, !p5;
	s17 =	sshra.s32 s12, $0x1  }
0x284: {  	s11 =	simm.s32 $0x1;
	s12 =	sadd.s32 s25, s13;
	p3 =	por !p3, !p6  }
0x285: {  	s13 =	simm.s32 $0x1;
	p2 =	por !p2, !p2;
	p3 =	por !p3, !p3  }
0x286: {  	s12 =	sshra.s32 s12, $0x1;
	s11 =	simm.s32 @!p2 $0x0;
	s13 =	simm.s32 @!p3 $0x0  }
0x287: {  	s11 =	ssub.s32 s17, s11;
	s12 =	ssub.s32 s12, s13  }
0x288: {  	p2 =	sge.s32 s11, s12  }
.Ltmp29:
0x289: {  	_ = 	snop;
	(pc) =	sbr.rel @p2 .LBB2_38-.Ltmp29, $2  }
0x28a: {  	_ =	sdelay $0x2  }
0x28b: {  	v17 =	vimm.f32 $0.0e+00;
	v16 =	vimm.f32 $0.0e+00  }
0x28c: {  	s1 =	sshll.u32 s11, $0x7  }
0x28d: {  	s1 =	sshra.s32 s1, $0x2  }
0x28e: {  	s11 =	sadd.s32 $0x1, s11;
	s13 =	sadd.s32 $0x34A0, s1  }
0x28f: {  	p3 =	slt.s32 s11, s12;
	s1 =	sadd.s32 $0x9CA0, s1;
	v19 =	vld [tilespmem:s13+$0xFFFFFFF0]  }
.Ltmp30:
0x290: {  	v18 =	vld [tilespmem:s1+$0xFFFFFFF0];
	(pc) =	sbr.rel @!p3 .LBB2_34-.Ltmp30, $3  }
0x291: {  	v20 =	vld [tilespmem:s1+$0x0]  }
0x292: {  	v17 =	vld [tilespmem:s13+$0x0];
	_ =	sdelay $0x1  }
0x293: {  	v16 =	vimm.f32 $0.0e+00;
	p2 =	por $0x0, $0x0  }
0x294: {  	s13 =	sadd.s32 $0x20, s13;
	s25 =	sadd.s32 $0x20, s1;
	s1 =	sadd.s32 $0x1, s11  }
0x295: {  	v21 =	vmul.bf16 v18, v19;
	v19 =	vld [tilespmem:s13+$0xFFFFFFF0];
	p3 =	slt.s32 s1, s12  }
.Ltmp31:
0x296: {  	v18 =	vld [tilespmem:s25+$0xFFFFFFF0];
	(pc) =	sbr.rel @!p3 .LBB2_37-.Ltmp31, $4  }
0x297: {  	v24 =	vmul.bf16 v20, v17;
	v20 =	vld [tilespmem:s25+$0x0]  }
0x298: {  	v22 =	vunpack.i.l.bf16.f32 v21;
	v17 =	vld [tilespmem:s13+$0x0]  }
0x299: {  	v23 =	vunpack.i.u.bf16.f32 v21;
	v21 =	vadd.f32 v22, v16  }
0x29a: {  	p2 =	por $0x1, $0x1;
	v22 =	vadd.f32 v23, v16;
	v23 =	vunpack.i.u.bf16.f32 v24;
	v24 =	vunpack.i.l.bf16.f32 v24  }
.LBB2_36:
0x29b: {  	s1 =	sadd.s32 $0x1, s1  }
0x29c: {  	s13 =	sadd.s32 $0x20, s13;
	v21 =	vadd.f32 v24, v21;
	v22 =	vadd.f32 v23, v22;
	p3 =	slt.s32 s1, s12  }
.Ltmp32:
0x29d: {  	v23 =	vmul.bf16 v18, v19;
	s25 =	sadd.s32 $0x20, s25;
	v19 =	vld [tilespmem:s13+$0xFFFFFFF0];
	(pc) =	sbr.rel @p3 .LBB2_36-.Ltmp32, $4  }
0x29e: {  	v18 =	vld [tilespmem:s25+$0xFFFFFFF0]  }
0x29f: {  	v25 =	vmul.bf16 v20, v17;
	v24 =	vunpack.i.u.bf16.f32 v23;
	v23 =	vunpack.i.l.bf16.f32 v23;
	v20 =	vld [tilespmem:s25+$0x0]  }
0x2a0: {  	v21 =	vadd.f32 v23, v21;
	v22 =	vadd.f32 v24, v22;
	v17 =	vld [tilespmem:s13+$0x0]  }
0x2a1: {  	v23 =	vunpack.i.u.bf16.f32 v25;
	v24 =	vunpack.i.l.bf16.f32 v25  }
.Ltmp33:
0x2a2: {  	_ = 	snop;
	(pc) =	sbr.rel .LBB2_37-.Ltmp33, $1  }
0x2a3: {  	_ =	sdelay $0x3  }
.LBB2_39:
.Ltmp34:
0x2a4: {  	(pc) =	sbr.rel @p0 .LBB2_48-.Ltmp34, $4  }
0x2a5: {  	_ = 	snop  }
0x2a6: {  	s1 =	sshll.u32 s14, $0x6  }
0x2a7: {  	s6 =	simm.s32 $0x0;
	s10 =	simm.s32 $0x1E1A0;
	s1 =	sadd.s32 s1, s16  }
0x2a8: {  	[hbm4b:s1+s6] =	stream.linear.scatter [tilespmem:s10], [sflag:$0x5], $0x100, $0x38;
	[tilespmem:$0x1E3A0] =	vst v63  }
0x2a9: {  	_ =	swait.ge [sflag:s26], $0x640  }
0x2aa: {  	[sflag:s26] =	ssyncset.done $0x0  }
0x2ab: {  	[sflag:s26] =	ssyncadd.s32 $0xFFFFF9C0  }
0x2ac: {  	_ =	swait.ge [sflag:s26], $0x640  }
0x2ad: {  	[sflag:s26] =	ssyncset.done $0x0  }
0x2ae: {  	[sflag:s26] =	ssyncadd.s32 $0xFFFFF9C0  }
0x2af: {  	_ =	swait.ge [sflag:s26], $0x640  }
0x2b0: {  	s13 =	simm.s32 $0x0;
	s10 =	simm.s32 $0x6A0;
	[sflag:s26] =	ssyncset.done $0x0  }
0x2b1: {  	v17 =	vimm.s32 $0x0;
	s12 =	simm.s32 $0xCE0;
	s6 =	simm.s32 $0x60;
	[sflag:s26] =	ssyncadd.s32 $0xFFFFF9C0  }
.LBB2_41:
0x2b2: {  	v16 =	vmov s13;
	s1 =	sadd.s32 s13, s18  }
0x2b3: {  	v18 =	vmov s1;
	_ =	sdelay $0x3  }
0x2b4: {  	[tilespmem:v16+s28+$0x0] =	vst.idx.msk $0x1, v17  }
0x2b5: {  	v16 =	vld.idx.msk [tilespmem:v18+s19+$0x0], $0xffff  }
0x2b6: {  	v18 =	vld [tilespmem:s12+$0xFFFFFFA0];
	_ =	sdelay $0x4  }
0x2b7: {  	vm2 =	vgt.s32 v16, v1;
	vm3 =	veq.s32 v18, $0x0  }
0x2b8: {  	vm2 =	vmand vm2, vm3  }
0x2b9: {  	v18 =	vsel vm2, $0x1, v0  }
0x2ba: {  	(xrf0) =	vadd.scan.msk.s32 $0xffff, v18;
	_ =	sdelay $0x5  }
0x2bb: {  	v18, _, _ =	vpop (xrf0)  }
0x2bc: {  	v18 =	vadd.s32 v18, v17  }
0x2bd: {  	v19 =	vld [tilespmem:s6+$0xFFFFFFA0];
	v18 =	vadd.s32 $0xFFFFFFFF, v18;
	_ =	sdelay $0x4  }
0x2be: {  	[tilespmem:v18+s29+$0x0] =	vst.idx.msk vm2, v19  }
0x2bf: {  	v19 =	vld [tilespmem:s10+$0xFFFFFFA0];
	_ =	sdelay $0x4  }
0x2c0: {  	[tilespmem:v18+s30+$0x0] =	vst.idx.msk vm2, v19  }
0x2c1: {  	v18 =	vld [tilespmem:s12+$0xFFFFFFB0];
	_ =	sdelay $0x4  }
0x2c2: {  	vm3 =	vgt.s32 v16, v2;
	vm4 =	veq.s32 v18, $0x0  }
0x2c3: {  	vm3 =	vmand vm3, vm4  }
0x2c4: {  	v18 =	vsel vm3, $0x1, v0  }
0x2c5: {  	(xrf0) =	vadd.scan.msk.s32 $0xffff, v18;
	_ =	sdelay $0x1  }
0x2c6: {  	v18 =	vmpcnt.ones.xlane vm2;
	_ =	sdelay $0x3  }
0x2c7: {  	v17 =	vadd.s32 v17, v18;
	v18, _, _ =	vpop (xrf0)  }
0x2c8: {  	v18 =	vadd.s32 v18, v17  }
0x2c9: {  	v19 =	vld [tilespmem:s6+$0xFFFFFFB0];
	v18 =	vadd.s32 $0xFFFFFFFF, v18;
	_ =	sdelay $0x4  }
0x2ca: {  	[tilespmem:v18+s29+$0x0] =	vst.idx.msk vm3, v19  }
0x2cb: {  	v19 =	vld [tilespmem:s10+$0xFFFFFFB0];
	_ =	sdelay $0x4  }
0x2cc: {  	[tilespmem:v18+s30+$0x0] =	vst.idx.msk vm3, v19  }
0x2cd: {  	v18 =	vld [tilespmem:s12+$0xFFFFFFC0];
	_ =	sdelay $0x4  }
0x2ce: {  	vm2 =	vgt.s32 v16, v3;
	vm13 =	veq.s32 v18, $0x0  }
0x2cf: {  	vm2 =	vmand vm2, vm13  }
0x2d0: {  	v18 =	vsel vm2, $0x1, v0  }
0x2d1: {  	(xrf0) =	vadd.scan.msk.s32 $0xffff, v18;
	_ =	sdelay $0x1  }
0x2d2: {  	v18 =	vmpcnt.ones.xlane vm3;
	_ =	sdelay $0x3  }
0x2d3: {  	v17 =	vadd.s32 v17, v18;
	v18, _, _ =	vpop (xrf0)  }
0x2d4: {  	v18 =	vadd.s32 v18, v17  }
0x2d5: {  	v19 =	vld [tilespmem:s6+$0xFFFFFFC0];
	v18 =	vadd.s32 $0xFFFFFFFF, v18;
	_ =	sdelay $0x4  }
0x2d6: {  	[tilespmem:v18+s29+$0x0] =	vst.idx.msk vm2, v19  }
0x2d7: {  	v19 =	vld [tilespmem:s10+$0xFFFFFFC0];
	_ =	sdelay $0x4  }
0x2d8: {  	[tilespmem:v18+s30+$0x0] =	vst.idx.msk vm2, v19  }
0x2d9: {  	v18 =	vld [tilespmem:s12+$0xFFFFFFD0];
	_ =	sdelay $0x4  }
0x2da: {  	vm3 =	vgt.s32 v16, v4;
	vm14 =	veq.s32 v18, $0x0  }
0x2db: {  	vm3 =	vmand vm3, vm14  }
0x2dc: {  	v18 =	vsel vm3, $0x1, v0  }
0x2dd: {  	(xrf0) =	vadd.scan.msk.s32 $0xffff, v18;
	_ =	sdelay $0x1  }
0x2de: {  	v18 =	vmpcnt.ones.xlane vm2;
	_ =	sdelay $0x3  }
0x2df: {  	v17 =	vadd.s32 v17, v18;
	v18, _, _ =	vpop (xrf0)  }
0x2e0: {  	v18 =	vadd.s32 v18, v17  }
0x2e1: {  	v19 =	vld [tilespmem:s6+$0xFFFFFFD0];
	v18 =	vadd.s32 $0xFFFFFFFF, v18;
	_ =	sdelay $0x4  }
0x2e2: {  	[tilespmem:v18+s29+$0x0] =	vst.idx.msk vm3, v19  }
0x2e3: {  	v19 =	vld [tilespmem:s10+$0xFFFFFFD0];
	_ =	sdelay $0x4  }
0x2e4: {  	[tilespmem:v18+s30+$0x0] =	vst.idx.msk vm3, v19  }
0x2e5: {  	v18 =	vld [tilespmem:s12+$0xFFFFFFE0];
	_ =	sdelay $0x4  }
0x2e6: {  	vm2 =	vgt.s32 v16, v5;
	vm15 =	veq.s32 v18, $0x0  }
0x2e7: {  	vm2 =	vmand vm2, vm15  }
0x2e8: {  	v18 =	vsel vm2, $0x1, v0  }
0x2e9: {  	(xrf0) =	vadd.scan.msk.s32 $0xffff, v18;
	_ =	sdelay $0x1  }
0x2ea: {  	v18 =	vmpcnt.ones.xlane vm3;
	_ =	sdelay $0x3  }
0x2eb: {  	v17 =	vadd.s32 v17, v18;
	v18, _, _ =	vpop (xrf0)  }
0x2ec: {  	v18 =	vadd.s32 v18, v17  }
0x2ed: {  	v19 =	vld [tilespmem:s6+$0xFFFFFFE0];
	v18 =	vadd.s32 $0xFFFFFFFF, v18;
	_ =	sdelay $0x4  }
0x2ee: {  	[tilespmem:v18+s29+$0x0] =	vst.idx.msk vm2, v19  }
0x2ef: {  	v19 =	vld [tilespmem:s10+$0xFFFFFFE0];
	_ =	sdelay $0x4  }
0x2f0: {  	[tilespmem:v18+s30+$0x0] =	vst.idx.msk vm2, v19  }
0x2f1: {  	v18 =	vld [tilespmem:s12+$0xFFFFFFF0];
	_ =	sdelay $0x4  }
0x2f2: {  	vm3 =	vgt.s32 v16, v6;
	vm8 =	veq.s32 v18, $0x0  }
0x2f3: {  	vm3 =	vmand vm3, vm8  }
0x2f4: {  	v18 =	vsel vm3, $0x1, v0  }
0x2f5: {  	(xrf0) =	vadd.scan.msk.s32 $0xffff, v18;
	_ =	sdelay $0x1  }
0x2f6: {  	v18 =	vmpcnt.ones.xlane vm2;
	_ =	sdelay $0x3  }
0x2f7: {  	v17 =	vadd.s32 v17, v18;
	v18, _, _ =	vpop (xrf0)  }
0x2f8: {  	v18 =	vadd.s32 v18, v17  }
0x2f9: {  	v19 =	vld [tilespmem:s6+$0xFFFFFFF0];
	v18 =	vadd.s32 $0xFFFFFFFF, v18;
	_ =	sdelay $0x4  }
0x2fa: {  	[tilespmem:v18+s29+$0x0] =	vst.idx.msk vm3, v19  }
0x2fb: {  	v19 =	vld [tilespmem:s10+$0xFFFFFFF0];
	_ =	sdelay $0x4  }
0x2fc: {  	[tilespmem:v18+s30+$0x0] =	vst.idx.msk vm3, v19  }
0x2fd: {  	v18 =	vld [tilespmem:s12+$0x0];
	_ =	sdelay $0x4  }
0x2fe: {  	vm2 =	vgt.s32 v16, v7;
	vm9 =	veq.s32 v18, $0x0  }
0x2ff: {  	vm2 =	vmand vm2, vm9  }
0x300: {  	v18 =	vsel vm2, $0x1, v0  }
0x301: {  	(xrf0) =	vadd.scan.msk.s32 $0xffff, v18;
	_ =	sdelay $0x1  }
0x302: {  	v18 =	vmpcnt.ones.xlane vm3;
	_ =	sdelay $0x3  }
0x303: {  	v17 =	vadd.s32 v17, v18;
	v18, _, _ =	vpop (xrf0)  }
0x304: {  	v18 =	vadd.s32 v18, v17  }
0x305: {  	v19 =	vld [tilespmem:s6+$0x0];
	v18 =	vadd.s32 $0xFFFFFFFF, v18;
	_ =	sdelay $0x4  }
0x306: {  	[tilespmem:v18+s29+$0x0] =	vst.idx.msk vm2, v19  }
0x307: {  	v19 =	vld [tilespmem:s10+$0x0];
	_ =	sdelay $0x4  }
0x308: {  	[tilespmem:v18+s30+$0x0] =	vst.idx.msk vm2, v19  }
0x309: {  	v18 =	vld [tilespmem:s12+$0x10];
	_ =	sdelay $0x4  }
0x30a: {  	vm3 =	vgt.s32 v16, v8;
	vm10 =	veq.s32 v18, $0x0  }
0x30b: {  	vm3 =	vmand vm3, vm10  }
0x30c: {  	v18 =	vsel vm3, $0x1, v0  }
0x30d: {  	(xrf0) =	vadd.scan.msk.s32 $0xffff, v18;
	_ =	sdelay $0x1  }
0x30e: {  	v18 =	vmpcnt.ones.xlane vm2;
	_ =	sdelay $0x3  }
0x30f: {  	v17 =	vadd.s32 v17, v18;
	v18, _, _ =	vpop (xrf0)  }
0x310: {  	v18 =	vadd.s32 v18, v17  }
0x311: {  	v19 =	vld [tilespmem:s6+$0x10];
	v18 =	vadd.s32 $0xFFFFFFFF, v18;
	_ =	sdelay $0x4  }
0x312: {  	[tilespmem:v18+s29+$0x0] =	vst.idx.msk vm3, v19  }
0x313: {  	v19 =	vld [tilespmem:s10+$0x10];
	_ =	sdelay $0x4  }
0x314: {  	[tilespmem:v18+s30+$0x0] =	vst.idx.msk vm3, v19  }
0x315: {  	v18 =	vld [tilespmem:s12+$0x20];
	_ =	sdelay $0x4  }
0x316: {  	vm2 =	vgt.s32 v16, v9;
	vm11 =	veq.s32 v18, $0x0  }
0x317: {  	vm2 =	vmand vm2, vm11  }
0x318: {  	v18 =	vsel vm2, $0x1, v0  }
0x319: {  	(xrf0) =	vadd.scan.msk.s32 $0xffff, v18;
	_ =	sdelay $0x1  }
0x31a: {  	v18 =	vmpcnt.ones.xlane vm3;
	_ =	sdelay $0x3  }
0x31b: {  	v17 =	vadd.s32 v17, v18;
	v18, _, _ =	vpop (xrf0)  }
0x31c: {  	v18 =	vadd.s32 v18, v17  }
0x31d: {  	v19 =	vld [tilespmem:s6+$0x20];
	v18 =	vadd.s32 $0xFFFFFFFF, v18;
	_ =	sdelay $0x4  }
0x31e: {  	[tilespmem:v18+s29+$0x0] =	vst.idx.msk vm2, v19  }
0x31f: {  	v19 =	vld [tilespmem:s10+$0x20];
	_ =	sdelay $0x4  }
0x320: {  	[tilespmem:v18+s30+$0x0] =	vst.idx.msk vm2, v19  }
0x321: {  	v18 =	vld [tilespmem:s12+$0x30];
	_ =	sdelay $0x4  }
0x322: {  	vm3 =	vgt.s32 v16, v10;
	vm12 =	veq.s32 v18, $0x0  }
0x323: {  	vm3 =	vmand vm3, vm12  }
0x324: {  	v18 =	vsel vm3, $0x1, v0  }
0x325: {  	(xrf0) =	vadd.scan.msk.s32 $0xffff, v18;
	_ =	sdelay $0x1  }
0x326: {  	v18 =	vmpcnt.ones.xlane vm2;
	_ =	sdelay $0x3  }
0x327: {  	v17 =	vadd.s32 v17, v18;
	v18, _, _ =	vpop (xrf0)  }
0x328: {  	v18 =	vadd.s32 v18, v17  }
0x329: {  	v19 =	vld [tilespmem:s6+$0x30];
	v18 =	vadd.s32 $0xFFFFFFFF, v18;
	_ =	sdelay $0x4  }
0x32a: {  	[tilespmem:v18+s29+$0x0] =	vst.idx.msk vm3, v19  }
0x32b: {  	v19 =	vld [tilespmem:s10+$0x30];
	_ =	sdelay $0x4  }
0x32c: {  	[tilespmem:v18+s30+$0x0] =	vst.idx.msk vm3, v19  }
0x32d: {  	v18 =	vld [tilespmem:s12+$0x40];
	_ =	sdelay $0x4  }
0x32e: {  	vm2 =	vgt.s32 v16, v11;
	vm13 =	veq.s32 v18, $0x0  }
0x32f: {  	vm2 =	vmand vm2, vm13  }
0x330: {  	v18 =	vsel vm2, $0x1, v0  }
0x331: {  	(xrf0) =	vadd.scan.msk.s32 $0xffff, v18;
	_ =	sdelay $0x1  }
0x332: {  	v18 =	vmpcnt.ones.xlane vm3;
	_ =	sdelay $0x3  }
0x333: {  	v17 =	vadd.s32 v17, v18;
	v18, _, _ =	vpop (xrf0)  }
0x334: {  	v18 =	vadd.s32 v18, v17  }
0x335: {  	v19 =	vld [tilespmem:s6+$0x40];
	v18 =	vadd.s32 $0xFFFFFFFF, v18;
	_ =	sdelay $0x4  }
0x336: {  	[tilespmem:v18+s29+$0x0] =	vst.idx.msk vm2, v19  }
0x337: {  	v19 =	vld [tilespmem:s10+$0x40];
	_ =	sdelay $0x4  }
0x338: {  	[tilespmem:v18+s30+$0x0] =	vst.idx.msk vm2, v19  }
0x339: {  	v18 =	vld [tilespmem:s12+$0x50];
	_ =	sdelay $0x4  }
0x33a: {  	vm3 =	vgt.s32 v16, v12;
	vm14 =	veq.s32 v18, $0x0  }
0x33b: {  	vm3 =	vmand vm3, vm14  }
0x33c: {  	v18 =	vsel vm3, $0x1, v0  }
0x33d: {  	(xrf0) =	vadd.scan.msk.s32 $0xffff, v18;
	_ =	sdelay $0x1  }
0x33e: {  	v18 =	vmpcnt.ones.xlane vm2;
	_ =	sdelay $0x3  }
0x33f: {  	v17 =	vadd.s32 v17, v18;
	v18, _, _ =	vpop (xrf0)  }
0x340: {  	v18 =	vadd.s32 v18, v17  }
0x341: {  	v19 =	vld [tilespmem:s6+$0x50];
	v18 =	vadd.s32 $0xFFFFFFFF, v18;
	_ =	sdelay $0x4  }
0x342: {  	[tilespmem:v18+s29+$0x0] =	vst.idx.msk vm3, v19  }
0x343: {  	v19 =	vld [tilespmem:s10+$0x50];
	_ =	sdelay $0x4  }
0x344: {  	[tilespmem:v18+s30+$0x0] =	vst.idx.msk vm3, v19  }
0x345: {  	v18 =	vld [tilespmem:s12+$0x60];
	_ =	sdelay $0x4  }
0x346: {  	vm2 =	vgt.s32 v16, v13;
	vm15 =	veq.s32 v18, $0x0  }
0x347: {  	vm2 =	vmand vm2, vm15  }
0x348: {  	vm2 =	vmand vm2, vm1  }
0x349: {  	v16 =	vsel vm2, $0x1, v0  }
0x34a: {  	(xrf0) =	vadd.scan.msk.s32 $0xffff, v16;
	_ =	sdelay $0x3  }
0x34b: {  	v16 =	vmpcnt.ones.xlane vm3;
	_ =	sdelay $0x1  }
0x34c: {  	v16 =	vadd.s32 v17, v16;
	v17, _, _ =	vpop (xrf0)  }
0x34d: {  	v17 =	vadd.s32 v17, v16  }
0x34e: {  	v18 =	vld [tilespmem:s6+$0x60];
	v17 =	vadd.s32 $0xFFFFFFFF, v17  }
0x34f: {  	v19 =	vmpcnt.ones.xlane vm2;
	_ =	sdelay $0x1  }
0x350: {  	v16 =	vadd.s32 v16, v19  }
0x351: {  	v19 =	vand.u32 $0x1, v16  }
0x352: {  	vm3 =	veq.s32 v19, $0x1;
	[tilespmem:v17+s29+$0x0] =	vst.idx.msk vm2, v18  }
0x353: {  	vm3 =	vmand vm3, vm0;
	v18 =	vld [tilespmem:s10+$0x60];
	_ =	sdelay $0x1  }
0x354: {  	p2 =	sne.s32 s13, $0x7  }
.Ltmp35:
0x355: {  	_ = 	snop;
	(pc) =	sbr.rel @p2 .LBB2_41-.Ltmp35, $4  }
0x356: {  	_ = 	snop  }
0x357: {  	[tilespmem:v17+s30+$0x0] =	vst.idx.msk vm2, v18  }
0x358: {  	s13 =	sadd.s32 $0x1, s13;
	[tilespmem:v16+s29+$0x0] =	vst.idx.msk vm3, v14  }
0x359: {  	s12 =	sadd.s32 $0xC8, s12;
	s6 =	sadd.s32 $0xC8, s6;
	s10 =	sadd.s32 $0xC8, s10;
	v17 =	vadd.s32 v16, v19;
	[tilespmem:v16+s30+$0x0] =	vst.idx.msk vm3, v0  }
0x35a: {  	_ =	sdelay $0x3  }
0x35b: {  	[tilespmem:v15+s28+$0x0] =	vst.idx.msk $0x1, v17  }
0x35c: {  	v16 =	vld.idx.msk [tilespmem:v15+s28+$0x0], $0xffff;
	_ =	sdelay $0x4  }
0x35d: {  	v16 =	vxor.u32 $0x80000000, v16  }
0x35e: {  	(xrf0) =	vmax.scan.msk.u32 $0xffff, v16;
	_ =	sdelay $0x5  }
0x35f: {  	v16, _, _ =	vpop (xrf0)  }
0x360: {  	(v2sf) =	vpush v16, $0xF;
	_ =	sdelay $0xe  }
0x361: {  	s1 =	spop (v2sf)  }
0x362: {  	s10 =	sxor.u32 $0x80000000, s1  }
0x363: {  	p3 =	sgt.s32 s1, $0xFFFFFFFF;
	s1 =	sand.u32 $0x7F, s1;
	p2 =	slt.s32 s10, $0x1  }
0x364: {  	s6 =	sshra.s32 s10, $0x1F;
	p6 =	sne.s32 s1, $0x0;
	p2 =	por p3, p2  }
0x365: {  	s25 =	sshrl.u32 s6, $0x19;
	p2 =	por !p6, !p2  }
0x366: {  	s6 =	simm.s32 $0x1;
	s1 =	sadd.s32 s25, s10;
	p2 =	por !p2, !p2  }
0x367: {  	s1 =	sshra.s32 s1, $0x7;
	s6 =	simm.s32 @!p2 $0x0  }
0x368: {  	s6 =	ssub.s32 s1, s6  }
0x369: {  	p2 =	sgt.s32 s6, $0x0  }
.Ltmp36:
0x36a: {  	_ = 	snop;
	(pc) =	sbr.rel @!p2 .LBB2_45-.Ltmp36, $1  }
0x36b: {  	_ =	sdelay $0x3  }
0x36c: {  	p2 =	seq.s32 s6, $0x1  }
.Ltmp37:
0x36d: {  	s11 =	simm.s32 $0x2780;
	(pc) =	sbr.rel @p2 .LBB2_45-.Ltmp37, $4  }
0x36e: {  	s1 =	simm.s32 $0x2E00;
	s12 =	simm.s32 $0x9C90;
	s13 =	simm.s32 $0x3490  }
0x36f: {  	[tilespmem:s13], [sflag:$0x3] =	stream.indirect.gather [hbm4b:s7+s31], $0x10, s11, s31, $0xb8;
	[tilespmem:$0x1E3A0] =	vst v63  }
0x370: {  	s17 =	simm.s32 $0x2800;
	s13 =	sadd.s32 $0xFFFFFFFF, s6;
	s11 =	simm.s32 $0x3C90  }
0x371: {  	[tilespmem:s12], [sflag:$0x3] =	stream.indirect.gather [hbm4b:s8+s31], $0x10, s1, s31, $0xb8;
	[tilespmem:$0x1E3A0] =	vst v63  }
.LBB2_44:
0x372: {  	[tilespmem:s11], [sflag:$0x3] =	stream.indirect.gather [hbm4b:s7+s31], $0x10, s17, s31, $0xb8;
	[tilespmem:$0x1E3A0] =	vst v63  }
0x373: {  	p2 =	seq.s32 s13, $0x1  }
.Ltmp38:
0x374: {  	s13 =	sadd.s32 $0xFFFFFFFF, s13;
	(pc) =	sbr.rel @!p2 .LBB2_44-.Ltmp38, $4  }
0x375: {  	s1 =	sadd.s32 $0x80, s1;
	s12 =	sadd.s32 $0x800, s12  }
0x376: {  	[tilespmem:s12], [sflag:$0x3] =	stream.indirect.gather [hbm4b:s8+s31], $0x10, s1, s31, $0xb8;
	[tilespmem:$0x1E3A0] =	vst v63  }
0x377: {  	_ = 	snop  }
0x378: {  	s17 =	sadd.s32 $0x80, s17;
	s11 =	sadd.s32 $0x800, s11  }
.LBB2_45:
0x379: {  	s1 =	sshll.u32 s6, $0x7  }
0x37a: {  	s1 =	ssub.s32 s10, s1  }
0x37b: {  	s1 =	sadd.s32 $0x1F, s1  }
0x37c: {  	s17 =	sand.u32 $0x1F, s1  }
0x37d: {  	s25 =	sshra.s32 s1, $0x1F;
	p3 =	slt.s32 s1, $0x1;
	p2 =	sne.s32 s17, $0x0  }
0x37e: {  	s10 =	sshrl.u32 s25, $0x1B;
	p2 =	por !p3, !p2  }
0x37f: {  	s1 =	sadd.s32 s10, s1;
	s10 =	simm.s32 $0x1;
	p2 =	por !p2, !p2  }
0x380: {  	s1 =	sshra.s32 s1, $0x5;
	s10 =	simm.s32 @!p2 $0x0  }
0x381: {  	s10 =	ssub.s32 s1, s10  }
0x382: {  	p2 =	slt.s32 s10, $0x1  }
.Ltmp39:
0x383: {  	_ = 	snop;
	(pc) =	sbr.rel @p2 .LBB2_48-.Ltmp39, $1  }
0x384: {  	_ =	sdelay $0x3  }
0x385: {  	s1 =	sshll.u32 s6, $0x9  }
0x386: {  	s25 =	sshll.u32 s6, $0xD;
	p2 =	sne.s32 s10, $0x1;
	s10 =	sadd.s32 $0xFFFFFFFF, s10  }
.Ltmp40:
0x387: {  	s1 =	sshra.s32 s1, $0x2;
	s6 =	sshra.s32 s25, $0x2;
	(pc) =	sbr.rel @!p2 .LBB2_48-.Ltmp40, $4  }
0x388: {  	s11 =	sadd.s32 $0x2780, s1;
	s1 =	sadd.s32 $0x2E00, s1;
	s13 =	sadd.s32 $0x3490, s6  }
0x389: {  	[tilespmem:s13], [sflag:$0x3] =	stream.indirect.gather [hbm4b:s7+s0], $0x10, s11, s0, $0xb8;
	[tilespmem:$0x1E3A0] =	vst v63  }
0x38a: {  	s6 =	sadd.s32 $0x9C90, s6;
	s12 =	sadd.s32 $0x20, s11;
	s11 =	sadd.s32 $0x200, s13  }
0x38b: {  	[tilespmem:s6], [sflag:$0x3] =	stream.indirect.gather [hbm4b:s8+s0], $0x10, s1, s0, $0xb8;
	[tilespmem:$0x1E3A0] =	vst v63  }
.LBB2_47:
0x38c: {  	[tilespmem:s11], [sflag:$0x3] =	stream.indirect.gather [hbm4b:s7+s0], $0x10, s12, s0, $0xb8;
	[tilespmem:$0x1E3A0] =	vst v63  }
0x38d: {  	p2 =	sne.s32 s10, $0x1  }
.Ltmp41:
0x38e: {  	s10 =	sadd.s32 $0xFFFFFFFF, s10;
	(pc) =	sbr.rel @p2 .LBB2_47-.Ltmp41, $4  }
0x38f: {  	s1 =	sadd.s32 $0x20, s1;
	s6 =	sadd.s32 $0x200, s6  }
0x390: {  	[tilespmem:s6], [sflag:$0x3] =	stream.indirect.gather [hbm4b:s8+s0], $0x10, s1, s0, $0xb8;
	[tilespmem:$0x1E3A0] =	vst v63  }
0x391: {  	_ = 	snop  }
0x392: {  	s12 =	sadd.s32 $0x20, s12;
	s11 =	sadd.s32 $0x200, s11  }
.LBB2_48:
0x393: {  	_ =	sdelay $0x3  }
0x394: {  	v16 =	vld.idx.msk [tilespmem:v15+s21+$0x0], $0xffff;
	_ =	sdelay $0x4  }
0x395: {  	v16 =	vxor.u32 $0x80000000, v16  }
0x396: {  	(xrf0) =	vmax.scan.msk.u32 $0xffff, v16;
	_ =	sdelay $0x5  }
0x397: {  	v16, _, _ =	vpop (xrf0)  }
0x398: {  	(v2sf) =	vpush v16, $0xF;
	_ =	sdelay $0xe  }
0x399: {  	s1 =	spop (v2sf)  }
0x39a: {  	s6 =	sxor.u32 $0x80000000, s1  }
0x39b: {  	p3 =	sgt.s32 s1, $0xFFFFFFFF;
	s1 =	sand.u32 $0x7F, s1;
	p2 =	slt.s32 s6, $0x1  }
0x39c: {  	s10 =	sshra.s32 s6, $0x1F;
	p6 =	sne.s32 s1, $0x0;
	p2 =	por p3, p2  }
0x39d: {  	s25 =	sshrl.u32 s10, $0x19;
	p2 =	por !p6, !p2  }
0x39e: {  	s10 =	simm.s32 $0x1;
	s1 =	sadd.s32 s25, s6;
	p2 =	por !p2, !p2  }
0x39f: {  	s1 =	sshra.s32 s1, $0x7;
	s10 =	simm.s32 @!p2 $0x0  }
0x3a0: {  	s1 =	ssub.s32 s1, s10  }
0x3a1: {  	p2 =	sgt.s32 s1, $0x0  }
.Ltmp42:
0x3a2: {  	_ = 	snop;
	(pc) =	sbr.rel @!p2 .LBB2_49-.Ltmp42, $1  }
0x3a3: {  	_ =	sdelay $0x3  }
0x3a4: {  	p2 =	seq.s32 s1, $0x1  }
.Ltmp43:
0x3a5: {  	_ =	swait.ge [sflag:s9], $0x800;
	(pc) =	sbr.rel @p2 .LBB2_59-.Ltmp43, $4  }
0x3a6: {  	[sflag:s9] =	ssyncset.done $0x0  }
0x3a7: {  	[sflag:s9] =	ssyncadd.s32 $0xFFFFF800  }
0x3a8: {  	_ =	swait.ge [sflag:s9], $0x800  }
0x3a9: {  	s10 =	sadd.s32 $0xFFFFFFFF, s1;
	[sflag:s9] =	ssyncset.done $0x0  }
.LBB2_58:
0x3aa: {  	p2 =	seq.s32 s10, $0x1;
	s10 =	sadd.s32 $0xFFFFFFFF, s10;
	[sflag:s9] =	ssyncadd.s32 $0xFFFFF800  }
.Ltmp44:
0x3ab: {  	_ =	swait.ge [sflag:s9], $0x800;
	(pc) =	sbr.rel @!p2 .LBB2_58-.Ltmp44, $4  }
0x3ac: {  	[sflag:s9] =	ssyncset.done $0x0  }
0x3ad: {  	[sflag:s9] =	ssyncadd.s32 $0xFFFFF800  }
0x3ae: {  	_ =	swait.ge [sflag:s9], $0x800  }
0x3af: {  	[sflag:s9] =	ssyncset.done $0x0  }
.LBB2_59:
0x3b0: {  	[sflag:s9] =	ssyncadd.s32 $0xFFFFF800  }
.LBB2_49:
0x3b1: {  	s1 =	sshll.u32 s1, $0x7  }
0x3b2: {  	s1 =	ssub.s32 s6, s1  }
0x3b3: {  	s1 =	sadd.s32 $0x1F, s1  }
0x3b4: {  	s17 =	sand.u32 $0x1F, s1  }
0x3b5: {  	s25 =	sshra.s32 s1, $0x1F;
	p3 =	slt.s32 s1, $0x1;
	p2 =	sne.s32 s17, $0x0  }
0x3b6: {  	s6 =	sshrl.u32 s25, $0x1B;
	p2 =	por !p3, !p2  }
0x3b7: {  	s1 =	sadd.s32 s6, s1;
	s6 =	simm.s32 $0x1;
	p2 =	por !p2, !p2  }
0x3b8: {  	s1 =	sshra.s32 s1, $0x5;
	s6 =	simm.s32 @!p2 $0x0  }
0x3b9: {  	s1 =	ssub.s32 s1, s6  }
0x3ba: {  	p2 =	sgt.s32 s1, $0x0  }
.Ltmp45:
0x3bb: {  	_ = 	snop;
	(pc) =	sbr.rel @!p2 .LBB2_53-.Ltmp45, $1  }
0x3bc: {  	_ =	sdelay $0x3  }
0x3bd: {  	p2 =	sne.s32 s1, $0x1  }
.Ltmp46:
0x3be: {  	_ =	swait.ge [sflag:s9], $0x200;
	(pc) =	sbr.rel @!p2 .LBB2_52-.Ltmp46, $4  }
0x3bf: {  	[sflag:s9] =	ssyncset.done $0x0  }
0x3c0: {  	[sflag:s9] =	ssyncadd.s32 $0xFFFFFE00  }
0x3c1: {  	_ =	swait.ge [sflag:s9], $0x200  }
0x3c2: {  	s1 =	sadd.s32 $0xFFFFFFFF, s1;
	[sflag:s9] =	ssyncset.done $0x0  }
.LBB2_51:
0x3c3: {  	p2 =	sne.s32 s1, $0x1;
	s1 =	sadd.s32 $0xFFFFFFFF, s1;
	[sflag:s9] =	ssyncadd.s32 $0xFFFFFE00  }
.Ltmp47:
0x3c4: {  	_ =	swait.ge [sflag:s9], $0x200;
	(pc) =	sbr.rel @p2 .LBB2_51-.Ltmp47, $4  }
0x3c5: {  	[sflag:s9] =	ssyncset.done $0x0  }
0x3c6: {  	[sflag:s9] =	ssyncadd.s32 $0xFFFFFE00  }
0x3c7: {  	_ =	swait.ge [sflag:s9], $0x200  }
0x3c8: {  	[sflag:s9] =	ssyncset.done $0x0  }
.LBB2_52:
0x3c9: {  	[sflag:s9] =	ssyncadd.s32 $0xFFFFFE00  }
.LBB2_53:
0x3ca: {  	s1 =	smul.u32 @!p0 $0xC80, s14  }
0x3cb: {  	s6 =	rddreg [dreg:$0xc]  }
0x3cc: {  	s1 =	sadd.s32 @!p0 s1, s6  }
0x3cd: {  	s1 =	sshrl.u32 @!p0 s1, $0x3  }
0x3ce: {  	s10 =	simm.s32 @!p0 $0x0;
	s11 =	simm.s32 @!p0 $0x12C0;
	s6 =	sadd.s32 @!p0 s3, s1  }
0x3cf: {  	[tilespmem:s11], [sflag:$0x2] =	stream.linear.gather @!p0 [hbm4b:s6+s10], $0x640, $0x38;
	[tilespmem:$0x1E3A0] =	vst v63  }
0x3d0: {  	s6 =	sadd.s32 @!p0 s4, s1;
	s11 =	simm.s32 @!p0 $0x1900  }
0x3d1: {  	[tilespmem:s11], [sflag:$0x2] =	stream.linear.gather @!p0 [hbm4b:s6+s10], $0x640, $0x38;
	[tilespmem:$0x1E3A0] =	vst v63  }
0x3d2: {  	s1 =	sadd.s32 @!p0 s5, s1;
	s6 =	simm.s32 @!p0 $0x1F40  }
0x3d3: {  	[tilespmem:s6], [sflag:$0x2] =	stream.linear.gather @!p0 [hbm4b:s1+s10], $0x640, $0x38;
	[tilespmem:$0x1E3A0] =	vst v63  }
.Ltmp48:
0x3d4: {  	p0 =	por p0, !p1;
	(pc) =	sbr.rel .LBB2_54-.Ltmp48, $4  }
0x3d5: {  	s1 =	simm.s32 @p0 $0x6  }
0x3d6: {  	_ =	swait.ge @p0 [sflag:s1], $0x100  }
0x3d7: {  	[sflag:s1] =	ssyncset.done @p0 $0x0  }
0x3d8: {  	s6 =	simm.s32 $0x0;
	[sflag:s1] =	ssyncadd.s32 @p0 $0xFFFFFF00  }
.LBB2_56:
0x3d9: {  	_ = 	snop  }
.LBB2_62:
0x3da: {  	v18 =	vmul.bf16 v18, v19  }
0x3db: {  	v19 =	vadd.f32 @p0 v24, v21;
	v21 =	vadd.f32 @p0 v23, v22  }
0x3dc: {  	v17 =	vmul.bf16 v20, v17;
	v63 =	vunpack.i.u.bf16.f32 v18  }
0x3dd: {  	v18 =	vunpack.i.l.bf16.f32 v18;
	v19 =	vpsel p0, v19, v16;
	v16 =	vpsel p0, v21, v16  }
0x3de: {  	v18 =	vadd.f32 v18, v19;
	v19 =	vadd.f32 v63, v16  }
0x3df: {  	v20 =	vunpack.i.u.bf16.f32 v17;
	v16 =	vunpack.i.l.bf16.f32 v17  }
0x3e0: {  	v16 =	vadd.f32 v16, v18;
	v17 =	vadd.f32 v20, v19  }
.LBB2_63:
0x3e1: {  	p0 =	sne.s32 s10, $0x8  }
.Ltmp49:
0x3e2: {  	_ = 	snop;
	(pc) =	sbr.rel @!p0 .LBB2_64-.Ltmp49, $4  }
0x3e3: {  	s1 =	sshll.u32 s6, $0x5  }
0x3e4: {  	s1 =	sand.u32 $0x3FFFFFE0, s1  }
0x3e5: {  	[tilespmem:s1+$0x1E2A0] =	vst v16  }
0x3e6: {  	s6 =	smov.u32 s10;
	[tilespmem:s1+$0x1E2B0] =	vst v17  }
.LBB2_54:
0x3e7: {  	v16 =	vmov s6;
	s10 =	sadd.s32 $0x1, s6  }
0x3e8: {  	v17 =	vmov s10;
	_ =	sdelay $0x3  }
0x3e9: {  	v16 =	vld.idx.msk [tilespmem:v16+s21+$0x0], $0xffff  }
0x3ea: {  	v17 =	vld.idx.msk [tilespmem:v17+s21+$0x0], $0xffff;
	_ =	sdelay $0x3  }
0x3eb: {  	v16 =	vxor.u32 $0x80000000, v16  }
0x3ec: {  	(xrf0) =	vmax.scan.msk.u32 $0xffff, v16;
	v16 =	vxor.u32 $0x80000000, v17  }
0x3ed: {  	(xrf0) =	vmax.scan.msk.u32 $0xffff, v16;
	_ =	sdelay $0x4  }
0x3ee: {  	v16, _, _ =	vpop (xrf0)  }
0x3ef: {  	(v2sf) =	vpush v16, $0xF;
	v16, _, _ =	vpop (xrf0)  }
0x3f0: {  	(v2sf) =	vpush v16, $0xF;
	_ =	sdelay $0xd  }
0x3f1: {  	s1 =	spop (v2sf)  }
0x3f2: {  	s11 =	spop (v2sf);
	s12 =	sxor.u32 $0x80000000, s1;
	p1 =	sgt.s32 s1, $0xFFFFFFFF  }
0x3f3: {  	s1 =	sand.u32 $0x1, s1;
	s13 =	sxor.u32 $0x80000000, s11;
	s17 =	sshrl.u32 s12, $0x1F  }
0x3f4: {  	p0 =	slt.s32 s12, $0x1;
	p2 =	sgt.s32 s11, $0xFFFFFFFF;
	s11 =	sand.u32 $0x1, s11  }
0x3f5: {  	p3 =	seq.s32 s1, $0x1;
	s12 =	sadd.s32 s17, s12;
	p0 =	por p1, p0  }
0x3f6: {  	p5 =	slt.s32 s13, $0x1;
	p6 =	seq.s32 s11, $0x1;
	s11 =	simm.s32 $0x1  }
0x3f7: {  	s25 =	sshrl.u32 s13, $0x1F;
	p1 =	por p2, p5;
	p0 =	por !p0, !p3  }
0x3f8: {  	s17 =	sshra.s32 s12, $0x1;
	s12 =	sadd.s32 s25, s13;
	p1 =	por !p1, !p6  }
0x3f9: {  	s13 =	simm.s32 $0x1;
	p0 =	por !p0, !p0;
	p1 =	por !p1, !p1  }
0x3fa: {  	s12 =	sshra.s32 s12, $0x1;
	s11 =	simm.s32 @!p0 $0x0;
	s13 =	simm.s32 @!p1 $0x0  }
0x3fb: {  	s11 =	ssub.s32 s17, s11;
	s12 =	ssub.s32 s12, s13  }
0x3fc: {  	p0 =	sge.s32 s11, s12  }
.Ltmp50:
0x3fd: {  	_ = 	snop;
	(pc) =	sbr.rel @p0 .LBB2_63-.Ltmp50, $2  }
0x3fe: {  	_ =	sdelay $0x2  }
0x3ff: {  	v17 =	vimm.f32 $0.0e+00;
	v16 =	vimm.f32 $0.0e+00  }
0x400: {  	s1 =	sshll.u32 s11, $0x7  }
0x401: {  	s1 =	sshra.s32 s1, $0x2  }
0x402: {  	s11 =	sadd.s32 $0x1, s11;
	s13 =	sadd.s32 $0x111B0, s1  }
0x403: {  	p1 =	slt.s32 s11, s12;
	s1 =	sadd.s32 $0x179B0, s1;
	v19 =	vld [tilespmem:s13+$0xFFFFFFF0]  }
.Ltmp51:
0x404: {  	v18 =	vld [tilespmem:s1+$0xFFFFFFF0];
	(pc) =	sbr.rel @!p1 .LBB2_56-.Ltmp51, $3  }
0x405: {  	v20 =	vld [tilespmem:s1+$0x0]  }
0x406: {  	v17 =	vld [tilespmem:s13+$0x0];
	_ =	sdelay $0x1  }
0x407: {  	v16 =	vimm.f32 $0.0e+00;
	p0 =	por $0x0, $0x0  }
0x408: {  	s13 =	sadd.s32 $0x20, s13;
	s25 =	sadd.s32 $0x20, s1;
	s1 =	sadd.s32 $0x1, s11  }
0x409: {  	v21 =	vmul.bf16 v18, v19;
	v19 =	vld [tilespmem:s13+$0xFFFFFFF0];
	p1 =	slt.s32 s1, s12  }
.Ltmp52:
0x40a: {  	v18 =	vld [tilespmem:s25+$0xFFFFFFF0];
	(pc) =	sbr.rel @!p1 .LBB2_62-.Ltmp52, $4  }
0x40b: {  	v24 =	vmul.bf16 v20, v17;
	v20 =	vld [tilespmem:s25+$0x0]  }
0x40c: {  	v22 =	vunpack.i.l.bf16.f32 v21;
	v17 =	vld [tilespmem:s13+$0x0]  }
0x40d: {  	v23 =	vunpack.i.u.bf16.f32 v21;
	v21 =	vadd.f32 v22, v16  }
0x40e: {  	p0 =	por $0x1, $0x1;
	v22 =	vadd.f32 v23, v16;
	v23 =	vunpack.i.u.bf16.f32 v24;
	v24 =	vunpack.i.l.bf16.f32 v24  }
.LBB2_61:
0x40f: {  	s1 =	sadd.s32 $0x1, s1  }
0x410: {  	s13 =	sadd.s32 $0x20, s13;
	v21 =	vadd.f32 v24, v21;
	v22 =	vadd.f32 v23, v22;
	p1 =	slt.s32 s1, s12  }
.Ltmp53:
0x411: {  	v23 =	vmul.bf16 v18, v19;
	s25 =	sadd.s32 $0x20, s25;
	v19 =	vld [tilespmem:s13+$0xFFFFFFF0];
	(pc) =	sbr.rel @p1 .LBB2_61-.Ltmp53, $4  }
0x412: {  	v18 =	vld [tilespmem:s25+$0xFFFFFFF0]  }
0x413: {  	v25 =	vmul.bf16 v20, v17;
	v24 =	vunpack.i.u.bf16.f32 v23;
	v23 =	vunpack.i.l.bf16.f32 v23;
	v20 =	vld [tilespmem:s25+$0x0]  }
0x414: {  	v21 =	vadd.f32 v23, v21;
	v22 =	vadd.f32 v24, v22;
	v17 =	vld [tilespmem:s13+$0x0]  }
0x415: {  	v23 =	vunpack.i.u.bf16.f32 v25;
	v24 =	vunpack.i.l.bf16.f32 v25  }
.Ltmp54:
0x416: {  	_ = 	snop;
	(pc) =	sbr.rel .LBB2_62-.Ltmp54, $1  }
0x417: {  	_ =	sdelay $0x3  }
.LBB2_66:
0x418: {  	_ =	sfence.sel $0x180000  }
0x419: {  	[bflag:$0x0] =	sbarrier.arrive $0xFFFF  }
0x41a: {  	_ =	strace $0x90000047  }
0x41b: {  	s0 =	stileid.u32;
	[bflag:$0x2] =	sbarrier.arrive $0xFFFF  }
0x41c: {  	p0 =	sne.s32 s0, $0x0;
	s0 =	rddreg [dreg:$0x3]  }
0x41d: {  	s0 =	sadd.s32 @!p0 $0x100000, s0  }
0x41e: {  	[sflag:s0] =	ssyncadd.tile.s32 @!p0 $0x1;
	_ =	shalt  }
.Lfunc_end2:
_tile_overlayer_lowered:
.L_overlay_start_2:
0x41f: {  	(tag) =	ssettag $0x2  }
0x420: {  	s0 =	rddreg [dreg:$0x0];
	s2 =	stileid.u32  }
0x421: {  	s1 =	rddreg [dreg:$0x1];
	p0 =	sne.s32 s2, $0x0  }
0x422: {  	s3 =	rddreg [dreg:$0x2];
	[bflag:$0x3] =	sbarrier.arrive $0xFFFF;
	s2 =	simm.s32 @!p0 $0x1C07  }
0x423: {  	[timem:s3], [sflag:s2] =	dma.local @!p0 [hbm:s0], s1  }
0x424: {  	s0 =	simm.s32 @!p0 $0x7  }
0x425: {  	_ =	swait.ge @!p0 [sflag:s0], s1  }
0x426: {  	s1 =	ssub.s32 @!p0 $0x0, s1;
	[sflag:s0] =	ssyncset.done @!p0 $0x0  }
0x427: {  	[sflag:s0] =	ssyncadd.s32 @!p0 s1  }
0x428: {  	[bflag:$0x3] =	sbarrier.arrive $0xFFFF  }
0x429: {  	_ =	shalt  }

</sc_bundles>
